<compile_context>
chip_gen: v7x
topology: tpu7x:2x2x1
jax: 0.10.2.dev20260603
libtpu: 0.0.44.dev20260713+nightly
codegen_flags: <defaults>
</compile_context>

<pallas_src>
import jax
import jax.numpy as jnp
from jax import lax
from jax.experimental import pallas as pl
from jax.experimental.pallas import tpu as pltpu
from jax.experimental.pallas import tpu_sc as plsc

Q = 64
D = 256
E = 4096
TOPK = 10
NC = 2
NS = 16
NW = NC * NS
L = 16
ES = 2048
ET = E - ES
EPW = 128
NB = ES // EPW
WB = NW // NB
G = EPW // L
QH = Q // WB
QB = 2
DC = D // L
TW = 256


def _sc_body(q_hbm, et_hbm, scores_hbm, q_v, et_v, jv_v):
    c = lax.axis_index("c")
    s = lax.axis_index("s")
    wid = s * NC + c
    pair = wid // WB
    qh = wid % WB
    pltpu.sync_copy(q_hbm.at[pl.ds(qh * QH, QH)], q_v)
    pltpu.sync_copy(et_hbm.at[pair], et_v)

    def se_body(d, accs):
        return tuple(accs[g] + et_v[d, pl.ds(g * L, L)] for g in range(G))

    se = lax.fori_loop(
        0, D, se_body, tuple(jnp.zeros((L,), jnp.float32) for _ in range(G))
    )

    GH = G // 2
    for h in range(2):
        g0 = h * GH

        def q_body(qp, _, g0=g0):
            qi = qp * QB

            def dc_body(dc, carry):
                accs = list(carry[:QB * GH])
                sqs = list(carry[QB * GH:])
                d0 = dc * L
                for j in range(L):
                    qvs = [q_v[qi + b, pl.ds(d0, L)] for b in range(QB)]
                    qbs = [lax.broadcast(qvs[b][j], (L,)) for b in range(QB)]
                    for g in range(GH):
                        ev = et_v[d0 + j, pl.ds((g0 + g) * L, L)]
                        for b in range(QB):
                            accs[b * GH + g] = accs[b * GH + g] + jnp.minimum(
                                ev, qbs[b]
                            )
                    for b in range(QB):
                        sqs[b] = sqs[b] + qbs[b]
                return tuple(accs) + tuple(sqs)

            carry = lax.fori_loop(
                0, DC, dc_body,
                tuple(jnp.zeros((L,), jnp.float32)
                      for _ in range(QB * GH + QB)),
            )
            accs, sqs = carry[:QB * GH], carry[QB * GH:]
            for b in range(QB):
                for g in range(GH):
                    acc = accs[b * GH + g]
                    jv_v[qi + b, pl.ds((g0 + g) * L, L)] = acc / (
                        sqs[b] + se[g0 + g] - acc
                    )
            return 0

        lax.fori_loop(0, QH // QB, q_body, 0)

    pltpu.sync_copy(
        jv_v, scores_hbm.at[pl.ds(qh * QH, QH), pl.ds(pair * EPW, EPW)]
    )


def _tc_minsum_body(qc_ref, et_ref, out_ref):
    for t in range(ET // TW):
        def db_body(db, carry):
            acc, seacc, sqacc = carry
            d0 = db * 8
            qc8 = qc_ref[pl.ds(d0, 8)]
            er8 = et_ref[pl.ds(d0, 8), pl.ds(t * TW, TW)]
            for j in range(8):
                qcol = qc8[j]
                erow = er8[j:j + 1, :]
                acc = acc + jnp.minimum(qcol, erow)
                seacc = seacc + erow
                sqacc = sqacc + qcol
            return acc, seacc, sqacc

        acc, seacc, sqacc = lax.fori_loop(
            0, D // 8, db_body,
            (jnp.zeros((Q, TW), jnp.float32),
             jnp.zeros((1, TW), jnp.float32),
             jnp.zeros((Q, 1), jnp.float32)),
        )
        out_ref[:, pl.ds(t * TW, TW)] = acc / (sqacc + seacc - acc)


def _tc_topk_body(s1_ref, s2_ref, top_ref, bot_ref):
    big = jnp.int32(2**30)
    neg = jnp.float32(-3e38)
    ent_iota = lax.broadcasted_iota(jnp.int32, (Q, E), 1)

    def select10(cur):
        outs = []
        for _ in range(TOPK):
            m = jnp.max(cur, axis=1, keepdims=True)
            hit = cur == m
            ent = jnp.min(jnp.where(hit, ent_iota, big), axis=1,
                          keepdims=True)
            outs.append(ent)
            cur = jnp.where(ent == ent_iota, neg, cur)
        return jnp.concatenate(outs, axis=1)

    scores = jnp.concatenate([s1_ref[...], s2_ref[...]], axis=1)
    top_ref[...] = select10(scores)
    bot_ref[...] = select10(-scores)


def kernel(query, enity_info, k):
    q2 = query.reshape(Q, D)
    e2 = enity_info.reshape(E, D)
    eb_sc = e2[:ES].reshape(NB, EPW, D).transpose(0, 2, 1)
    et_tc = e2[ES:].T

    sc = pl.kernel(
        _sc_body,
        out_type=[jax.ShapeDtypeStruct((Q, ES), jnp.float32)],
        mesh=plsc.VectorSubcoreMesh(
            core_axis_name="c", subcore_axis_name="s",
            num_cores=NC, num_subcores=NS,
        ),
        scratch_types=[
            pltpu.VMEM((QH, D), jnp.float32),
            pltpu.VMEM((D, EPW), jnp.float32),
            pltpu.VMEM((QH, EPW), jnp.float32),
        ],
    )
    scores_sc, = sc(q2, eb_sc)

    qc3 = q2.T.reshape(D, Q, 1)
    scores_tc = pl.pallas_call(
        _tc_minsum_body,
        out_shape=jax.ShapeDtypeStruct((Q, ET), jnp.float32),
    )(qc3, et_tc)

    top, bot = pl.pallas_call(
        _tc_topk_body,
        out_shape=[
            jax.ShapeDtypeStruct((Q, TOPK), jnp.int32),
            jax.ShapeDtypeStruct((Q, TOPK), jnp.int32),
        ],
    )(scores_sc, scores_tc)

    kd = jnp.asarray(k - TOPK, jnp.int32)
    return top + kd, bot + kd

# --- scband reference (transcript-rebuilt; emitter-appended) ---
"""Pipeline reference for scband-kgem-69097433858560 (READ-ONLY COPY).

The authoritative reference and input builder live on the scoring server;
editing this copy changes nothing except your own understanding.
"""

import jax, jax.numpy as jnp
import numpy as np

N_SAMPLES = 64
N_TIME = 4
N_FEAT = 64
N_ENTITY = 4096
TOP_K = 10


def setup_inputs(seed: int = 0) -> dict:
    key = jax.random.key(seed)
    k1, k2 = jax.random.split(key)
    # Jaccard similarity assumes non-negative feature values -> uniform [0,1)
    query = jax.random.uniform(k1, (N_SAMPLES, N_TIME, N_FEAT), dtype=jnp.float32)
    # enity_info is a buffer loaded from pickle in the torch module; materialize it here
    enity_info = jax.random.uniform(k2, (N_ENTITY, N_TIME, N_FEAT), dtype=jnp.float32)
    return {"query": query, "enity_info": enity_info, "k": TOP_K}


def reference(query, enity_info, k):
    # Faithful translation of KGEM.similarityByJaccard
    n_samples = query.shape[0]
    enity_num = enity_info.shape[0]
    q = query.reshape(n_samples, -1)                      # [Q, D]
    e = enity_info.reshape(enity_num, -1)                 # [K, D]
    # pairwise generalized Jaccard: sum(min)/sum(max)
    intersection = jnp.sum(jnp.minimum(q[:, None, :], e[None, :, :]), axis=2)  # [Q, K]
    union = jnp.sum(jnp.maximum(q[:, None, :], e[None, :, :]), axis=2)         # [Q, K]
    jaccard_sim = intersection / union
    k_static = TOP_K
    k_delta = jnp.asarray(k - k_static, dtype=jnp.int32)
    # largest=True, sorted=True
    top_k_similarities, top_k_similarities_indices = jax.lax.top_k(jaccard_sim, k_static)
    # largest=False, sorted=True  (smallest k, ascending) via top_k on negated scores
    neg_vals, top_k_unsimilarities_indices = jax.lax.top_k(-jaccard_sim, k_static)
    top_k_similarities_indices = top_k_similarities_indices + k_delta
    top_k_unsimilarities_indices = top_k_unsimilarities_indices + k_delta
    return (top_k_similarities_indices, top_k_unsimilarities_indices)

if __name__ == "__main__":
    import jax
    _d = setup_inputs()
    print(jax.jit(kernel)(*tuple(_d.values())))

</pallas_src>

<mosaic_0001>
#map = affine_map<(d0, d1) -> (0, 0)>
#map1 = affine_map<(d0, d1) -> (0, 0, 0)>
module attributes {stable_mosaic.version = 14 : i64} {
  func.func @_sc_body(%arg0: i32, %arg1: i32, %arg2: memref<64x256xf32, #tpu.memory_space<hbm>>, %arg3: memref<16x256x128xf32, #tpu.memory_space<hbm>>, %arg4: memref<64x2048xf32, #tpu.memory_space<hbm>>, %arg5: memref<32x256xf32, #tpu.memory_space<vmem>>, %arg6: memref<256x128xf32, #tpu.memory_space<vmem>>, %arg7: memref<32x128xf32, #tpu.memory_space<vmem>>) attributes {dimension_semantics = [#tpu.dimension_semantics<core_parallel>, #tpu.dimension_semantics<subcore_parallel>], iteration_bounds = array<i64: 2, 16>, scalar_prefetch = 0 : i64, scratch_operands = 3 : i64, tpu.core_type = #tpu.core_type<sc_vector_subcore>, window_params = [{transform_indices = #map}, {transform_indices = #map1}, {transform_indices = #map}]} {
    %mul3A = arith.constant 2 : i32
    %mul3A_0 = arith.muli %arg1, %mul3A : i32
    %add3A = arith.addi %mul3A_0, %arg0 : i32
    %jit3A = arith.constant 2 : i32
    %div3A = arith.divsi %add3A, %jit3A : i32
    %sign3A = arith.constant 0 : i32
    %sign3A_1 = arith.cmpi sgt, %add3A, %sign3A : i32
    %sign3A_2 = arith.extui %sign3A_1 : i1 to i32
    %sign3A_3 = arith.constant 0 : i32
    %sign3A_4 = arith.cmpi slt, %add3A, %sign3A_3 : i32
    %sign3A_5 = arith.extui %sign3A_4 : i1 to i32
    %sign3A_6 = arith.subi %sign3A_2, %sign3A_5 : i32
    %sign3A_7 = arith.constant 0 : i32
    %sign3A_8 = arith.cmpi sgt, %jit3A, %sign3A_7 : i32
    %sign3A_9 = arith.extui %sign3A_8 : i1 to i32
    %sign3A_10 = arith.constant 0 : i32
    %sign3A_11 = arith.cmpi slt, %jit3A, %sign3A_10 : i32
    %sign3A_12 = arith.extui %sign3A_11 : i1 to i32
    %sign3A_13 = arith.subi %sign3A_9, %sign3A_12 : i32
    %ne3A = arith.cmpi ne, %sign3A_6, %sign3A_13 : i32
    %rem3A = arith.remsi %add3A, %jit3A : i32
    %ne3A_14 = arith.constant 0 : i32
    %ne3A_15 = arith.cmpi ne, %rem3A, %ne3A_14 : i32
    %and3A = arith.andi %ne3A, %ne3A_15 : i1
    %sub3A = arith.constant 1 : i32
    %sub3A_16 = arith.subi %div3A, %sub3A : i32
    %select_n3A = arith.select %and3A, %sub3A_16, %div3A : i32
    %jit3A_17 = arith.constant 2 : i32
    %eq3A = arith.constant 0 : i32
    %eq3A_18 = arith.cmpi eq, %jit3A_17, %eq3A : i32
    %jit3A_19 = arith.constant 1 : i32
    %select_n3A_20 = arith.select %eq3A_18, %jit3A_19, %jit3A_17 : i32
    %rem3A_21 = arith.remsi %add3A, %select_n3A_20 : i32
    %ne3A_22 = arith.constant 0 : i32
    %ne3A_23 = arith.cmpi ne, %rem3A_21, %ne3A_22 : i32
    %lt3A = arith.constant 0 : i32
    %lt3A_24 = arith.cmpi slt, %rem3A_21, %lt3A : i32
    %lt3A_25 = arith.constant 0 : i32
    %lt3A_26 = arith.cmpi slt, %select_n3A_20, %lt3A_25 : i32
    %ne3A_27 = arith.xori %lt3A_24, %lt3A_26 : i1
    %and3A_28 = arith.andi %ne3A_27, %ne3A_23 : i1
    %add3A_29 = arith.addi %rem3A_21, %select_n3A_20 : i32
    %select_n3A_30 = arith.select %and3A_28, %add3A_29, %rem3A_21 : i32
    %mul3A_31 = arith.constant 32 : i32
    %mul3A_32 = arith.muli %select_n3A_30, %mul3A_31 : i32
    "tpu.region"() ({
      %run_scoped3A = tpu.sem_alloc : memref<!tpu.dma_semaphore, #tpu.memory_space<semaphore_mem>>
      %dma_start3A = arith.constant 0 : i32
      %dma_start3A_71 = tpu.memref_slice %arg2[%mul3A_32, %dma_start3A] : memref<64x256xf32, #tpu.memory_space<hbm>> -> memref<32x256xf32, #tpu.memory_space<hbm>>
      %dma_start3A_72 = arith.constant 0 : i32
      %dma_start3A_73 = tpu.memref_slice %arg2[%mul3A_32, %dma_start3A_72] : memref<64x256xf32, #tpu.memory_space<hbm>> -> memref<32x256xf32, #tpu.memory_space<hbm>>
      tpu.enqueue_dma source(%dma_start3A_73 : memref<32x256xf32, #tpu.memory_space<hbm>>) target(%arg5 : memref<32x256xf32, #tpu.memory_space<vmem>>) target_semaphore(%run_scoped3A : memref<!tpu.dma_semaphore, #tpu.memory_space<semaphore_mem>>)
      %dma_wait3A = arith.constant 0 : i32
      %dma_wait3A_74 = tpu.memref_slice %arg2[%mul3A_32, %dma_wait3A] : memref<64x256xf32, #tpu.memory_space<hbm>> -> memref<32x256xf32, #tpu.memory_space<hbm>>
      %dma_wait3A_75 = arith.constant 0 : i32
      %dma_wait3A_76 = tpu.memref_slice %arg2[%mul3A_32, %dma_wait3A_75] : memref<64x256xf32, #tpu.memory_space<hbm>> -> memref<32x256xf32, #tpu.memory_space<hbm>>
      tpu.wait_dma2 semaphore(%run_scoped3A : memref<!tpu.dma_semaphore, #tpu.memory_space<semaphore_mem>>) src(%dma_wait3A_76 : memref<32x256xf32, #tpu.memory_space<hbm>>) dst(%arg5 : memref<32x256xf32, #tpu.memory_space<vmem>>)
      tpu.yield
    }) : () -> ()
    "tpu.region"() ({
      %run_scoped3A = tpu.sem_alloc : memref<!tpu.dma_semaphore, #tpu.memory_space<semaphore_mem>>
      %dma_start3A = arith.constant 0 : i32
      %dma_start3A_71 = arith.constant 0 : i32
      %dma_start3A_72 = tpu.memref_slice %arg3[%select_n3A, %dma_start3A, %dma_start3A_71] : memref<16x256x128xf32, #tpu.memory_space<hbm>> -> memref<1x256x128xf32, #tpu.memory_space<hbm>>
      %dma_start3A_73 = tpu.memref_squeeze %dma_start3A_72 : memref<1x256x128xf32, #tpu.memory_space<hbm>> -> memref<256x128xf32, #tpu.memory_space<hbm>>
      %dma_start3A_74 = arith.constant 0 : i32
      %dma_start3A_75 = arith.constant 0 : i32
      %dma_start3A_76 = tpu.memref_slice %arg3[%select_n3A, %dma_start3A_74, %dma_start3A_75] : memref<16x256x128xf32, #tpu.memory_space<hbm>> -> memref<1x256x128xf32, #tpu.memory_space<hbm>>
      %dma_start3A_77 = tpu.memref_squeeze %dma_start3A_76 : memref<1x256x128xf32, #tpu.memory_space<hbm>> -> memref<256x128xf32, #tpu.memory_space<hbm>>
      tpu.enqueue_dma source(%dma_start3A_77 : memref<256x128xf32, #tpu.memory_space<hbm>>) target(%arg6 : memref<256x128xf32, #tpu.memory_space<vmem>>) target_semaphore(%run_scoped3A : memref<!tpu.dma_semaphore, #tpu.memory_space<semaphore_mem>>)
      %dma_wait3A = arith.constant 0 : i32
      %dma_wait3A_78 = arith.constant 0 : i32
      %dma_wait3A_79 = tpu.memref_slice %arg3[%select_n3A, %dma_wait3A, %dma_wait3A_78] : memref<16x256x128xf32, #tpu.memory_space<hbm>> -> memref<1x256x128xf32, #tpu.memory_space<hbm>>
      %dma_wait3A_80 = tpu.memref_squeeze %dma_wait3A_79 : memref<1x256x128xf32, #tpu.memory_space<hbm>> -> memref<256x128xf32, #tpu.memory_space<hbm>>
      %dma_wait3A_81 = arith.constant 0 : i32
      %dma_wait3A_82 = arith.constant 0 : i32
      %dma_wait3A_83 = tpu.memref_slice %arg3[%select_n3A, %dma_wait3A_81, %dma_wait3A_82] : memref<16x256x128xf32, #tpu.memory_space<hbm>> -> memref<1x256x128xf32, #tpu.memory_space<hbm>>
      %dma_wait3A_84 = tpu.memref_squeeze %dma_wait3A_83 : memref<1x256x128xf32, #tpu.memory_space<hbm>> -> memref<256x128xf32, #tpu.memory_space<hbm>>
      tpu.wait_dma2 semaphore(%run_scoped3A : memref<!tpu.dma_semaphore, #tpu.memory_space<semaphore_mem>>) src(%dma_wait3A_84 : memref<256x128xf32, #tpu.memory_space<hbm>>) dst(%arg6 : memref<256x128xf32, #tpu.memory_space<vmem>>)
      tpu.yield
    }) : () -> ()
    %broadcast_in_dim3A = arith.constant 0.000000e+00 : f32
    %broadcast_in_dim3A_33 = vector.broadcast %broadcast_in_dim3A : f32 to vector<16xf32>
    %broadcast_in_dim3A_34 = arith.constant 0.000000e+00 : f32
    %broadcast_in_dim3A_35 = vector.broadcast %broadcast_in_dim3A_34 : f32 to vector<16xf32>
    %broadcast_in_dim3A_36 = arith.constant 0.000000e+00 : f32
    %broadcast_in_dim3A_37 = vector.broadcast %broadcast_in_dim3A_36 : f32 to vector<16xf32>
    %broadcast_in_dim3A_38 = arith.constant 0.000000e+00 : f32
    %broadcast_in_dim3A_39 = vector.broadcast %broadcast_in_dim3A_38 : f32 to vector<16xf32>
    %broadcast_in_dim3A_40 = arith.constant 0.000000e+00 : f32
    %broadcast_in_dim3A_41 = vector.broadcast %broadcast_in_dim3A_40 : f32 to vector<16xf32>
    %broadcast_in_dim3A_42 = arith.constant 0.000000e+00 : f32
    %broadcast_in_dim3A_43 = vector.broadcast %broadcast_in_dim3A_42 : f32 to vector<16xf32>
    %broadcast_in_dim3A_44 = arith.constant 0.000000e+00 : f32
    %broadcast_in_dim3A_45 = vector.broadcast %broadcast_in_dim3A_44 : f32 to vector<16xf32>
    %broadcast_in_dim3A_46 = arith.constant 0.000000e+00 : f32
    %broadcast_in_dim3A_47 = vector.broadcast %broadcast_in_dim3A_46 : f32 to vector<16xf32>
    %scan3A = arith.constant 0 : i32
    %scan3A_48 = arith.constant 256 : i32
    %scan3A_49 = arith.addi %scan3A, %scan3A_48 : i32
    %scan3A_50 = arith.constant 1 : i32
    %scan3A_51:8 = scf.for %scan3A_71 = %scan3A to %scan3A_49 step %scan3A_50 iter_args(%scan3A_72 = %broadcast_in_dim3A_33, %scan3A_73 = %broadcast_in_dim3A_35, %scan3A_74 = %broadcast_in_dim3A_37, %scan3A_75 = %broadcast_in_dim3A_39, %scan3A_76 = %broadcast_in_dim3A_41, %scan3A_77 = %broadcast_in_dim3A_43, %scan3A_78 = %broadcast_in_dim3A_45, %scan3A_79 = %broadcast_in_dim3A_47) -> (vector<16xf32>, vector<16xf32>, vector<16xf32>, vector<16xf32>, vector<16xf32>, vector<16xf32>, vector<16xf32>, vector<16xf32>)  : i32 {
      %get3A = arith.index_cast %scan3A_71 : i32 to index
      %get3A_80 = arith.constant 0 : index
      %get3A_81 = tpu.vector_load %arg6[%get3A, %get3A_80] {strides = array<i32>} : memref<256x128xf32, #tpu.memory_space<vmem>>, vector<1x16xf32>,
      %get3A_82 = vector.shape_cast %get3A_81 : vector<1x16xf32> to vector<16xf32>
      %add3A_83 = arith.addf %scan3A_72, %get3A_82 : vector<16xf32>
      %get3A_84 = arith.index_cast %scan3A_71 : i32 to index
      %get3A_85 = arith.constant 16 : index
      %get3A_86 = tpu.vector_load %arg6[%get3A_84, %get3A_85] {strides = array<i32>} : memref<256x128xf32, #tpu.memory_space<vmem>>, vector<1x16xf32>,
      %get3A_87 = vector.shape_cast %get3A_86 : vector<1x16xf32> to vector<16xf32>
      %add3A_88 = arith.addf %scan3A_73, %get3A_87 : vector<16xf32>
      %get3A_89 = arith.index_cast %scan3A_71 : i32 to index
      %get3A_90 = arith.constant 32 : index
      %get3A_91 = tpu.vector_load %arg6[%get3A_89, %get3A_90] {strides = array<i32>} : memref<256x128xf32, #tpu.memory_space<vmem>>, vector<1x16xf32>,
      %get3A_92 = vector.shape_cast %get3A_91 : vector<1x16xf32> to vector<16xf32>
      %add3A_93 = arith.addf %scan3A_74, %get3A_92 : vector<16xf32>
      %get3A_94 = arith.index_cast %scan3A_71 : i32 to index
      %get3A_95 = arith.constant 48 : index
      %get3A_96 = tpu.vector_load %arg6[%get3A_94, %get3A_95] {strides = array<i32>} : memref<256x128xf32, #tpu.memory_space<vmem>>, vector<1x16xf32>,
      %get3A_97 = vector.shape_cast %get3A_96 : vector<1x16xf32> to vector<16xf32>
      %add3A_98 = arith.addf %scan3A_75, %get3A_97 : vector<16xf32>
      %get3A_99 = arith.index_cast %scan3A_71 : i32 to index
      %get3A_100 = arith.constant 64 : index
      %get3A_101 = tpu.vector_load %arg6[%get3A_99, %get3A_100] {strides = array<i32>} : memref<256x128xf32, #tpu.memory_space<vmem>>, vector<1x16xf32>,
      %get3A_102 = vector.shape_cast %get3A_101 : vector<1x16xf32> to vector<16xf32>
      %add3A_103 = arith.addf %scan3A_76, %get3A_102 : vector<16xf32>
      %get3A_104 = arith.index_cast %scan3A_71 : i32 to index
      %get3A_105 = arith.constant 80 : index
      %get3A_106 = tpu.vector_load %arg6[%get3A_104, %get3A_105] {strides = array<i32>} : memref<256x128xf32, #tpu.memory_space<vmem>>, vector<1x16xf32>,
      %get3A_107 = vector.shape_cast %get3A_106 : vector<1x16xf32> to vector<16xf32>
      %add3A_108 = arith.addf %scan3A_77, %get3A_107 : vector<16xf32>
      %get3A_109 = arith.index_cast %scan3A_71 : i32 to index
      %get3A_110 = arith.constant 96 : index
      %get3A_111 = tpu.vector_load %arg6[%get3A_109, %get3A_110] {strides = array<i32>} : memref<256x128xf32, #tpu.memory_space<vmem>>, vector<1x16xf32>,
      %get3A_112 = vector.shape_cast %get3A_111 : vector<1x16xf32> to vector<16xf32>
      %add3A_113 = arith.addf %scan3A_78, %get3A_112 : vector<16xf32>
      %get3A_114 = arith.index_cast %scan3A_71 : i32 to index
      %get3A_115 = arith.constant 112 : index
      %get3A_116 = tpu.vector_load %arg6[%get3A_114, %get3A_115] {strides = array<i32>} : memref<256x128xf32, #tpu.memory_space<vmem>>, vector<1x16xf32>,
      %get3A_117 = vector.shape_cast %get3A_116 : vector<1x16xf32> to vector<16xf32>
      %add3A_118 = arith.addf %scan3A_79, %get3A_117 : vector<16xf32>
      scf.yield %add3A_83, %add3A_88, %add3A_93, %add3A_98, %add3A_103, %add3A_108, %add3A_113, %add3A_118 : vector<16xf32>, vector<16xf32>, vector<16xf32>, vector<16xf32>, vector<16xf32>, vector<16xf32>, vector<16xf32>, vector<16xf32>
    }
    %scan3A_52 = arith.constant 256 : i32
    %scan3A_53 = arith.constant 0 : i32
    %scan3A_54 = arith.constant 0 : i32
    %scan3A_55 = arith.constant 16 : i32
    %scan3A_56 = arith.addi %scan3A_54, %scan3A_55 : i32
    %scan3A_57 = arith.constant 1 : i32
    %scan3A_58 = scf.for %scan3A_71 = %scan3A_54 to %scan3A_56 step %scan3A_57 iter_args(%scan3A_72 = %scan3A_53) -> (i32)  : i32 {
      %mul3A_73 = arith.constant 2 : i32
      %mul3A_74 = arith.muli %scan3A_71, %mul3A_73 : i32
      %broadcast_in_dim3A_75 = arith.constant 0.000000e+00 : f32
      %broadcast_in_dim3A_76 = vector.broadcast %broadcast_in_dim3A_75 : f32 to vector<16xf32>
      %broadcast_in_dim3A_77 = arith.constant 0.000000e+00 : f32
      %broadcast_in_dim3A_78 = vector.broadcast %broadcast_in_dim3A_77 : f32 to vector<16xf32>
      %broadcast_in_dim3A_79 = arith.constant 0.000000e+00 : f32
      %broadcast_in_dim3A_80 = vector.broadcast %broadcast_in_dim3A_79 : f32 to vector<16xf32>
      %broadcast_in_dim3A_81 = arith.constant 0.000000e+00 : f32
      %broadcast_in_dim3A_82 = vector.broadcast %broadcast_in_dim3A_81 : f32 to vector<16xf32>
      %broadcast_in_dim3A_83 = arith.constant 0.000000e+00 : f32
      %broadcast_in_dim3A_84 = vector.broadcast %broadcast_in_dim3A_83 : f32 to vector<16xf32>
      %broadcast_in_dim3A_85 = arith.constant 0.000000e+00 : f32
      %broadcast_in_dim3A_86 = vector.broadcast %broadcast_in_dim3A_85 : f32 to vector<16xf32>
      %broadcast_in_dim3A_87 = arith.constant 0.000000e+00 : f32
      %broadcast_in_dim3A_88 = vector.broadcast %broadcast_in_dim3A_87 : f32 to vector<16xf32>
      %broadcast_in_dim3A_89 = arith.constant 0.000000e+00 : f32
      %broadcast_in_dim3A_90 = vector.broadcast %broadcast_in_dim3A_89 : f32 to vector<16xf32>
      %broadcast_in_dim3A_91 = arith.constant 0.000000e+00 : f32
      %broadcast_in_dim3A_92 = vector.broadcast %broadcast_in_dim3A_91 : f32 to vector<16xf32>
      %broadcast_in_dim3A_93 = arith.constant 0.000000e+00 : f32
      %broadcast_in_dim3A_94 = vector.broadcast %broadcast_in_dim3A_93 : f32 to vector<16xf32>
      %scan3A_95 = arith.constant 0 : i32
      %scan3A_96 = arith.constant 16 : i32
      %scan3A_97 = arith.addi %scan3A_95, %scan3A_96 : i32
      %scan3A_98 = arith.constant 1 : i32
      %scan3A_99:10 = scf.for %scan3A_181 = %scan3A_95 to %scan3A_97 step %scan3A_98 iter_args(%scan3A_182 = %broadcast_in_dim3A_76, %scan3A_183 = %broadcast_in_dim3A_78, %scan3A_184 = %broadcast_in_dim3A_80, %scan3A_185 = %broadcast_in_dim3A_82, %scan3A_186 = %broadcast_in_dim3A_84, %scan3A_187 = %broadcast_in_dim3A_86, %scan3A_188 = %broadcast_in_dim3A_88, %scan3A_189 = %broadcast_in_dim3A_90, %scan3A_190 = %broadcast_in_dim3A_92, %scan3A_191 = %broadcast_in_dim3A_94) -> (vector<16xf32>, vector<16xf32>, vector<16xf32>, vector<16xf32>, vector<16xf32>, vector<16xf32>, vector<16xf32>, vector<16xf32>, vector<16xf32>, vector<16xf32>)  : i32 {
        %mul3A_192 = arith.constant 16 : i32
        %mul3A_193 = arith.muli %scan3A_181, %mul3A_192 : i32
        %add3A_194 = arith.constant 0 : i32
        %add3A_195 = arith.addi %mul3A_74, %add3A_194 : i32
        %get3A = arith.index_cast %add3A_195 : i32 to index
        %get3A_196 = arith.index_cast %mul3A_193 : i32 to index
        %get3A_197 = tpu.vector_load %arg5[%get3A, %get3A_196] {strides = array<i32>} : memref<32x256xf32, #tpu.memory_space<vmem>>, vector<1x16xf32>,
        %get3A_198 = vector.shape_cast %get3A_197 : vector<1x16xf32> to vector<16xf32>
        %add3A_199 = arith.constant 1 : i32
        %add3A_200 = arith.addi %mul3A_74, %add3A_199 : i32
        %get3A_201 = arith.index_cast %add3A_200 : i32 to index
        %get3A_202 = arith.index_cast %mul3A_193 : i32 to index
        %get3A_203 = tpu.vector_load %arg5[%get3A_201, %get3A_202] {strides = array<i32>} : memref<32x256xf32, #tpu.memory_space<vmem>>, vector<1x16xf32>,
        %get3A_204 = vector.shape_cast %get3A_203 : vector<1x16xf32> to vector<16xf32>
        %slice3A = vector.extract_strided_slice %get3A_198 {offsets = [0], sizes = [1], strides = [1]} : vector<16xf32> to vector<1xf32>
        %squeeze3A = vector.extract %slice3A[0] : f32 from vector<1xf32>
        %broadcast_in_dim3A_205 = vector.broadcast %squeeze3A : f32 to vector<16xf32>
        %slice3A_206 = vector.extract_strided_slice %get3A_204 {offsets = [0], sizes = [1], strides = [1]} : vector<16xf32> to vector<1xf32>
        %squeeze3A_207 = vector.extract %slice3A_206[0] : f32 from vector<1xf32>
        %broadcast_in_dim3A_208 = vector.broadcast %squeeze3A_207 : f32 to vector<16xf32>
        %add3A_209 = arith.constant 0 : i32
        %add3A_210 = arith.addi %mul3A_193, %add3A_209 : i32
        %get3A_211 = arith.index_cast %add3A_210 : i32 to index
        %get3A_212 = arith.constant 0 : index
        %get3A_213 = tpu.vector_load %arg6[%get3A_211, %get3A_212] {strides = array<i32>} : memref<256x128xf32, #tpu.memory_space<vmem>>, vector<1x16xf32>,
        %get3A_214 = vector.shape_cast %get3A_213 : vector<1x16xf32> to vector<16xf32>
        %min3A = arith.minimumf %get3A_214, %broadcast_in_dim3A_205 : vector<16xf32>
        %add3A_215 = arith.addf %scan3A_182, %min3A : vector<16xf32>
        %min3A_216 = arith.minimumf %get3A_214, %broadcast_in_dim3A_208 : vector<16xf32>
        %add3A_217 = arith.addf %scan3A_186, %min3A_216 : vector<16xf32>
        %add3A_218 = arith.constant 0 : i32
        %add3A_219 = arith.addi %mul3A_193, %add3A_218 : i32
        %get3A_220 = arith.index_cast %add3A_219 : i32 to index
        %get3A_221 = arith.constant 16 : index
        %get3A_222 = tpu.vector_load %arg6[%get3A_220, %get3A_221] {strides = array<i32>} : memref<256x128xf32, #tpu.memory_space<vmem>>, vector<1x16xf32>,
        %get3A_223 = vector.shape_cast %get3A_222 : vector<1x16xf32> to vector<16xf32>
        %min3A_224 = arith.minimumf %get3A_223, %broadcast_in_dim3A_205 : vector<16xf32>
        %add3A_225 = arith.addf %scan3A_183, %min3A_224 : vector<16xf32>
        %min3A_226 = arith.minimumf %get3A_223, %broadcast_in_dim3A_208 : vector<16xf32>
        %add3A_227 = arith.addf %scan3A_187, %min3A_226 : vector<16xf32>
        %add3A_228 = arith.constant 0 : i32
        %add3A_229 = arith.addi %mul3A_193, %add3A_228 : i32
        %get3A_230 = arith.index_cast %add3A_229 : i32 to index
        %get3A_231 = arith.constant 32 : index
        %get3A_232 = tpu.vector_load %arg6[%get3A_230, %get3A_231] {strides = array<i32>} : memref<256x128xf32, #tpu.memory_space<vmem>>, vector<1x16xf32>,
        %get3A_233 = vector.shape_cast %get3A_232 : vector<1x16xf32> to vector<16xf32>
        %min3A_234 = arith.minimumf %get3A_233, %broadcast_in_dim3A_205 : vector<16xf32>
        %add3A_235 = arith.addf %scan3A_184, %min3A_234 : vector<16xf32>
        %min3A_236 = arith.minimumf %get3A_233, %broadcast_in_dim3A_208 : vector<16xf32>
        %add3A_237 = arith.addf %scan3A_188, %min3A_236 : vector<16xf32>
        %add3A_238 = arith.constant 0 : i32
        %add3A_239 = arith.addi %mul3A_193, %add3A_238 : i32
        %get3A_240 = arith.index_cast %add3A_239 : i32 to index
        %get3A_241 = arith.constant 48 : index
        %get3A_242 = tpu.vector_load %arg6[%get3A_240, %get3A_241] {strides = array<i32>} : memref<256x128xf32, #tpu.memory_space<vmem>>, vector<1x16xf32>,
        %get3A_243 = vector.shape_cast %get3A_242 : vector<1x16xf32> to vector<16xf32>
        %min3A_244 = arith.minimumf %get3A_243, %broadcast_in_dim3A_205 : vector<16xf32>
        %add3A_245 = arith.addf %scan3A_185, %min3A_244 : vector<16xf32>
        %min3A_246 = arith.minimumf %get3A_243, %broadcast_in_dim3A_208 : vector<16xf32>
        %add3A_247 = arith.addf %scan3A_189, %min3A_246 : vector<16xf32>
        %add3A_248 = arith.addf %scan3A_190, %broadcast_in_dim3A_205 : vector<16xf32>
        %add3A_249 = arith.addf %scan3A_191, %broadcast_in_dim3A_208 : vector<16xf32>
        %add3A_250 = arith.constant 0 : i32
        %add3A_251 = arith.addi %mul3A_74, %add3A_250 : i32
        %get3A_252 = arith.index_cast %add3A_251 : i32 to index
        %get3A_253 = arith.index_cast %mul3A_193 : i32 to index
        %get3A_254 = tpu.vector_load %arg5[%get3A_252, %get3A_253] {strides = array<i32>} : memref<32x256xf32, #tpu.memory_space<vmem>>, vector<1x16xf32>,
        %get3A_255 = vector.shape_cast %get3A_254 : vector<1x16xf32> to vector<16xf32>
        %add3A_256 = arith.constant 1 : i32
        %add3A_257 = arith.addi %mul3A_74, %add3A_256 : i32
        %get3A_258 = arith.index_cast %add3A_257 : i32 to index
        %get3A_259 = arith.index_cast %mul3A_193 : i32 to index
        %get3A_260 = tpu.vector_load %arg5[%get3A_258, %get3A_259] {strides = array<i32>} : memref<32x256xf32, #tpu.memory_space<vmem>>, vector<1x16xf32>,
        %get3A_261 = vector.shape_cast %get3A_260 : vector<1x16xf32> to vector<16xf32>
        %slice3A_262 = vector.extract_strided_slice %get3A_255 {offsets = [1], sizes = [1], strides = [1]} : vector<16xf32> to vector<1xf32>
        %squeeze3A_263 = vector.extract %slice3A_262[0] : f32 from vector<1xf32>
        %broadcast_in_dim3A_264 = vector.broadcast %squeeze3A_263 : f32 to vector<16xf32>
        %slice3A_265 = vector.extract_strided_slice %get3A_261 {offsets = [1], sizes = [1], strides = [1]} : vector<16xf32> to vector<1xf32>
        %squeeze3A_266 = vector.extract %slice3A_265[0] : f32 from vector<1xf32>
        %broadcast_in_dim3A_267 = vector.broadcast %squeeze3A_266 : f32 to vector<16xf32>
        %add3A_268 = arith.constant 1 : i32
        %add3A_269 = arith.addi %mul3A_193, %add3A_268 : i32
        %get3A_270 = arith.index_cast %add3A_269 : i32 to index
        %get3A_271 = arith.constant 0 : index
        %get3A_272 = tpu.vector_load %arg6[%get3A_270, %get3A_271] {strides = array<i32>} : memref<256x128xf32, #tpu.memory_space<vmem>>, vector<1x16xf32>,
        %get3A_273 = vector.shape_cast %get3A_272 : vector<1x16xf32> to vector<16xf32>
        %min3A_274 = arith.minimumf %get3A_273, %broadcast_in_dim3A_264 : vector<16xf32>
        %add3A_275 = arith.addf %add3A_215, %min3A_274 : vector<16xf32>
        %min3A_276 = arith.minimumf %get3A_273, %broadcast_in_dim3A_267 : vector<16xf32>
        %add3A_277 = arith.addf %add3A_217, %min3A_276 : vector<16xf32>
        %add3A_278 = arith.constant 1 : i32
        %add3A_279 = arith.addi %mul3A_193, %add3A_278 : i32
        %get3A_280 = arith.index_cast %add3A_279 : i32 to index
        %get3A_281 = arith.constant 16 : index
        %get3A_282 = tpu.vector_load %arg6[%get3A_280, %get3A_281] {strides = array<i32>} : memref<256x128xf32, #tpu.memory_space<vmem>>, vector<1x16xf32>,
        %get3A_283 = vector.shape_cast %get3A_282 : vector<1x16xf32> to vector<16xf32>
        %min3A_284 = arith.minimumf %get3A_283, %broadcast_in_dim3A_264 : vector<16xf32>
        %add3A_285 = arith.addf %add3A_225, %min3A_284 : vector<16xf32>
        %min3A_286 = arith.minimumf %get3A_283, %broadcast_in_dim3A_267 : vector<16xf32>
        %add3A_287 = arith.addf %add3A_227, %min3A_286 : vector<16xf32>
        %add3A_288 = arith.constant 1 : i32
        %add3A_289 = arith.addi %mul3A_193, %add3A_288 : i32
        %get3A_290 = arith.index_cast %add3A_289 : i32 to index
        %get3A_291 = arith.constant 32 : index
        %get3A_292 = tpu.vector_load %arg6[%get3A_290, %get3A_291] {strides = array<i32>} : memref<256x128xf32, #tpu.memory_space<vmem>>, vector<1x16xf32>,
        %get3A_293 = vector.shape_cast %get3A_292 : vector<1x16xf32> to vector<16xf32>
        %min3A_294 = arith.minimumf %get3A_293, %broadcast_in_dim3A_264 : vector<16xf32>
        %add3A_295 = arith.addf %add3A_235, %min3A_294 : vector<16xf32>
        %min3A_296 = arith.minimumf %get3A_293, %broadcast_in_dim3A_267 : vector<16xf32>
        %add3A_297 = arith.addf %add3A_237, %min3A_296 : vector<16xf32>
        %add3A_298 = arith.constant 1 : i32
        %add3A_299 = arith.addi %mul3A_193, %add3A_298 : i32
        %get3A_300 = arith.index_cast %add3A_299 : i32 to index
        %get3A_301 = arith.constant 48 : index
        %get3A_302 = tpu.vector_load %arg6[%get3A_300, %get3A_301] {strides = array<i32>} : memref<256x128xf32, #tpu.memory_space<vmem>>, vector<1x16xf32>,
        %get3A_303 = vector.shape_cast %get3A_302 : vector<1x16xf32> to vector<16xf32>
        %min3A_304 = arith.minimumf %get3A_303, %broadcast_in_dim3A_264 : vector<16xf32>
        %add3A_305 = arith.addf %add3A_245, %min3A_304 : vector<16xf32>
        %min3A_306 = arith.minimumf %get3A_303, %broadcast_in_dim3A_267 : vector<16xf32>
        %add3A_307 = arith.addf %add3A_247, %min3A_306 : vector<16xf32>
        %add3A_308 = arith.addf %add3A_248, %broadcast_in_dim3A_264 : vector<16xf32>
        %add3A_309 = arith.addf %add3A_249, %broadcast_in_dim3A_267 : vector<16xf32>
        %add3A_310 = arith.constant 0 : i32
        %add3A_311 = arith.addi %mul3A_74, %add3A_310 : i32
        %get3A_312 = arith.index_cast %add3A_311 : i32 to index
        %get3A_313 = arith.index_cast %mul3A_193 : i32 to index
        %get3A_314 = tpu.vector_load %arg5[%get3A_312, %get3A_313] {strides = array<i32>} : memref<32x256xf32, #tpu.memory_space<vmem>>, vector<1x16xf32>,
        %get3A_315 = vector.shape_cast %get3A_314 : vector<1x16xf32> to vector<16xf32>
        %add3A_316 = arith.constant 1 : i32
        %add3A_317 = arith.addi %mul3A_74, %add3A_316 : i32
        %get3A_318 = arith.index_cast %add3A_317 : i32 to index
        %get3A_319 = arith.index_cast %mul3A_193 : i32 to index
        %get3A_320 = tpu.vector_load %arg5[%get3A_318, %get3A_319] {strides = array<i32>} : memref<32x256xf32, #tpu.memory_space<vmem>>, vector<1x16xf32>,
        %get3A_321 = vector.shape_cast %get3A_320 : vector<1x16xf32> to vector<16xf32>
        %slice3A_322 = vector.extract_strided_slice %get3A_315 {offsets = [2], sizes = [1], strides = [1]} : vector<16xf32> to vector<1xf32>
        %squeeze3A_323 = vector.extract %slice3A_322[0] : f32 from vector<1xf32>
        %broadcast_in_dim3A_324 = vector.broadcast %squeeze3A_323 : f32 to vector<16xf32>
        %slice3A_325 = vector.extract_strided_slice %get3A_321 {offsets = [2], sizes = [1], strides = [1]} : vector<16xf32> to vector<1xf32>
        %squeeze3A_326 = vector.extract %slice3A_325[0] : f32 from vector<1xf32>
        %broadcast_in_dim3A_327 = vector.broadcast %squeeze3A_326 : f32 to vector<16xf32>
        %add3A_328 = arith.constant 2 : i32
        %add3A_329 = arith.addi %mul3A_193, %add3A_328 : i32
        %get3A_330 = arith.index_cast %add3A_329 : i32 to index
        %get3A_331 = arith.constant 0 : index
        %get3A_332 = tpu.vector_load %arg6[%get3A_330, %get3A_331] {strides = array<i32>} : memref<256x128xf32, #tpu.memory_space<vmem>>, vector<1x16xf32>,
        %get3A_333 = vector.shape_cast %get3A_332 : vector<1x16xf32> to vector<16xf32>
        %min3A_334 = arith.minimumf %get3A_333, %broadcast_in_dim3A_324 : vector<16xf32>
        %add3A_335 = arith.addf %add3A_275, %min3A_334 : vector<16xf32>
        %min3A_336 = arith.minimumf %get3A_333, %broadcast_in_dim3A_327 : vector<16xf32>
        %add3A_337 = arith.addf %add3A_277, %min3A_336 : vector<16xf32>
        %add3A_338 = arith.constant 2 : i32
        %add3A_339 = arith.addi %mul3A_193, %add3A_338 : i32
        %get3A_340 = arith.index_cast %add3A_339 : i32 to index
        %get3A_341 = arith.constant 16 : index
        %get3A_342 = tpu.vector_load %arg6[%get3A_340, %get3A_341] {strides = array<i32>} : memref<256x128xf32, #tpu.memory_space<vmem>>, vector<1x16xf32>,
        %get3A_343 = vector.shape_cast %get3A_342 : vector<1x16xf32> to vector<16xf32>
        %min3A_344 = arith.minimumf %get3A_343, %broadcast_in_dim3A_324 : vector<16xf32>
        %add3A_345 = arith.addf %add3A_285, %min3A_344 : vector<16xf32>
        %min3A_346 = arith.minimumf %get3A_343, %broadcast_in_dim3A_327 : vector<16xf32>
        %add3A_347 = arith.addf %add3A_287, %min3A_346 : vector<16xf32>
        %add3A_348 = arith.constant 2 : i32
        %add3A_349 = arith.addi %mul3A_193, %add3A_348 : i32
        %get3A_350 = arith.index_cast %add3A_349 : i32 to index
        %get3A_351 = arith.constant 32 : index
        %get3A_352 = tpu.vector_load %arg6[%get3A_350, %get3A_351] {strides = array<i32>} : memref<256x128xf32, #tpu.memory_space<vmem>>, vector<1x16xf32>,
        %get3A_353 = vector.shape_cast %get3A_352 : vector<1x16xf32> to vector<16xf32>
        %min3A_354 = arith.minimumf %get3A_353, %broadcast_in_dim3A_324 : vector<16xf32>
        %add3A_355 = arith.addf %add3A_295, %min3A_354 : vector<16xf32>
        %min3A_356 = arith.minimumf %get3A_353, %broadcast_in_dim3A_327 : vector<16xf32>
        %add3A_357 = arith.addf %add3A_297, %min3A_356 : vector<16xf32>
        %add3A_358 = arith.constant 2 : i32
        %add3A_359 = arith.addi %mul3A_193, %add3A_358 : i32
        %get3A_360 = arith.index_cast %add3A_359 : i32 to index
        %get3A_361 = arith.constant 48 : index
        %get3A_362 = tpu.vector_load %arg6[%get3A_360, %get3A_361] {strides = array<i32>} : memref<256x128xf32, #tpu.memory_space<vmem>>, vector<1x16xf32>,
        %get3A_363 = vector.shape_cast %get3A_362 : vector<1x16xf32> to vector<16xf32>
        %min3A_364 = arith.minimumf %get3A_363, %broadcast_in_dim3A_324 : vector<16xf32>
        %add3A_365 = arith.addf %add3A_305, %min3A_364 : vector<16xf32>
        %min3A_366 = arith.minimumf %get3A_363, %broadcast_in_dim3A_327 : vector<16xf32>
        %add3A_367 = arith.addf %add3A_307, %min3A_366 : vector<16xf32>
        %add3A_368 = arith.addf %add3A_308, %broadcast_in_dim3A_324 : vector<16xf32>
        %add3A_369 = arith.addf %add3A_309, %broadcast_in_dim3A_327 : vector<16xf32>
        %add3A_370 = arith.constant 0 : i32
        %add3A_371 = arith.addi %mul3A_74, %add3A_370 : i32
        %get3A_372 = arith.index_cast %add3A_371 : i32 to index
        %get3A_373 = arith.index_cast %mul3A_193 : i32 to index
        %get3A_374 = tpu.vector_load %arg5[%get3A_372, %get3A_373] {strides = array<i32>} : memref<32x256xf32, #tpu.memory_space<vmem>>, vector<1x16xf32>,
        %get3A_375 = vector.shape_cast %get3A_374 : vector<1x16xf32> to vector<16xf32>
        %add3A_376 = arith.constant 1 : i32
        %add3A_377 = arith.addi %mul3A_74, %add3A_376 : i32
        %get3A_378 = arith.index_cast %add3A_377 : i32 to index
        %get3A_379 = arith.index_cast %mul3A_193 : i32 to index
        %get3A_380 = tpu.vector_load %arg5[%get3A_378, %get3A_379] {strides = array<i32>} : memref<32x256xf32, #tpu.memory_space<vmem>>, vector<1x16xf32>,
        %get3A_381 = vector.shape_cast %get3A_380 : vector<1x16xf32> to vector<16xf32>
        %slice3A_382 = vector.extract_strided_slice %get3A_375 {offsets = [3], sizes = [1], strides = [1]} : vector<16xf32> to vector<1xf32>
        %squeeze3A_383 = vector.extract %slice3A_382[0] : f32 from vector<1xf32>
        %broadcast_in_dim3A_384 = vector.broadcast %squeeze3A_383 : f32 to vector<16xf32>
        %slice3A_385 = vector.extract_strided_slice %get3A_381 {offsets = [3], sizes = [1], strides = [1]} : vector<16xf32> to vector<1xf32>
        %squeeze3A_386 = vector.extract %slice3A_385[0] : f32 from vector<1xf32>
        %broadcast_in_dim3A_387 = vector.broadcast %squeeze3A_386 : f32 to vector<16xf32>
        %add3A_388 = arith.constant 3 : i32
        %add3A_389 = arith.addi %mul3A_193, %add3A_388 : i32
        %get3A_390 = arith.index_cast %add3A_389 : i32 to index
        %get3A_391 = arith.constant 0 : index
        %get3A_392 = tpu.vector_load %arg6[%get3A_390, %get3A_391] {strides = array<i32>} : memref<256x128xf32, #tpu.memory_space<vmem>>, vector<1x16xf32>,
        %get3A_393 = vector.shape_cast %get3A_392 : vector<1x16xf32> to vector<16xf32>
        %min3A_394 = arith.minimumf %get3A_393, %broadcast_in_dim3A_384 : vector<16xf32>
        %add3A_395 = arith.addf %add3A_335, %min3A_394 : vector<16xf32>
        %min3A_396 = arith.minimumf %get3A_393, %broadcast_in_dim3A_387 : vector<16xf32>
        %add3A_397 = arith.addf %add3A_337, %min3A_396 : vector<16xf32>
        %add3A_398 = arith.constant 3 : i32
        %add3A_399 = arith.addi %mul3A_193, %add3A_398 : i32
        %get3A_400 = arith.index_cast %add3A_399 : i32 to index
        %get3A_401 = arith.constant 16 : index
        %get3A_402 = tpu.vector_load %arg6[%get3A_400, %get3A_401] {strides = array<i32>} : memref<256x128xf32, #tpu.memory_space<vmem>>, vector<1x16xf32>,
        %get3A_403 = vector.shape_cast %get3A_402 : vector<1x16xf32> to vector<16xf32>
        %min3A_404 = arith.minimumf %get3A_403, %broadcast_in_dim3A_384 : vector<16xf32>
        %add3A_405 = arith.addf %add3A_345, %min3A_404 : vector<16xf32>
        %min3A_406 = arith.minimumf %get3A_403, %broadcast_in_dim3A_387 : vector<16xf32>
        %add3A_407 = arith.addf %add3A_347, %min3A_406 : vector<16xf32>
        %add3A_408 = arith.constant 3 : i32
        %add3A_409 = arith.addi %mul3A_193, %add3A_408 : i32
        %get3A_410 = arith.index_cast %add3A_409 : i32 to index
        %get3A_411 = arith.constant 32 : index
        %get3A_412 = tpu.vector_load %arg6[%get3A_410, %get3A_411] {strides = array<i32>} : memref<256x128xf32, #tpu.memory_space<vmem>>, vector<1x16xf32>,
        %get3A_413 = vector.shape_cast %get3A_412 : vector<1x16xf32> to vector<16xf32>
        %min3A_414 = arith.minimumf %get3A_413, %broadcast_in_dim3A_384 : vector<16xf32>
        %add3A_415 = arith.addf %add3A_355, %min3A_414 : vector<16xf32>
        %min3A_416 = arith.minimumf %get3A_413, %broadcast_in_dim3A_387 : vector<16xf32>
        %add3A_417 = arith.addf %add3A_357, %min3A_416 : vector<16xf32>
        %add3A_418 = arith.constant 3 : i32
        %add3A_419 = arith.addi %mul3A_193, %add3A_418 : i32
        %get3A_420 = arith.index_cast %add3A_419 : i32 to index
        %get3A_421 = arith.constant 48 : index
        %get3A_422 = tpu.vector_load %arg6[%get3A_420, %get3A_421] {strides = array<i32>} : memref<256x128xf32, #tpu.memory_space<vmem>>, vector<1x16xf32>,
        %get3A_423 = vector.shape_cast %get3A_422 : vector<1x16xf32> to vector<16xf32>
        %min3A_424 = arith.minimumf %get3A_423, %broadcast_in_dim3A_384 : vector<16xf32>
        %add3A_425 = arith.addf %add3A_365, %min3A_424 : vector<16xf32>
        %min3A_426 = arith.minimumf %get3A_423, %broadcast_in_dim3A_387 : vector<16xf32>
        %add3A_427 = arith.addf %add3A_367, %min3A_426 : vector<16xf32>
        %add3A_428 = arith.addf %add3A_368, %broadcast_in_dim3A_384 : vector<16xf32>
        %add3A_429 = arith.addf %add3A_369, %broadcast_in_dim3A_387 : vector<16xf32>
        %add3A_430 = arith.constant 0 : i32
        %add3A_431 = arith.addi %mul3A_74, %add3A_430 : i32
        %get3A_432 = arith.index_cast %add3A_431 : i32 to index
        %get3A_433 = arith.index_cast %mul3A_193 : i32 to index
        %get3A_434 = tpu.vector_load %arg5[%get3A_432, %get3A_433] {strides = array<i32>} : memref<32x256xf32, #tpu.memory_space<vmem>>, vector<1x16xf32>,
        %get3A_435 = vector.shape_cast %get3A_434 : vector<1x16xf32> to vector<16xf32>
        %add3A_436 = arith.constant 1 : i32
        %add3A_437 = arith.addi %mul3A_74, %add3A_436 : i32
        %get3A_438 = arith.index_cast %add3A_437 : i32 to index
        %get3A_439 = arith.index_cast %mul3A_193 : i32 to index
        %get3A_440 = tpu.vector_load %arg5[%get3A_438, %get3A_439] {strides = array<i32>} : memref<32x256xf32, #tpu.memory_space<vmem>>, vector<1x16xf32>,
        %get3A_441 = vector.shape_cast %get3A_440 : vector<1x16xf32> to vector<16xf32>
        %slice3A_442 = vector.extract_strided_slice %get3A_435 {offsets = [4], sizes = [1], strides = [1]} : vector<16xf32> to vector<1xf32>
        %squeeze3A_443 = vector.extract %slice3A_442[0] : f32 from vector<1xf32>
        %broadcast_in_dim3A_444 = vector.broadcast %squeeze3A_443 : f32 to vector<16xf32>
        %slice3A_445 = vector.extract_strided_slice %get3A_441 {offsets = [4], sizes = [1], strides = [1]} : vector<16xf32> to vector<1xf32>
        %squeeze3A_446 = vector.extract %slice3A_445[0] : f32 from vector<1xf32>
        %broadcast_in_dim3A_447 = vector.broadcast %squeeze3A_446 : f32 to vector<16xf32>
        %add3A_448 = arith.constant 4 : i32
        %add3A_449 = arith.addi %mul3A_193, %add3A_448 : i32
        %get3A_450 = arith.index_cast %add3A_449 : i32 to index
        %get3A_451 = arith.constant 0 : index
        %get3A_452 = tpu.vector_load %arg6[%get3A_450, %get3A_451] {strides = array<i32>} : memref<256x128xf32, #tpu.memory_space<vmem>>, vector<1x16xf32>,
        %get3A_453 = vector.shape_cast %get3A_452 : vector<1x16xf32> to vector<16xf32>
        %min3A_454 = arith.minimumf %get3A_453, %broadcast_in_dim3A_444 : vector<16xf32>
        %add3A_455 = arith.addf %add3A_395, %min3A_454 : vector<16xf32>
        %min3A_456 = arith.minimumf %get3A_453, %broadcast_in_dim3A_447 : vector<16xf32>
        %add3A_457 = arith.addf %add3A_397, %min3A_456 : vector<16xf32>
        %add3A_458 = arith.constant 4 : i32
        %add3A_459 = arith.addi %mul3A_193, %add3A_458 : i32
        %get3A_460 = arith.index_cast %add3A_459 : i32 to index
        %get3A_461 = arith.constant 16 : index
        %get3A_462 = tpu.vector_load %arg6[%get3A_460, %get3A_461] {strides = array<i32>} : memref<256x128xf32, #tpu.memory_space<vmem>>, vector<1x16xf32>,
        %get3A_463 = vector.shape_cast %get3A_462 : vector<1x16xf32> to vector<16xf32>
        %min3A_464 = arith.minimumf %get3A_463, %broadcast_in_dim3A_444 : vector<16xf32>
        %add3A_465 = arith.addf %add3A_405, %min3A_464 : vector<16xf32>
        %min3A_466 = arith.minimumf %get3A_463, %broadcast_in_dim3A_447 : vector<16xf32>
        %add3A_467 = arith.addf %add3A_407, %min3A_466 : vector<16xf32>
        %add3A_468 = arith.constant 4 : i32
        %add3A_469 = arith.addi %mul3A_193, %add3A_468 : i32
        %get3A_470 = arith.index_cast %add3A_469 : i32 to index
        %get3A_471 = arith.constant 32 : index
        %get3A_472 = tpu.vector_load %arg6[%get3A_470, %get3A_471] {strides = array<i32>} : memref<256x128xf32, #tpu.memory_space<vmem>>, vector<1x16xf32>,
        %get3A_473 = vector.shape_cast %get3A_472 : vector<1x16xf32> to vector<16xf32>
        %min3A_474 = arith.minimumf %get3A_473, %broadcast_in_dim3A_444 : vector<16xf32>
        %add3A_475 = arith.addf %add3A_415, %min3A_474 : vector<16xf32>
        %min3A_476 = arith.minimumf %get3A_473, %broadcast_in_dim3A_447 : vector<16xf32>
        %add3A_477 = arith.addf %add3A_417, %min3A_476 : vector<16xf32>
        %add3A_478 = arith.constant 4 : i32
        %add3A_479 = arith.addi %mul3A_193, %add3A_478 : i32
        %get3A_480 = arith.index_cast %add3A_479 : i32 to index
        %get3A_481 = arith.constant 48 : index
        %get3A_482 = tpu.vector_load %arg6[%get3A_480, %get3A_481] {strides = array<i32>} : memref<256x128xf32, #tpu.memory_space<vmem>>, vector<1x16xf32>,
        %get3A_483 = vector.shape_cast %get3A_482 : vector<1x16xf32> to vector<16xf32>
        %min3A_484 = arith.minimumf %get3A_483, %broadcast_in_dim3A_444 : vector<16xf32>
        %add3A_485 = arith.addf %add3A_425, %min3A_484 : vector<16xf32>
        %min3A_486 = arith.minimumf %get3A_483, %broadcast_in_dim3A_447 : vector<16xf32>
        %add3A_487 = arith.addf %add3A_427, %min3A_486 : vector<16xf32>
        %add3A_488 = arith.addf %add3A_428, %broadcast_in_dim3A_444 : vector<16xf32>
        %add3A_489 = arith.addf %add3A_429, %broadcast_in_dim3A_447 : vector<16xf32>
        %add3A_490 = arith.constant 0 : i32
        %add3A_491 = arith.addi %mul3A_74, %add3A_490 : i32
        %get3A_492 = arith.index_cast %add3A_491 : i32 to index
        %get3A_493 = arith.index_cast %mul3A_193 : i32 to index
        %get3A_494 = tpu.vector_load %arg5[%get3A_492, %get3A_493] {strides = array<i32>} : memref<32x256xf32, #tpu.memory_space<vmem>>, vector<1x16xf32>,
        %get3A_495 = vector.shape_cast %get3A_494 : vector<1x16xf32> to vector<16xf32>
        %add3A_496 = arith.constant 1 : i32
        %add3A_497 = arith.addi %mul3A_74, %add3A_496 : i32
        %get3A_498 = arith.index_cast %add3A_497 : i32 to index
        %get3A_499 = arith.index_cast %mul3A_193 : i32 to index
        %get3A_500 = tpu.vector_load %arg5[%get3A_498, %get3A_499] {strides = array<i32>} : memref<32x256xf32, #tpu.memory_space<vmem>>, vector<1x16xf32>,
        %get3A_501 = vector.shape_cast %get3A_500 : vector<1x16xf32> to vector<16xf32>
        %slice3A_502 = vector.extract_strided_slice %get3A_495 {offsets = [5], sizes = [1], strides = [1]} : vector<16xf32> to vector<1xf32>
        %squeeze3A_503 = vector.extract %slice3A_502[0] : f32 from vector<1xf32>
        %broadcast_in_dim3A_504 = vector.broadcast %squeeze3A_503 : f32 to vector<16xf32>
        %slice3A_505 = vector.extract_strided_slice %get3A_501 {offsets = [5], sizes = [1], strides = [1]} : vector<16xf32> to vector<1xf32>
        %squeeze3A_506 = vector.extract %slice3A_505[0] : f32 from vector<1xf32>
        %broadcast_in_dim3A_507 = vector.broadcast %squeeze3A_506 : f32 to vector<16xf32>
        %add3A_508 = arith.constant 5 : i32
        %add3A_509 = arith.addi %mul3A_193, %add3A_508 : i32
        %get3A_510 = arith.index_cast %add3A_509 : i32 to index
        %get3A_511 = arith.constant 0 : index
        %get3A_512 = tpu.vector_load %arg6[%get3A_510, %get3A_511] {strides = array<i32>} : memref<256x128xf32, #tpu.memory_space<vmem>>, vector<1x16xf32>,
        %get3A_513 = vector.shape_cast %get3A_512 : vector<1x16xf32> to vector<16xf32>
        %min3A_514 = arith.minimumf %get3A_513, %broadcast_in_dim3A_504 : vector<16xf32>
        %add3A_515 = arith.addf %add3A_455, %min3A_514 : vector<16xf32>
        %min3A_516 = arith.minimumf %get3A_513, %broadcast_in_dim3A_507 : vector<16xf32>
        %add3A_517 = arith.addf %add3A_457, %min3A_516 : vector<16xf32>
        %add3A_518 = arith.constant 5 : i32
        %add3A_519 = arith.addi %mul3A_193, %add3A_518 : i32
        %get3A_520 = arith.index_cast %add3A_519 : i32 to index
        %get3A_521 = arith.constant 16 : index
        %get3A_522 = tpu.vector_load %arg6[%get3A_520, %get3A_521] {strides = array<i32>} : memref<256x128xf32, #tpu.memory_space<vmem>>, vector<1x16xf32>,
        %get3A_523 = vector.shape_cast %get3A_522 : vector<1x16xf32> to vector<16xf32>
        %min3A_524 = arith.minimumf %get3A_523, %broadcast_in_dim3A_504 : vector<16xf32>
        %add3A_525 = arith.addf %add3A_465, %min3A_524 : vector<16xf32>
        %min3A_526 = arith.minimumf %get3A_523, %broadcast_in_dim3A_507 : vector<16xf32>
        %add3A_527 = arith.addf %add3A_467, %min3A_526 : vector<16xf32>
        %add3A_528 = arith.constant 5 : i32
        %add3A_529 = arith.addi %mul3A_193, %add3A_528 : i32
        %get3A_530 = arith.index_cast %add3A_529 : i32 to index
        %get3A_531 = arith.constant 32 : index
        %get3A_532 = tpu.vector_load %arg6[%get3A_530, %get3A_531] {strides = array<i32>} : memref<256x128xf32, #tpu.memory_space<vmem>>, vector<1x16xf32>,
        %get3A_533 = vector.shape_cast %get3A_532 : vector<1x16xf32> to vector<16xf32>
        %min3A_534 = arith.minimumf %get3A_533, %broadcast_in_dim3A_504 : vector<16xf32>
        %add3A_535 = arith.addf %add3A_475, %min3A_534 : vector<16xf32>
        %min3A_536 = arith.minimumf %get3A_533, %broadcast_in_dim3A_507 : vector<16xf32>
        %add3A_537 = arith.addf %add3A_477, %min3A_536 : vector<16xf32>
        %add3A_538 = arith.constant 5 : i32
        %add3A_539 = arith.addi %mul3A_193, %add3A_538 : i32
        %get3A_540 = arith.index_cast %add3A_539 : i32 to index
        %get3A_541 = arith.constant 48 : index
        %get3A_542 = tpu.vector_load %arg6[%get3A_540, %get3A_541] {strides = array<i32>} : memref<256x128xf32, #tpu.memory_space<vmem>>, vector<1x16xf32>,
        %get3A_543 = vector.shape_cast %get3A_542 : vector<1x16xf32> to vector<16xf32>
        %min3A_544 = arith.minimumf %get3A_543, %broadcast_in_dim3A_504 : vector<16xf32>
        %add3A_545 = arith.addf %add3A_485, %min3A_544 : vector<16xf32>
        %min3A_546 = arith.minimumf %get3A_543, %broadcast_in_dim3A_507 : vector<16xf32>
        %add3A_547 = arith.addf %add3A_487, %min3A_546 : vector<16xf32>
        %add3A_548 = arith.addf %add3A_488, %broadcast_in_dim3A_504 : vector<16xf32>
        %add3A_549 = arith.addf %add3A_489, %broadcast_in_dim3A_507 : vector<16xf32>
        %add3A_550 = arith.constant 0 : i32
        %add3A_551 = arith.addi %mul3A_74, %add3A_550 : i32
        %get3A_552 = arith.index_cast %add3A_551 : i32 to index
        %get3A_553 = arith.index_cast %mul3A_193 : i32 to index
        %get3A_554 = tpu.vector_load %arg5[%get3A_552, %get3A_553] {strides = array<i32>} : memref<32x256xf32, #tpu.memory_space<vmem>>, vector<1x16xf32>,
        %get3A_555 = vector.shape_cast %get3A_554 : vector<1x16xf32> to vector<16xf32>
        %add3A_556 = arith.constant 1 : i32
        %add3A_557 = arith.addi %mul3A_74, %add3A_556 : i32
        %get3A_558 = arith.index_cast %add3A_557 : i32 to index
        %get3A_559 = arith.index_cast %mul3A_193 : i32 to index
        %get3A_560 = tpu.vector_load %arg5[%get3A_558, %get3A_559] {strides = array<i32>} : memref<32x256xf32, #tpu.memory_space<vmem>>, vector<1x16xf32>,
        %get3A_561 = vector.shape_cast %get3A_560 : vector<1x16xf32> to vector<16xf32>
        %slice3A_562 = vector.extract_strided_slice %get3A_555 {offsets = [6], sizes = [1], strides = [1]} : vector<16xf32> to vector<1xf32>
        %squeeze3A_563 = vector.extract %slice3A_562[0] : f32 from vector<1xf32>
        %broadcast_in_dim3A_564 = vector.broadcast %squeeze3A_563 : f32 to vector<16xf32>
        %slice3A_565 = vector.extract_strided_slice %get3A_561 {offsets = [6], sizes = [1], strides = [1]} : vector<16xf32> to vector<1xf32>
        %squeeze3A_566 = vector.extract %slice3A_565[0] : f32 from vector<1xf32>
        %broadcast_in_dim3A_567 = vector.broadcast %squeeze3A_566 : f32 to vector<16xf32>
        %add3A_568 = arith.constant 6 : i32
        %add3A_569 = arith.addi %mul3A_193, %add3A_568 : i32
        %get3A_570 = arith.index_cast %add3A_569 : i32 to index
        %get3A_571 = arith.constant 0 : index
        %get3A_572 = tpu.vector_load %arg6[%get3A_570, %get3A_571] {strides = array<i32>} : memref<256x128xf32, #tpu.memory_space<vmem>>, vector<1x16xf32>,
        %get3A_573 = vector.shape_cast %get3A_572 : vector<1x16xf32> to vector<16xf32>
        %min3A_574 = arith.minimumf %get3A_573, %broadcast_in_dim3A_564 : vector<16xf32>
        %add3A_575 = arith.addf %add3A_515, %min3A_574 : vector<16xf32>
        %min3A_576 = arith.minimumf %get3A_573, %broadcast_in_dim3A_567 : vector<16xf32>
        %add3A_577 = arith.addf %add3A_517, %min3A_576 : vector<16xf32>
        %add3A_578 = arith.constant 6 : i32
        %add3A_579 = arith.addi %mul3A_193, %add3A_578 : i32
        %get3A_580 = arith.index_cast %add3A_579 : i32 to index
        %get3A_581 = arith.constant 16 : index
        %get3A_582 = tpu.vector_load %arg6[%get3A_580, %get3A_581] {strides = array<i32>} : memref<256x128xf32, #tpu.memory_space<vmem>>, vector<1x16xf32>,
        %get3A_583 = vector.shape_cast %get3A_582 : vector<1x16xf32> to vector<16xf32>
        %min3A_584 = arith.minimumf %get3A_583, %broadcast_in_dim3A_564 : vector<16xf32>
        %add3A_585 = arith.addf %add3A_525, %min3A_584 : vector<16xf32>
        %min3A_586 = arith.minimumf %get3A_583, %broadcast_in_dim3A_567 : vector<16xf32>
        %add3A_587 = arith.addf %add3A_527, %min3A_586 : vector<16xf32>
        %add3A_588 = arith.constant 6 : i32
        %add3A_589 = arith.addi %mul3A_193, %add3A_588 : i32
        %get3A_590 = arith.index_cast %add3A_589 : i32 to index
        %get3A_591 = arith.constant 32 : index
        %get3A_592 = tpu.vector_load %arg6[%get3A_590, %get3A_591] {strides = array<i32>} : memref<256x128xf32, #tpu.memory_space<vmem>>, vector<1x16xf32>,
        %get3A_593 = vector.shape_cast %get3A_592 : vector<1x16xf32> to vector<16xf32>
        %min3A_594 = arith.minimumf %get3A_593, %broadcast_in_dim3A_564 : vector<16xf32>
        %add3A_595 = arith.addf %add3A_535, %min3A_594 : vector<16xf32>
        %min3A_596 = arith.minimumf %get3A_593, %broadcast_in_dim3A_567 : vector<16xf32>
        %add3A_597 = arith.addf %add3A_537, %min3A_596 : vector<16xf32>
        %add3A_598 = arith.constant 6 : i32
        %add3A_599 = arith.addi %mul3A_193, %add3A_598 : i32
        %get3A_600 = arith.index_cast %add3A_599 : i32 to index
        %get3A_601 = arith.constant 48 : index
        %get3A_602 = tpu.vector_load %arg6[%get3A_600, %get3A_601] {strides = array<i32>} : memref<256x128xf32, #tpu.memory_space<vmem>>, vector<1x16xf32>,
        %get3A_603 = vector.shape_cast %get3A_602 : vector<1x16xf32> to vector<16xf32>
        %min3A_604 = arith.minimumf %get3A_603, %broadcast_in_dim3A_564 : vector<16xf32>
        %add3A_605 = arith.addf %add3A_545, %min3A_604 : vector<16xf32>
        %min3A_606 = arith.minimumf %get3A_603, %broadcast_in_dim3A_567 : vector<16xf32>
        %add3A_607 = arith.addf %add3A_547, %min3A_606 : vector<16xf32>
        %add3A_608 = arith.addf %add3A_548, %broadcast_in_dim3A_564 : vector<16xf32>
        %add3A_609 = arith.addf %add3A_549, %broadcast_in_dim3A_567 : vector<16xf32>
        %add3A_610 = arith.constant 0 : i32
        %add3A_611 = arith.addi %mul3A_74, %add3A_610 : i32
        %get3A_612 = arith.index_cast %add3A_611 : i32 to index
        %get3A_613 = arith.index_cast %mul3A_193 : i32 to index
        %get3A_614 = tpu.vector_load %arg5[%get3A_612, %get3A_613] {strides = array<i32>} : memref<32x256xf32, #tpu.memory_space<vmem>>, vector<1x16xf32>,
        %get3A_615 = vector.shape_cast %get3A_614 : vector<1x16xf32> to vector<16xf32>
        %add3A_616 = arith.constant 1 : i32
        %add3A_617 = arith.addi %mul3A_74, %add3A_616 : i32
        %get3A_618 = arith.index_cast %add3A_617 : i32 to index
        %get3A_619 = arith.index_cast %mul3A_193 : i32 to index
        %get3A_620 = tpu.vector_load %arg5[%get3A_618, %get3A_619] {strides = array<i32>} : memref<32x256xf32, #tpu.memory_space<vmem>>, vector<1x16xf32>,
        %get3A_621 = vector.shape_cast %get3A_620 : vector<1x16xf32> to vector<16xf32>
        %slice3A_622 = vector.extract_strided_slice %get3A_615 {offsets = [7], sizes = [1], strides = [1]} : vector<16xf32> to vector<1xf32>
        %squeeze3A_623 = vector.extract %slice3A_622[0] : f32 from vector<1xf32>
        %broadcast_in_dim3A_624 = vector.broadcast %squeeze3A_623 : f32 to vector<16xf32>
        %slice3A_625 = vector.extract_strided_slice %get3A_621 {offsets = [7], sizes = [1], strides = [1]} : vector<16xf32> to vector<1xf32>
        %squeeze3A_626 = vector.extract %slice3A_625[0] : f32 from vector<1xf32>
        %broadcast_in_dim3A_627 = vector.broadcast %squeeze3A_626 : f32 to vector<16xf32>
        %add3A_628 = arith.constant 7 : i32
        %add3A_629 = arith.addi %mul3A_193, %add3A_628 : i32
        %get3A_630 = arith.index_cast %add3A_629 : i32 to index
        %get3A_631 = arith.constant 0 : index
        %get3A_632 = tpu.vector_load %arg6[%get3A_630, %get3A_631] {strides = array<i32>} : memref<256x128xf32, #tpu.memory_space<vmem>>, vector<1x16xf32>,
        %get3A_633 = vector.shape_cast %get3A_632 : vector<1x16xf32> to vector<16xf32>
        %min3A_634 = arith.minimumf %get3A_633, %broadcast_in_dim3A_624 : vector<16xf32>
        %add3A_635 = arith.addf %add3A_575, %min3A_634 : vector<16xf32>
        %min3A_636 = arith.minimumf %get3A_633, %broadcast_in_dim3A_627 : vector<16xf32>
        %add3A_637 = arith.addf %add3A_577, %min3A_636 : vector<16xf32>
        %add3A_638 = arith.constant 7 : i32
        %add3A_639 = arith.addi %mul3A_193, %add3A_638 : i32
        %get3A_640 = arith.index_cast %add3A_639 : i32 to index
        %get3A_641 = arith.constant 16 : index
        %get3A_642 = tpu.vector_load %arg6[%get3A_640, %get3A_641] {strides = array<i32>} : memref<256x128xf32, #tpu.memory_space<vmem>>, vector<1x16xf32>,
        %get3A_643 = vector.shape_cast %get3A_642 : vector<1x16xf32> to vector<16xf32>
        %min3A_644 = arith.minimumf %get3A_643, %broadcast_in_dim3A_624 : vector<16xf32>
        %add3A_645 = arith.addf %add3A_585, %min3A_644 : vector<16xf32>
        %min3A_646 = arith.minimumf %get3A_643, %broadcast_in_dim3A_627 : vector<16xf32>
        %add3A_647 = arith.addf %add3A_587, %min3A_646 : vector<16xf32>
        %add3A_648 = arith.constant 7 : i32
        %add3A_649 = arith.addi %mul3A_193, %add3A_648 : i32
        %get3A_650 = arith.index_cast %add3A_649 : i32 to index
        %get3A_651 = arith.constant 32 : index
        %get3A_652 = tpu.vector_load %arg6[%get3A_650, %get3A_651] {strides = array<i32>} : memref<256x128xf32, #tpu.memory_space<vmem>>, vector<1x16xf32>,
        %get3A_653 = vector.shape_cast %get3A_652 : vector<1x16xf32> to vector<16xf32>
        %min3A_654 = arith.minimumf %get3A_653, %broadcast_in_dim3A_624 : vector<16xf32>
        %add3A_655 = arith.addf %add3A_595, %min3A_654 : vector<16xf32>
        %min3A_656 = arith.minimumf %get3A_653, %broadcast_in_dim3A_627 : vector<16xf32>
        %add3A_657 = arith.addf %add3A_597, %min3A_656 : vector<16xf32>
        %add3A_658 = arith.constant 7 : i32
        %add3A_659 = arith.addi %mul3A_193, %add3A_658 : i32
        %get3A_660 = arith.index_cast %add3A_659 : i32 to index
        %get3A_661 = arith.constant 48 : index
        %get3A_662 = tpu.vector_load %arg6[%get3A_660, %get3A_661] {strides = array<i32>} : memref<256x128xf32, #tpu.memory_space<vmem>>, vector<1x16xf32>,
        %get3A_663 = vector.shape_cast %get3A_662 : vector<1x16xf32> to vector<16xf32>
        %min3A_664 = arith.minimumf %get3A_663, %broadcast_in_dim3A_624 : vector<16xf32>
        %add3A_665 = arith.addf %add3A_605, %min3A_664 : vector<16xf32>
        %min3A_666 = arith.minimumf %get3A_663, %broadcast_in_dim3A_627 : vector<16xf32>
        %add3A_667 = arith.addf %add3A_607, %min3A_666 : vector<16xf32>
        %add3A_668 = arith.addf %add3A_608, %broadcast_in_dim3A_624 : vector<16xf32>
        %add3A_669 = arith.addf %add3A_609, %broadcast_in_dim3A_627 : vector<16xf32>
        %add3A_670 = arith.constant 0 : i32
        %add3A_671 = arith.addi %mul3A_74, %add3A_670 : i32
        %get3A_672 = arith.index_cast %add3A_671 : i32 to index
        %get3A_673 = arith.index_cast %mul3A_193 : i32 to index
        %get3A_674 = tpu.vector_load %arg5[%get3A_672, %get3A_673] {strides = array<i32>} : memref<32x256xf32, #tpu.memory_space<vmem>>, vector<1x16xf32>,
        %get3A_675 = vector.shape_cast %get3A_674 : vector<1x16xf32> to vector<16xf32>
        %add3A_676 = arith.constant 1 : i32
        %add3A_677 = arith.addi %mul3A_74, %add3A_676 : i32
        %get3A_678 = arith.index_cast %add3A_677 : i32 to index
        %get3A_679 = arith.index_cast %mul3A_193 : i32 to index
        %get3A_680 = tpu.vector_load %arg5[%get3A_678, %get3A_679] {strides = array<i32>} : memref<32x256xf32, #tpu.memory_space<vmem>>, vector<1x16xf32>,
        %get3A_681 = vector.shape_cast %get3A_680 : vector<1x16xf32> to vector<16xf32>
        %slice3A_682 = vector.extract_strided_slice %get3A_675 {offsets = [8], sizes = [1], strides = [1]} : vector<16xf32> to vector<1xf32>
        %squeeze3A_683 = vector.extract %slice3A_682[0] : f32 from vector<1xf32>
        %broadcast_in_dim3A_684 = vector.broadcast %squeeze3A_683 : f32 to vector<16xf32>
        %slice3A_685 = vector.extract_strided_slice %get3A_681 {offsets = [8], sizes = [1], strides = [1]} : vector<16xf32> to vector<1xf32>
        %squeeze3A_686 = vector.extract %slice3A_685[0] : f32 from vector<1xf32>
        %broadcast_in_dim3A_687 = vector.broadcast %squeeze3A_686 : f32 to vector<16xf32>
        %add3A_688 = arith.constant 8 : i32
        %add3A_689 = arith.addi %mul3A_193, %add3A_688 : i32
        %get3A_690 = arith.index_cast %add3A_689 : i32 to index
        %get3A_691 = arith.constant 0 : index
        %get3A_692 = tpu.vector_load %arg6[%get3A_690, %get3A_691] {strides = array<i32>} : memref<256x128xf32, #tpu.memory_space<vmem>>, vector<1x16xf32>,
        %get3A_693 = vector.shape_cast %get3A_692 : vector<1x16xf32> to vector<16xf32>
        %min3A_694 = arith.minimumf %get3A_693, %broadcast_in_dim3A_684 : vector<16xf32>
        %add3A_695 = arith.addf %add3A_635, %min3A_694 : vector<16xf32>
        %min3A_696 = arith.minimumf %get3A_693, %broadcast_in_dim3A_687 : vector<16xf32>
        %add3A_697 = arith.addf %add3A_637, %min3A_696 : vector<16xf32>
        %add3A_698 = arith.constant 8 : i32
        %add3A_699 = arith.addi %mul3A_193, %add3A_698 : i32
        %get3A_700 = arith.index_cast %add3A_699 : i32 to index
        %get3A_701 = arith.constant 16 : index
        %get3A_702 = tpu.vector_load %arg6[%get3A_700, %get3A_701] {strides = array<i32>} : memref<256x128xf32, #tpu.memory_space<vmem>>, vector<1x16xf32>,
        %get3A_703 = vector.shape_cast %get3A_702 : vector<1x16xf32> to vector<16xf32>
        %min3A_704 = arith.minimumf %get3A_703, %broadcast_in_dim3A_684 : vector<16xf32>
        %add3A_705 = arith.addf %add3A_645, %min3A_704 : vector<16xf32>
        %min3A_706 = arith.minimumf %get3A_703, %broadcast_in_dim3A_687 : vector<16xf32>
        %add3A_707 = arith.addf %add3A_647, %min3A_706 : vector<16xf32>
        %add3A_708 = arith.constant 8 : i32
        %add3A_709 = arith.addi %mul3A_193, %add3A_708 : i32
        %get3A_710 = arith.index_cast %add3A_709 : i32 to index
        %get3A_711 = arith.constant 32 : index
        %get3A_712 = tpu.vector_load %arg6[%get3A_710, %get3A_711] {strides = array<i32>} : memref<256x128xf32, #tpu.memory_space<vmem>>, vector<1x16xf32>,
        %get3A_713 = vector.shape_cast %get3A_712 : vector<1x16xf32> to vector<16xf32>
        %min3A_714 = arith.minimumf %get3A_713, %broadcast_in_dim3A_684 : vector<16xf32>
        %add3A_715 = arith.addf %add3A_655, %min3A_714 : vector<16xf32>
        %min3A_716 = arith.minimumf %get3A_713, %broadcast_in_dim3A_687 : vector<16xf32>
        %add3A_717 = arith.addf %add3A_657, %min3A_716 : vector<16xf32>
        %add3A_718 = arith.constant 8 : i32
        %add3A_719 = arith.addi %mul3A_193, %add3A_718 : i32
        %get3A_720 = arith.index_cast %add3A_719 : i32 to index
        %get3A_721 = arith.constant 48 : index
        %get3A_722 = tpu.vector_load %arg6[%get3A_720, %get3A_721] {strides = array<i32>} : memref<256x128xf32, #tpu.memory_space<vmem>>, vector<1x16xf32>,
        %get3A_723 = vector.shape_cast %get3A_722 : vector<1x16xf32> to vector<16xf32>
        %min3A_724 = arith.minimumf %get3A_723, %broadcast_in_dim3A_684 : vector<16xf32>
        %add3A_725 = arith.addf %add3A_665, %min3A_724 : vector<16xf32>
        %min3A_726 = arith.minimumf %get3A_723, %broadcast_in_dim3A_687 : vector<16xf32>
        %add3A_727 = arith.addf %add3A_667, %min3A_726 : vector<16xf32>
        %add3A_728 = arith.addf %add3A_668, %broadcast_in_dim3A_684 : vector<16xf32>
        %add3A_729 = arith.addf %add3A_669, %broadcast_in_dim3A_687 : vector<16xf32>
        %add3A_730 = arith.constant 0 : i32
        %add3A_731 = arith.addi %mul3A_74, %add3A_730 : i32
        %get3A_732 = arith.index_cast %add3A_731 : i32 to index
        %get3A_733 = arith.index_cast %mul3A_193 : i32 to index
        %get3A_734 = tpu.vector_load %arg5[%get3A_732, %get3A_733] {strides = array<i32>} : memref<32x256xf32, #tpu.memory_space<vmem>>, vector<1x16xf32>,
        %get3A_735 = vector.shape_cast %get3A_734 : vector<1x16xf32> to vector<16xf32>
        %add3A_736 = arith.constant 1 : i32
        %add3A_737 = arith.addi %mul3A_74, %add3A_736 : i32
        %get3A_738 = arith.index_cast %add3A_737 : i32 to index
        %get3A_739 = arith.index_cast %mul3A_193 : i32 to index
        %get3A_740 = tpu.vector_load %arg5[%get3A_738, %get3A_739] {strides = array<i32>} : memref<32x256xf32, #tpu.memory_space<vmem>>, vector<1x16xf32>,
        %get3A_741 = vector.shape_cast %get3A_740 : vector<1x16xf32> to vector<16xf32>
        %slice3A_742 = vector.extract_strided_slice %get3A_735 {offsets = [9], sizes = [1], strides = [1]} : vector<16xf32> to vector<1xf32>
        %squeeze3A_743 = vector.extract %slice3A_742[0] : f32 from vector<1xf32>
        %broadcast_in_dim3A_744 = vector.broadcast %squeeze3A_743 : f32 to vector<16xf32>
        %slice3A_745 = vector.extract_strided_slice %get3A_741 {offsets = [9], sizes = [1], strides = [1]} : vector<16xf32> to vector<1xf32>
        %squeeze3A_746 = vector.extract %slice3A_745[0] : f32 from vector<1xf32>
        %broadcast_in_dim3A_747 = vector.broadcast %squeeze3A_746 : f32 to vector<16xf32>
        %add3A_748 = arith.constant 9 : i32
        %add3A_749 = arith.addi %mul3A_193, %add3A_748 : i32
        %get3A_750 = arith.index_cast %add3A_749 : i32 to index
        %get3A_751 = arith.constant 0 : index
        %get3A_752 = tpu.vector_load %arg6[%get3A_750, %get3A_751] {strides = array<i32>} : memref<256x128xf32, #tpu.memory_space<vmem>>, vector<1x16xf32>,
        %get3A_753 = vector.shape_cast %get3A_752 : vector<1x16xf32> to vector<16xf32>
        %min3A_754 = arith.minimumf %get3A_753, %broadcast_in_dim3A_744 : vector<16xf32>
        %add3A_755 = arith.addf %add3A_695, %min3A_754 : vector<16xf32>
        %min3A_756 = arith.minimumf %get3A_753, %broadcast_in_dim3A_747 : vector<16xf32>
        %add3A_757 = arith.addf %add3A_697, %min3A_756 : vector<16xf32>
        %add3A_758 = arith.constant 9 : i32
        %add3A_759 = arith.addi %mul3A_193, %add3A_758 : i32
        %get3A_760 = arith.index_cast %add3A_759 : i32 to index
        %get3A_761 = arith.constant 16 : index
        %get3A_762 = tpu.vector_load %arg6[%get3A_760, %get3A_761] {strides = array<i32>} : memref<256x128xf32, #tpu.memory_space<vmem>>, vector<1x16xf32>,
        %get3A_763 = vector.shape_cast %get3A_762 : vector<1x16xf32> to vector<16xf32>
        %min3A_764 = arith.minimumf %get3A_763, %broadcast_in_dim3A_744 : vector<16xf32>
        %add3A_765 = arith.addf %add3A_705, %min3A_764 : vector<16xf32>
        %min3A_766 = arith.minimumf %get3A_763, %broadcast_in_dim3A_747 : vector<16xf32>
        %add3A_767 = arith.addf %add3A_707, %min3A_766 : vector<16xf32>
        %add3A_768 = arith.constant 9 : i32
        %add3A_769 = arith.addi %mul3A_193, %add3A_768 : i32
        %get3A_770 = arith.index_cast %add3A_769 : i32 to index
        %get3A_771 = arith.constant 32 : index
        %get3A_772 = tpu.vector_load %arg6[%get3A_770, %get3A_771] {strides = array<i32>} : memref<256x128xf32, #tpu.memory_space<vmem>>, vector<1x16xf32>,
        %get3A_773 = vector.shape_cast %get3A_772 : vector<1x16xf32> to vector<16xf32>
        %min3A_774 = arith.minimumf %get3A_773, %broadcast_in_dim3A_744 : vector<16xf32>
        %add3A_775 = arith.addf %add3A_715, %min3A_774 : vector<16xf32>
        %min3A_776 = arith.minimumf %get3A_773, %broadcast_in_dim3A_747 : vector<16xf32>
        %add3A_777 = arith.addf %add3A_717, %min3A_776 : vector<16xf32>
        %add3A_778 = arith.constant 9 : i32
        %add3A_779 = arith.addi %mul3A_193, %add3A_778 : i32
        %get3A_780 = arith.index_cast %add3A_779 : i32 to index
        %get3A_781 = arith.constant 48 : index
        %get3A_782 = tpu.vector_load %arg6[%get3A_780, %get3A_781] {strides = array<i32>} : memref<256x128xf32, #tpu.memory_space<vmem>>, vector<1x16xf32>,
        %get3A_783 = vector.shape_cast %get3A_782 : vector<1x16xf32> to vector<16xf32>
        %min3A_784 = arith.minimumf %get3A_783, %broadcast_in_dim3A_744 : vector<16xf32>
        %add3A_785 = arith.addf %add3A_725, %min3A_784 : vector<16xf32>
        %min3A_786 = arith.minimumf %get3A_783, %broadcast_in_dim3A_747 : vector<16xf32>
        %add3A_787 = arith.addf %add3A_727, %min3A_786 : vector<16xf32>
        %add3A_788 = arith.addf %add3A_728, %broadcast_in_dim3A_744 : vector<16xf32>
        %add3A_789 = arith.addf %add3A_729, %broadcast_in_dim3A_747 : vector<16xf32>
        %add3A_790 = arith.constant 0 : i32
        %add3A_791 = arith.addi %mul3A_74, %add3A_790 : i32
        %get3A_792 = arith.index_cast %add3A_791 : i32 to index
        %get3A_793 = arith.index_cast %mul3A_193 : i32 to index
        %get3A_794 = tpu.vector_load %arg5[%get3A_792, %get3A_793] {strides = array<i32>} : memref<32x256xf32, #tpu.memory_space<vmem>>, vector<1x16xf32>,
        %get3A_795 = vector.shape_cast %get3A_794 : vector<1x16xf32> to vector<16xf32>
        %add3A_796 = arith.constant 1 : i32
        %add3A_797 = arith.addi %mul3A_74, %add3A_796 : i32
        %get3A_798 = arith.index_cast %add3A_797 : i32 to index
        %get3A_799 = arith.index_cast %mul3A_193 : i32 to index
        %get3A_800 = tpu.vector_load %arg5[%get3A_798, %get3A_799] {strides = array<i32>} : memref<32x256xf32, #tpu.memory_space<vmem>>, vector<1x16xf32>,
        %get3A_801 = vector.shape_cast %get3A_800 : vector<1x16xf32> to vector<16xf32>
        %slice3A_802 = vector.extract_strided_slice %get3A_795 {offsets = [10], sizes = [1], strides = [1]} : vector<16xf32> to vector<1xf32>
        %squeeze3A_803 = vector.extract %slice3A_802[0] : f32 from vector<1xf32>
        %broadcast_in_dim3A_804 = vector.broadcast %squeeze3A_803 : f32 to vector<16xf32>
        %slice3A_805 = vector.extract_strided_slice %get3A_801 {offsets = [10], sizes = [1], strides = [1]} : vector<16xf32> to vector<1xf32>
        %squeeze3A_806 = vector.extract %slice3A_805[0] : f32 from vector<1xf32>
        %broadcast_in_dim3A_807 = vector.broadcast %squeeze3A_806 : f32 to vector<16xf32>
        %add3A_808 = arith.constant 10 : i32
        %add3A_809 = arith.addi %mul3A_193, %add3A_808 : i32
        %get3A_810 = arith.index_cast %add3A_809 : i32 to index
        %get3A_811 = arith.constant 0 : index
        %get3A_812 = tpu.vector_load %arg6[%get3A_810, %get3A_811] {strides = array<i32>} : memref<256x128xf32, #tpu.memory_space<vmem>>, vector<1x16xf32>,
        %get3A_813 = vector.shape_cast %get3A_812 : vector<1x16xf32> to vector<16xf32>
        %min3A_814 = arith.minimumf %get3A_813, %broadcast_in_dim3A_804 : vector<16xf32>
        %add3A_815 = arith.addf %add3A_755, %min3A_814 : vector<16xf32>
        %min3A_816 = arith.minimumf %get3A_813, %broadcast_in_dim3A_807 : vector<16xf32>
        %add3A_817 = arith.addf %add3A_757, %min3A_816 : vector<16xf32>
        %add3A_818 = arith.constant 10 : i32
        %add3A_819 = arith.addi %mul3A_193, %add3A_818 : i32
        %get3A_820 = arith.index_cast %add3A_819 : i32 to index
        %get3A_821 = arith.constant 16 : index
        %get3A_822 = tpu.vector_load %arg6[%get3A_820, %get3A_821] {strides = array<i32>} : memref<256x128xf32, #tpu.memory_space<vmem>>, vector<1x16xf32>,
        %get3A_823 = vector.shape_cast %get3A_822 : vector<1x16xf32> to vector<16xf32>
        %min3A_824 = arith.minimumf %get3A_823, %broadcast_in_dim3A_804 : vector<16xf32>
        %add3A_825 = arith.addf %add3A_765, %min3A_824 : vector<16xf32>
        %min3A_826 = arith.minimumf %get3A_823, %broadcast_in_dim3A_807 : vector<16xf32>
        %add3A_827 = arith.addf %add3A_767, %min3A_826 : vector<16xf32>
        %add3A_828 = arith.constant 10 : i32
        %add3A_829 = arith.addi %mul3A_193, %add3A_828 : i32
        %get3A_830 = arith.index_cast %add3A_829 : i32 to index
        %get3A_831 = arith.constant 32 : index
        %get3A_832 = tpu.vector_load %arg6[%get3A_830, %get3A_831] {strides = array<i32>} : memref<256x128xf32, #tpu.memory_space<vmem>>, vector<1x16xf32>,
        %get3A_833 = vector.shape_cast %get3A_832 : vector<1x16xf32> to vector<16xf32>
        %min3A_834 = arith.minimumf %get3A_833, %broadcast_in_dim3A_804 : vector<16xf32>
        %add3A_835 = arith.addf %add3A_775, %min3A_834 : vector<16xf32>
        %min3A_836 = arith.minimumf %get3A_833, %broadcast_in_dim3A_807 : vector<16xf32>
        %add3A_837 = arith.addf %add3A_777, %min3A_836 : vector<16xf32>
        %add3A_838 = arith.constant 10 : i32
        %add3A_839 = arith.addi %mul3A_193, %add3A_838 : i32
        %get3A_840 = arith.index_cast %add3A_839 : i32 to index
        %get3A_841 = arith.constant 48 : index
        %get3A_842 = tpu.vector_load %arg6[%get3A_840, %get3A_841] {strides = array<i32>} : memref<256x128xf32, #tpu.memory_space<vmem>>, vector<1x16xf32>,
        %get3A_843 = vector.shape_cast %get3A_842 : vector<1x16xf32> to vector<16xf32>
        %min3A_844 = arith.minimumf %get3A_843, %broadcast_in_dim3A_804 : vector<16xf32>
        %add3A_845 = arith.addf %add3A_785, %min3A_844 : vector<16xf32>
        %min3A_846 = arith.minimumf %get3A_843, %broadcast_in_dim3A_807 : vector<16xf32>
        %add3A_847 = arith.addf %add3A_787, %min3A_846 : vector<16xf32>
        %add3A_848 = arith.addf %add3A_788, %broadcast_in_dim3A_804 : vector<16xf32>
        %add3A_849 = arith.addf %add3A_789, %broadcast_in_dim3A_807 : vector<16xf32>
        %add3A_850 = arith.constant 0 : i32
        %add3A_851 = arith.addi %mul3A_74, %add3A_850 : i32
        %get3A_852 = arith.index_cast %add3A_851 : i32 to index
        %get3A_853 = arith.index_cast %mul3A_193 : i32 to index
        %get3A_854 = tpu.vector_load %arg5[%get3A_852, %get3A_853] {strides = array<i32>} : memref<32x256xf32, #tpu.memory_space<vmem>>, vector<1x16xf32>,
        %get3A_855 = vector.shape_cast %get3A_854 : vector<1x16xf32> to vector<16xf32>
        %add3A_856 = arith.constant 1 : i32
        %add3A_857 = arith.addi %mul3A_74, %add3A_856 : i32
        %get3A_858 = arith.index_cast %add3A_857 : i32 to index
        %get3A_859 = arith.index_cast %mul3A_193 : i32 to index
        %get3A_860 = tpu.vector_load %arg5[%get3A_858, %get3A_859] {strides = array<i32>} : memref<32x256xf32, #tpu.memory_space<vmem>>, vector<1x16xf32>,
        %get3A_861 = vector.shape_cast %get3A_860 : vector<1x16xf32> to vector<16xf32>
        %slice3A_862 = vector.extract_strided_slice %get3A_855 {offsets = [11], sizes = [1], strides = [1]} : vector<16xf32> to vector<1xf32>
        %squeeze3A_863 = vector.extract %slice3A_862[0] : f32 from vector<1xf32>
        %broadcast_in_dim3A_864 = vector.broadcast %squeeze3A_863 : f32 to vector<16xf32>
        %slice3A_865 = vector.extract_strided_slice %get3A_861 {offsets = [11], sizes = [1], strides = [1]} : vector<16xf32> to vector<1xf32>
        %squeeze3A_866 = vector.extract %slice3A_865[0] : f32 from vector<1xf32>
        %broadcast_in_dim3A_867 = vector.broadcast %squeeze3A_866 : f32 to vector<16xf32>
        %add3A_868 = arith.constant 11 : i32
        %add3A_869 = arith.addi %mul3A_193, %add3A_868 : i32
        %get3A_870 = arith.index_cast %add3A_869 : i32 to index
        %get3A_871 = arith.constant 0 : index
        %get3A_872 = tpu.vector_load %arg6[%get3A_870, %get3A_871] {strides = array<i32>} : memref<256x128xf32, #tpu.memory_space<vmem>>, vector<1x16xf32>,
        %get3A_873 = vector.shape_cast %get3A_872 : vector<1x16xf32> to vector<16xf32>
        %min3A_874 = arith.minimumf %get3A_873, %broadcast_in_dim3A_864 : vector<16xf32>
        %add3A_875 = arith.addf %add3A_815, %min3A_874 : vector<16xf32>
        %min3A_876 = arith.minimumf %get3A_873, %broadcast_in_dim3A_867 : vector<16xf32>
        %add3A_877 = arith.addf %add3A_817, %min3A_876 : vector<16xf32>
        %add3A_878 = arith.constant 11 : i32
        %add3A_879 = arith.addi %mul3A_193, %add3A_878 : i32
        %get3A_880 = arith.index_cast %add3A_879 : i32 to index
        %get3A_881 = arith.constant 16 : index
        %get3A_882 = tpu.vector_load %arg6[%get3A_880, %get3A_881] {strides = array<i32>} : memref<256x128xf32, #tpu.memory_space<vmem>>, vector<1x16xf32>,
        %get3A_883 = vector.shape_cast %get3A_882 : vector<1x16xf32> to vector<16xf32>
        %min3A_884 = arith.minimumf %get3A_883, %broadcast_in_dim3A_864 : vector<16xf32>
        %add3A_885 = arith.addf %add3A_825, %min3A_884 : vector<16xf32>
        %min3A_886 = arith.minimumf %get3A_883, %broadcast_in_dim3A_867 : vector<16xf32>
        %add3A_887 = arith.addf %add3A_827, %min3A_886 : vector<16xf32>
        %add3A_888 = arith.constant 11 : i32
        %add3A_889 = arith.addi %mul3A_193, %add3A_888 : i32
        %get3A_890 = arith.index_cast %add3A_889 : i32 to index
        %get3A_891 = arith.constant 32 : index
        %get3A_892 = tpu.vector_load %arg6[%get3A_890, %get3A_891] {strides = array<i32>} : memref<256x128xf32, #tpu.memory_space<vmem>>, vector<1x16xf32>,
        %get3A_893 = vector.shape_cast %get3A_892 : vector<1x16xf32> to vector<16xf32>
        %min3A_894 = arith.minimumf %get3A_893, %broadcast_in_dim3A_864 : vector<16xf32>
        %add3A_895 = arith.addf %add3A_835, %min3A_894 : vector<16xf32>
        %min3A_896 = arith.minimumf %get3A_893, %broadcast_in_dim3A_867 : vector<16xf32>
        %add3A_897 = arith.addf %add3A_837, %min3A_896 : vector<16xf32>
        %add3A_898 = arith.constant 11 : i32
        %add3A_899 = arith.addi %mul3A_193, %add3A_898 : i32
        %get3A_900 = arith.index_cast %add3A_899 : i32 to index
        %get3A_901 = arith.constant 48 : index
        %get3A_902 = tpu.vector_load %arg6[%get3A_900, %get3A_901] {strides = array<i32>} : memref<256x128xf32, #tpu.memory_space<vmem>>, vector<1x16xf32>,
        %get3A_903 = vector.shape_cast %get3A_902 : vector<1x16xf32> to vector<16xf32>
        %min3A_904 = arith.minimumf %get3A_903, %broadcast_in_dim3A_864 : vector<16xf32>
        %add3A_905 = arith.addf %add3A_845, %min3A_904 : vector<16xf32>
        %min3A_906 = arith.minimumf %get3A_903, %broadcast_in_dim3A_867 : vector<16xf32>
        %add3A_907 = arith.addf %add3A_847, %min3A_906 : vector<16xf32>
        %add3A_908 = arith.addf %add3A_848, %broadcast_in_dim3A_864 : vector<16xf32>
        %add3A_909 = arith.addf %add3A_849, %broadcast_in_dim3A_867 : vector<16xf32>
        %add3A_910 = arith.constant 0 : i32
        %add3A_911 = arith.addi %mul3A_74, %add3A_910 : i32
        %get3A_912 = arith.index_cast %add3A_911 : i32 to index
        %get3A_913 = arith.index_cast %mul3A_193 : i32 to index
        %get3A_914 = tpu.vector_load %arg5[%get3A_912, %get3A_913] {strides = array<i32>} : memref<32x256xf32, #tpu.memory_space<vmem>>, vector<1x16xf32>,
        %get3A_915 = vector.shape_cast %get3A_914 : vector<1x16xf32> to vector<16xf32>
        %add3A_916 = arith.constant 1 : i32
        %add3A_917 = arith.addi %mul3A_74, %add3A_916 : i32
        %get3A_918 = arith.index_cast %add3A_917 : i32 to index
        %get3A_919 = arith.index_cast %mul3A_193 : i32 to index
        %get3A_920 = tpu.vector_load %arg5[%get3A_918, %get3A_919] {strides = array<i32>} : memref<32x256xf32, #tpu.memory_space<vmem>>, vector<1x16xf32>,
        %get3A_921 = vector.shape_cast %get3A_920 : vector<1x16xf32> to vector<16xf32>
        %slice3A_922 = vector.extract_strided_slice %get3A_915 {offsets = [12], sizes = [1], strides = [1]} : vector<16xf32> to vector<1xf32>
        %squeeze3A_923 = vector.extract %slice3A_922[0] : f32 from vector<1xf32>
        %broadcast_in_dim3A_924 = vector.broadcast %squeeze3A_923 : f32 to vector<16xf32>
        %slice3A_925 = vector.extract_strided_slice %get3A_921 {offsets = [12], sizes = [1], strides = [1]} : vector<16xf32> to vector<1xf32>
        %squeeze3A_926 = vector.extract %slice3A_925[0] : f32 from vector<1xf32>
        %broadcast_in_dim3A_927 = vector.broadcast %squeeze3A_926 : f32 to vector<16xf32>
        %add3A_928 = arith.constant 12 : i32
        %add3A_929 = arith.addi %mul3A_193, %add3A_928 : i32
        %get3A_930 = arith.index_cast %add3A_929 : i32 to index
        %get3A_931 = arith.constant 0 : index
        %get3A_932 = tpu.vector_load %arg6[%get3A_930, %get3A_931] {strides = array<i32>} : memref<256x128xf32, #tpu.memory_space<vmem>>, vector<1x16xf32>,
        %get3A_933 = vector.shape_cast %get3A_932 : vector<1x16xf32> to vector<16xf32>
        %min3A_934 = arith.minimumf %get3A_933, %broadcast_in_dim3A_924 : vector<16xf32>
        %add3A_935 = arith.addf %add3A_875, %min3A_934 : vector<16xf32>
        %min3A_936 = arith.minimumf %get3A_933, %broadcast_in_dim3A_927 : vector<16xf32>
        %add3A_937 = arith.addf %add3A_877, %min3A_936 : vector<16xf32>
        %add3A_938 = arith.constant 12 : i32
        %add3A_939 = arith.addi %mul3A_193, %add3A_938 : i32
        %get3A_940 = arith.index_cast %add3A_939 : i32 to index
        %get3A_941 = arith.constant 16 : index
        %get3A_942 = tpu.vector_load %arg6[%get3A_940, %get3A_941] {strides = array<i32>} : memref<256x128xf32, #tpu.memory_space<vmem>>, vector<1x16xf32>,
        %get3A_943 = vector.shape_cast %get3A_942 : vector<1x16xf32> to vector<16xf32>
        %min3A_944 = arith.minimumf %get3A_943, %broadcast_in_dim3A_924 : vector<16xf32>
        %add3A_945 = arith.addf %add3A_885, %min3A_944 : vector<16xf32>
        %min3A_946 = arith.minimumf %get3A_943, %broadcast_in_dim3A_927 : vector<16xf32>
        %add3A_947 = arith.addf %add3A_887, %min3A_946 : vector<16xf32>
        %add3A_948 = arith.constant 12 : i32
        %add3A_949 = arith.addi %mul3A_193, %add3A_948 : i32
        %get3A_950 = arith.index_cast %add3A_949 : i32 to index
        %get3A_951 = arith.constant 32 : index
        %get3A_952 = tpu.vector_load %arg6[%get3A_950, %get3A_951] {strides = array<i32>} : memref<256x128xf32, #tpu.memory_space<vmem>>, vector<1x16xf32>,
        %get3A_953 = vector.shape_cast %get3A_952 : vector<1x16xf32> to vector<16xf32>
        %min3A_954 = arith.minimumf %get3A_953, %broadcast_in_dim3A_924 : vector<16xf32>
        %add3A_955 = arith.addf %add3A_895, %min3A_954 : vector<16xf32>
        %min3A_956 = arith.minimumf %get3A_953, %broadcast_in_dim3A_927 : vector<16xf32>
        %add3A_957 = arith.addf %add3A_897, %min3A_956 : vector<16xf32>
        %add3A_958 = arith.constant 12 : i32
        %add3A_959 = arith.addi %mul3A_193, %add3A_958 : i32
        %get3A_960 = arith.index_cast %add3A_959 : i32 to index
        %get3A_961 = arith.constant 48 : index
        %get3A_962 = tpu.vector_load %arg6[%get3A_960, %get3A_961] {strides = array<i32>} : memref<256x128xf32, #tpu.memory_space<vmem>>, vector<1x16xf32>,
        %get3A_963 = vector.shape_cast %get3A_962 : vector<1x16xf32> to vector<16xf32>
        %min3A_964 = arith.minimumf %get3A_963, %broadcast_in_dim3A_924 : vector<16xf32>
        %add3A_965 = arith.addf %add3A_905, %min3A_964 : vector<16xf32>
        %min3A_966 = arith.minimumf %get3A_963, %broadcast_in_dim3A_927 : vector<16xf32>
        %add3A_967 = arith.addf %add3A_907, %min3A_966 : vector<16xf32>
        %add3A_968 = arith.addf %add3A_908, %broadcast_in_dim3A_924 : vector<16xf32>
        %add3A_969 = arith.addf %add3A_909, %broadcast_in_dim3A_927 : vector<16xf32>
        %add3A_970 = arith.constant 0 : i32
        %add3A_971 = arith.addi %mul3A_74, %add3A_970 : i32
        %get3A_972 = arith.index_cast %add3A_971 : i32 to index
        %get3A_973 = arith.index_cast %mul3A_193 : i32 to index
        %get3A_974 = tpu.vector_load %arg5[%get3A_972, %get3A_973] {strides = array<i32>} : memref<32x256xf32, #tpu.memory_space<vmem>>, vector<1x16xf32>,
        %get3A_975 = vector.shape_cast %get3A_974 : vector<1x16xf32> to vector<16xf32>
        %add3A_976 = arith.constant 1 : i32
        %add3A_977 = arith.addi %mul3A_74, %add3A_976 : i32
        %get3A_978 = arith.index_cast %add3A_977 : i32 to index
        %get3A_979 = arith.index_cast %mul3A_193 : i32 to index
        %get3A_980 = tpu.vector_load %arg5[%get3A_978, %get3A_979] {strides = array<i32>} : memref<32x256xf32, #tpu.memory_space<vmem>>, vector<1x16xf32>,
        %get3A_981 = vector.shape_cast %get3A_980 : vector<1x16xf32> to vector<16xf32>
        %slice3A_982 = vector.extract_strided_slice %get3A_975 {offsets = [13], sizes = [1], strides = [1]} : vector<16xf32> to vector<1xf32>
        %squeeze3A_983 = vector.extract %slice3A_982[0] : f32 from vector<1xf32>
        %broadcast_in_dim3A_984 = vector.broadcast %squeeze3A_983 : f32 to vector<16xf32>
        %slice3A_985 = vector.extract_strided_slice %get3A_981 {offsets = [13], sizes = [1], strides = [1]} : vector<16xf32> to vector<1xf32>
        %squeeze3A_986 = vector.extract %slice3A_985[0] : f32 from vector<1xf32>
        %broadcast_in_dim3A_987 = vector.broadcast %squeeze3A_986 : f32 to vector<16xf32>
        %add3A_988 = arith.constant 13 : i32
        %add3A_989 = arith.addi %mul3A_193, %add3A_988 : i32
        %get3A_990 = arith.index_cast %add3A_989 : i32 to index
        %get3A_991 = arith.constant 0 : index
        %get3A_992 = tpu.vector_load %arg6[%get3A_990, %get3A_991] {strides = array<i32>} : memref<256x128xf32, #tpu.memory_space<vmem>>, vector<1x16xf32>,
        %get3A_993 = vector.shape_cast %get3A_992 : vector<1x16xf32> to vector<16xf32>
        %min3A_994 = arith.minimumf %get3A_993, %broadcast_in_dim3A_984 : vector<16xf32>
        %add3A_995 = arith.addf %add3A_935, %min3A_994 : vector<16xf32>
        %min3A_996 = arith.minimumf %get3A_993, %broadcast_in_dim3A_987 : vector<16xf32>
        %add3A_997 = arith.addf %add3A_937, %min3A_996 : vector<16xf32>
        %add3A_998 = arith.constant 13 : i32
        %add3A_999 = arith.addi %mul3A_193, %add3A_998 : i32
        %get3A_1000 = arith.index_cast %add3A_999 : i32 to index
        %get3A_1001 = arith.constant 16 : index
        %get3A_1002 = tpu.vector_load %arg6[%get3A_1000, %get3A_1001] {strides = array<i32>} : memref<256x128xf32, #tpu.memory_space<vmem>>, vector<1x16xf32>,
        %get3A_1003 = vector.shape_cast %get3A_1002 : vector<1x16xf32> to vector<16xf32>
        %min3A_1004 = arith.minimumf %get3A_1003, %broadcast_in_dim3A_984 : vector<16xf32>
        %add3A_1005 = arith.addf %add3A_945, %min3A_1004 : vector<16xf32>
        %min3A_1006 = arith.minimumf %get3A_1003, %broadcast_in_dim3A_987 : vector<16xf32>
        %add3A_1007 = arith.addf %add3A_947, %min3A_1006 : vector<16xf32>
        %add3A_1008 = arith.constant 13 : i32
        %add3A_1009 = arith.addi %mul3A_193, %add3A_1008 : i32
        %get3A_1010 = arith.index_cast %add3A_1009 : i32 to index
        %get3A_1011 = arith.constant 32 : index
        %get3A_1012 = tpu.vector_load %arg6[%get3A_1010, %get3A_1011] {strides = array<i32>} : memref<256x128xf32, #tpu.memory_space<vmem>>, vector<1x16xf32>,
        %get3A_1013 = vector.shape_cast %get3A_1012 : vector<1x16xf32> to vector<16xf32>
        %min3A_1014 = arith.minimumf %get3A_1013, %broadcast_in_dim3A_984 : vector<16xf32>
        %add3A_1015 = arith.addf %add3A_955, %min3A_1014 : vector<16xf32>
        %min3A_1016 = arith.minimumf %get3A_1013, %broadcast_in_dim3A_987 : vector<16xf32>
        %add3A_1017 = arith.addf %add3A_957, %min3A_1016 : vector<16xf32>
        %add3A_1018 = arith.constant 13 : i32
        %add3A_1019 = arith.addi %mul3A_193, %add3A_1018 : i32
        %get3A_1020 = arith.index_cast %add3A_1019 : i32 to index
        %get3A_1021 = arith.constant 48 : index
        %get3A_1022 = tpu.vector_load %arg6[%get3A_1020, %get3A_1021] {strides = array<i32>} : memref<256x128xf32, #tpu.memory_space<vmem>>, vector<1x16xf32>,
        %get3A_1023 = vector.shape_cast %get3A_1022 : vector<1x16xf32> to vector<16xf32>
        %min3A_1024 = arith.minimumf %get3A_1023, %broadcast_in_dim3A_984 : vector<16xf32>
        %add3A_1025 = arith.addf %add3A_965, %min3A_1024 : vector<16xf32>
        %min3A_1026 = arith.minimumf %get3A_1023, %broadcast_in_dim3A_987 : vector<16xf32>
        %add3A_1027 = arith.addf %add3A_967, %min3A_1026 : vector<16xf32>
        %add3A_1028 = arith.addf %add3A_968, %broadcast_in_dim3A_984 : vector<16xf32>
        %add3A_1029 = arith.addf %add3A_969, %broadcast_in_dim3A_987 : vector<16xf32>
        %add3A_1030 = arith.constant 0 : i32
        %add3A_1031 = arith.addi %mul3A_74, %add3A_1030 : i32
        %get3A_1032 = arith.index_cast %add3A_1031 : i32 to index
        %get3A_1033 = arith.index_cast %mul3A_193 : i32 to index
        %get3A_1034 = tpu.vector_load %arg5[%get3A_1032, %get3A_1033] {strides = array<i32>} : memref<32x256xf32, #tpu.memory_space<vmem>>, vector<1x16xf32>,
        %get3A_1035 = vector.shape_cast %get3A_1034 : vector<1x16xf32> to vector<16xf32>
        %add3A_1036 = arith.constant 1 : i32
        %add3A_1037 = arith.addi %mul3A_74, %add3A_1036 : i32
        %get3A_1038 = arith.index_cast %add3A_1037 : i32 to index
        %get3A_1039 = arith.index_cast %mul3A_193 : i32 to index
        %get3A_1040 = tpu.vector_load %arg5[%get3A_1038, %get3A_1039] {strides = array<i32>} : memref<32x256xf32, #tpu.memory_space<vmem>>, vector<1x16xf32>,
        %get3A_1041 = vector.shape_cast %get3A_1040 : vector<1x16xf32> to vector<16xf32>
        %slice3A_1042 = vector.extract_strided_slice %get3A_1035 {offsets = [14], sizes = [1], strides = [1]} : vector<16xf32> to vector<1xf32>
        %squeeze3A_1043 = vector.extract %slice3A_1042[0] : f32 from vector<1xf32>
        %broadcast_in_dim3A_1044 = vector.broadcast %squeeze3A_1043 : f32 to vector<16xf32>
        %slice3A_1045 = vector.extract_strided_slice %get3A_1041 {offsets = [14], sizes = [1], strides = [1]} : vector<16xf32> to vector<1xf32>
        %squeeze3A_1046 = vector.extract %slice3A_1045[0] : f32 from vector<1xf32>
        %broadcast_in_dim3A_1047 = vector.broadcast %squeeze3A_1046 : f32 to vector<16xf32>
        %add3A_1048 = arith.constant 14 : i32
        %add3A_1049 = arith.addi %mul3A_193, %add3A_1048 : i32
        %get3A_1050 = arith.index_cast %add3A_1049 : i32 to index
        %get3A_1051 = arith.constant 0 : index
        %get3A_1052 = tpu.vector_load %arg6[%get3A_1050, %get3A_1051] {strides = array<i32>} : memref<256x128xf32, #tpu.memory_space<vmem>>, vector<1x16xf32>,
        %get3A_1053 = vector.shape_cast %get3A_1052 : vector<1x16xf32> to vector<16xf32>
        %min3A_1054 = arith.minimumf %get3A_1053, %broadcast_in_dim3A_1044 : vector<16xf32>
        %add3A_1055 = arith.addf %add3A_995, %min3A_1054 : vector<16xf32>
        %min3A_1056 = arith.minimumf %get3A_1053, %broadcast_in_dim3A_1047 : vector<16xf32>
        %add3A_1057 = arith.addf %add3A_997, %min3A_1056 : vector<16xf32>
        %add3A_1058 = arith.constant 14 : i32
        %add3A_1059 = arith.addi %mul3A_193, %add3A_1058 : i32
        %get3A_1060 = arith.index_cast %add3A_1059 : i32 to index
        %get3A_1061 = arith.constant 16 : index
        %get3A_1062 = tpu.vector_load %arg6[%get3A_1060, %get3A_1061] {strides = array<i32>} : memref<256x128xf32, #tpu.memory_space<vmem>>, vector<1x16xf32>,
        %get3A_1063 = vector.shape_cast %get3A_1062 : vector<1x16xf32> to vector<16xf32>
        %min3A_1064 = arith.minimumf %get3A_1063, %broadcast_in_dim3A_1044 : vector<16xf32>
        %add3A_1065 = arith.addf %add3A_1005, %min3A_1064 : vector<16xf32>
        %min3A_1066 = arith.minimumf %get3A_1063, %broadcast_in_dim3A_1047 : vector<16xf32>
        %add3A_1067 = arith.addf %add3A_1007, %min3A_1066 : vector<16xf32>
        %add3A_1068 = arith.constant 14 : i32
        %add3A_1069 = arith.addi %mul3A_193, %add3A_1068 : i32
        %get3A_1070 = arith.index_cast %add3A_1069 : i32 to index
        %get3A_1071 = arith.constant 32 : index
        %get3A_1072 = tpu.vector_load %arg6[%get3A_1070, %get3A_1071] {strides = array<i32>} : memref<256x128xf32, #tpu.memory_space<vmem>>, vector<1x16xf32>,
        %get3A_1073 = vector.shape_cast %get3A_1072 : vector<1x16xf32> to vector<16xf32>
        %min3A_1074 = arith.minimumf %get3A_1073, %broadcast_in_dim3A_1044 : vector<16xf32>
        %add3A_1075 = arith.addf %add3A_1015, %min3A_1074 : vector<16xf32>
        %min3A_1076 = arith.minimumf %get3A_1073, %broadcast_in_dim3A_1047 : vector<16xf32>
        %add3A_1077 = arith.addf %add3A_1017, %min3A_1076 : vector<16xf32>
        %add3A_1078 = arith.constant 14 : i32
        %add3A_1079 = arith.addi %mul3A_193, %add3A_1078 : i32
        %get3A_1080 = arith.index_cast %add3A_1079 : i32 to index
        %get3A_1081 = arith.constant 48 : index
        %get3A_1082 = tpu.vector_load %arg6[%get3A_1080, %get3A_1081] {strides = array<i32>} : memref<256x128xf32, #tpu.memory_space<vmem>>, vector<1x16xf32>,
        %get3A_1083 = vector.shape_cast %get3A_1082 : vector<1x16xf32> to vector<16xf32>
        %min3A_1084 = arith.minimumf %get3A_1083, %broadcast_in_dim3A_1044 : vector<16xf32>
        %add3A_1085 = arith.addf %add3A_1025, %min3A_1084 : vector<16xf32>
        %min3A_1086 = arith.minimumf %get3A_1083, %broadcast_in_dim3A_1047 : vector<16xf32>
        %add3A_1087 = arith.addf %add3A_1027, %min3A_1086 : vector<16xf32>
        %add3A_1088 = arith.addf %add3A_1028, %broadcast_in_dim3A_1044 : vector<16xf32>
        %add3A_1089 = arith.addf %add3A_1029, %broadcast_in_dim3A_1047 : vector<16xf32>
        %add3A_1090 = arith.constant 0 : i32
        %add3A_1091 = arith.addi %mul3A_74, %add3A_1090 : i32
        %get3A_1092 = arith.index_cast %add3A_1091 : i32 to index
        %get3A_1093 = arith.index_cast %mul3A_193 : i32 to index
        %get3A_1094 = tpu.vector_load %arg5[%get3A_1092, %get3A_1093] {strides = array<i32>} : memref<32x256xf32, #tpu.memory_space<vmem>>, vector<1x16xf32>,
        %get3A_1095 = vector.shape_cast %get3A_1094 : vector<1x16xf32> to vector<16xf32>
        %add3A_1096 = arith.constant 1 : i32
        %add3A_1097 = arith.addi %mul3A_74, %add3A_1096 : i32
        %get3A_1098 = arith.index_cast %add3A_1097 : i32 to index
        %get3A_1099 = arith.index_cast %mul3A_193 : i32 to index
        %get3A_1100 = tpu.vector_load %arg5[%get3A_1098, %get3A_1099] {strides = array<i32>} : memref<32x256xf32, #tpu.memory_space<vmem>>, vector<1x16xf32>,
        %get3A_1101 = vector.shape_cast %get3A_1100 : vector<1x16xf32> to vector<16xf32>
        %slice3A_1102 = vector.extract_strided_slice %get3A_1095 {offsets = [15], sizes = [1], strides = [1]} : vector<16xf32> to vector<1xf32>
        %squeeze3A_1103 = vector.extract %slice3A_1102[0] : f32 from vector<1xf32>
        %broadcast_in_dim3A_1104 = vector.broadcast %squeeze3A_1103 : f32 to vector<16xf32>
        %slice3A_1105 = vector.extract_strided_slice %get3A_1101 {offsets = [15], sizes = [1], strides = [1]} : vector<16xf32> to vector<1xf32>
        %squeeze3A_1106 = vector.extract %slice3A_1105[0] : f32 from vector<1xf32>
        %broadcast_in_dim3A_1107 = vector.broadcast %squeeze3A_1106 : f32 to vector<16xf32>
        %add3A_1108 = arith.constant 15 : i32
        %add3A_1109 = arith.addi %mul3A_193, %add3A_1108 : i32
        %get3A_1110 = arith.index_cast %add3A_1109 : i32 to index
        %get3A_1111 = arith.constant 0 : index
        %get3A_1112 = tpu.vector_load %arg6[%get3A_1110, %get3A_1111] {strides = array<i32>} : memref<256x128xf32, #tpu.memory_space<vmem>>, vector<1x16xf32>,
        %get3A_1113 = vector.shape_cast %get3A_1112 : vector<1x16xf32> to vector<16xf32>
        %min3A_1114 = arith.minimumf %get3A_1113, %broadcast_in_dim3A_1104 : vector<16xf32>
        %add3A_1115 = arith.addf %add3A_1055, %min3A_1114 : vector<16xf32>
        %min3A_1116 = arith.minimumf %get3A_1113, %broadcast_in_dim3A_1107 : vector<16xf32>
        %add3A_1117 = arith.addf %add3A_1057, %min3A_1116 : vector<16xf32>
        %add3A_1118 = arith.constant 15 : i32
        %add3A_1119 = arith.addi %mul3A_193, %add3A_1118 : i32
        %get3A_1120 = arith.index_cast %add3A_1119 : i32 to index
        %get3A_1121 = arith.constant 16 : index
        %get3A_1122 = tpu.vector_load %arg6[%get3A_1120, %get3A_1121] {strides = array<i32>} : memref<256x128xf32, #tpu.memory_space<vmem>>, vector<1x16xf32>,
        %get3A_1123 = vector.shape_cast %get3A_1122 : vector<1x16xf32> to vector<16xf32>
        %min3A_1124 = arith.minimumf %get3A_1123, %broadcast_in_dim3A_1104 : vector<16xf32>
        %add3A_1125 = arith.addf %add3A_1065, %min3A_1124 : vector<16xf32>
        %min3A_1126 = arith.minimumf %get3A_1123, %broadcast_in_dim3A_1107 : vector<16xf32>
        %add3A_1127 = arith.addf %add3A_1067, %min3A_1126 : vector<16xf32>
        %add3A_1128 = arith.constant 15 : i32
        %add3A_1129 = arith.addi %mul3A_193, %add3A_1128 : i32
        %get3A_1130 = arith.index_cast %add3A_1129 : i32 to index
        %get3A_1131 = arith.constant 32 : index
        %get3A_1132 = tpu.vector_load %arg6[%get3A_1130, %get3A_1131] {strides = array<i32>} : memref<256x128xf32, #tpu.memory_space<vmem>>, vector<1x16xf32>,
        %get3A_1133 = vector.shape_cast %get3A_1132 : vector<1x16xf32> to vector<16xf32>
        %min3A_1134 = arith.minimumf %get3A_1133, %broadcast_in_dim3A_1104 : vector<16xf32>
        %add3A_1135 = arith.addf %add3A_1075, %min3A_1134 : vector<16xf32>
        %min3A_1136 = arith.minimumf %get3A_1133, %broadcast_in_dim3A_1107 : vector<16xf32>
        %add3A_1137 = arith.addf %add3A_1077, %min3A_1136 : vector<16xf32>
        %add3A_1138 = arith.constant 15 : i32
        %add3A_1139 = arith.addi %mul3A_193, %add3A_1138 : i32
        %get3A_1140 = arith.index_cast %add3A_1139 : i32 to index
        %get3A_1141 = arith.constant 48 : index
        %get3A_1142 = tpu.vector_load %arg6[%get3A_1140, %get3A_1141] {strides = array<i32>} : memref<256x128xf32, #tpu.memory_space<vmem>>, vector<1x16xf32>,
        %get3A_1143 = vector.shape_cast %get3A_1142 : vector<1x16xf32> to vector<16xf32>
        %min3A_1144 = arith.minimumf %get3A_1143, %broadcast_in_dim3A_1104 : vector<16xf32>
        %add3A_1145 = arith.addf %add3A_1085, %min3A_1144 : vector<16xf32>
        %min3A_1146 = arith.minimumf %get3A_1143, %broadcast_in_dim3A_1107 : vector<16xf32>
        %add3A_1147 = arith.addf %add3A_1087, %min3A_1146 : vector<16xf32>
        %add3A_1148 = arith.addf %add3A_1088, %broadcast_in_dim3A_1104 : vector<16xf32>
        %add3A_1149 = arith.addf %add3A_1089, %broadcast_in_dim3A_1107 : vector<16xf32>
        scf.yield %add3A_1115, %add3A_1125, %add3A_1135, %add3A_1145, %add3A_1117, %add3A_1127, %add3A_1137, %add3A_1147, %add3A_1148, %add3A_1149 : vector<16xf32>, vector<16xf32>, vector<16xf32>, vector<16xf32>, vector<16xf32>, vector<16xf32>, vector<16xf32>, vector<16xf32>, vector<16xf32>, vector<16xf32>
      }
      %scan3A_100 = arith.constant 16 : i32
      %add3A_101 = arith.addf %scan3A_99#8, %scan3A_51#0 : vector<16xf32>
      %sub3A_102 = arith.subf %add3A_101, %scan3A_99#0 : vector<16xf32>
      %div3A_103 = arith.divf %scan3A_99#0, %sub3A_102 : vector<16xf32>
      %add3A_104 = arith.constant 0 : i32
      %add3A_105 = arith.addi %mul3A_74, %add3A_104 : i32
      %swap3A = arith.index_cast %add3A_105 : i32 to index
      %swap3A_106 = arith.constant 0 : index
      %swap3A_107 = tpu.vector_load %arg7[%swap3A, %swap3A_106] {strides = array<i32>} : memref<32x128xf32, #tpu.memory_space<vmem>>, vector<1x16xf32>,
      %swap3A_108 = vector.shape_cast %swap3A_107 : vector<1x16xf32> to vector<16xf32>
      %swap3A_109 = vector.shape_cast %div3A_103 : vector<16xf32> to vector<1x16xf32>
      tpu.vector_store %arg7[%swap3A, %swap3A_106], %swap3A_109 {strides = array<i32>} : memref<32x128xf32, #tpu.memory_space<vmem>>, vector<1x16xf32>,
      %add3A_110 = arith.addf %scan3A_99#8, %scan3A_51#1 : vector<16xf32>
      %sub3A_111 = arith.subf %add3A_110, %scan3A_99#1 : vector<16xf32>
      %div3A_112 = arith.divf %scan3A_99#1, %sub3A_111 : vector<16xf32>
      %add3A_113 = arith.constant 0 : i32
      %add3A_114 = arith.addi %mul3A_74, %add3A_113 : i32
      %swap3A_115 = arith.index_cast %add3A_114 : i32 to index
      %swap3A_116 = arith.constant 16 : index
      %swap3A_117 = tpu.vector_load %arg7[%swap3A_115, %swap3A_116] {strides = array<i32>} : memref<32x128xf32, #tpu.memory_space<vmem>>, vector<1x16xf32>,
      %swap3A_118 = vector.shape_cast %swap3A_117 : vector<1x16xf32> to vector<16xf32>
      %swap3A_119 = vector.shape_cast %div3A_112 : vector<16xf32> to vector<1x16xf32>
      tpu.vector_store %arg7[%swap3A_115, %swap3A_116], %swap3A_119 {strides = array<i32>} : memref<32x128xf32, #tpu.memory_space<vmem>>, vector<1x16xf32>,
      %add3A_120 = arith.addf %scan3A_99#8, %scan3A_51#2 : vector<16xf32>
      %sub3A_121 = arith.subf %add3A_120, %scan3A_99#2 : vector<16xf32>
      %div3A_122 = arith.divf %scan3A_99#2, %sub3A_121 : vector<16xf32>
      %add3A_123 = arith.constant 0 : i32
      %add3A_124 = arith.addi %mul3A_74, %add3A_123 : i32
      %swap3A_125 = arith.index_cast %add3A_124 : i32 to index
      %swap3A_126 = arith.constant 32 : index
      %swap3A_127 = tpu.vector_load %arg7[%swap3A_125, %swap3A_126] {strides = array<i32>} : memref<32x128xf32, #tpu.memory_space<vmem>>, vector<1x16xf32>,
      %swap3A_128 = vector.shape_cast %swap3A_127 : vector<1x16xf32> to vector<16xf32>
      %swap3A_129 = vector.shape_cast %div3A_122 : vector<16xf32> to vector<1x16xf32>
      tpu.vector_store %arg7[%swap3A_125, %swap3A_126], %swap3A_129 {strides = array<i32>} : memref<32x128xf32, #tpu.memory_space<vmem>>, vector<1x16xf32>,
      %add3A_130 = arith.addf %scan3A_99#8, %scan3A_51#3 : vector<16xf32>
      %sub3A_131 = arith.subf %add3A_130, %scan3A_99#3 : vector<16xf32>
      %div3A_132 = arith.divf %scan3A_99#3, %sub3A_131 : vector<16xf32>
      %add3A_133 = arith.constant 0 : i32
      %add3A_134 = arith.addi %mul3A_74, %add3A_133 : i32
      %swap3A_135 = arith.index_cast %add3A_134 : i32 to index
      %swap3A_136 = arith.constant 48 : index
      %swap3A_137 = tpu.vector_load %arg7[%swap3A_135, %swap3A_136] {strides = array<i32>} : memref<32x128xf32, #tpu.memory_space<vmem>>, vector<1x16xf32>,
      %swap3A_138 = vector.shape_cast %swap3A_137 : vector<1x16xf32> to vector<16xf32>
      %swap3A_139 = vector.shape_cast %div3A_132 : vector<16xf32> to vector<1x16xf32>
      tpu.vector_store %arg7[%swap3A_135, %swap3A_136], %swap3A_139 {strides = array<i32>} : memref<32x128xf32, #tpu.memory_space<vmem>>, vector<1x16xf32>,
      %add3A_140 = arith.addf %scan3A_99#9, %scan3A_51#0 : vector<16xf32>
      %sub3A_141 = arith.subf %add3A_140, %scan3A_99#4 : vector<16xf32>
      %div3A_142 = arith.divf %scan3A_99#4, %sub3A_141 : vector<16xf32>
      %add3A_143 = arith.constant 1 : i32
      %add3A_144 = arith.addi %mul3A_74, %add3A_143 : i32
      %swap3A_145 = arith.index_cast %add3A_144 : i32 to index
      %swap3A_146 = arith.constant 0 : index
      %swap3A_147 = tpu.vector_load %arg7[%swap3A_145, %swap3A_146] {strides = array<i32>} : memref<32x128xf32, #tpu.memory_space<vmem>>, vector<1x16xf32>,
      %swap3A_148 = vector.shape_cast %swap3A_147 : vector<1x16xf32> to vector<16xf32>
      %swap3A_149 = vector.shape_cast %div3A_142 : vector<16xf32> to vector<1x16xf32>
      tpu.vector_store %arg7[%swap3A_145, %swap3A_146], %swap3A_149 {strides = array<i32>} : memref<32x128xf32, #tpu.memory_space<vmem>>, vector<1x16xf32>,
      %add3A_150 = arith.addf %scan3A_99#9, %scan3A_51#1 : vector<16xf32>
      %sub3A_151 = arith.subf %add3A_150, %scan3A_99#5 : vector<16xf32>
      %div3A_152 = arith.divf %scan3A_99#5, %sub3A_151 : vector<16xf32>
      %add3A_153 = arith.constant 1 : i32
      %add3A_154 = arith.addi %mul3A_74, %add3A_153 : i32
      %swap3A_155 = arith.index_cast %add3A_154 : i32 to index
      %swap3A_156 = arith.constant 16 : index
      %swap3A_157 = tpu.vector_load %arg7[%swap3A_155, %swap3A_156] {strides = array<i32>} : memref<32x128xf32, #tpu.memory_space<vmem>>, vector<1x16xf32>,
      %swap3A_158 = vector.shape_cast %swap3A_157 : vector<1x16xf32> to vector<16xf32>
      %swap3A_159 = vector.shape_cast %div3A_152 : vector<16xf32> to vector<1x16xf32>
      tpu.vector_store %arg7[%swap3A_155, %swap3A_156], %swap3A_159 {strides = array<i32>} : memref<32x128xf32, #tpu.memory_space<vmem>>, vector<1x16xf32>,
      %add3A_160 = arith.addf %scan3A_99#9, %scan3A_51#2 : vector<16xf32>
      %sub3A_161 = arith.subf %add3A_160, %scan3A_99#6 : vector<16xf32>
      %div3A_162 = arith.divf %scan3A_99#6, %sub3A_161 : vector<16xf32>
      %add3A_163 = arith.constant 1 : i32
      %add3A_164 = arith.addi %mul3A_74, %add3A_163 : i32
      %swap3A_165 = arith.index_cast %add3A_164 : i32 to index
      %swap3A_166 = arith.constant 32 : index
      %swap3A_167 = tpu.vector_load %arg7[%swap3A_165, %swap3A_166] {strides = array<i32>} : memref<32x128xf32, #tpu.memory_space<vmem>>, vector<1x16xf32>,
      %swap3A_168 = vector.shape_cast %swap3A_167 : vector<1x16xf32> to vector<16xf32>
      %swap3A_169 = vector.shape_cast %div3A_162 : vector<16xf32> to vector<1x16xf32>
      tpu.vector_store %arg7[%swap3A_165, %swap3A_166], %swap3A_169 {strides = array<i32>} : memref<32x128xf32, #tpu.memory_space<vmem>>, vector<1x16xf32>,
      %add3A_170 = arith.addf %scan3A_99#9, %scan3A_51#3 : vector<16xf32>
      %sub3A_171 = arith.subf %add3A_170, %scan3A_99#7 : vector<16xf32>
      %div3A_172 = arith.divf %scan3A_99#7, %sub3A_171 : vector<16xf32>
      %add3A_173 = arith.constant 1 : i32
      %add3A_174 = arith.addi %mul3A_74, %add3A_173 : i32
      %swap3A_175 = arith.index_cast %add3A_174 : i32 to index
      %swap3A_176 = arith.constant 48 : index
      %swap3A_177 = tpu.vector_load %arg7[%swap3A_175, %swap3A_176] {strides = array<i32>} : memref<32x128xf32, #tpu.memory_space<vmem>>, vector<1x16xf32>,
      %swap3A_178 = vector.shape_cast %swap3A_177 : vector<1x16xf32> to vector<16xf32>
      %swap3A_179 = vector.shape_cast %div3A_172 : vector<16xf32> to vector<1x16xf32>
      tpu.vector_store %arg7[%swap3A_175, %swap3A_176], %swap3A_179 {strides = array<i32>} : memref<32x128xf32, #tpu.memory_space<vmem>>, vector<1x16xf32>,
      %scan3A_180 = arith.constant 0 : i32
      scf.yield %scan3A_180 : i32
    }
    %scan3A_59 = arith.constant 16 : i32
    %scan3A_60 = arith.constant 0 : i32
    %scan3A_61 = arith.constant 0 : i32
    %scan3A_62 = arith.constant 16 : i32
    %scan3A_63 = arith.addi %scan3A_61, %scan3A_62 : i32
    %scan3A_64 = arith.constant 1 : i32
    %scan3A_65 = scf.for %scan3A_71 = %scan3A_61 to %scan3A_63 step %scan3A_64 iter_args(%scan3A_72 = %scan3A_60) -> (i32)  : i32 {
      %mul3A_73 = arith.constant 2 : i32
      %mul3A_74 = arith.muli %scan3A_71, %mul3A_73 : i32
      %broadcast_in_dim3A_75 = arith.constant 0.000000e+00 : f32
      %broadcast_in_dim3A_76 = vector.broadcast %broadcast_in_dim3A_75 : f32 to vector<16xf32>
      %broadcast_in_dim3A_77 = arith.constant 0.000000e+00 : f32
      %broadcast_in_dim3A_78 = vector.broadcast %broadcast_in_dim3A_77 : f32 to vector<16xf32>
      %broadcast_in_dim3A_79 = arith.constant 0.000000e+00 : f32
      %broadcast_in_dim3A_80 = vector.broadcast %broadcast_in_dim3A_79 : f32 to vector<16xf32>
      %broadcast_in_dim3A_81 = arith.constant 0.000000e+00 : f32
      %broadcast_in_dim3A_82 = vector.broadcast %broadcast_in_dim3A_81 : f32 to vector<16xf32>
      %broadcast_in_dim3A_83 = arith.constant 0.000000e+00 : f32
      %broadcast_in_dim3A_84 = vector.broadcast %broadcast_in_dim3A_83 : f32 to vector<16xf32>
      %broadcast_in_dim3A_85 = arith.constant 0.000000e+00 : f32
      %broadcast_in_dim3A_86 = vector.broadcast %broadcast_in_dim3A_85 : f32 to vector<16xf32>
      %broadcast_in_dim3A_87 = arith.constant 0.000000e+00 : f32
      %broadcast_in_dim3A_88 = vector.broadcast %broadcast_in_dim3A_87 : f32 to vector<16xf32>
      %broadcast_in_dim3A_89 = arith.constant 0.000000e+00 : f32
      %broadcast_in_dim3A_90 = vector.broadcast %broadcast_in_dim3A_89 : f32 to vector<16xf32>
      %broadcast_in_dim3A_91 = arith.constant 0.000000e+00 : f32
      %broadcast_in_dim3A_92 = vector.broadcast %broadcast_in_dim3A_91 : f32 to vector<16xf32>
      %broadcast_in_dim3A_93 = arith.constant 0.000000e+00 : f32
      %broadcast_in_dim3A_94 = vector.broadcast %broadcast_in_dim3A_93 : f32 to vector<16xf32>
      %scan3A_95 = arith.constant 0 : i32
      %scan3A_96 = arith.constant 16 : i32
      %scan3A_97 = arith.addi %scan3A_95, %scan3A_96 : i32
      %scan3A_98 = arith.constant 1 : i32
      %scan3A_99:10 = scf.for %scan3A_181 = %scan3A_95 to %scan3A_97 step %scan3A_98 iter_args(%scan3A_182 = %broadcast_in_dim3A_76, %scan3A_183 = %broadcast_in_dim3A_78, %scan3A_184 = %broadcast_in_dim3A_80, %scan3A_185 = %broadcast_in_dim3A_82, %scan3A_186 = %broadcast_in_dim3A_84, %scan3A_187 = %broadcast_in_dim3A_86, %scan3A_188 = %broadcast_in_dim3A_88, %scan3A_189 = %broadcast_in_dim3A_90, %scan3A_190 = %broadcast_in_dim3A_92, %scan3A_191 = %broadcast_in_dim3A_94) -> (vector<16xf32>, vector<16xf32>, vector<16xf32>, vector<16xf32>, vector<16xf32>, vector<16xf32>, vector<16xf32>, vector<16xf32>, vector<16xf32>, vector<16xf32>)  : i32 {
        %mul3A_192 = arith.constant 16 : i32
        %mul3A_193 = arith.muli %scan3A_181, %mul3A_192 : i32
        %add3A_194 = arith.constant 0 : i32
        %add3A_195 = arith.addi %mul3A_74, %add3A_194 : i32
        %get3A = arith.index_cast %add3A_195 : i32 to index
        %get3A_196 = arith.index_cast %mul3A_193 : i32 to index
        %get3A_197 = tpu.vector_load %arg5[%get3A, %get3A_196] {strides = array<i32>} : memref<32x256xf32, #tpu.memory_space<vmem>>, vector<1x16xf32>,
        %get3A_198 = vector.shape_cast %get3A_197 : vector<1x16xf32> to vector<16xf32>
        %add3A_199 = arith.constant 1 : i32
        %add3A_200 = arith.addi %mul3A_74, %add3A_199 : i32
        %get3A_201 = arith.index_cast %add3A_200 : i32 to index
        %get3A_202 = arith.index_cast %mul3A_193 : i32 to index
        %get3A_203 = tpu.vector_load %arg5[%get3A_201, %get3A_202] {strides = array<i32>} : memref<32x256xf32, #tpu.memory_space<vmem>>, vector<1x16xf32>,
        %get3A_204 = vector.shape_cast %get3A_203 : vector<1x16xf32> to vector<16xf32>
        %slice3A = vector.extract_strided_slice %get3A_198 {offsets = [0], sizes = [1], strides = [1]} : vector<16xf32> to vector<1xf32>
        %squeeze3A = vector.extract %slice3A[0] : f32 from vector<1xf32>
        %broadcast_in_dim3A_205 = vector.broadcast %squeeze3A : f32 to vector<16xf32>
        %slice3A_206 = vector.extract_strided_slice %get3A_204 {offsets = [0], sizes = [1], strides = [1]} : vector<16xf32> to vector<1xf32>
        %squeeze3A_207 = vector.extract %slice3A_206[0] : f32 from vector<1xf32>
        %broadcast_in_dim3A_208 = vector.broadcast %squeeze3A_207 : f32 to vector<16xf32>
        %add3A_209 = arith.constant 0 : i32
        %add3A_210 = arith.addi %mul3A_193, %add3A_209 : i32
        %get3A_211 = arith.index_cast %add3A_210 : i32 to index
        %get3A_212 = arith.constant 64 : index
        %get3A_213 = tpu.vector_load %arg6[%get3A_211, %get3A_212] {strides = array<i32>} : memref<256x128xf32, #tpu.memory_space<vmem>>, vector<1x16xf32>,
        %get3A_214 = vector.shape_cast %get3A_213 : vector<1x16xf32> to vector<16xf32>
        %min3A = arith.minimumf %get3A_214, %broadcast_in_dim3A_205 : vector<16xf32>
        %add3A_215 = arith.addf %scan3A_182, %min3A : vector<16xf32>
        %min3A_216 = arith.minimumf %get3A_214, %broadcast_in_dim3A_208 : vector<16xf32>
        %add3A_217 = arith.addf %scan3A_186, %min3A_216 : vector<16xf32>
        %add3A_218 = arith.constant 0 : i32
        %add3A_219 = arith.addi %mul3A_193, %add3A_218 : i32
        %get3A_220 = arith.index_cast %add3A_219 : i32 to index
        %get3A_221 = arith.constant 80 : index
        %get3A_222 = tpu.vector_load %arg6[%get3A_220, %get3A_221] {strides = array<i32>} : memref<256x128xf32, #tpu.memory_space<vmem>>, vector<1x16xf32>,
        %get3A_223 = vector.shape_cast %get3A_222 : vector<1x16xf32> to vector<16xf32>
        %min3A_224 = arith.minimumf %get3A_223, %broadcast_in_dim3A_205 : vector<16xf32>
        %add3A_225 = arith.addf %scan3A_183, %min3A_224 : vector<16xf32>
        %min3A_226 = arith.minimumf %get3A_223, %broadcast_in_dim3A_208 : vector<16xf32>
        %add3A_227 = arith.addf %scan3A_187, %min3A_226 : vector<16xf32>
        %add3A_228 = arith.constant 0 : i32
        %add3A_229 = arith.addi %mul3A_193, %add3A_228 : i32
        %get3A_230 = arith.index_cast %add3A_229 : i32 to index
        %get3A_231 = arith.constant 96 : index
        %get3A_232 = tpu.vector_load %arg6[%get3A_230, %get3A_231] {strides = array<i32>} : memref<256x128xf32, #tpu.memory_space<vmem>>, vector<1x16xf32>,
        %get3A_233 = vector.shape_cast %get3A_232 : vector<1x16xf32> to vector<16xf32>
        %min3A_234 = arith.minimumf %get3A_233, %broadcast_in_dim3A_205 : vector<16xf32>
        %add3A_235 = arith.addf %scan3A_184, %min3A_234 : vector<16xf32>
        %min3A_236 = arith.minimumf %get3A_233, %broadcast_in_dim3A_208 : vector<16xf32>
        %add3A_237 = arith.addf %scan3A_188, %min3A_236 : vector<16xf32>
        %add3A_238 = arith.constant 0 : i32
        %add3A_239 = arith.addi %mul3A_193, %add3A_238 : i32
        %get3A_240 = arith.index_cast %add3A_239 : i32 to index
        %get3A_241 = arith.constant 112 : index
        %get3A_242 = tpu.vector_load %arg6[%get3A_240, %get3A_241] {strides = array<i32>} : memref<256x128xf32, #tpu.memory_space<vmem>>, vector<1x16xf32>,
        %get3A_243 = vector.shape_cast %get3A_242 : vector<1x16xf32> to vector<16xf32>
        %min3A_244 = arith.minimumf %get3A_243, %broadcast_in_dim3A_205 : vector<16xf32>
        %add3A_245 = arith.addf %scan3A_185, %min3A_244 : vector<16xf32>
        %min3A_246 = arith.minimumf %get3A_243, %broadcast_in_dim3A_208 : vector<16xf32>
        %add3A_247 = arith.addf %scan3A_189, %min3A_246 : vector<16xf32>
        %add3A_248 = arith.addf %scan3A_190, %broadcast_in_dim3A_205 : vector<16xf32>
        %add3A_249 = arith.addf %scan3A_191, %broadcast_in_dim3A_208 : vector<16xf32>
        %add3A_250 = arith.constant 0 : i32
        %add3A_251 = arith.addi %mul3A_74, %add3A_250 : i32
        %get3A_252 = arith.index_cast %add3A_251 : i32 to index
        %get3A_253 = arith.index_cast %mul3A_193 : i32 to index
        %get3A_254 = tpu.vector_load %arg5[%get3A_252, %get3A_253] {strides = array<i32>} : memref<32x256xf32, #tpu.memory_space<vmem>>, vector<1x16xf32>,
        %get3A_255 = vector.shape_cast %get3A_254 : vector<1x16xf32> to vector<16xf32>
        %add3A_256 = arith.constant 1 : i32
        %add3A_257 = arith.addi %mul3A_74, %add3A_256 : i32
        %get3A_258 = arith.index_cast %add3A_257 : i32 to index
        %get3A_259 = arith.index_cast %mul3A_193 : i32 to index
        %get3A_260 = tpu.vector_load %arg5[%get3A_258, %get3A_259] {strides = array<i32>} : memref<32x256xf32, #tpu.memory_space<vmem>>, vector<1x16xf32>,
        %get3A_261 = vector.shape_cast %get3A_260 : vector<1x16xf32> to vector<16xf32>
        %slice3A_262 = vector.extract_strided_slice %get3A_255 {offsets = [1], sizes = [1], strides = [1]} : vector<16xf32> to vector<1xf32>
        %squeeze3A_263 = vector.extract %slice3A_262[0] : f32 from vector<1xf32>
        %broadcast_in_dim3A_264 = vector.broadcast %squeeze3A_263 : f32 to vector<16xf32>
        %slice3A_265 = vector.extract_strided_slice %get3A_261 {offsets = [1], sizes = [1], strides = [1]} : vector<16xf32> to vector<1xf32>
        %squeeze3A_266 = vector.extract %slice3A_265[0] : f32 from vector<1xf32>
        %broadcast_in_dim3A_267 = vector.broadcast %squeeze3A_266 : f32 to vector<16xf32>
        %add3A_268 = arith.constant 1 : i32
        %add3A_269 = arith.addi %mul3A_193, %add3A_268 : i32
        %get3A_270 = arith.index_cast %add3A_269 : i32 to index
        %get3A_271 = arith.constant 64 : index
        %get3A_272 = tpu.vector_load %arg6[%get3A_270, %get3A_271] {strides = array<i32>} : memref<256x128xf32, #tpu.memory_space<vmem>>, vector<1x16xf32>,
        %get3A_273 = vector.shape_cast %get3A_272 : vector<1x16xf32> to vector<16xf32>
        %min3A_274 = arith.minimumf %get3A_273, %broadcast_in_dim3A_264 : vector<16xf32>
        %add3A_275 = arith.addf %add3A_215, %min3A_274 : vector<16xf32>
        %min3A_276 = arith.minimumf %get3A_273, %broadcast_in_dim3A_267 : vector<16xf32>
        %add3A_277 = arith.addf %add3A_217, %min3A_276 : vector<16xf32>
        %add3A_278 = arith.constant 1 : i32
        %add3A_279 = arith.addi %mul3A_193, %add3A_278 : i32
        %get3A_280 = arith.index_cast %add3A_279 : i32 to index
        %get3A_281 = arith.constant 80 : index
        %get3A_282 = tpu.vector_load %arg6[%get3A_280, %get3A_281] {strides = array<i32>} : memref<256x128xf32, #tpu.memory_space<vmem>>, vector<1x16xf32>,
        %get3A_283 = vector.shape_cast %get3A_282 : vector<1x16xf32> to vector<16xf32>
        %min3A_284 = arith.minimumf %get3A_283, %broadcast_in_dim3A_264 : vector<16xf32>
        %add3A_285 = arith.addf %add3A_225, %min3A_284 : vector<16xf32>
        %min3A_286 = arith.minimumf %get3A_283, %broadcast_in_dim3A_267 : vector<16xf32>
        %add3A_287 = arith.addf %add3A_227, %min3A_286 : vector<16xf32>
        %add3A_288 = arith.constant 1 : i32
        %add3A_289 = arith.addi %mul3A_193, %add3A_288 : i32
        %get3A_290 = arith.index_cast %add3A_289 : i32 to index
        %get3A_291 = arith.constant 96 : index
        %get3A_292 = tpu.vector_load %arg6[%get3A_290, %get3A_291] {strides = array<i32>} : memref<256x128xf32, #tpu.memory_space<vmem>>, vector<1x16xf32>,
        %get3A_293 = vector.shape_cast %get3A_292 : vector<1x16xf32> to vector<16xf32>
        %min3A_294 = arith.minimumf %get3A_293, %broadcast_in_dim3A_264 : vector<16xf32>
        %add3A_295 = arith.addf %add3A_235, %min3A_294 : vector<16xf32>
        %min3A_296 = arith.minimumf %get3A_293, %broadcast_in_dim3A_267 : vector<16xf32>
        %add3A_297 = arith.addf %add3A_237, %min3A_296 : vector<16xf32>
        %add3A_298 = arith.constant 1 : i32
        %add3A_299 = arith.addi %mul3A_193, %add3A_298 : i32
        %get3A_300 = arith.index_cast %add3A_299 : i32 to index
        %get3A_301 = arith.constant 112 : index
        %get3A_302 = tpu.vector_load %arg6[%get3A_300, %get3A_301] {strides = array<i32>} : memref<256x128xf32, #tpu.memory_space<vmem>>, vector<1x16xf32>,
        %get3A_303 = vector.shape_cast %get3A_302 : vector<1x16xf32> to vector<16xf32>
        %min3A_304 = arith.minimumf %get3A_303, %broadcast_in_dim3A_264 : vector<16xf32>
        %add3A_305 = arith.addf %add3A_245, %min3A_304 : vector<16xf32>
        %min3A_306 = arith.minimumf %get3A_303, %broadcast_in_dim3A_267 : vector<16xf32>
        %add3A_307 = arith.addf %add3A_247, %min3A_306 : vector<16xf32>
        %add3A_308 = arith.addf %add3A_248, %broadcast_in_dim3A_264 : vector<16xf32>
        %add3A_309 = arith.addf %add3A_249, %broadcast_in_dim3A_267 : vector<16xf32>
        %add3A_310 = arith.constant 0 : i32
        %add3A_311 = arith.addi %mul3A_74, %add3A_310 : i32
        %get3A_312 = arith.index_cast %add3A_311 : i32 to index
        %get3A_313 = arith.index_cast %mul3A_193 : i32 to index
        %get3A_314 = tpu.vector_load %arg5[%get3A_312, %get3A_313] {strides = array<i32>} : memref<32x256xf32, #tpu.memory_space<vmem>>, vector<1x16xf32>,
        %get3A_315 = vector.shape_cast %get3A_314 : vector<1x16xf32> to vector<16xf32>
        %add3A_316 = arith.constant 1 : i32
        %add3A_317 = arith.addi %mul3A_74, %add3A_316 : i32
        %get3A_318 = arith.index_cast %add3A_317 : i32 to index
        %get3A_319 = arith.index_cast %mul3A_193 : i32 to index
        %get3A_320 = tpu.vector_load %arg5[%get3A_318, %get3A_319] {strides = array<i32>} : memref<32x256xf32, #tpu.memory_space<vmem>>, vector<1x16xf32>,
        %get3A_321 = vector.shape_cast %get3A_320 : vector<1x16xf32> to vector<16xf32>
        %slice3A_322 = vector.extract_strided_slice %get3A_315 {offsets = [2], sizes = [1], strides = [1]} : vector<16xf32> to vector<1xf32>
        %squeeze3A_323 = vector.extract %slice3A_322[0] : f32 from vector<1xf32>
        %broadcast_in_dim3A_324 = vector.broadcast %squeeze3A_323 : f32 to vector<16xf32>
        %slice3A_325 = vector.extract_strided_slice %get3A_321 {offsets = [2], sizes = [1], strides = [1]} : vector<16xf32> to vector<1xf32>
        %squeeze3A_326 = vector.extract %slice3A_325[0] : f32 from vector<1xf32>
        %broadcast_in_dim3A_327 = vector.broadcast %squeeze3A_326 : f32 to vector<16xf32>
        %add3A_328 = arith.constant 2 : i32
        %add3A_329 = arith.addi %mul3A_193, %add3A_328 : i32
        %get3A_330 = arith.index_cast %add3A_329 : i32 to index
        %get3A_331 = arith.constant 64 : index
        %get3A_332 = tpu.vector_load %arg6[%get3A_330, %get3A_331] {strides = array<i32>} : memref<256x128xf32, #tpu.memory_space<vmem>>, vector<1x16xf32>,
        %get3A_333 = vector.shape_cast %get3A_332 : vector<1x16xf32> to vector<16xf32>
        %min3A_334 = arith.minimumf %get3A_333, %broadcast_in_dim3A_324 : vector<16xf32>
        %add3A_335 = arith.addf %add3A_275, %min3A_334 : vector<16xf32>
        %min3A_336 = arith.minimumf %get3A_333, %broadcast_in_dim3A_327 : vector<16xf32>
        %add3A_337 = arith.addf %add3A_277, %min3A_336 : vector<16xf32>
        %add3A_338 = arith.constant 2 : i32
        %add3A_339 = arith.addi %mul3A_193, %add3A_338 : i32
        %get3A_340 = arith.index_cast %add3A_339 : i32 to index
        %get3A_341 = arith.constant 80 : index
        %get3A_342 = tpu.vector_load %arg6[%get3A_340, %get3A_341] {strides = array<i32>} : memref<256x128xf32, #tpu.memory_space<vmem>>, vector<1x16xf32>,
        %get3A_343 = vector.shape_cast %get3A_342 : vector<1x16xf32> to vector<16xf32>
        %min3A_344 = arith.minimumf %get3A_343, %broadcast_in_dim3A_324 : vector<16xf32>
        %add3A_345 = arith.addf %add3A_285, %min3A_344 : vector<16xf32>
        %min3A_346 = arith.minimumf %get3A_343, %broadcast_in_dim3A_327 : vector<16xf32>
        %add3A_347 = arith.addf %add3A_287, %min3A_346 : vector<16xf32>
        %add3A_348 = arith.constant 2 : i32
        %add3A_349 = arith.addi %mul3A_193, %add3A_348 : i32
        %get3A_350 = arith.index_cast %add3A_349 : i32 to index
        %get3A_351 = arith.constant 96 : index
        %get3A_352 = tpu.vector_load %arg6[%get3A_350, %get3A_351] {strides = array<i32>} : memref<256x128xf32, #tpu.memory_space<vmem>>, vector<1x16xf32>,
        %get3A_353 = vector.shape_cast %get3A_352 : vector<1x16xf32> to vector<16xf32>
        %min3A_354 = arith.minimumf %get3A_353, %broadcast_in_dim3A_324 : vector<16xf32>
        %add3A_355 = arith.addf %add3A_295, %min3A_354 : vector<16xf32>
        %min3A_356 = arith.minimumf %get3A_353, %broadcast_in_dim3A_327 : vector<16xf32>
        %add3A_357 = arith.addf %add3A_297, %min3A_356 : vector<16xf32>
        %add3A_358 = arith.constant 2 : i32
        %add3A_359 = arith.addi %mul3A_193, %add3A_358 : i32
        %get3A_360 = arith.index_cast %add3A_359 : i32 to index
        %get3A_361 = arith.constant 112 : index
        %get3A_362 = tpu.vector_load %arg6[%get3A_360, %get3A_361] {strides = array<i32>} : memref<256x128xf32, #tpu.memory_space<vmem>>, vector<1x16xf32>,
        %get3A_363 = vector.shape_cast %get3A_362 : vector<1x16xf32> to vector<16xf32>
        %min3A_364 = arith.minimumf %get3A_363, %broadcast_in_dim3A_324 : vector<16xf32>
        %add3A_365 = arith.addf %add3A_305, %min3A_364 : vector<16xf32>
        %min3A_366 = arith.minimumf %get3A_363, %broadcast_in_dim3A_327 : vector<16xf32>
        %add3A_367 = arith.addf %add3A_307, %min3A_366 : vector<16xf32>
        %add3A_368 = arith.addf %add3A_308, %broadcast_in_dim3A_324 : vector<16xf32>
        %add3A_369 = arith.addf %add3A_309, %broadcast_in_dim3A_327 : vector<16xf32>
        %add3A_370 = arith.constant 0 : i32
        %add3A_371 = arith.addi %mul3A_74, %add3A_370 : i32
        %get3A_372 = arith.index_cast %add3A_371 : i32 to index
        %get3A_373 = arith.index_cast %mul3A_193 : i32 to index
        %get3A_374 = tpu.vector_load %arg5[%get3A_372, %get3A_373] {strides = array<i32>} : memref<32x256xf32, #tpu.memory_space<vmem>>, vector<1x16xf32>,
        %get3A_375 = vector.shape_cast %get3A_374 : vector<1x16xf32> to vector<16xf32>
        %add3A_376 = arith.constant 1 : i32
        %add3A_377 = arith.addi %mul3A_74, %add3A_376 : i32
        %get3A_378 = arith.index_cast %add3A_377 : i32 to index
        %get3A_379 = arith.index_cast %mul3A_193 : i32 to index
        %get3A_380 = tpu.vector_load %arg5[%get3A_378, %get3A_379] {strides = array<i32>} : memref<32x256xf32, #tpu.memory_space<vmem>>, vector<1x16xf32>,
        %get3A_381 = vector.shape_cast %get3A_380 : vector<1x16xf32> to vector<16xf32>
        %slice3A_382 = vector.extract_strided_slice %get3A_375 {offsets = [3], sizes = [1], strides = [1]} : vector<16xf32> to vector<1xf32>
        %squeeze3A_383 = vector.extract %slice3A_382[0] : f32 from vector<1xf32>
        %broadcast_in_dim3A_384 = vector.broadcast %squeeze3A_383 : f32 to vector<16xf32>
        %slice3A_385 = vector.extract_strided_slice %get3A_381 {offsets = [3], sizes = [1], strides = [1]} : vector<16xf32> to vector<1xf32>
        %squeeze3A_386 = vector.extract %slice3A_385[0] : f32 from vector<1xf32>
        %broadcast_in_dim3A_387 = vector.broadcast %squeeze3A_386 : f32 to vector<16xf32>
        %add3A_388 = arith.constant 3 : i32
        %add3A_389 = arith.addi %mul3A_193, %add3A_388 : i32
        %get3A_390 = arith.index_cast %add3A_389 : i32 to index
        %get3A_391 = arith.constant 64 : index
        %get3A_392 = tpu.vector_load %arg6[%get3A_390, %get3A_391] {strides = array<i32>} : memref<256x128xf32, #tpu.memory_space<vmem>>, vector<1x16xf32>,
        %get3A_393 = vector.shape_cast %get3A_392 : vector<1x16xf32> to vector<16xf32>
        %min3A_394 = arith.minimumf %get3A_393, %broadcast_in_dim3A_384 : vector<16xf32>
        %add3A_395 = arith.addf %add3A_335, %min3A_394 : vector<16xf32>
        %min3A_396 = arith.minimumf %get3A_393, %broadcast_in_dim3A_387 : vector<16xf32>
        %add3A_397 = arith.addf %add3A_337, %min3A_396 : vector<16xf32>
        %add3A_398 = arith.constant 3 : i32
        %add3A_399 = arith.addi %mul3A_193, %add3A_398 : i32
        %get3A_400 = arith.index_cast %add3A_399 : i32 to index
        %get3A_401 = arith.constant 80 : index
        %get3A_402 = tpu.vector_load %arg6[%get3A_400, %get3A_401] {strides = array<i32>} : memref<256x128xf32, #tpu.memory_space<vmem>>, vector<1x16xf32>,
        %get3A_403 = vector.shape_cast %get3A_402 : vector<1x16xf32> to vector<16xf32>
        %min3A_404 = arith.minimumf %get3A_403, %broadcast_in_dim3A_384 : vector<16xf32>
        %add3A_405 = arith.addf %add3A_345, %min3A_404 : vector<16xf32>
        %min3A_406 = arith.minimumf %get3A_403, %broadcast_in_dim3A_387 : vector<16xf32>
        %add3A_407 = arith.addf %add3A_347, %min3A_406 : vector<16xf32>
        %add3A_408 = arith.constant 3 : i32
        %add3A_409 = arith.addi %mul3A_193, %add3A_408 : i32
        %get3A_410 = arith.index_cast %add3A_409 : i32 to index
        %get3A_411 = arith.constant 96 : index
        %get3A_412 = tpu.vector_load %arg6[%get3A_410, %get3A_411] {strides = array<i32>} : memref<256x128xf32, #tpu.memory_space<vmem>>, vector<1x16xf32>,
        %get3A_413 = vector.shape_cast %get3A_412 : vector<1x16xf32> to vector<16xf32>
        %min3A_414 = arith.minimumf %get3A_413, %broadcast_in_dim3A_384 : vector<16xf32>
        %add3A_415 = arith.addf %add3A_355, %min3A_414 : vector<16xf32>
        %min3A_416 = arith.minimumf %get3A_413, %broadcast_in_dim3A_387 : vector<16xf32>
        %add3A_417 = arith.addf %add3A_357, %min3A_416 : vector<16xf32>
        %add3A_418 = arith.constant 3 : i32
        %add3A_419 = arith.addi %mul3A_193, %add3A_418 : i32
        %get3A_420 = arith.index_cast %add3A_419 : i32 to index
        %get3A_421 = arith.constant 112 : index
        %get3A_422 = tpu.vector_load %arg6[%get3A_420, %get3A_421] {strides = array<i32>} : memref<256x128xf32, #tpu.memory_space<vmem>>, vector<1x16xf32>,
        %get3A_423 = vector.shape_cast %get3A_422 : vector<1x16xf32> to vector<16xf32>
        %min3A_424 = arith.minimumf %get3A_423, %broadcast_in_dim3A_384 : vector<16xf32>
        %add3A_425 = arith.addf %add3A_365, %min3A_424 : vector<16xf32>
        %min3A_426 = arith.minimumf %get3A_423, %broadcast_in_dim3A_387 : vector<16xf32>
        %add3A_427 = arith.addf %add3A_367, %min3A_426 : vector<16xf32>
        %add3A_428 = arith.addf %add3A_368, %broadcast_in_dim3A_384 : vector<16xf32>
        %add3A_429 = arith.addf %add3A_369, %broadcast_in_dim3A_387 : vector<16xf32>
        %add3A_430 = arith.constant 0 : i32
        %add3A_431 = arith.addi %mul3A_74, %add3A_430 : i32
        %get3A_432 = arith.index_cast %add3A_431 : i32 to index
        %get3A_433 = arith.index_cast %mul3A_193 : i32 to index
        %get3A_434 = tpu.vector_load %arg5[%get3A_432, %get3A_433] {strides = array<i32>} : memref<32x256xf32, #tpu.memory_space<vmem>>, vector<1x16xf32>,
        %get3A_435 = vector.shape_cast %get3A_434 : vector<1x16xf32> to vector<16xf32>
        %add3A_436 = arith.constant 1 : i32
        %add3A_437 = arith.addi %mul3A_74, %add3A_436 : i32
        %get3A_438 = arith.index_cast %add3A_437 : i32 to index
        %get3A_439 = arith.index_cast %mul3A_193 : i32 to index
        %get3A_440 = tpu.vector_load %arg5[%get3A_438, %get3A_439] {strides = array<i32>} : memref<32x256xf32, #tpu.memory_space<vmem>>, vector<1x16xf32>,
        %get3A_441 = vector.shape_cast %get3A_440 : vector<1x16xf32> to vector<16xf32>
        %slice3A_442 = vector.extract_strided_slice %get3A_435 {offsets = [4], sizes = [1], strides = [1]} : vector<16xf32> to vector<1xf32>
        %squeeze3A_443 = vector.extract %slice3A_442[0] : f32 from vector<1xf32>
        %broadcast_in_dim3A_444 = vector.broadcast %squeeze3A_443 : f32 to vector<16xf32>
        %slice3A_445 = vector.extract_strided_slice %get3A_441 {offsets = [4], sizes = [1], strides = [1]} : vector<16xf32> to vector<1xf32>
        %squeeze3A_446 = vector.extract %slice3A_445[0] : f32 from vector<1xf32>
        %broadcast_in_dim3A_447 = vector.broadcast %squeeze3A_446 : f32 to vector<16xf32>
        %add3A_448 = arith.constant 4 : i32
        %add3A_449 = arith.addi %mul3A_193, %add3A_448 : i32
        %get3A_450 = arith.index_cast %add3A_449 : i32 to index
        %get3A_451 = arith.constant 64 : index
        %get3A_452 = tpu.vector_load %arg6[%get3A_450, %get3A_451] {strides = array<i32>} : memref<256x128xf32, #tpu.memory_space<vmem>>, vector<1x16xf32>,
        %get3A_453 = vector.shape_cast %get3A_452 : vector<1x16xf32> to vector<16xf32>
        %min3A_454 = arith.minimumf %get3A_453, %broadcast_in_dim3A_444 : vector<16xf32>
        %add3A_455 = arith.addf %add3A_395, %min3A_454 : vector<16xf32>
        %min3A_456 = arith.minimumf %get3A_453, %broadcast_in_dim3A_447 : vector<16xf32>
        %add3A_457 = arith.addf %add3A_397, %min3A_456 : vector<16xf32>
        %add3A_458 = arith.constant 4 : i32
        %add3A_459 = arith.addi %mul3A_193, %add3A_458 : i32
        %get3A_460 = arith.index_cast %add3A_459 : i32 to index
        %get3A_461 = arith.constant 80 : index
        %get3A_462 = tpu.vector_load %arg6[%get3A_460, %get3A_461] {strides = array<i32>} : memref<256x128xf32, #tpu.memory_space<vmem>>, vector<1x16xf32>,
        %get3A_463 = vector.shape_cast %get3A_462 : vector<1x16xf32> to vector<16xf32>
        %min3A_464 = arith.minimumf %get3A_463, %broadcast_in_dim3A_444 : vector<16xf32>
        %add3A_465 = arith.addf %add3A_405, %min3A_464 : vector<16xf32>
        %min3A_466 = arith.minimumf %get3A_463, %broadcast_in_dim3A_447 : vector<16xf32>
        %add3A_467 = arith.addf %add3A_407, %min3A_466 : vector<16xf32>
        %add3A_468 = arith.constant 4 : i32
        %add3A_469 = arith.addi %mul3A_193, %add3A_468 : i32
        %get3A_470 = arith.index_cast %add3A_469 : i32 to index
        %get3A_471 = arith.constant 96 : index
        %get3A_472 = tpu.vector_load %arg6[%get3A_470, %get3A_471] {strides = array<i32>} : memref<256x128xf32, #tpu.memory_space<vmem>>, vector<1x16xf32>,
        %get3A_473 = vector.shape_cast %get3A_472 : vector<1x16xf32> to vector<16xf32>
        %min3A_474 = arith.minimumf %get3A_473, %broadcast_in_dim3A_444 : vector<16xf32>
        %add3A_475 = arith.addf %add3A_415, %min3A_474 : vector<16xf32>
        %min3A_476 = arith.minimumf %get3A_473, %broadcast_in_dim3A_447 : vector<16xf32>
        %add3A_477 = arith.addf %add3A_417, %min3A_476 : vector<16xf32>
        %add3A_478 = arith.constant 4 : i32
        %add3A_479 = arith.addi %mul3A_193, %add3A_478 : i32
        %get3A_480 = arith.index_cast %add3A_479 : i32 to index
        %get3A_481 = arith.constant 112 : index
        %get3A_482 = tpu.vector_load %arg6[%get3A_480, %get3A_481] {strides = array<i32>} : memref<256x128xf32, #tpu.memory_space<vmem>>, vector<1x16xf32>,
        %get3A_483 = vector.shape_cast %get3A_482 : vector<1x16xf32> to vector<16xf32>
        %min3A_484 = arith.minimumf %get3A_483, %broadcast_in_dim3A_444 : vector<16xf32>
        %add3A_485 = arith.addf %add3A_425, %min3A_484 : vector<16xf32>
        %min3A_486 = arith.minimumf %get3A_483, %broadcast_in_dim3A_447 : vector<16xf32>
        %add3A_487 = arith.addf %add3A_427, %min3A_486 : vector<16xf32>
        %add3A_488 = arith.addf %add3A_428, %broadcast_in_dim3A_444 : vector<16xf32>
        %add3A_489 = arith.addf %add3A_429, %broadcast_in_dim3A_447 : vector<16xf32>
        %add3A_490 = arith.constant 0 : i32
        %add3A_491 = arith.addi %mul3A_74, %add3A_490 : i32
        %get3A_492 = arith.index_cast %add3A_491 : i32 to index
        %get3A_493 = arith.index_cast %mul3A_193 : i32 to index
        %get3A_494 = tpu.vector_load %arg5[%get3A_492, %get3A_493] {strides = array<i32>} : memref<32x256xf32, #tpu.memory_space<vmem>>, vector<1x16xf32>,
        %get3A_495 = vector.shape_cast %get3A_494 : vector<1x16xf32> to vector<16xf32>
        %add3A_496 = arith.constant 1 : i32
        %add3A_497 = arith.addi %mul3A_74, %add3A_496 : i32
        %get3A_498 = arith.index_cast %add3A_497 : i32 to index
        %get3A_499 = arith.index_cast %mul3A_193 : i32 to index
        %get3A_500 = tpu.vector_load %arg5[%get3A_498, %get3A_499] {strides = array<i32>} : memref<32x256xf32, #tpu.memory_space<vmem>>, vector<1x16xf32>,
        %get3A_501 = vector.shape_cast %get3A_500 : vector<1x16xf32> to vector<16xf32>
        %slice3A_502 = vector.extract_strided_slice %get3A_495 {offsets = [5], sizes = [1], strides = [1]} : vector<16xf32> to vector<1xf32>
        %squeeze3A_503 = vector.extract %slice3A_502[0] : f32 from vector<1xf32>
        %broadcast_in_dim3A_504 = vector.broadcast %squeeze3A_503 : f32 to vector<16xf32>
        %slice3A_505 = vector.extract_strided_slice %get3A_501 {offsets = [5], sizes = [1], strides = [1]} : vector<16xf32> to vector<1xf32>
        %squeeze3A_506 = vector.extract %slice3A_505[0] : f32 from vector<1xf32>
        %broadcast_in_dim3A_507 = vector.broadcast %squeeze3A_506 : f32 to vector<16xf32>
        %add3A_508 = arith.constant 5 : i32
        %add3A_509 = arith.addi %mul3A_193, %add3A_508 : i32
        %get3A_510 = arith.index_cast %add3A_509 : i32 to index
        %get3A_511 = arith.constant 64 : index
        %get3A_512 = tpu.vector_load %arg6[%get3A_510, %get3A_511] {strides = array<i32>} : memref<256x128xf32, #tpu.memory_space<vmem>>, vector<1x16xf32>,
        %get3A_513 = vector.shape_cast %get3A_512 : vector<1x16xf32> to vector<16xf32>
        %min3A_514 = arith.minimumf %get3A_513, %broadcast_in_dim3A_504 : vector<16xf32>
        %add3A_515 = arith.addf %add3A_455, %min3A_514 : vector<16xf32>
        %min3A_516 = arith.minimumf %get3A_513, %broadcast_in_dim3A_507 : vector<16xf32>
        %add3A_517 = arith.addf %add3A_457, %min3A_516 : vector<16xf32>
        %add3A_518 = arith.constant 5 : i32
        %add3A_519 = arith.addi %mul3A_193, %add3A_518 : i32
        %get3A_520 = arith.index_cast %add3A_519 : i32 to index
        %get3A_521 = arith.constant 80 : index
        %get3A_522 = tpu.vector_load %arg6[%get3A_520, %get3A_521] {strides = array<i32>} : memref<256x128xf32, #tpu.memory_space<vmem>>, vector<1x16xf32>,
        %get3A_523 = vector.shape_cast %get3A_522 : vector<1x16xf32> to vector<16xf32>
        %min3A_524 = arith.minimumf %get3A_523, %broadcast_in_dim3A_504 : vector<16xf32>
        %add3A_525 = arith.addf %add3A_465, %min3A_524 : vector<16xf32>
        %min3A_526 = arith.minimumf %get3A_523, %broadcast_in_dim3A_507 : vector<16xf32>
        %add3A_527 = arith.addf %add3A_467, %min3A_526 : vector<16xf32>
        %add3A_528 = arith.constant 5 : i32
        %add3A_529 = arith.addi %mul3A_193, %add3A_528 : i32
        %get3A_530 = arith.index_cast %add3A_529 : i32 to index
        %get3A_531 = arith.constant 96 : index
        %get3A_532 = tpu.vector_load %arg6[%get3A_530, %get3A_531] {strides = array<i32>} : memref<256x128xf32, #tpu.memory_space<vmem>>, vector<1x16xf32>,
        %get3A_533 = vector.shape_cast %get3A_532 : vector<1x16xf32> to vector<16xf32>
        %min3A_534 = arith.minimumf %get3A_533, %broadcast_in_dim3A_504 : vector<16xf32>
        %add3A_535 = arith.addf %add3A_475, %min3A_534 : vector<16xf32>
        %min3A_536 = arith.minimumf %get3A_533, %broadcast_in_dim3A_507 : vector<16xf32>
        %add3A_537 = arith.addf %add3A_477, %min3A_536 : vector<16xf32>
        %add3A_538 = arith.constant 5 : i32
        %add3A_539 = arith.addi %mul3A_193, %add3A_538 : i32
        %get3A_540 = arith.index_cast %add3A_539 : i32 to index
        %get3A_541 = arith.constant 112 : index
        %get3A_542 = tpu.vector_load %arg6[%get3A_540, %get3A_541] {strides = array<i32>} : memref<256x128xf32, #tpu.memory_space<vmem>>, vector<1x16xf32>,
        %get3A_543 = vector.shape_cast %get3A_542 : vector<1x16xf32> to vector<16xf32>
        %min3A_544 = arith.minimumf %get3A_543, %broadcast_in_dim3A_504 : vector<16xf32>
        %add3A_545 = arith.addf %add3A_485, %min3A_544 : vector<16xf32>
        %min3A_546 = arith.minimumf %get3A_543, %broadcast_in_dim3A_507 : vector<16xf32>
        %add3A_547 = arith.addf %add3A_487, %min3A_546 : vector<16xf32>
        %add3A_548 = arith.addf %add3A_488, %broadcast_in_dim3A_504 : vector<16xf32>
        %add3A_549 = arith.addf %add3A_489, %broadcast_in_dim3A_507 : vector<16xf32>
        %add3A_550 = arith.constant 0 : i32
        %add3A_551 = arith.addi %mul3A_74, %add3A_550 : i32
        %get3A_552 = arith.index_cast %add3A_551 : i32 to index
        %get3A_553 = arith.index_cast %mul3A_193 : i32 to index
        %get3A_554 = tpu.vector_load %arg5[%get3A_552, %get3A_553] {strides = array<i32>} : memref<32x256xf32, #tpu.memory_space<vmem>>, vector<1x16xf32>,
        %get3A_555 = vector.shape_cast %get3A_554 : vector<1x16xf32> to vector<16xf32>
        %add3A_556 = arith.constant 1 : i32
        %add3A_557 = arith.addi %mul3A_74, %add3A_556 : i32
        %get3A_558 = arith.index_cast %add3A_557 : i32 to index
        %get3A_559 = arith.index_cast %mul3A_193 : i32 to index
        %get3A_560 = tpu.vector_load %arg5[%get3A_558, %get3A_559] {strides = array<i32>} : memref<32x256xf32, #tpu.memory_space<vmem>>, vector<1x16xf32>,
        %get3A_561 = vector.shape_cast %get3A_560 : vector<1x16xf32> to vector<16xf32>
        %slice3A_562 = vector.extract_strided_slice %get3A_555 {offsets = [6], sizes = [1], strides = [1]} : vector<16xf32> to vector<1xf32>
        %squeeze3A_563 = vector.extract %slice3A_562[0] : f32 from vector<1xf32>
        %broadcast_in_dim3A_564 = vector.broadcast %squeeze3A_563 : f32 to vector<16xf32>
        %slice3A_565 = vector.extract_strided_slice %get3A_561 {offsets = [6], sizes = [1], strides = [1]} : vector<16xf32> to vector<1xf32>
        %squeeze3A_566 = vector.extract %slice3A_565[0] : f32 from vector<1xf32>
        %broadcast_in_dim3A_567 = vector.broadcast %squeeze3A_566 : f32 to vector<16xf32>
        %add3A_568 = arith.constant 6 : i32
        %add3A_569 = arith.addi %mul3A_193, %add3A_568 : i32
        %get3A_570 = arith.index_cast %add3A_569 : i32 to index
        %get3A_571 = arith.constant 64 : index
        %get3A_572 = tpu.vector_load %arg6[%get3A_570, %get3A_571] {strides = array<i32>} : memref<256x128xf32, #tpu.memory_space<vmem>>, vector<1x16xf32>,
        %get3A_573 = vector.shape_cast %get3A_572 : vector<1x16xf32> to vector<16xf32>
        %min3A_574 = arith.minimumf %get3A_573, %broadcast_in_dim3A_564 : vector<16xf32>
        %add3A_575 = arith.addf %add3A_515, %min3A_574 : vector<16xf32>
        %min3A_576 = arith.minimumf %get3A_573, %broadcast_in_dim3A_567 : vector<16xf32>
        %add3A_577 = arith.addf %add3A_517, %min3A_576 : vector<16xf32>
        %add3A_578 = arith.constant 6 : i32
        %add3A_579 = arith.addi %mul3A_193, %add3A_578 : i32
        %get3A_580 = arith.index_cast %add3A_579 : i32 to index
        %get3A_581 = arith.constant 80 : index
        %get3A_582 = tpu.vector_load %arg6[%get3A_580, %get3A_581] {strides = array<i32>} : memref<256x128xf32, #tpu.memory_space<vmem>>, vector<1x16xf32>,
        %get3A_583 = vector.shape_cast %get3A_582 : vector<1x16xf32> to vector<16xf32>
        %min3A_584 = arith.minimumf %get3A_583, %broadcast_in_dim3A_564 : vector<16xf32>
        %add3A_585 = arith.addf %add3A_525, %min3A_584 : vector<16xf32>
        %min3A_586 = arith.minimumf %get3A_583, %broadcast_in_dim3A_567 : vector<16xf32>
        %add3A_587 = arith.addf %add3A_527, %min3A_586 : vector<16xf32>
        %add3A_588 = arith.constant 6 : i32
        %add3A_589 = arith.addi %mul3A_193, %add3A_588 : i32
        %get3A_590 = arith.index_cast %add3A_589 : i32 to index
        %get3A_591 = arith.constant 96 : index
        %get3A_592 = tpu.vector_load %arg6[%get3A_590, %get3A_591] {strides = array<i32>} : memref<256x128xf32, #tpu.memory_space<vmem>>, vector<1x16xf32>,
        %get3A_593 = vector.shape_cast %get3A_592 : vector<1x16xf32> to vector<16xf32>
        %min3A_594 = arith.minimumf %get3A_593, %broadcast_in_dim3A_564 : vector<16xf32>
        %add3A_595 = arith.addf %add3A_535, %min3A_594 : vector<16xf32>
        %min3A_596 = arith.minimumf %get3A_593, %broadcast_in_dim3A_567 : vector<16xf32>
        %add3A_597 = arith.addf %add3A_537, %min3A_596 : vector<16xf32>
        %add3A_598 = arith.constant 6 : i32
        %add3A_599 = arith.addi %mul3A_193, %add3A_598 : i32
        %get3A_600 = arith.index_cast %add3A_599 : i32 to index
        %get3A_601 = arith.constant 112 : index
        %get3A_602 = tpu.vector_load %arg6[%get3A_600, %get3A_601] {strides = array<i32>} : memref<256x128xf32, #tpu.memory_space<vmem>>, vector<1x16xf32>,
        %get3A_603 = vector.shape_cast %get3A_602 : vector<1x16xf32> to vector<16xf32>
        %min3A_604 = arith.minimumf %get3A_603, %broadcast_in_dim3A_564 : vector<16xf32>
        %add3A_605 = arith.addf %add3A_545, %min3A_604 : vector<16xf32>
        %min3A_606 = arith.minimumf %get3A_603, %broadcast_in_dim3A_567 : vector<16xf32>
        %add3A_607 = arith.addf %add3A_547, %min3A_606 : vector<16xf32>
        %add3A_608 = arith.addf %add3A_548, %broadcast_in_dim3A_564 : vector<16xf32>
        %add3A_609 = arith.addf %add3A_549, %broadcast_in_dim3A_567 : vector<16xf32>
        %add3A_610 = arith.constant 0 : i32
        %add3A_611 = arith.addi %mul3A_74, %add3A_610 : i32
        %get3A_612 = arith.index_cast %add3A_611 : i32 to index
        %get3A_613 = arith.index_cast %mul3A_193 : i32 to index
        %get3A_614 = tpu.vector_load %arg5[%get3A_612, %get3A_613] {strides = array<i32>} : memref<32x256xf32, #tpu.memory_space<vmem>>, vector<1x16xf32>,
        %get3A_615 = vector.shape_cast %get3A_614 : vector<1x16xf32> to vector<16xf32>
        %add3A_616 = arith.constant 1 : i32
        %add3A_617 = arith.addi %mul3A_74, %add3A_616 : i32
        %get3A_618 = arith.index_cast %add3A_617 : i32 to index
        %get3A_619 = arith.index_cast %mul3A_193 : i32 to index
        %get3A_620 = tpu.vector_load %arg5[%get3A_618, %get3A_619] {strides = array<i32>} : memref<32x256xf32, #tpu.memory_space<vmem>>, vector<1x16xf32>,
        %get3A_621 = vector.shape_cast %get3A_620 : vector<1x16xf32> to vector<16xf32>
        %slice3A_622 = vector.extract_strided_slice %get3A_615 {offsets = [7], sizes = [1], strides = [1]} : vector<16xf32> to vector<1xf32>
        %squeeze3A_623 = vector.extract %slice3A_622[0] : f32 from vector<1xf32>
        %broadcast_in_dim3A_624 = vector.broadcast %squeeze3A_623 : f32 to vector<16xf32>
        %slice3A_625 = vector.extract_strided_slice %get3A_621 {offsets = [7], sizes = [1], strides = [1]} : vector<16xf32> to vector<1xf32>
        %squeeze3A_626 = vector.extract %slice3A_625[0] : f32 from vector<1xf32>
        %broadcast_in_dim3A_627 = vector.broadcast %squeeze3A_626 : f32 to vector<16xf32>
        %add3A_628 = arith.constant 7 : i32
        %add3A_629 = arith.addi %mul3A_193, %add3A_628 : i32
        %get3A_630 = arith.index_cast %add3A_629 : i32 to index
        %get3A_631 = arith.constant 64 : index
        %get3A_632 = tpu.vector_load %arg6[%get3A_630, %get3A_631] {strides = array<i32>} : memref<256x128xf32, #tpu.memory_space<vmem>>, vector<1x16xf32>,
        %get3A_633 = vector.shape_cast %get3A_632 : vector<1x16xf32> to vector<16xf32>
        %min3A_634 = arith.minimumf %get3A_633, %broadcast_in_dim3A_624 : vector<16xf32>
        %add3A_635 = arith.addf %add3A_575, %min3A_634 : vector<16xf32>
        %min3A_636 = arith.minimumf %get3A_633, %broadcast_in_dim3A_627 : vector<16xf32>
        %add3A_637 = arith.addf %add3A_577, %min3A_636 : vector<16xf32>
        %add3A_638 = arith.constant 7 : i32
        %add3A_639 = arith.addi %mul3A_193, %add3A_638 : i32
        %get3A_640 = arith.index_cast %add3A_639 : i32 to index
        %get3A_641 = arith.constant 80 : index
        %get3A_642 = tpu.vector_load %arg6[%get3A_640, %get3A_641] {strides = array<i32>} : memref<256x128xf32, #tpu.memory_space<vmem>>, vector<1x16xf32>,
        %get3A_643 = vector.shape_cast %get3A_642 : vector<1x16xf32> to vector<16xf32>
        %min3A_644 = arith.minimumf %get3A_643, %broadcast_in_dim3A_624 : vector<16xf32>
        %add3A_645 = arith.addf %add3A_585, %min3A_644 : vector<16xf32>
        %min3A_646 = arith.minimumf %get3A_643, %broadcast_in_dim3A_627 : vector<16xf32>
        %add3A_647 = arith.addf %add3A_587, %min3A_646 : vector<16xf32>
        %add3A_648 = arith.constant 7 : i32
        %add3A_649 = arith.addi %mul3A_193, %add3A_648 : i32
        %get3A_650 = arith.index_cast %add3A_649 : i32 to index
        %get3A_651 = arith.constant 96 : index
        %get3A_652 = tpu.vector_load %arg6[%get3A_650, %get3A_651] {strides = array<i32>} : memref<256x128xf32, #tpu.memory_space<vmem>>, vector<1x16xf32>,
        %get3A_653 = vector.shape_cast %get3A_652 : vector<1x16xf32> to vector<16xf32>
        %min3A_654 = arith.minimumf %get3A_653, %broadcast_in_dim3A_624 : vector<16xf32>
        %add3A_655 = arith.addf %add3A_595, %min3A_654 : vector<16xf32>
        %min3A_656 = arith.minimumf %get3A_653, %broadcast_in_dim3A_627 : vector<16xf32>
        %add3A_657 = arith.addf %add3A_597, %min3A_656 : vector<16xf32>
        %add3A_658 = arith.constant 7 : i32
        %add3A_659 = arith.addi %mul3A_193, %add3A_658 : i32
        %get3A_660 = arith.index_cast %add3A_659 : i32 to index
        %get3A_661 = arith.constant 112 : index
        %get3A_662 = tpu.vector_load %arg6[%get3A_660, %get3A_661] {strides = array<i32>} : memref<256x128xf32, #tpu.memory_space<vmem>>, vector<1x16xf32>,
        %get3A_663 = vector.shape_cast %get3A_662 : vector<1x16xf32> to vector<16xf32>
        %min3A_664 = arith.minimumf %get3A_663, %broadcast_in_dim3A_624 : vector<16xf32>
        %add3A_665 = arith.addf %add3A_605, %min3A_664 : vector<16xf32>
        %min3A_666 = arith.minimumf %get3A_663, %broadcast_in_dim3A_627 : vector<16xf32>
        %add3A_667 = arith.addf %add3A_607, %min3A_666 : vector<16xf32>
        %add3A_668 = arith.addf %add3A_608, %broadcast_in_dim3A_624 : vector<16xf32>
        %add3A_669 = arith.addf %add3A_609, %broadcast_in_dim3A_627 : vector<16xf32>
        %add3A_670 = arith.constant 0 : i32
        %add3A_671 = arith.addi %mul3A_74, %add3A_670 : i32
        %get3A_672 = arith.index_cast %add3A_671 : i32 to index
        %get3A_673 = arith.index_cast %mul3A_193 : i32 to index
        %get3A_674 = tpu.vector_load %arg5[%get3A_672, %get3A_673] {strides = array<i32>} : memref<32x256xf32, #tpu.memory_space<vmem>>, vector<1x16xf32>,
        %get3A_675 = vector.shape_cast %get3A_674 : vector<1x16xf32> to vector<16xf32>
        %add3A_676 = arith.constant 1 : i32
        %add3A_677 = arith.addi %mul3A_74, %add3A_676 : i32
        %get3A_678 = arith.index_cast %add3A_677 : i32 to index
        %get3A_679 = arith.index_cast %mul3A_193 : i32 to index
        %get3A_680 = tpu.vector_load %arg5[%get3A_678, %get3A_679] {strides = array<i32>} : memref<32x256xf32, #tpu.memory_space<vmem>>, vector<1x16xf32>,
        %get3A_681 = vector.shape_cast %get3A_680 : vector<1x16xf32> to vector<16xf32>
        %slice3A_682 = vector.extract_strided_slice %get3A_675 {offsets = [8], sizes = [1], strides = [1]} : vector<16xf32> to vector<1xf32>
        %squeeze3A_683 = vector.extract %slice3A_682[0] : f32 from vector<1xf32>
        %broadcast_in_dim3A_684 = vector.broadcast %squeeze3A_683 : f32 to vector<16xf32>
        %slice3A_685 = vector.extract_strided_slice %get3A_681 {offsets = [8], sizes = [1], strides = [1]} : vector<16xf32> to vector<1xf32>
        %squeeze3A_686 = vector.extract %slice3A_685[0] : f32 from vector<1xf32>
        %broadcast_in_dim3A_687 = vector.broadcast %squeeze3A_686 : f32 to vector<16xf32>
        %add3A_688 = arith.constant 8 : i32
        %add3A_689 = arith.addi %mul3A_193, %add3A_688 : i32
        %get3A_690 = arith.index_cast %add3A_689 : i32 to index
        %get3A_691 = arith.constant 64 : index
        %get3A_692 = tpu.vector_load %arg6[%get3A_690, %get3A_691] {strides = array<i32>} : memref<256x128xf32, #tpu.memory_space<vmem>>, vector<1x16xf32>,
        %get3A_693 = vector.shape_cast %get3A_692 : vector<1x16xf32> to vector<16xf32>
        %min3A_694 = arith.minimumf %get3A_693, %broadcast_in_dim3A_684 : vector<16xf32>
        %add3A_695 = arith.addf %add3A_635, %min3A_694 : vector<16xf32>
        %min3A_696 = arith.minimumf %get3A_693, %broadcast_in_dim3A_687 : vector<16xf32>
        %add3A_697 = arith.addf %add3A_637, %min3A_696 : vector<16xf32>
        %add3A_698 = arith.constant 8 : i32
        %add3A_699 = arith.addi %mul3A_193, %add3A_698 : i32
        %get3A_700 = arith.index_cast %add3A_699 : i32 to index
        %get3A_701 = arith.constant 80 : index
        %get3A_702 = tpu.vector_load %arg6[%get3A_700, %get3A_701] {strides = array<i32>} : memref<256x128xf32, #tpu.memory_space<vmem>>, vector<1x16xf32>,
        %get3A_703 = vector.shape_cast %get3A_702 : vector<1x16xf32> to vector<16xf32>
        %min3A_704 = arith.minimumf %get3A_703, %broadcast_in_dim3A_684 : vector<16xf32>
        %add3A_705 = arith.addf %add3A_645, %min3A_704 : vector<16xf32>
        %min3A_706 = arith.minimumf %get3A_703, %broadcast_in_dim3A_687 : vector<16xf32>
        %add3A_707 = arith.addf %add3A_647, %min3A_706 : vector<16xf32>
        %add3A_708 = arith.constant 8 : i32
        %add3A_709 = arith.addi %mul3A_193, %add3A_708 : i32
        %get3A_710 = arith.index_cast %add3A_709 : i32 to index
        %get3A_711 = arith.constant 96 : index
        %get3A_712 = tpu.vector_load %arg6[%get3A_710, %get3A_711] {strides = array<i32>} : memref<256x128xf32, #tpu.memory_space<vmem>>, vector<1x16xf32>,
        %get3A_713 = vector.shape_cast %get3A_712 : vector<1x16xf32> to vector<16xf32>
        %min3A_714 = arith.minimumf %get3A_713, %broadcast_in_dim3A_684 : vector<16xf32>
        %add3A_715 = arith.addf %add3A_655, %min3A_714 : vector<16xf32>
        %min3A_716 = arith.minimumf %get3A_713, %broadcast_in_dim3A_687 : vector<16xf32>
        %add3A_717 = arith.addf %add3A_657, %min3A_716 : vector<16xf32>
        %add3A_718 = arith.constant 8 : i32
        %add3A_719 = arith.addi %mul3A_193, %add3A_718 : i32
        %get3A_720 = arith.index_cast %add3A_719 : i32 to index
        %get3A_721 = arith.constant 112 : index
        %get3A_722 = tpu.vector_load %arg6[%get3A_720, %get3A_721] {strides = array<i32>} : memref<256x128xf32, #tpu.memory_space<vmem>>, vector<1x16xf32>,
        %get3A_723 = vector.shape_cast %get3A_722 : vector<1x16xf32> to vector<16xf32>
        %min3A_724 = arith.minimumf %get3A_723, %broadcast_in_dim3A_684 : vector<16xf32>
        %add3A_725 = arith.addf %add3A_665, %min3A_724 : vector<16xf32>
        %min3A_726 = arith.minimumf %get3A_723, %broadcast_in_dim3A_687 : vector<16xf32>
        %add3A_727 = arith.addf %add3A_667, %min3A_726 : vector<16xf32>
        %add3A_728 = arith.addf %add3A_668, %broadcast_in_dim3A_684 : vector<16xf32>
        %add3A_729 = arith.addf %add3A_669, %broadcast_in_dim3A_687 : vector<16xf32>
        %add3A_730 = arith.constant 0 : i32
        %add3A_731 = arith.addi %mul3A_74, %add3A_730 : i32
        %get3A_732 = arith.index_cast %add3A_731 : i32 to index
        %get3A_733 = arith.index_cast %mul3A_193 : i32 to index
        %get3A_734 = tpu.vector_load %arg5[%get3A_732, %get3A_733] {strides = array<i32>} : memref<32x256xf32, #tpu.memory_space<vmem>>, vector<1x16xf32>,
        %get3A_735 = vector.shape_cast %get3A_734 : vector<1x16xf32> to vector<16xf32>
        %add3A_736 = arith.constant 1 : i32
        %add3A_737 = arith.addi %mul3A_74, %add3A_736 : i32
        %get3A_738 = arith.index_cast %add3A_737 : i32 to index
        %get3A_739 = arith.index_cast %mul3A_193 : i32 to index
        %get3A_740 = tpu.vector_load %arg5[%get3A_738, %get3A_739] {strides = array<i32>} : memref<32x256xf32, #tpu.memory_space<vmem>>, vector<1x16xf32>,
        %get3A_741 = vector.shape_cast %get3A_740 : vector<1x16xf32> to vector<16xf32>
        %slice3A_742 = vector.extract_strided_slice %get3A_735 {offsets = [9], sizes = [1], strides = [1]} : vector<16xf32> to vector<1xf32>
        %squeeze3A_743 = vector.extract %slice3A_742[0] : f32 from vector<1xf32>
        %broadcast_in_dim3A_744 = vector.broadcast %squeeze3A_743 : f32 to vector<16xf32>
        %slice3A_745 = vector.extract_strided_slice %get3A_741 {offsets = [9], sizes = [1], strides = [1]} : vector<16xf32> to vector<1xf32>
        %squeeze3A_746 = vector.extract %slice3A_745[0] : f32 from vector<1xf32>
        %broadcast_in_dim3A_747 = vector.broadcast %squeeze3A_746 : f32 to vector<16xf32>
        %add3A_748 = arith.constant 9 : i32
        %add3A_749 = arith.addi %mul3A_193, %add3A_748 : i32
        %get3A_750 = arith.index_cast %add3A_749 : i32 to index
        %get3A_751 = arith.constant 64 : index
        %get3A_752 = tpu.vector_load %arg6[%get3A_750, %get3A_751] {strides = array<i32>} : memref<256x128xf32, #tpu.memory_space<vmem>>, vector<1x16xf32>,
        %get3A_753 = vector.shape_cast %get3A_752 : vector<1x16xf32> to vector<16xf32>
        %min3A_754 = arith.minimumf %get3A_753, %broadcast_in_dim3A_744 : vector<16xf32>
        %add3A_755 = arith.addf %add3A_695, %min3A_754 : vector<16xf32>
        %min3A_756 = arith.minimumf %get3A_753, %broadcast_in_dim3A_747 : vector<16xf32>
        %add3A_757 = arith.addf %add3A_697, %min3A_756 : vector<16xf32>
        %add3A_758 = arith.constant 9 : i32
        %add3A_759 = arith.addi %mul3A_193, %add3A_758 : i32
        %get3A_760 = arith.index_cast %add3A_759 : i32 to index
        %get3A_761 = arith.constant 80 : index
        %get3A_762 = tpu.vector_load %arg6[%get3A_760, %get3A_761] {strides = array<i32>} : memref<256x128xf32, #tpu.memory_space<vmem>>, vector<1x16xf32>,
        %get3A_763 = vector.shape_cast %get3A_762 : vector<1x16xf32> to vector<16xf32>
        %min3A_764 = arith.minimumf %get3A_763, %broadcast_in_dim3A_744 : vector<16xf32>
        %add3A_765 = arith.addf %add3A_705, %min3A_764 : vector<16xf32>
        %min3A_766 = arith.minimumf %get3A_763, %broadcast_in_dim3A_747 : vector<16xf32>
        %add3A_767 = arith.addf %add3A_707, %min3A_766 : vector<16xf32>
        %add3A_768 = arith.constant 9 : i32
        %add3A_769 = arith.addi %mul3A_193, %add3A_768 : i32
        %get3A_770 = arith.index_cast %add3A_769 : i32 to index
        %get3A_771 = arith.constant 96 : index
        %get3A_772 = tpu.vector_load %arg6[%get3A_770, %get3A_771] {strides = array<i32>} : memref<256x128xf32, #tpu.memory_space<vmem>>, vector<1x16xf32>,
        %get3A_773 = vector.shape_cast %get3A_772 : vector<1x16xf32> to vector<16xf32>
        %min3A_774 = arith.minimumf %get3A_773, %broadcast_in_dim3A_744 : vector<16xf32>
        %add3A_775 = arith.addf %add3A_715, %min3A_774 : vector<16xf32>
        %min3A_776 = arith.minimumf %get3A_773, %broadcast_in_dim3A_747 : vector<16xf32>
        %add3A_777 = arith.addf %add3A_717, %min3A_776 : vector<16xf32>
        %add3A_778 = arith.constant 9 : i32
        %add3A_779 = arith.addi %mul3A_193, %add3A_778 : i32
        %get3A_780 = arith.index_cast %add3A_779 : i32 to index
        %get3A_781 = arith.constant 112 : index
        %get3A_782 = tpu.vector_load %arg6[%get3A_780, %get3A_781] {strides = array<i32>} : memref<256x128xf32, #tpu.memory_space<vmem>>, vector<1x16xf32>,
        %get3A_783 = vector.shape_cast %get3A_782 : vector<1x16xf32> to vector<16xf32>
        %min3A_784 = arith.minimumf %get3A_783, %broadcast_in_dim3A_744 : vector<16xf32>
        %add3A_785 = arith.addf %add3A_725, %min3A_784 : vector<16xf32>
        %min3A_786 = arith.minimumf %get3A_783, %broadcast_in_dim3A_747 : vector<16xf32>
        %add3A_787 = arith.addf %add3A_727, %min3A_786 : vector<16xf32>
        %add3A_788 = arith.addf %add3A_728, %broadcast_in_dim3A_744 : vector<16xf32>
        %add3A_789 = arith.addf %add3A_729, %broadcast_in_dim3A_747 : vector<16xf32>
        %add3A_790 = arith.constant 0 : i32
        %add3A_791 = arith.addi %mul3A_74, %add3A_790 : i32
        %get3A_792 = arith.index_cast %add3A_791 : i32 to index
        %get3A_793 = arith.index_cast %mul3A_193 : i32 to index
        %get3A_794 = tpu.vector_load %arg5[%get3A_792, %get3A_793] {strides = array<i32>} : memref<32x256xf32, #tpu.memory_space<vmem>>, vector<1x16xf32>,
        %get3A_795 = vector.shape_cast %get3A_794 : vector<1x16xf32> to vector<16xf32>
        %add3A_796 = arith.constant 1 : i32
        %add3A_797 = arith.addi %mul3A_74, %add3A_796 : i32
        %get3A_798 = arith.index_cast %add3A_797 : i32 to index
        %get3A_799 = arith.index_cast %mul3A_193 : i32 to index
        %get3A_800 = tpu.vector_load %arg5[%get3A_798, %get3A_799] {strides = array<i32>} : memref<32x256xf32, #tpu.memory_space<vmem>>, vector<1x16xf32>,
        %get3A_801 = vector.shape_cast %get3A_800 : vector<1x16xf32> to vector<16xf32>
        %slice3A_802 = vector.extract_strided_slice %get3A_795 {offsets = [10], sizes = [1], strides = [1]} : vector<16xf32> to vector<1xf32>
        %squeeze3A_803 = vector.extract %slice3A_802[0] : f32 from vector<1xf32>
        %broadcast_in_dim3A_804 = vector.broadcast %squeeze3A_803 : f32 to vector<16xf32>
        %slice3A_805 = vector.extract_strided_slice %get3A_801 {offsets = [10], sizes = [1], strides = [1]} : vector<16xf32> to vector<1xf32>
        %squeeze3A_806 = vector.extract %slice3A_805[0] : f32 from vector<1xf32>
        %broadcast_in_dim3A_807 = vector.broadcast %squeeze3A_806 : f32 to vector<16xf32>
        %add3A_808 = arith.constant 10 : i32
        %add3A_809 = arith.addi %mul3A_193, %add3A_808 : i32
        %get3A_810 = arith.index_cast %add3A_809 : i32 to index
        %get3A_811 = arith.constant 64 : index
        %get3A_812 = tpu.vector_load %arg6[%get3A_810, %get3A_811] {strides = array<i32>} : memref<256x128xf32, #tpu.memory_space<vmem>>, vector<1x16xf32>,
        %get3A_813 = vector.shape_cast %get3A_812 : vector<1x16xf32> to vector<16xf32>
        %min3A_814 = arith.minimumf %get3A_813, %broadcast_in_dim3A_804 : vector<16xf32>
        %add3A_815 = arith.addf %add3A_755, %min3A_814 : vector<16xf32>
        %min3A_816 = arith.minimumf %get3A_813, %broadcast_in_dim3A_807 : vector<16xf32>
        %add3A_817 = arith.addf %add3A_757, %min3A_816 : vector<16xf32>
        %add3A_818 = arith.constant 10 : i32
        %add3A_819 = arith.addi %mul3A_193, %add3A_818 : i32
        %get3A_820 = arith.index_cast %add3A_819 : i32 to index
        %get3A_821 = arith.constant 80 : index
        %get3A_822 = tpu.vector_load %arg6[%get3A_820, %get3A_821] {strides = array<i32>} : memref<256x128xf32, #tpu.memory_space<vmem>>, vector<1x16xf32>,
        %get3A_823 = vector.shape_cast %get3A_822 : vector<1x16xf32> to vector<16xf32>
        %min3A_824 = arith.minimumf %get3A_823, %broadcast_in_dim3A_804 : vector<16xf32>
        %add3A_825 = arith.addf %add3A_765, %min3A_824 : vector<16xf32>
        %min3A_826 = arith.minimumf %get3A_823, %broadcast_in_dim3A_807 : vector<16xf32>
        %add3A_827 = arith.addf %add3A_767, %min3A_826 : vector<16xf32>
        %add3A_828 = arith.constant 10 : i32
        %add3A_829 = arith.addi %mul3A_193, %add3A_828 : i32
        %get3A_830 = arith.index_cast %add3A_829 : i32 to index
        %get3A_831 = arith.constant 96 : index
        %get3A_832 = tpu.vector_load %arg6[%get3A_830, %get3A_831] {strides = array<i32>} : memref<256x128xf32, #tpu.memory_space<vmem>>, vector<1x16xf32>,
        %get3A_833 = vector.shape_cast %get3A_832 : vector<1x16xf32> to vector<16xf32>
        %min3A_834 = arith.minimumf %get3A_833, %broadcast_in_dim3A_804 : vector<16xf32>
        %add3A_835 = arith.addf %add3A_775, %min3A_834 : vector<16xf32>
        %min3A_836 = arith.minimumf %get3A_833, %broadcast_in_dim3A_807 : vector<16xf32>
        %add3A_837 = arith.addf %add3A_777, %min3A_836 : vector<16xf32>
        %add3A_838 = arith.constant 10 : i32
        %add3A_839 = arith.addi %mul3A_193, %add3A_838 : i32
        %get3A_840 = arith.index_cast %add3A_839 : i32 to index
        %get3A_841 = arith.constant 112 : index
        %get3A_842 = tpu.vector_load %arg6[%get3A_840, %get3A_841] {strides = array<i32>} : memref<256x128xf32, #tpu.memory_space<vmem>>, vector<1x16xf32>,
        %get3A_843 = vector.shape_cast %get3A_842 : vector<1x16xf32> to vector<16xf32>
        %min3A_844 = arith.minimumf %get3A_843, %broadcast_in_dim3A_804 : vector<16xf32>
        %add3A_845 = arith.addf %add3A_785, %min3A_844 : vector<16xf32>
        %min3A_846 = arith.minimumf %get3A_843, %broadcast_in_dim3A_807 : vector<16xf32>
        %add3A_847 = arith.addf %add3A_787, %min3A_846 : vector<16xf32>
        %add3A_848 = arith.addf %add3A_788, %broadcast_in_dim3A_804 : vector<16xf32>
        %add3A_849 = arith.addf %add3A_789, %broadcast_in_dim3A_807 : vector<16xf32>
        %add3A_850 = arith.constant 0 : i32
        %add3A_851 = arith.addi %mul3A_74, %add3A_850 : i32
        %get3A_852 = arith.index_cast %add3A_851 : i32 to index
        %get3A_853 = arith.index_cast %mul3A_193 : i32 to index
        %get3A_854 = tpu.vector_load %arg5[%get3A_852, %get3A_853] {strides = array<i32>} : memref<32x256xf32, #tpu.memory_space<vmem>>, vector<1x16xf32>,
        %get3A_855 = vector.shape_cast %get3A_854 : vector<1x16xf32> to vector<16xf32>
        %add3A_856 = arith.constant 1 : i32
        %add3A_857 = arith.addi %mul3A_74, %add3A_856 : i32
        %get3A_858 = arith.index_cast %add3A_857 : i32 to index
        %get3A_859 = arith.index_cast %mul3A_193 : i32 to index
        %get3A_860 = tpu.vector_load %arg5[%get3A_858, %get3A_859] {strides = array<i32>} : memref<32x256xf32, #tpu.memory_space<vmem>>, vector<1x16xf32>,
        %get3A_861 = vector.shape_cast %get3A_860 : vector<1x16xf32> to vector<16xf32>
        %slice3A_862 = vector.extract_strided_slice %get3A_855 {offsets = [11], sizes = [1], strides = [1]} : vector<16xf32> to vector<1xf32>
        %squeeze3A_863 = vector.extract %slice3A_862[0] : f32 from vector<1xf32>
        %broadcast_in_dim3A_864 = vector.broadcast %squeeze3A_863 : f32 to vector<16xf32>
        %slice3A_865 = vector.extract_strided_slice %get3A_861 {offsets = [11], sizes = [1], strides = [1]} : vector<16xf32> to vector<1xf32>
        %squeeze3A_866 = vector.extract %slice3A_865[0] : f32 from vector<1xf32>
        %broadcast_in_dim3A_867 = vector.broadcast %squeeze3A_866 : f32 to vector<16xf32>
        %add3A_868 = arith.constant 11 : i32
        %add3A_869 = arith.addi %mul3A_193, %add3A_868 : i32
        %get3A_870 = arith.index_cast %add3A_869 : i32 to index
        %get3A_871 = arith.constant 64 : index
        %get3A_872 = tpu.vector_load %arg6[%get3A_870, %get3A_871] {strides = array<i32>} : memref<256x128xf32, #tpu.memory_space<vmem>>, vector<1x16xf32>,
        %get3A_873 = vector.shape_cast %get3A_872 : vector<1x16xf32> to vector<16xf32>
        %min3A_874 = arith.minimumf %get3A_873, %broadcast_in_dim3A_864 : vector<16xf32>
        %add3A_875 = arith.addf %add3A_815, %min3A_874 : vector<16xf32>
        %min3A_876 = arith.minimumf %get3A_873, %broadcast_in_dim3A_867 : vector<16xf32>
        %add3A_877 = arith.addf %add3A_817, %min3A_876 : vector<16xf32>
        %add3A_878 = arith.constant 11 : i32
        %add3A_879 = arith.addi %mul3A_193, %add3A_878 : i32
        %get3A_880 = arith.index_cast %add3A_879 : i32 to index
        %get3A_881 = arith.constant 80 : index
        %get3A_882 = tpu.vector_load %arg6[%get3A_880, %get3A_881] {strides = array<i32>} : memref<256x128xf32, #tpu.memory_space<vmem>>, vector<1x16xf32>,
        %get3A_883 = vector.shape_cast %get3A_882 : vector<1x16xf32> to vector<16xf32>
        %min3A_884 = arith.minimumf %get3A_883, %broadcast_in_dim3A_864 : vector<16xf32>
        %add3A_885 = arith.addf %add3A_825, %min3A_884 : vector<16xf32>
        %min3A_886 = arith.minimumf %get3A_883, %broadcast_in_dim3A_867 : vector<16xf32>
        %add3A_887 = arith.addf %add3A_827, %min3A_886 : vector<16xf32>
        %add3A_888 = arith.constant 11 : i32
        %add3A_889 = arith.addi %mul3A_193, %add3A_888 : i32
        %get3A_890 = arith.index_cast %add3A_889 : i32 to index
        %get3A_891 = arith.constant 96 : index
        %get3A_892 = tpu.vector_load %arg6[%get3A_890, %get3A_891] {strides = array<i32>} : memref<256x128xf32, #tpu.memory_space<vmem>>, vector<1x16xf32>,
        %get3A_893 = vector.shape_cast %get3A_892 : vector<1x16xf32> to vector<16xf32>
        %min3A_894 = arith.minimumf %get3A_893, %broadcast_in_dim3A_864 : vector<16xf32>
        %add3A_895 = arith.addf %add3A_835, %min3A_894 : vector<16xf32>
        %min3A_896 = arith.minimumf %get3A_893, %broadcast_in_dim3A_867 : vector<16xf32>
        %add3A_897 = arith.addf %add3A_837, %min3A_896 : vector<16xf32>
        %add3A_898 = arith.constant 11 : i32
        %add3A_899 = arith.addi %mul3A_193, %add3A_898 : i32
        %get3A_900 = arith.index_cast %add3A_899 : i32 to index
        %get3A_901 = arith.constant 112 : index
        %get3A_902 = tpu.vector_load %arg6[%get3A_900, %get3A_901] {strides = array<i32>} : memref<256x128xf32, #tpu.memory_space<vmem>>, vector<1x16xf32>,
        %get3A_903 = vector.shape_cast %get3A_902 : vector<1x16xf32> to vector<16xf32>
        %min3A_904 = arith.minimumf %get3A_903, %broadcast_in_dim3A_864 : vector<16xf32>
        %add3A_905 = arith.addf %add3A_845, %min3A_904 : vector<16xf32>
        %min3A_906 = arith.minimumf %get3A_903, %broadcast_in_dim3A_867 : vector<16xf32>
        %add3A_907 = arith.addf %add3A_847, %min3A_906 : vector<16xf32>
        %add3A_908 = arith.addf %add3A_848, %broadcast_in_dim3A_864 : vector<16xf32>
        %add3A_909 = arith.addf %add3A_849, %broadcast_in_dim3A_867 : vector<16xf32>
        %add3A_910 = arith.constant 0 : i32
        %add3A_911 = arith.addi %mul3A_74, %add3A_910 : i32
        %get3A_912 = arith.index_cast %add3A_911 : i32 to index
        %get3A_913 = arith.index_cast %mul3A_193 : i32 to index
        %get3A_914 = tpu.vector_load %arg5[%get3A_912, %get3A_913] {strides = array<i32>} : memref<32x256xf32, #tpu.memory_space<vmem>>, vector<1x16xf32>,
        %get3A_915 = vector.shape_cast %get3A_914 : vector<1x16xf32> to vector<16xf32>
        %add3A_916 = arith.constant 1 : i32
        %add3A_917 = arith.addi %mul3A_74, %add3A_916 : i32
        %get3A_918 = arith.index_cast %add3A_917 : i32 to index
        %get3A_919 = arith.index_cast %mul3A_193 : i32 to index
        %get3A_920 = tpu.vector_load %arg5[%get3A_918, %get3A_919] {strides = array<i32>} : memref<32x256xf32, #tpu.memory_space<vmem>>, vector<1x16xf32>,
        %get3A_921 = vector.shape_cast %get3A_920 : vector<1x16xf32> to vector<16xf32>
        %slice3A_922 = vector.extract_strided_slice %get3A_915 {offsets = [12], sizes = [1], strides = [1]} : vector<16xf32> to vector<1xf32>
        %squeeze3A_923 = vector.extract %slice3A_922[0] : f32 from vector<1xf32>
        %broadcast_in_dim3A_924 = vector.broadcast %squeeze3A_923 : f32 to vector<16xf32>
        %slice3A_925 = vector.extract_strided_slice %get3A_921 {offsets = [12], sizes = [1], strides = [1]} : vector<16xf32> to vector<1xf32>
        %squeeze3A_926 = vector.extract %slice3A_925[0] : f32 from vector<1xf32>
        %broadcast_in_dim3A_927 = vector.broadcast %squeeze3A_926 : f32 to vector<16xf32>
        %add3A_928 = arith.constant 12 : i32
        %add3A_929 = arith.addi %mul3A_193, %add3A_928 : i32
        %get3A_930 = arith.index_cast %add3A_929 : i32 to index
        %get3A_931 = arith.constant 64 : index
        %get3A_932 = tpu.vector_load %arg6[%get3A_930, %get3A_931] {strides = array<i32>} : memref<256x128xf32, #tpu.memory_space<vmem>>, vector<1x16xf32>,
        %get3A_933 = vector.shape_cast %get3A_932 : vector<1x16xf32> to vector<16xf32>
        %min3A_934 = arith.minimumf %get3A_933, %broadcast_in_dim3A_924 : vector<16xf32>
        %add3A_935 = arith.addf %add3A_875, %min3A_934 : vector<16xf32>
        %min3A_936 = arith.minimumf %get3A_933, %broadcast_in_dim3A_927 : vector<16xf32>
        %add3A_937 = arith.addf %add3A_877, %min3A_936 : vector<16xf32>
        %add3A_938 = arith.constant 12 : i32
        %add3A_939 = arith.addi %mul3A_193, %add3A_938 : i32
        %get3A_940 = arith.index_cast %add3A_939 : i32 to index
        %get3A_941 = arith.constant 80 : index
        %get3A_942 = tpu.vector_load %arg6[%get3A_940, %get3A_941] {strides = array<i32>} : memref<256x128xf32, #tpu.memory_space<vmem>>, vector<1x16xf32>,
        %get3A_943 = vector.shape_cast %get3A_942 : vector<1x16xf32> to vector<16xf32>
        %min3A_944 = arith.minimumf %get3A_943, %broadcast_in_dim3A_924 : vector<16xf32>
        %add3A_945 = arith.addf %add3A_885, %min3A_944 : vector<16xf32>
        %min3A_946 = arith.minimumf %get3A_943, %broadcast_in_dim3A_927 : vector<16xf32>
        %add3A_947 = arith.addf %add3A_887, %min3A_946 : vector<16xf32>
        %add3A_948 = arith.constant 12 : i32
        %add3A_949 = arith.addi %mul3A_193, %add3A_948 : i32
        %get3A_950 = arith.index_cast %add3A_949 : i32 to index
        %get3A_951 = arith.constant 96 : index
        %get3A_952 = tpu.vector_load %arg6[%get3A_950, %get3A_951] {strides = array<i32>} : memref<256x128xf32, #tpu.memory_space<vmem>>, vector<1x16xf32>,
        %get3A_953 = vector.shape_cast %get3A_952 : vector<1x16xf32> to vector<16xf32>
        %min3A_954 = arith.minimumf %get3A_953, %broadcast_in_dim3A_924 : vector<16xf32>
        %add3A_955 = arith.addf %add3A_895, %min3A_954 : vector<16xf32>
        %min3A_956 = arith.minimumf %get3A_953, %broadcast_in_dim3A_927 : vector<16xf32>
        %add3A_957 = arith.addf %add3A_897, %min3A_956 : vector<16xf32>
        %add3A_958 = arith.constant 12 : i32
        %add3A_959 = arith.addi %mul3A_193, %add3A_958 : i32
        %get3A_960 = arith.index_cast %add3A_959 : i32 to index
        %get3A_961 = arith.constant 112 : index
        %get3A_962 = tpu.vector_load %arg6[%get3A_960, %get3A_961] {strides = array<i32>} : memref<256x128xf32, #tpu.memory_space<vmem>>, vector<1x16xf32>,
        %get3A_963 = vector.shape_cast %get3A_962 : vector<1x16xf32> to vector<16xf32>
        %min3A_964 = arith.minimumf %get3A_963, %broadcast_in_dim3A_924 : vector<16xf32>
        %add3A_965 = arith.addf %add3A_905, %min3A_964 : vector<16xf32>
        %min3A_966 = arith.minimumf %get3A_963, %broadcast_in_dim3A_927 : vector<16xf32>
        %add3A_967 = arith.addf %add3A_907, %min3A_966 : vector<16xf32>
        %add3A_968 = arith.addf %add3A_908, %broadcast_in_dim3A_924 : vector<16xf32>
        %add3A_969 = arith.addf %add3A_909, %broadcast_in_dim3A_927 : vector<16xf32>
        %add3A_970 = arith.constant 0 : i32
        %add3A_971 = arith.addi %mul3A_74, %add3A_970 : i32
        %get3A_972 = arith.index_cast %add3A_971 : i32 to index
        %get3A_973 = arith.index_cast %mul3A_193 : i32 to index
        %get3A_974 = tpu.vector_load %arg5[%get3A_972, %get3A_973] {strides = array<i32>} : memref<32x256xf32, #tpu.memory_space<vmem>>, vector<1x16xf32>,
        %get3A_975 = vector.shape_cast %get3A_974 : vector<1x16xf32> to vector<16xf32>
        %add3A_976 = arith.constant 1 : i32
        %add3A_977 = arith.addi %mul3A_74, %add3A_976 : i32
        %get3A_978 = arith.index_cast %add3A_977 : i32 to index
        %get3A_979 = arith.index_cast %mul3A_193 : i32 to index
        %get3A_980 = tpu.vector_load %arg5[%get3A_978, %get3A_979] {strides = array<i32>} : memref<32x256xf32, #tpu.memory_space<vmem>>, vector<1x16xf32>,
        %get3A_981 = vector.shape_cast %get3A_980 : vector<1x16xf32> to vector<16xf32>
        %slice3A_982 = vector.extract_strided_slice %get3A_975 {offsets = [13], sizes = [1], strides = [1]} : vector<16xf32> to vector<1xf32>
        %squeeze3A_983 = vector.extract %slice3A_982[0] : f32 from vector<1xf32>
        %broadcast_in_dim3A_984 = vector.broadcast %squeeze3A_983 : f32 to vector<16xf32>
        %slice3A_985 = vector.extract_strided_slice %get3A_981 {offsets = [13], sizes = [1], strides = [1]} : vector<16xf32> to vector<1xf32>
        %squeeze3A_986 = vector.extract %slice3A_985[0] : f32 from vector<1xf32>
        %broadcast_in_dim3A_987 = vector.broadcast %squeeze3A_986 : f32 to vector<16xf32>
        %add3A_988 = arith.constant 13 : i32
        %add3A_989 = arith.addi %mul3A_193, %add3A_988 : i32
        %get3A_990 = arith.index_cast %add3A_989 : i32 to index
        %get3A_991 = arith.constant 64 : index
        %get3A_992 = tpu.vector_load %arg6[%get3A_990, %get3A_991] {strides = array<i32>} : memref<256x128xf32, #tpu.memory_space<vmem>>, vector<1x16xf32>,
        %get3A_993 = vector.shape_cast %get3A_992 : vector<1x16xf32> to vector<16xf32>
        %min3A_994 = arith.minimumf %get3A_993, %broadcast_in_dim3A_984 : vector<16xf32>
        %add3A_995 = arith.addf %add3A_935, %min3A_994 : vector<16xf32>
        %min3A_996 = arith.minimumf %get3A_993, %broadcast_in_dim3A_987 : vector<16xf32>
        %add3A_997 = arith.addf %add3A_937, %min3A_996 : vector<16xf32>
        %add3A_998 = arith.constant 13 : i32
        %add3A_999 = arith.addi %mul3A_193, %add3A_998 : i32
        %get3A_1000 = arith.index_cast %add3A_999 : i32 to index
        %get3A_1001 = arith.constant 80 : index
        %get3A_1002 = tpu.vector_load %arg6[%get3A_1000, %get3A_1001] {strides = array<i32>} : memref<256x128xf32, #tpu.memory_space<vmem>>, vector<1x16xf32>,
        %get3A_1003 = vector.shape_cast %get3A_1002 : vector<1x16xf32> to vector<16xf32>
        %min3A_1004 = arith.minimumf %get3A_1003, %broadcast_in_dim3A_984 : vector<16xf32>
        %add3A_1005 = arith.addf %add3A_945, %min3A_1004 : vector<16xf32>
        %min3A_1006 = arith.minimumf %get3A_1003, %broadcast_in_dim3A_987 : vector<16xf32>
        %add3A_1007 = arith.addf %add3A_947, %min3A_1006 : vector<16xf32>
        %add3A_1008 = arith.constant 13 : i32
        %add3A_1009 = arith.addi %mul3A_193, %add3A_1008 : i32
        %get3A_1010 = arith.index_cast %add3A_1009 : i32 to index
        %get3A_1011 = arith.constant 96 : index
        %get3A_1012 = tpu.vector_load %arg6[%get3A_1010, %get3A_1011] {strides = array<i32>} : memref<256x128xf32, #tpu.memory_space<vmem>>, vector<1x16xf32>,
        %get3A_1013 = vector.shape_cast %get3A_1012 : vector<1x16xf32> to vector<16xf32>
        %min3A_1014 = arith.minimumf %get3A_1013, %broadcast_in_dim3A_984 : vector<16xf32>
        %add3A_1015 = arith.addf %add3A_955, %min3A_1014 : vector<16xf32>
        %min3A_1016 = arith.minimumf %get3A_1013, %broadcast_in_dim3A_987 : vector<16xf32>
        %add3A_1017 = arith.addf %add3A_957, %min3A_1016 : vector<16xf32>
        %add3A_1018 = arith.constant 13 : i32
        %add3A_1019 = arith.addi %mul3A_193, %add3A_1018 : i32
        %get3A_1020 = arith.index_cast %add3A_1019 : i32 to index
        %get3A_1021 = arith.constant 112 : index
        %get3A_1022 = tpu.vector_load %arg6[%get3A_1020, %get3A_1021] {strides = array<i32>} : memref<256x128xf32, #tpu.memory_space<vmem>>, vector<1x16xf32>,
        %get3A_1023 = vector.shape_cast %get3A_1022 : vector<1x16xf32> to vector<16xf32>
        %min3A_1024 = arith.minimumf %get3A_1023, %broadcast_in_dim3A_984 : vector<16xf32>
        %add3A_1025 = arith.addf %add3A_965, %min3A_1024 : vector<16xf32>
        %min3A_1026 = arith.minimumf %get3A_1023, %broadcast_in_dim3A_987 : vector<16xf32>
        %add3A_1027 = arith.addf %add3A_967, %min3A_1026 : vector<16xf32>
        %add3A_1028 = arith.addf %add3A_968, %broadcast_in_dim3A_984 : vector<16xf32>
        %add3A_1029 = arith.addf %add3A_969, %broadcast_in_dim3A_987 : vector<16xf32>
        %add3A_1030 = arith.constant 0 : i32
        %add3A_1031 = arith.addi %mul3A_74, %add3A_1030 : i32
        %get3A_1032 = arith.index_cast %add3A_1031 : i32 to index
        %get3A_1033 = arith.index_cast %mul3A_193 : i32 to index
        %get3A_1034 = tpu.vector_load %arg5[%get3A_1032, %get3A_1033] {strides = array<i32>} : memref<32x256xf32, #tpu.memory_space<vmem>>, vector<1x16xf32>,
        %get3A_1035 = vector.shape_cast %get3A_1034 : vector<1x16xf32> to vector<16xf32>
        %add3A_1036 = arith.constant 1 : i32
        %add3A_1037 = arith.addi %mul3A_74, %add3A_1036 : i32
        %get3A_1038 = arith.index_cast %add3A_1037 : i32 to index
        %get3A_1039 = arith.index_cast %mul3A_193 : i32 to index
        %get3A_1040 = tpu.vector_load %arg5[%get3A_1038, %get3A_1039] {strides = array<i32>} : memref<32x256xf32, #tpu.memory_space<vmem>>, vector<1x16xf32>,
        %get3A_1041 = vector.shape_cast %get3A_1040 : vector<1x16xf32> to vector<16xf32>
        %slice3A_1042 = vector.extract_strided_slice %get3A_1035 {offsets = [14], sizes = [1], strides = [1]} : vector<16xf32> to vector<1xf32>
        %squeeze3A_1043 = vector.extract %slice3A_1042[0] : f32 from vector<1xf32>
        %broadcast_in_dim3A_1044 = vector.broadcast %squeeze3A_1043 : f32 to vector<16xf32>
        %slice3A_1045 = vector.extract_strided_slice %get3A_1041 {offsets = [14], sizes = [1], strides = [1]} : vector<16xf32> to vector<1xf32>
        %squeeze3A_1046 = vector.extract %slice3A_1045[0] : f32 from vector<1xf32>
        %broadcast_in_dim3A_1047 = vector.broadcast %squeeze3A_1046 : f32 to vector<16xf32>
        %add3A_1048 = arith.constant 14 : i32
        %add3A_1049 = arith.addi %mul3A_193, %add3A_1048 : i32
        %get3A_1050 = arith.index_cast %add3A_1049 : i32 to index
        %get3A_1051 = arith.constant 64 : index
        %get3A_1052 = tpu.vector_load %arg6[%get3A_1050, %get3A_1051] {strides = array<i32>} : memref<256x128xf32, #tpu.memory_space<vmem>>, vector<1x16xf32>,
        %get3A_1053 = vector.shape_cast %get3A_1052 : vector<1x16xf32> to vector<16xf32>
        %min3A_1054 = arith.minimumf %get3A_1053, %broadcast_in_dim3A_1044 : vector<16xf32>
        %add3A_1055 = arith.addf %add3A_995, %min3A_1054 : vector<16xf32>
        %min3A_1056 = arith.minimumf %get3A_1053, %broadcast_in_dim3A_1047 : vector<16xf32>
        %add3A_1057 = arith.addf %add3A_997, %min3A_1056 : vector<16xf32>
        %add3A_1058 = arith.constant 14 : i32
        %add3A_1059 = arith.addi %mul3A_193, %add3A_1058 : i32
        %get3A_1060 = arith.index_cast %add3A_1059 : i32 to index
        %get3A_1061 = arith.constant 80 : index
        %get3A_1062 = tpu.vector_load %arg6[%get3A_1060, %get3A_1061] {strides = array<i32>} : memref<256x128xf32, #tpu.memory_space<vmem>>, vector<1x16xf32>,
        %get3A_1063 = vector.shape_cast %get3A_1062 : vector<1x16xf32> to vector<16xf32>
        %min3A_1064 = arith.minimumf %get3A_1063, %broadcast_in_dim3A_1044 : vector<16xf32>
        %add3A_1065 = arith.addf %add3A_1005, %min3A_1064 : vector<16xf32>
        %min3A_1066 = arith.minimumf %get3A_1063, %broadcast_in_dim3A_1047 : vector<16xf32>
        %add3A_1067 = arith.addf %add3A_1007, %min3A_1066 : vector<16xf32>
        %add3A_1068 = arith.constant 14 : i32
        %add3A_1069 = arith.addi %mul3A_193, %add3A_1068 : i32
        %get3A_1070 = arith.index_cast %add3A_1069 : i32 to index
        %get3A_1071 = arith.constant 96 : index
        %get3A_1072 = tpu.vector_load %arg6[%get3A_1070, %get3A_1071] {strides = array<i32>} : memref<256x128xf32, #tpu.memory_space<vmem>>, vector<1x16xf32>,
        %get3A_1073 = vector.shape_cast %get3A_1072 : vector<1x16xf32> to vector<16xf32>
        %min3A_1074 = arith.minimumf %get3A_1073, %broadcast_in_dim3A_1044 : vector<16xf32>
        %add3A_1075 = arith.addf %add3A_1015, %min3A_1074 : vector<16xf32>
        %min3A_1076 = arith.minimumf %get3A_1073, %broadcast_in_dim3A_1047 : vector<16xf32>
        %add3A_1077 = arith.addf %add3A_1017, %min3A_1076 : vector<16xf32>
        %add3A_1078 = arith.constant 14 : i32
        %add3A_1079 = arith.addi %mul3A_193, %add3A_1078 : i32
        %get3A_1080 = arith.index_cast %add3A_1079 : i32 to index
        %get3A_1081 = arith.constant 112 : index
        %get3A_1082 = tpu.vector_load %arg6[%get3A_1080, %get3A_1081] {strides = array<i32>} : memref<256x128xf32, #tpu.memory_space<vmem>>, vector<1x16xf32>,
        %get3A_1083 = vector.shape_cast %get3A_1082 : vector<1x16xf32> to vector<16xf32>
        %min3A_1084 = arith.minimumf %get3A_1083, %broadcast_in_dim3A_1044 : vector<16xf32>
        %add3A_1085 = arith.addf %add3A_1025, %min3A_1084 : vector<16xf32>
        %min3A_1086 = arith.minimumf %get3A_1083, %broadcast_in_dim3A_1047 : vector<16xf32>
        %add3A_1087 = arith.addf %add3A_1027, %min3A_1086 : vector<16xf32>
        %add3A_1088 = arith.addf %add3A_1028, %broadcast_in_dim3A_1044 : vector<16xf32>
        %add3A_1089 = arith.addf %add3A_1029, %broadcast_in_dim3A_1047 : vector<16xf32>
        %add3A_1090 = arith.constant 0 : i32
        %add3A_1091 = arith.addi %mul3A_74, %add3A_1090 : i32
        %get3A_1092 = arith.index_cast %add3A_1091 : i32 to index
        %get3A_1093 = arith.index_cast %mul3A_193 : i32 to index
        %get3A_1094 = tpu.vector_load %arg5[%get3A_1092, %get3A_1093] {strides = array<i32>} : memref<32x256xf32, #tpu.memory_space<vmem>>, vector<1x16xf32>,
        %get3A_1095 = vector.shape_cast %get3A_1094 : vector<1x16xf32> to vector<16xf32>
        %add3A_1096 = arith.constant 1 : i32
        %add3A_1097 = arith.addi %mul3A_74, %add3A_1096 : i32
        %get3A_1098 = arith.index_cast %add3A_1097 : i32 to index
        %get3A_1099 = arith.index_cast %mul3A_193 : i32 to index
        %get3A_1100 = tpu.vector_load %arg5[%get3A_1098, %get3A_1099] {strides = array<i32>} : memref<32x256xf32, #tpu.memory_space<vmem>>, vector<1x16xf32>,
        %get3A_1101 = vector.shape_cast %get3A_1100 : vector<1x16xf32> to vector<16xf32>
        %slice3A_1102 = vector.extract_strided_slice %get3A_1095 {offsets = [15], sizes = [1], strides = [1]} : vector<16xf32> to vector<1xf32>
        %squeeze3A_1103 = vector.extract %slice3A_1102[0] : f32 from vector<1xf32>
        %broadcast_in_dim3A_1104 = vector.broadcast %squeeze3A_1103 : f32 to vector<16xf32>
        %slice3A_1105 = vector.extract_strided_slice %get3A_1101 {offsets = [15], sizes = [1], strides = [1]} : vector<16xf32> to vector<1xf32>
        %squeeze3A_1106 = vector.extract %slice3A_1105[0] : f32 from vector<1xf32>
        %broadcast_in_dim3A_1107 = vector.broadcast %squeeze3A_1106 : f32 to vector<16xf32>
        %add3A_1108 = arith.constant 15 : i32
        %add3A_1109 = arith.addi %mul3A_193, %add3A_1108 : i32
        %get3A_1110 = arith.index_cast %add3A_1109 : i32 to index
        %get3A_1111 = arith.constant 64 : index
        %get3A_1112 = tpu.vector_load %arg6[%get3A_1110, %get3A_1111] {strides = array<i32>} : memref<256x128xf32, #tpu.memory_space<vmem>>, vector<1x16xf32>,
        %get3A_1113 = vector.shape_cast %get3A_1112 : vector<1x16xf32> to vector<16xf32>
        %min3A_1114 = arith.minimumf %get3A_1113, %broadcast_in_dim3A_1104 : vector<16xf32>
        %add3A_1115 = arith.addf %add3A_1055, %min3A_1114 : vector<16xf32>
        %min3A_1116 = arith.minimumf %get3A_1113, %broadcast_in_dim3A_1107 : vector<16xf32>
        %add3A_1117 = arith.addf %add3A_1057, %min3A_1116 : vector<16xf32>
        %add3A_1118 = arith.constant 15 : i32
        %add3A_1119 = arith.addi %mul3A_193, %add3A_1118 : i32
        %get3A_1120 = arith.index_cast %add3A_1119 : i32 to index
        %get3A_1121 = arith.constant 80 : index
        %get3A_1122 = tpu.vector_load %arg6[%get3A_1120, %get3A_1121] {strides = array<i32>} : memref<256x128xf32, #tpu.memory_space<vmem>>, vector<1x16xf32>,
        %get3A_1123 = vector.shape_cast %get3A_1122 : vector<1x16xf32> to vector<16xf32>
        %min3A_1124 = arith.minimumf %get3A_1123, %broadcast_in_dim3A_1104 : vector<16xf32>
        %add3A_1125 = arith.addf %add3A_1065, %min3A_1124 : vector<16xf32>
        %min3A_1126 = arith.minimumf %get3A_1123, %broadcast_in_dim3A_1107 : vector<16xf32>
        %add3A_1127 = arith.addf %add3A_1067, %min3A_1126 : vector<16xf32>
        %add3A_1128 = arith.constant 15 : i32
        %add3A_1129 = arith.addi %mul3A_193, %add3A_1128 : i32
        %get3A_1130 = arith.index_cast %add3A_1129 : i32 to index
        %get3A_1131 = arith.constant 96 : index
        %get3A_1132 = tpu.vector_load %arg6[%get3A_1130, %get3A_1131] {strides = array<i32>} : memref<256x128xf32, #tpu.memory_space<vmem>>, vector<1x16xf32>,
        %get3A_1133 = vector.shape_cast %get3A_1132 : vector<1x16xf32> to vector<16xf32>
        %min3A_1134 = arith.minimumf %get3A_1133, %broadcast_in_dim3A_1104 : vector<16xf32>
        %add3A_1135 = arith.addf %add3A_1075, %min3A_1134 : vector<16xf32>
        %min3A_1136 = arith.minimumf %get3A_1133, %broadcast_in_dim3A_1107 : vector<16xf32>
        %add3A_1137 = arith.addf %add3A_1077, %min3A_1136 : vector<16xf32>
        %add3A_1138 = arith.constant 15 : i32
        %add3A_1139 = arith.addi %mul3A_193, %add3A_1138 : i32
        %get3A_1140 = arith.index_cast %add3A_1139 : i32 to index
        %get3A_1141 = arith.constant 112 : index
        %get3A_1142 = tpu.vector_load %arg6[%get3A_1140, %get3A_1141] {strides = array<i32>} : memref<256x128xf32, #tpu.memory_space<vmem>>, vector<1x16xf32>,
        %get3A_1143 = vector.shape_cast %get3A_1142 : vector<1x16xf32> to vector<16xf32>
        %min3A_1144 = arith.minimumf %get3A_1143, %broadcast_in_dim3A_1104 : vector<16xf32>
        %add3A_1145 = arith.addf %add3A_1085, %min3A_1144 : vector<16xf32>
        %min3A_1146 = arith.minimumf %get3A_1143, %broadcast_in_dim3A_1107 : vector<16xf32>
        %add3A_1147 = arith.addf %add3A_1087, %min3A_1146 : vector<16xf32>
        %add3A_1148 = arith.addf %add3A_1088, %broadcast_in_dim3A_1104 : vector<16xf32>
        %add3A_1149 = arith.addf %add3A_1089, %broadcast_in_dim3A_1107 : vector<16xf32>
        scf.yield %add3A_1115, %add3A_1125, %add3A_1135, %add3A_1145, %add3A_1117, %add3A_1127, %add3A_1137, %add3A_1147, %add3A_1148, %add3A_1149 : vector<16xf32>, vector<16xf32>, vector<16xf32>, vector<16xf32>, vector<16xf32>, vector<16xf32>, vector<16xf32>, vector<16xf32>, vector<16xf32>, vector<16xf32>
      }
      %scan3A_100 = arith.constant 16 : i32
      %add3A_101 = arith.addf %scan3A_99#8, %scan3A_51#4 : vector<16xf32>
      %sub3A_102 = arith.subf %add3A_101, %scan3A_99#0 : vector<16xf32>
      %div3A_103 = arith.divf %scan3A_99#0, %sub3A_102 : vector<16xf32>
      %add3A_104 = arith.constant 0 : i32
      %add3A_105 = arith.addi %mul3A_74, %add3A_104 : i32
      %swap3A = arith.index_cast %add3A_105 : i32 to index
      %swap3A_106 = arith.constant 64 : index
      %swap3A_107 = tpu.vector_load %arg7[%swap3A, %swap3A_106] {strides = array<i32>} : memref<32x128xf32, #tpu.memory_space<vmem>>, vector<1x16xf32>,
      %swap3A_108 = vector.shape_cast %swap3A_107 : vector<1x16xf32> to vector<16xf32>
      %swap3A_109 = vector.shape_cast %div3A_103 : vector<16xf32> to vector<1x16xf32>
      tpu.vector_store %arg7[%swap3A, %swap3A_106], %swap3A_109 {strides = array<i32>} : memref<32x128xf32, #tpu.memory_space<vmem>>, vector<1x16xf32>,
      %add3A_110 = arith.addf %scan3A_99#8, %scan3A_51#5 : vector<16xf32>
      %sub3A_111 = arith.subf %add3A_110, %scan3A_99#1 : vector<16xf32>
      %div3A_112 = arith.divf %scan3A_99#1, %sub3A_111 : vector<16xf32>
      %add3A_113 = arith.constant 0 : i32
      %add3A_114 = arith.addi %mul3A_74, %add3A_113 : i32
      %swap3A_115 = arith.index_cast %add3A_114 : i32 to index
      %swap3A_116 = arith.constant 80 : index
      %swap3A_117 = tpu.vector_load %arg7[%swap3A_115, %swap3A_116] {strides = array<i32>} : memref<32x128xf32, #tpu.memory_space<vmem>>, vector<1x16xf32>,
      %swap3A_118 = vector.shape_cast %swap3A_117 : vector<1x16xf32> to vector<16xf32>
      %swap3A_119 = vector.shape_cast %div3A_112 : vector<16xf32> to vector<1x16xf32>
      tpu.vector_store %arg7[%swap3A_115, %swap3A_116], %swap3A_119 {strides = array<i32>} : memref<32x128xf32, #tpu.memory_space<vmem>>, vector<1x16xf32>,
      %add3A_120 = arith.addf %scan3A_99#8, %scan3A_51#6 : vector<16xf32>
      %sub3A_121 = arith.subf %add3A_120, %scan3A_99#2 : vector<16xf32>
      %div3A_122 = arith.divf %scan3A_99#2, %sub3A_121 : vector<16xf32>
      %add3A_123 = arith.constant 0 : i32
      %add3A_124 = arith.addi %mul3A_74, %add3A_123 : i32
      %swap3A_125 = arith.index_cast %add3A_124 : i32 to index
      %swap3A_126 = arith.constant 96 : index
      %swap3A_127 = tpu.vector_load %arg7[%swap3A_125, %swap3A_126] {strides = array<i32>} : memref<32x128xf32, #tpu.memory_space<vmem>>, vector<1x16xf32>,
      %swap3A_128 = vector.shape_cast %swap3A_127 : vector<1x16xf32> to vector<16xf32>
      %swap3A_129 = vector.shape_cast %div3A_122 : vector<16xf32> to vector<1x16xf32>
      tpu.vector_store %arg7[%swap3A_125, %swap3A_126], %swap3A_129 {strides = array<i32>} : memref<32x128xf32, #tpu.memory_space<vmem>>, vector<1x16xf32>,
      %add3A_130 = arith.addf %scan3A_99#8, %scan3A_51#7 : vector<16xf32>
      %sub3A_131 = arith.subf %add3A_130, %scan3A_99#3 : vector<16xf32>
      %div3A_132 = arith.divf %scan3A_99#3, %sub3A_131 : vector<16xf32>
      %add3A_133 = arith.constant 0 : i32
      %add3A_134 = arith.addi %mul3A_74, %add3A_133 : i32
      %swap3A_135 = arith.index_cast %add3A_134 : i32 to index
      %swap3A_136 = arith.constant 112 : index
      %swap3A_137 = tpu.vector_load %arg7[%swap3A_135, %swap3A_136] {strides = array<i32>} : memref<32x128xf32, #tpu.memory_space<vmem>>, vector<1x16xf32>,
      %swap3A_138 = vector.shape_cast %swap3A_137 : vector<1x16xf32> to vector<16xf32>
      %swap3A_139 = vector.shape_cast %div3A_132 : vector<16xf32> to vector<1x16xf32>
      tpu.vector_store %arg7[%swap3A_135, %swap3A_136], %swap3A_139 {strides = array<i32>} : memref<32x128xf32, #tpu.memory_space<vmem>>, vector<1x16xf32>,
      %add3A_140 = arith.addf %scan3A_99#9, %scan3A_51#4 : vector<16xf32>
      %sub3A_141 = arith.subf %add3A_140, %scan3A_99#4 : vector<16xf32>
      %div3A_142 = arith.divf %scan3A_99#4, %sub3A_141 : vector<16xf32>
      %add3A_143 = arith.constant 1 : i32
      %add3A_144 = arith.addi %mul3A_74, %add3A_143 : i32
      %swap3A_145 = arith.index_cast %add3A_144 : i32 to index
      %swap3A_146 = arith.constant 64 : index
      %swap3A_147 = tpu.vector_load %arg7[%swap3A_145, %swap3A_146] {strides = array<i32>} : memref<32x128xf32, #tpu.memory_space<vmem>>, vector<1x16xf32>,
      %swap3A_148 = vector.shape_cast %swap3A_147 : vector<1x16xf32> to vector<16xf32>
      %swap3A_149 = vector.shape_cast %div3A_142 : vector<16xf32> to vector<1x16xf32>
      tpu.vector_store %arg7[%swap3A_145, %swap3A_146], %swap3A_149 {strides = array<i32>} : memref<32x128xf32, #tpu.memory_space<vmem>>, vector<1x16xf32>,
      %add3A_150 = arith.addf %scan3A_99#9, %scan3A_51#5 : vector<16xf32>
      %sub3A_151 = arith.subf %add3A_150, %scan3A_99#5 : vector<16xf32>
      %div3A_152 = arith.divf %scan3A_99#5, %sub3A_151 : vector<16xf32>
      %add3A_153 = arith.constant 1 : i32
      %add3A_154 = arith.addi %mul3A_74, %add3A_153 : i32
      %swap3A_155 = arith.index_cast %add3A_154 : i32 to index
      %swap3A_156 = arith.constant 80 : index
      %swap3A_157 = tpu.vector_load %arg7[%swap3A_155, %swap3A_156] {strides = array<i32>} : memref<32x128xf32, #tpu.memory_space<vmem>>, vector<1x16xf32>,
      %swap3A_158 = vector.shape_cast %swap3A_157 : vector<1x16xf32> to vector<16xf32>
      %swap3A_159 = vector.shape_cast %div3A_152 : vector<16xf32> to vector<1x16xf32>
      tpu.vector_store %arg7[%swap3A_155, %swap3A_156], %swap3A_159 {strides = array<i32>} : memref<32x128xf32, #tpu.memory_space<vmem>>, vector<1x16xf32>,
      %add3A_160 = arith.addf %scan3A_99#9, %scan3A_51#6 : vector<16xf32>
      %sub3A_161 = arith.subf %add3A_160, %scan3A_99#6 : vector<16xf32>
      %div3A_162 = arith.divf %scan3A_99#6, %sub3A_161 : vector<16xf32>
      %add3A_163 = arith.constant 1 : i32
      %add3A_164 = arith.addi %mul3A_74, %add3A_163 : i32
      %swap3A_165 = arith.index_cast %add3A_164 : i32 to index
      %swap3A_166 = arith.constant 96 : index
      %swap3A_167 = tpu.vector_load %arg7[%swap3A_165, %swap3A_166] {strides = array<i32>} : memref<32x128xf32, #tpu.memory_space<vmem>>, vector<1x16xf32>,
      %swap3A_168 = vector.shape_cast %swap3A_167 : vector<1x16xf32> to vector<16xf32>
      %swap3A_169 = vector.shape_cast %div3A_162 : vector<16xf32> to vector<1x16xf32>
      tpu.vector_store %arg7[%swap3A_165, %swap3A_166], %swap3A_169 {strides = array<i32>} : memref<32x128xf32, #tpu.memory_space<vmem>>, vector<1x16xf32>,
      %add3A_170 = arith.addf %scan3A_99#9, %scan3A_51#7 : vector<16xf32>
      %sub3A_171 = arith.subf %add3A_170, %scan3A_99#7 : vector<16xf32>
      %div3A_172 = arith.divf %scan3A_99#7, %sub3A_171 : vector<16xf32>
      %add3A_173 = arith.constant 1 : i32
      %add3A_174 = arith.addi %mul3A_74, %add3A_173 : i32
      %swap3A_175 = arith.index_cast %add3A_174 : i32 to index
      %swap3A_176 = arith.constant 112 : index
      %swap3A_177 = tpu.vector_load %arg7[%swap3A_175, %swap3A_176] {strides = array<i32>} : memref<32x128xf32, #tpu.memory_space<vmem>>, vector<1x16xf32>,
      %swap3A_178 = vector.shape_cast %swap3A_177 : vector<1x16xf32> to vector<16xf32>
      %swap3A_179 = vector.shape_cast %div3A_172 : vector<16xf32> to vector<1x16xf32>
      tpu.vector_store %arg7[%swap3A_175, %swap3A_176], %swap3A_179 {strides = array<i32>} : memref<32x128xf32, #tpu.memory_space<vmem>>, vector<1x16xf32>,
      %scan3A_180 = arith.constant 0 : i32
      scf.yield %scan3A_180 : i32
    }
    %scan3A_66 = arith.constant 16 : i32
    %mul3A_67 = arith.constant 32 : i32
    %mul3A_68 = arith.muli %select_n3A_30, %mul3A_67 : i32
    %mul3A_69 = arith.constant 128 : i32
    %mul3A_70 = arith.muli %select_n3A, %mul3A_69 : i32
    "tpu.region"() ({
      %run_scoped3A = tpu.sem_alloc : memref<!tpu.dma_semaphore, #tpu.memory_space<semaphore_mem>>
      %dma_start3A = tpu.memref_slice %arg4[%mul3A_68, %mul3A_70] : memref<64x2048xf32, #tpu.memory_space<hbm>> -> memref<32x128xf32, #tpu.memory_space<hbm>>
      %dma_start3A_71 = tpu.memref_slice %arg4[%mul3A_68, %mul3A_70] : memref<64x2048xf32, #tpu.memory_space<hbm>> -> memref<32x128xf32, #tpu.memory_space<hbm>>
      tpu.enqueue_dma source(%arg7 : memref<32x128xf32, #tpu.memory_space<vmem>>) target(%dma_start3A_71 : memref<32x128xf32, #tpu.memory_space<hbm>>) target_semaphore(%run_scoped3A : memref<!tpu.dma_semaphore, #tpu.memory_space<semaphore_mem>>)
      %dma_wait3A = tpu.memref_slice %arg4[%mul3A_68, %mul3A_70] : memref<64x2048xf32, #tpu.memory_space<hbm>> -> memref<32x128xf32, #tpu.memory_space<hbm>>
      %dma_wait3A_72 = tpu.memref_slice %arg4[%mul3A_68, %mul3A_70] : memref<64x2048xf32, #tpu.memory_space<hbm>> -> memref<32x128xf32, #tpu.memory_space<hbm>>
      tpu.wait_dma2 semaphore(%run_scoped3A : memref<!tpu.dma_semaphore, #tpu.memory_space<semaphore_mem>>) src(%arg7 : memref<32x128xf32, #tpu.memory_space<vmem>>) dst(%dma_wait3A_72 : memref<32x128xf32, #tpu.memory_space<hbm>>)
      tpu.yield
    }) : () -> ()
    return
  }
}

module attributes {stable_mosaic.version = 14 : i64} {
  func.func @_tc_minsum_body(%arg0: memref<256x64x1xf32, #tpu.memory_space<vmem>>, %arg1: memref<256x2048xf32, #tpu.memory_space<vmem>>, %arg2: memref<64x2048xf32, #tpu.memory_space<vmem>>) attributes {dimension_semantics = [], scalar_prefetch = 0 : i64, scratch_operands = 0 : i64, tpu.core_type = #tpu.core_type<tc>} {
    %broadcast_in_dim3A = arith.constant 0.000000e+00 : f32
    %broadcast_in_dim3A_0 = vector.broadcast %broadcast_in_dim3A : f32 to vector<64x256xf32>
    %broadcast_in_dim3A_1 = arith.constant 0.000000e+00 : f32
    %broadcast_in_dim3A_2 = vector.broadcast %broadcast_in_dim3A_1 : f32 to vector<1x256xf32>
    %broadcast_in_dim3A_3 = arith.constant 0.000000e+00 : f32
    %broadcast_in_dim3A_4 = vector.broadcast %broadcast_in_dim3A_3 : f32 to vector<64x1xf32>
    %scan3A = arith.constant 0 : i32
    %scan3A_5 = arith.constant 32 : i32
    %scan3A_6 = arith.addi %scan3A, %scan3A_5 : i32
    %scan3A_7 = arith.constant 1 : i32
    %scan3A_8:3 = scf.for %scan3A_154 = %scan3A to %scan3A_6 step %scan3A_7 iter_args(%scan3A_155 = %broadcast_in_dim3A_0, %scan3A_156 = %broadcast_in_dim3A_2, %scan3A_157 = %broadcast_in_dim3A_4) -> (vector<64x256xf32>, vector<1x256xf32>, vector<64x1xf32>)  : i32 {
      %mul3A = arith.constant 8 : i32
      %mul3A_158 = arith.muli %scan3A_154, %mul3A : i32
      %get3A = arith.index_cast %mul3A_158 : i32 to index
      %get3A_159 = arith.constant 0 : index
      %get3A_160 = arith.constant 0 : index
      %get3A_161 = vector.load %arg0[%get3A, %get3A_159, %get3A_160] : memref<256x64x1xf32, #tpu.memory_space<vmem>>, vector<8x64x1xf32>
      %get3A_162 = arith.index_cast %mul3A_158 : i32 to index
      %get3A_163 = arith.constant 0 : index
      %get3A_164 = vector.load %arg1[%get3A_162, %get3A_163] : memref<256x2048xf32, #tpu.memory_space<vmem>>, vector<8x256xf32>
      %slice3A = vector.extract_strided_slice %get3A_161 {offsets = [0, 0, 0], sizes = [1, 64, 1], strides = [1, 1, 1]} : vector<8x64x1xf32> to vector<1x64x1xf32>
      %squeeze3A = vector.shape_cast %slice3A : vector<1x64x1xf32> to vector<64x1xf32>
      %slice3A_165 = vector.extract_strided_slice %get3A_164 {offsets = [0, 0], sizes = [1, 256], strides = [1, 1]} : vector<8x256xf32> to vector<1x256xf32>
      %min3A = vector.broadcast %squeeze3A : vector<64x1xf32> to vector<64x256xf32>
      %min3A_166 = vector.broadcast %slice3A_165 : vector<1x256xf32> to vector<64x256xf32>
      %min3A_167 = arith.minimumf %min3A, %min3A_166 : vector<64x256xf32>
      %add3A_168 = arith.addf %scan3A_155, %min3A_167 : vector<64x256xf32>
      %add3A_169 = arith.addf %scan3A_156, %slice3A_165 : vector<1x256xf32>
      %add3A_170 = arith.addf %scan3A_157, %squeeze3A : vector<64x1xf32>
      %slice3A_171 = vector.extract_strided_slice %get3A_161 {offsets = [1, 0, 0], sizes = [1, 64, 1], strides = [1, 1, 1]} : vector<8x64x1xf32> to vector<1x64x1xf32>
      %squeeze3A_172 = vector.shape_cast %slice3A_171 : vector<1x64x1xf32> to vector<64x1xf32>
      %slice3A_173 = vector.extract_strided_slice %get3A_164 {offsets = [1, 0], sizes = [1, 256], strides = [1, 1]} : vector<8x256xf32> to vector<1x256xf32>
      %min3A_174 = vector.broadcast %squeeze3A_172 : vector<64x1xf32> to vector<64x256xf32>
      %min3A_175 = vector.broadcast %slice3A_173 : vector<1x256xf32> to vector<64x256xf32>
      %min3A_176 = arith.minimumf %min3A_174, %min3A_175 : vector<64x256xf32>
      %add3A_177 = arith.addf %add3A_168, %min3A_176 : vector<64x256xf32>
      %add3A_178 = arith.addf %add3A_169, %slice3A_173 : vector<1x256xf32>
      %add3A_179 = arith.addf %add3A_170, %squeeze3A_172 : vector<64x1xf32>
      %slice3A_180 = vector.extract_strided_slice %get3A_161 {offsets = [2, 0, 0], sizes = [1, 64, 1], strides = [1, 1, 1]} : vector<8x64x1xf32> to vector<1x64x1xf32>
      %squeeze3A_181 = vector.shape_cast %slice3A_180 : vector<1x64x1xf32> to vector<64x1xf32>
      %slice3A_182 = vector.extract_strided_slice %get3A_164 {offsets = [2, 0], sizes = [1, 256], strides = [1, 1]} : vector<8x256xf32> to vector<1x256xf32>
      %min3A_183 = vector.broadcast %squeeze3A_181 : vector<64x1xf32> to vector<64x256xf32>
      %min3A_184 = vector.broadcast %slice3A_182 : vector<1x256xf32> to vector<64x256xf32>
      %min3A_185 = arith.minimumf %min3A_183, %min3A_184 : vector<64x256xf32>
      %add3A_186 = arith.addf %add3A_177, %min3A_185 : vector<64x256xf32>
      %add3A_187 = arith.addf %add3A_178, %slice3A_182 : vector<1x256xf32>
      %add3A_188 = arith.addf %add3A_179, %squeeze3A_181 : vector<64x1xf32>
      %slice3A_189 = vector.extract_strided_slice %get3A_161 {offsets = [3, 0, 0], sizes = [1, 64, 1], strides = [1, 1, 1]} : vector<8x64x1xf32> to vector<1x64x1xf32>
      %squeeze3A_190 = vector.shape_cast %slice3A_189 : vector<1x64x1xf32> to vector<64x1xf32>
      %slice3A_191 = vector.extract_strided_slice %get3A_164 {offsets = [3, 0], sizes = [1, 256], strides = [1, 1]} : vector<8x256xf32> to vector<1x256xf32>
      %min3A_192 = vector.broadcast %squeeze3A_190 : vector<64x1xf32> to vector<64x256xf32>
      %min3A_193 = vector.broadcast %slice3A_191 : vector<1x256xf32> to vector<64x256xf32>
      %min3A_194 = arith.minimumf %min3A_192, %min3A_193 : vector<64x256xf32>
      %add3A_195 = arith.addf %add3A_186, %min3A_194 : vector<64x256xf32>
      %add3A_196 = arith.addf %add3A_187, %slice3A_191 : vector<1x256xf32>
      %add3A_197 = arith.addf %add3A_188, %squeeze3A_190 : vector<64x1xf32>
      %slice3A_198 = vector.extract_strided_slice %get3A_161 {offsets = [4, 0, 0], sizes = [1, 64, 1], strides = [1, 1, 1]} : vector<8x64x1xf32> to vector<1x64x1xf32>
      %squeeze3A_199 = vector.shape_cast %slice3A_198 : vector<1x64x1xf32> to vector<64x1xf32>
      %slice3A_200 = vector.extract_strided_slice %get3A_164 {offsets = [4, 0], sizes = [1, 256], strides = [1, 1]} : vector<8x256xf32> to vector<1x256xf32>
      %min3A_201 = vector.broadcast %squeeze3A_199 : vector<64x1xf32> to vector<64x256xf32>
      %min3A_202 = vector.broadcast %slice3A_200 : vector<1x256xf32> to vector<64x256xf32>
      %min3A_203 = arith.minimumf %min3A_201, %min3A_202 : vector<64x256xf32>
      %add3A_204 = arith.addf %add3A_195, %min3A_203 : vector<64x256xf32>
      %add3A_205 = arith.addf %add3A_196, %slice3A_200 : vector<1x256xf32>
      %add3A_206 = arith.addf %add3A_197, %squeeze3A_199 : vector<64x1xf32>
      %slice3A_207 = vector.extract_strided_slice %get3A_161 {offsets = [5, 0, 0], sizes = [1, 64, 1], strides = [1, 1, 1]} : vector<8x64x1xf32> to vector<1x64x1xf32>
      %squeeze3A_208 = vector.shape_cast %slice3A_207 : vector<1x64x1xf32> to vector<64x1xf32>
      %slice3A_209 = vector.extract_strided_slice %get3A_164 {offsets = [5, 0], sizes = [1, 256], strides = [1, 1]} : vector<8x256xf32> to vector<1x256xf32>
      %min3A_210 = vector.broadcast %squeeze3A_208 : vector<64x1xf32> to vector<64x256xf32>
      %min3A_211 = vector.broadcast %slice3A_209 : vector<1x256xf32> to vector<64x256xf32>
      %min3A_212 = arith.minimumf %min3A_210, %min3A_211 : vector<64x256xf32>
      %add3A_213 = arith.addf %add3A_204, %min3A_212 : vector<64x256xf32>
      %add3A_214 = arith.addf %add3A_205, %slice3A_209 : vector<1x256xf32>
      %add3A_215 = arith.addf %add3A_206, %squeeze3A_208 : vector<64x1xf32>
      %slice3A_216 = vector.extract_strided_slice %get3A_161 {offsets = [6, 0, 0], sizes = [1, 64, 1], strides = [1, 1, 1]} : vector<8x64x1xf32> to vector<1x64x1xf32>
      %squeeze3A_217 = vector.shape_cast %slice3A_216 : vector<1x64x1xf32> to vector<64x1xf32>
      %slice3A_218 = vector.extract_strided_slice %get3A_164 {offsets = [6, 0], sizes = [1, 256], strides = [1, 1]} : vector<8x256xf32> to vector<1x256xf32>
      %min3A_219 = vector.broadcast %squeeze3A_217 : vector<64x1xf32> to vector<64x256xf32>
      %min3A_220 = vector.broadcast %slice3A_218 : vector<1x256xf32> to vector<64x256xf32>
      %min3A_221 = arith.minimumf %min3A_219, %min3A_220 : vector<64x256xf32>
      %add3A_222 = arith.addf %add3A_213, %min3A_221 : vector<64x256xf32>
      %add3A_223 = arith.addf %add3A_214, %slice3A_218 : vector<1x256xf32>
      %add3A_224 = arith.addf %add3A_215, %squeeze3A_217 : vector<64x1xf32>
      %slice3A_225 = vector.extract_strided_slice %get3A_161 {offsets = [7, 0, 0], sizes = [1, 64, 1], strides = [1, 1, 1]} : vector<8x64x1xf32> to vector<1x64x1xf32>
      %squeeze3A_226 = vector.shape_cast %slice3A_225 : vector<1x64x1xf32> to vector<64x1xf32>
      %slice3A_227 = vector.extract_strided_slice %get3A_164 {offsets = [7, 0], sizes = [1, 256], strides = [1, 1]} : vector<8x256xf32> to vector<1x256xf32>
      %min3A_228 = vector.broadcast %squeeze3A_226 : vector<64x1xf32> to vector<64x256xf32>
      %min3A_229 = vector.broadcast %slice3A_227 : vector<1x256xf32> to vector<64x256xf32>
      %min3A_230 = arith.minimumf %min3A_228, %min3A_229 : vector<64x256xf32>
      %add3A_231 = arith.addf %add3A_222, %min3A_230 : vector<64x256xf32>
      %add3A_232 = arith.addf %add3A_223, %slice3A_227 : vector<1x256xf32>
      %add3A_233 = arith.addf %add3A_224, %squeeze3A_226 : vector<64x1xf32>
      scf.yield %add3A_231, %add3A_232, %add3A_233 : vector<64x256xf32>, vector<1x256xf32>, vector<64x1xf32>
    }
    %scan3A_9 = arith.constant 32 : i32
    %add3A = vector.broadcast %scan3A_8#2 : vector<64x1xf32> to vector<64x256xf32>
    %add3A_10 = vector.broadcast %scan3A_8#1 : vector<1x256xf32> to vector<64x256xf32>
    %add3A_11 = arith.addf %add3A, %add3A_10 : vector<64x256xf32>
    %sub3A = arith.subf %add3A_11, %scan3A_8#0 : vector<64x256xf32>
    %div3A = arith.divf %scan3A_8#0, %sub3A : vector<64x256xf32>
    %swap3A = arith.constant 0 : index
    %swap3A_12 = arith.constant 0 : index
    %swap3A_13 = vector.load %arg2[%swap3A, %swap3A_12] : memref<64x2048xf32, #tpu.memory_space<vmem>>, vector<64x256xf32>
    tpu.vector_store %arg2[%swap3A, %swap3A_12], %div3A {strides = array<i32>} : memref<64x2048xf32, #tpu.memory_space<vmem>>, vector<64x256xf32>,
    %broadcast_in_dim3A_14 = arith.constant 0.000000e+00 : f32
    %broadcast_in_dim3A_15 = vector.broadcast %broadcast_in_dim3A_14 : f32 to vector<64x256xf32>
    %broadcast_in_dim3A_16 = arith.constant 0.000000e+00 : f32
    %broadcast_in_dim3A_17 = vector.broadcast %broadcast_in_dim3A_16 : f32 to vector<1x256xf32>
    %broadcast_in_dim3A_18 = arith.constant 0.000000e+00 : f32
    %broadcast_in_dim3A_19 = vector.broadcast %broadcast_in_dim3A_18 : f32 to vector<64x1xf32>
    %scan3A_20 = arith.constant 0 : i32
    %scan3A_21 = arith.constant 32 : i32
    %scan3A_22 = arith.addi %scan3A_20, %scan3A_21 : i32
    %scan3A_23 = arith.constant 1 : i32
    %scan3A_24:3 = scf.for %scan3A_154 = %scan3A_20 to %scan3A_22 step %scan3A_23 iter_args(%scan3A_155 = %broadcast_in_dim3A_15, %scan3A_156 = %broadcast_in_dim3A_17, %scan3A_157 = %broadcast_in_dim3A_19) -> (vector<64x256xf32>, vector<1x256xf32>, vector<64x1xf32>)  : i32 {
      %mul3A = arith.constant 8 : i32
      %mul3A_158 = arith.muli %scan3A_154, %mul3A : i32
      %get3A = arith.index_cast %mul3A_158 : i32 to index
      %get3A_159 = arith.constant 0 : index
      %get3A_160 = arith.constant 0 : index
      %get3A_161 = vector.load %arg0[%get3A, %get3A_159, %get3A_160] : memref<256x64x1xf32, #tpu.memory_space<vmem>>, vector<8x64x1xf32>
      %get3A_162 = arith.index_cast %mul3A_158 : i32 to index
      %get3A_163 = arith.constant 256 : index
      %get3A_164 = vector.load %arg1[%get3A_162, %get3A_163] : memref<256x2048xf32, #tpu.memory_space<vmem>>, vector<8x256xf32>
      %slice3A = vector.extract_strided_slice %get3A_161 {offsets = [0, 0, 0], sizes = [1, 64, 1], strides = [1, 1, 1]} : vector<8x64x1xf32> to vector<1x64x1xf32>
      %squeeze3A = vector.shape_cast %slice3A : vector<1x64x1xf32> to vector<64x1xf32>
      %slice3A_165 = vector.extract_strided_slice %get3A_164 {offsets = [0, 0], sizes = [1, 256], strides = [1, 1]} : vector<8x256xf32> to vector<1x256xf32>
      %min3A = vector.broadcast %squeeze3A : vector<64x1xf32> to vector<64x256xf32>
      %min3A_166 = vector.broadcast %slice3A_165 : vector<1x256xf32> to vector<64x256xf32>
      %min3A_167 = arith.minimumf %min3A, %min3A_166 : vector<64x256xf32>
      %add3A_168 = arith.addf %scan3A_155, %min3A_167 : vector<64x256xf32>
      %add3A_169 = arith.addf %scan3A_156, %slice3A_165 : vector<1x256xf32>
      %add3A_170 = arith.addf %scan3A_157, %squeeze3A : vector<64x1xf32>
      %slice3A_171 = vector.extract_strided_slice %get3A_161 {offsets = [1, 0, 0], sizes = [1, 64, 1], strides = [1, 1, 1]} : vector<8x64x1xf32> to vector<1x64x1xf32>
      %squeeze3A_172 = vector.shape_cast %slice3A_171 : vector<1x64x1xf32> to vector<64x1xf32>
      %slice3A_173 = vector.extract_strided_slice %get3A_164 {offsets = [1, 0], sizes = [1, 256], strides = [1, 1]} : vector<8x256xf32> to vector<1x256xf32>
      %min3A_174 = vector.broadcast %squeeze3A_172 : vector<64x1xf32> to vector<64x256xf32>
      %min3A_175 = vector.broadcast %slice3A_173 : vector<1x256xf32> to vector<64x256xf32>
      %min3A_176 = arith.minimumf %min3A_174, %min3A_175 : vector<64x256xf32>
      %add3A_177 = arith.addf %add3A_168, %min3A_176 : vector<64x256xf32>
      %add3A_178 = arith.addf %add3A_169, %slice3A_173 : vector<1x256xf32>
      %add3A_179 = arith.addf %add3A_170, %squeeze3A_172 : vector<64x1xf32>
      %slice3A_180 = vector.extract_strided_slice %get3A_161 {offsets = [2, 0, 0], sizes = [1, 64, 1], strides = [1, 1, 1]} : vector<8x64x1xf32> to vector<1x64x1xf32>
      %squeeze3A_181 = vector.shape_cast %slice3A_180 : vector<1x64x1xf32> to vector<64x1xf32>
      %slice3A_182 = vector.extract_strided_slice %get3A_164 {offsets = [2, 0], sizes = [1, 256], strides = [1, 1]} : vector<8x256xf32> to vector<1x256xf32>
      %min3A_183 = vector.broadcast %squeeze3A_181 : vector<64x1xf32> to vector<64x256xf32>
      %min3A_184 = vector.broadcast %slice3A_182 : vector<1x256xf32> to vector<64x256xf32>
      %min3A_185 = arith.minimumf %min3A_183, %min3A_184 : vector<64x256xf32>
      %add3A_186 = arith.addf %add3A_177, %min3A_185 : vector<64x256xf32>
      %add3A_187 = arith.addf %add3A_178, %slice3A_182 : vector<1x256xf32>
      %add3A_188 = arith.addf %add3A_179, %squeeze3A_181 : vector<64x1xf32>
      %slice3A_189 = vector.extract_strided_slice %get3A_161 {offsets = [3, 0, 0], sizes = [1, 64, 1], strides = [1, 1, 1]} : vector<8x64x1xf32> to vector<1x64x1xf32>
      %squeeze3A_190 = vector.shape_cast %slice3A_189 : vector<1x64x1xf32> to vector<64x1xf32>
      %slice3A_191 = vector.extract_strided_slice %get3A_164 {offsets = [3, 0], sizes = [1, 256], strides = [1, 1]} : vector<8x256xf32> to vector<1x256xf32>
      %min3A_192 = vector.broadcast %squeeze3A_190 : vector<64x1xf32> to vector<64x256xf32>
      %min3A_193 = vector.broadcast %slice3A_191 : vector<1x256xf32> to vector<64x256xf32>
      %min3A_194 = arith.minimumf %min3A_192, %min3A_193 : vector<64x256xf32>
      %add3A_195 = arith.addf %add3A_186, %min3A_194 : vector<64x256xf32>
      %add3A_196 = arith.addf %add3A_187, %slice3A_191 : vector<1x256xf32>
      %add3A_197 = arith.addf %add3A_188, %squeeze3A_190 : vector<64x1xf32>
      %slice3A_198 = vector.extract_strided_slice %get3A_161 {offsets = [4, 0, 0], sizes = [1, 64, 1], strides = [1, 1, 1]} : vector<8x64x1xf32> to vector<1x64x1xf32>
      %squeeze3A_199 = vector.shape_cast %slice3A_198 : vector<1x64x1xf32> to vector<64x1xf32>
      %slice3A_200 = vector.extract_strided_slice %get3A_164 {offsets = [4, 0], sizes = [1, 256], strides = [1, 1]} : vector<8x256xf32> to vector<1x256xf32>
      %min3A_201 = vector.broadcast %squeeze3A_199 : vector<64x1xf32> to vector<64x256xf32>
      %min3A_202 = vector.broadcast %slice3A_200 : vector<1x256xf32> to vector<64x256xf32>
      %min3A_203 = arith.minimumf %min3A_201, %min3A_202 : vector<64x256xf32>
      %add3A_204 = arith.addf %add3A_195, %min3A_203 : vector<64x256xf32>
      %add3A_205 = arith.addf %add3A_196, %slice3A_200 : vector<1x256xf32>
      %add3A_206 = arith.addf %add3A_197, %squeeze3A_199 : vector<64x1xf32>
      %slice3A_207 = vector.extract_strided_slice %get3A_161 {offsets = [5, 0, 0], sizes = [1, 64, 1], strides = [1, 1, 1]} : vector<8x64x1xf32> to vector<1x64x1xf32>
      %squeeze3A_208 = vector.shape_cast %slice3A_207 : vector<1x64x1xf32> to vector<64x1xf32>
      %slice3A_209 = vector.extract_strided_slice %get3A_164 {offsets = [5, 0], sizes = [1, 256], strides = [1, 1]} : vector<8x256xf32> to vector<1x256xf32>
      %min3A_210 = vector.broadcast %squeeze3A_208 : vector<64x1xf32> to vector<64x256xf32>
      %min3A_211 = vector.broadcast %slice3A_209 : vector<1x256xf32> to vector<64x256xf32>
      %min3A_212 = arith.minimumf %min3A_210, %min3A_211 : vector<64x256xf32>
      %add3A_213 = arith.addf %add3A_204, %min3A_212 : vector<64x256xf32>
      %add3A_214 = arith.addf %add3A_205, %slice3A_209 : vector<1x256xf32>
      %add3A_215 = arith.addf %add3A_206, %squeeze3A_208 : vector<64x1xf32>
      %slice3A_216 = vector.extract_strided_slice %get3A_161 {offsets = [6, 0, 0], sizes = [1, 64, 1], strides = [1, 1, 1]} : vector<8x64x1xf32> to vector<1x64x1xf32>
      %squeeze3A_217 = vector.shape_cast %slice3A_216 : vector<1x64x1xf32> to vector<64x1xf32>
      %slice3A_218 = vector.extract_strided_slice %get3A_164 {offsets = [6, 0], sizes = [1, 256], strides = [1, 1]} : vector<8x256xf32> to vector<1x256xf32>
      %min3A_219 = vector.broadcast %squeeze3A_217 : vector<64x1xf32> to vector<64x256xf32>
      %min3A_220 = vector.broadcast %slice3A_218 : vector<1x256xf32> to vector<64x256xf32>
      %min3A_221 = arith.minimumf %min3A_219, %min3A_220 : vector<64x256xf32>
      %add3A_222 = arith.addf %add3A_213, %min3A_221 : vector<64x256xf32>
      %add3A_223 = arith.addf %add3A_214, %slice3A_218 : vector<1x256xf32>
      %add3A_224 = arith.addf %add3A_215, %squeeze3A_217 : vector<64x1xf32>
      %slice3A_225 = vector.extract_strided_slice %get3A_161 {offsets = [7, 0, 0], sizes = [1, 64, 1], strides = [1, 1, 1]} : vector<8x64x1xf32> to vector<1x64x1xf32>
      %squeeze3A_226 = vector.shape_cast %slice3A_225 : vector<1x64x1xf32> to vector<64x1xf32>
      %slice3A_227 = vector.extract_strided_slice %get3A_164 {offsets = [7, 0], sizes = [1, 256], strides = [1, 1]} : vector<8x256xf32> to vector<1x256xf32>
      %min3A_228 = vector.broadcast %squeeze3A_226 : vector<64x1xf32> to vector<64x256xf32>
      %min3A_229 = vector.broadcast %slice3A_227 : vector<1x256xf32> to vector<64x256xf32>
      %min3A_230 = arith.minimumf %min3A_228, %min3A_229 : vector<64x256xf32>
      %add3A_231 = arith.addf %add3A_222, %min3A_230 : vector<64x256xf32>
      %add3A_232 = arith.addf %add3A_223, %slice3A_227 : vector<1x256xf32>
      %add3A_233 = arith.addf %add3A_224, %squeeze3A_226 : vector<64x1xf32>
      scf.yield %add3A_231, %add3A_232, %add3A_233 : vector<64x256xf32>, vector<1x256xf32>, vector<64x1xf32>
    }
    %scan3A_25 = arith.constant 32 : i32
    %add3A_26 = vector.broadcast %scan3A_24#2 : vector<64x1xf32> to vector<64x256xf32>
    %add3A_27 = vector.broadcast %scan3A_24#1 : vector<1x256xf32> to vector<64x256xf32>
    %add3A_28 = arith.addf %add3A_26, %add3A_27 : vector<64x256xf32>
    %sub3A_29 = arith.subf %add3A_28, %scan3A_24#0 : vector<64x256xf32>
    %div3A_30 = arith.divf %scan3A_24#0, %sub3A_29 : vector<64x256xf32>
    %swap3A_31 = arith.constant 0 : index
    %swap3A_32 = arith.constant 256 : index
    %swap3A_33 = vector.load %arg2[%swap3A_31, %swap3A_32] : memref<64x2048xf32, #tpu.memory_space<vmem>>, vector<64x256xf32>
    tpu.vector_store %arg2[%swap3A_31, %swap3A_32], %div3A_30 {strides = array<i32>} : memref<64x2048xf32, #tpu.memory_space<vmem>>, vector<64x256xf32>,
    %broadcast_in_dim3A_34 = arith.constant 0.000000e+00 : f32
    %broadcast_in_dim3A_35 = vector.broadcast %broadcast_in_dim3A_34 : f32 to vector<64x256xf32>
    %broadcast_in_dim3A_36 = arith.constant 0.000000e+00 : f32
    %broadcast_in_dim3A_37 = vector.broadcast %broadcast_in_dim3A_36 : f32 to vector<1x256xf32>
    %broadcast_in_dim3A_38 = arith.constant 0.000000e+00 : f32
    %broadcast_in_dim3A_39 = vector.broadcast %broadcast_in_dim3A_38 : f32 to vector<64x1xf32>
    %scan3A_40 = arith.constant 0 : i32
    %scan3A_41 = arith.constant 32 : i32
    %scan3A_42 = arith.addi %scan3A_40, %scan3A_41 : i32
    %scan3A_43 = arith.constant 1 : i32
    %scan3A_44:3 = scf.for %scan3A_154 = %scan3A_40 to %scan3A_42 step %scan3A_43 iter_args(%scan3A_155 = %broadcast_in_dim3A_35, %scan3A_156 = %broadcast_in_dim3A_37, %scan3A_157 = %broadcast_in_dim3A_39) -> (vector<64x256xf32>, vector<1x256xf32>, vector<64x1xf32>)  : i32 {
      %mul3A = arith.constant 8 : i32
      %mul3A_158 = arith.muli %scan3A_154, %mul3A : i32
      %get3A = arith.index_cast %mul3A_158 : i32 to index
      %get3A_159 = arith.constant 0 : index
      %get3A_160 = arith.constant 0 : index
      %get3A_161 = vector.load %arg0[%get3A, %get3A_159, %get3A_160] : memref<256x64x1xf32, #tpu.memory_space<vmem>>, vector<8x64x1xf32>
      %get3A_162 = arith.index_cast %mul3A_158 : i32 to index
      %get3A_163 = arith.constant 512 : index
      %get3A_164 = vector.load %arg1[%get3A_162, %get3A_163] : memref<256x2048xf32, #tpu.memory_space<vmem>>, vector<8x256xf32>
      %slice3A = vector.extract_strided_slice %get3A_161 {offsets = [0, 0, 0], sizes = [1, 64, 1], strides = [1, 1, 1]} : vector<8x64x1xf32> to vector<1x64x1xf32>
      %squeeze3A = vector.shape_cast %slice3A : vector<1x64x1xf32> to vector<64x1xf32>
      %slice3A_165 = vector.extract_strided_slice %get3A_164 {offsets = [0, 0], sizes = [1, 256], strides = [1, 1]} : vector<8x256xf32> to vector<1x256xf32>
      %min3A = vector.broadcast %squeeze3A : vector<64x1xf32> to vector<64x256xf32>
      %min3A_166 = vector.broadcast %slice3A_165 : vector<1x256xf32> to vector<64x256xf32>
      %min3A_167 = arith.minimumf %min3A, %min3A_166 : vector<64x256xf32>
      %add3A_168 = arith.addf %scan3A_155, %min3A_167 : vector<64x256xf32>
      %add3A_169 = arith.addf %scan3A_156, %slice3A_165 : vector<1x256xf32>
      %add3A_170 = arith.addf %scan3A_157, %squeeze3A : vector<64x1xf32>
      %slice3A_171 = vector.extract_strided_slice %get3A_161 {offsets = [1, 0, 0], sizes = [1, 64, 1], strides = [1, 1, 1]} : vector<8x64x1xf32> to vector<1x64x1xf32>
      %squeeze3A_172 = vector.shape_cast %slice3A_171 : vector<1x64x1xf32> to vector<64x1xf32>
      %slice3A_173 = vector.extract_strided_slice %get3A_164 {offsets = [1, 0], sizes = [1, 256], strides = [1, 1]} : vector<8x256xf32> to vector<1x256xf32>
      %min3A_174 = vector.broadcast %squeeze3A_172 : vector<64x1xf32> to vector<64x256xf32>
      %min3A_175 = vector.broadcast %slice3A_173 : vector<1x256xf32> to vector<64x256xf32>
      %min3A_176 = arith.minimumf %min3A_174, %min3A_175 : vector<64x256xf32>
      %add3A_177 = arith.addf %add3A_168, %min3A_176 : vector<64x256xf32>
      %add3A_178 = arith.addf %add3A_169, %slice3A_173 : vector<1x256xf32>
      %add3A_179 = arith.addf %add3A_170, %squeeze3A_172 : vector<64x1xf32>
      %slice3A_180 = vector.extract_strided_slice %get3A_161 {offsets = [2, 0, 0], sizes = [1, 64, 1], strides = [1, 1, 1]} : vector<8x64x1xf32> to vector<1x64x1xf32>
      %squeeze3A_181 = vector.shape_cast %slice3A_180 : vector<1x64x1xf32> to vector<64x1xf32>
      %slice3A_182 = vector.extract_strided_slice %get3A_164 {offsets = [2, 0], sizes = [1, 256], strides = [1, 1]} : vector<8x256xf32> to vector<1x256xf32>
      %min3A_183 = vector.broadcast %squeeze3A_181 : vector<64x1xf32> to vector<64x256xf32>
      %min3A_184 = vector.broadcast %slice3A_182 : vector<1x256xf32> to vector<64x256xf32>
      %min3A_185 = arith.minimumf %min3A_183, %min3A_184 : vector<64x256xf32>
      %add3A_186 = arith.addf %add3A_177, %min3A_185 : vector<64x256xf32>
      %add3A_187 = arith.addf %add3A_178, %slice3A_182 : vector<1x256xf32>
      %add3A_188 = arith.addf %add3A_179, %squeeze3A_181 : vector<64x1xf32>
      %slice3A_189 = vector.extract_strided_slice %get3A_161 {offsets = [3, 0, 0], sizes = [1, 64, 1], strides = [1, 1, 1]} : vector<8x64x1xf32> to vector<1x64x1xf32>
      %squeeze3A_190 = vector.shape_cast %slice3A_189 : vector<1x64x1xf32> to vector<64x1xf32>
      %slice3A_191 = vector.extract_strided_slice %get3A_164 {offsets = [3, 0], sizes = [1, 256], strides = [1, 1]} : vector<8x256xf32> to vector<1x256xf32>
      %min3A_192 = vector.broadcast %squeeze3A_190 : vector<64x1xf32> to vector<64x256xf32>
      %min3A_193 = vector.broadcast %slice3A_191 : vector<1x256xf32> to vector<64x256xf32>
      %min3A_194 = arith.minimumf %min3A_192, %min3A_193 : vector<64x256xf32>
      %add3A_195 = arith.addf %add3A_186, %min3A_194 : vector<64x256xf32>
      %add3A_196 = arith.addf %add3A_187, %slice3A_191 : vector<1x256xf32>
      %add3A_197 = arith.addf %add3A_188, %squeeze3A_190 : vector<64x1xf32>
      %slice3A_198 = vector.extract_strided_slice %get3A_161 {offsets = [4, 0, 0], sizes = [1, 64, 1], strides = [1, 1, 1]} : vector<8x64x1xf32> to vector<1x64x1xf32>
      %squeeze3A_199 = vector.shape_cast %slice3A_198 : vector<1x64x1xf32> to vector<64x1xf32>
      %slice3A_200 = vector.extract_strided_slice %get3A_164 {offsets = [4, 0], sizes = [1, 256], strides = [1, 1]} : vector<8x256xf32> to vector<1x256xf32>
      %min3A_201 = vector.broadcast %squeeze3A_199 : vector<64x1xf32> to vector<64x256xf32>
      %min3A_202 = vector.broadcast %slice3A_200 : vector<1x256xf32> to vector<64x256xf32>
      %min3A_203 = arith.minimumf %min3A_201, %min3A_202 : vector<64x256xf32>
      %add3A_204 = arith.addf %add3A_195, %min3A_203 : vector<64x256xf32>
      %add3A_205 = arith.addf %add3A_196, %slice3A_200 : vector<1x256xf32>
      %add3A_206 = arith.addf %add3A_197, %squeeze3A_199 : vector<64x1xf32>
      %slice3A_207 = vector.extract_strided_slice %get3A_161 {offsets = [5, 0, 0], sizes = [1, 64, 1], strides = [1, 1, 1]} : vector<8x64x1xf32> to vector<1x64x1xf32>
      %squeeze3A_208 = vector.shape_cast %slice3A_207 : vector<1x64x1xf32> to vector<64x1xf32>
      %slice3A_209 = vector.extract_strided_slice %get3A_164 {offsets = [5, 0], sizes = [1, 256], strides = [1, 1]} : vector<8x256xf32> to vector<1x256xf32>
      %min3A_210 = vector.broadcast %squeeze3A_208 : vector<64x1xf32> to vector<64x256xf32>
      %min3A_211 = vector.broadcast %slice3A_209 : vector<1x256xf32> to vector<64x256xf32>
      %min3A_212 = arith.minimumf %min3A_210, %min3A_211 : vector<64x256xf32>
      %add3A_213 = arith.addf %add3A_204, %min3A_212 : vector<64x256xf32>
      %add3A_214 = arith.addf %add3A_205, %slice3A_209 : vector<1x256xf32>
      %add3A_215 = arith.addf %add3A_206, %squeeze3A_208 : vector<64x1xf32>
      %slice3A_216 = vector.extract_strided_slice %get3A_161 {offsets = [6, 0, 0], sizes = [1, 64, 1], strides = [1, 1, 1]} : vector<8x64x1xf32> to vector<1x64x1xf32>
      %squeeze3A_217 = vector.shape_cast %slice3A_216 : vector<1x64x1xf32> to vector<64x1xf32>
      %slice3A_218 = vector.extract_strided_slice %get3A_164 {offsets = [6, 0], sizes = [1, 256], strides = [1, 1]} : vector<8x256xf32> to vector<1x256xf32>
      %min3A_219 = vector.broadcast %squeeze3A_217 : vector<64x1xf32> to vector<64x256xf32>
      %min3A_220 = vector.broadcast %slice3A_218 : vector<1x256xf32> to vector<64x256xf32>
      %min3A_221 = arith.minimumf %min3A_219, %min3A_220 : vector<64x256xf32>
      %add3A_222 = arith.addf %add3A_213, %min3A_221 : vector<64x256xf32>
      %add3A_223 = arith.addf %add3A_214, %slice3A_218 : vector<1x256xf32>
      %add3A_224 = arith.addf %add3A_215, %squeeze3A_217 : vector<64x1xf32>
      %slice3A_225 = vector.extract_strided_slice %get3A_161 {offsets = [7, 0, 0], sizes = [1, 64, 1], strides = [1, 1, 1]} : vector<8x64x1xf32> to vector<1x64x1xf32>
      %squeeze3A_226 = vector.shape_cast %slice3A_225 : vector<1x64x1xf32> to vector<64x1xf32>
      %slice3A_227 = vector.extract_strided_slice %get3A_164 {offsets = [7, 0], sizes = [1, 256], strides = [1, 1]} : vector<8x256xf32> to vector<1x256xf32>
      %min3A_228 = vector.broadcast %squeeze3A_226 : vector<64x1xf32> to vector<64x256xf32>
      %min3A_229 = vector.broadcast %slice3A_227 : vector<1x256xf32> to vector<64x256xf32>
      %min3A_230 = arith.minimumf %min3A_228, %min3A_229 : vector<64x256xf32>
      %add3A_231 = arith.addf %add3A_222, %min3A_230 : vector<64x256xf32>
      %add3A_232 = arith.addf %add3A_223, %slice3A_227 : vector<1x256xf32>
      %add3A_233 = arith.addf %add3A_224, %squeeze3A_226 : vector<64x1xf32>
      scf.yield %add3A_231, %add3A_232, %add3A_233 : vector<64x256xf32>, vector<1x256xf32>, vector<64x1xf32>
    }
    %scan3A_45 = arith.constant 32 : i32
    %add3A_46 = vector.broadcast %scan3A_44#2 : vector<64x1xf32> to vector<64x256xf32>
    %add3A_47 = vector.broadcast %scan3A_44#1 : vector<1x256xf32> to vector<64x256xf32>
    %add3A_48 = arith.addf %add3A_46, %add3A_47 : vector<64x256xf32>
    %sub3A_49 = arith.subf %add3A_48, %scan3A_44#0 : vector<64x256xf32>
    %div3A_50 = arith.divf %scan3A_44#0, %sub3A_49 : vector<64x256xf32>
    %swap3A_51 = arith.constant 0 : index
    %swap3A_52 = arith.constant 512 : index
    %swap3A_53 = vector.load %arg2[%swap3A_51, %swap3A_52] : memref<64x2048xf32, #tpu.memory_space<vmem>>, vector<64x256xf32>
    tpu.vector_store %arg2[%swap3A_51, %swap3A_52], %div3A_50 {strides = array<i32>} : memref<64x2048xf32, #tpu.memory_space<vmem>>, vector<64x256xf32>,
    %broadcast_in_dim3A_54 = arith.constant 0.000000e+00 : f32
    %broadcast_in_dim3A_55 = vector.broadcast %broadcast_in_dim3A_54 : f32 to vector<64x256xf32>
    %broadcast_in_dim3A_56 = arith.constant 0.000000e+00 : f32
    %broadcast_in_dim3A_57 = vector.broadcast %broadcast_in_dim3A_56 : f32 to vector<1x256xf32>
    %broadcast_in_dim3A_58 = arith.constant 0.000000e+00 : f32
    %broadcast_in_dim3A_59 = vector.broadcast %broadcast_in_dim3A_58 : f32 to vector<64x1xf32>
    %scan3A_60 = arith.constant 0 : i32
    %scan3A_61 = arith.constant 32 : i32
    %scan3A_62 = arith.addi %scan3A_60, %scan3A_61 : i32
    %scan3A_63 = arith.constant 1 : i32
    %scan3A_64:3 = scf.for %scan3A_154 = %scan3A_60 to %scan3A_62 step %scan3A_63 iter_args(%scan3A_155 = %broadcast_in_dim3A_55, %scan3A_156 = %broadcast_in_dim3A_57, %scan3A_157 = %broadcast_in_dim3A_59) -> (vector<64x256xf32>, vector<1x256xf32>, vector<64x1xf32>)  : i32 {
      %mul3A = arith.constant 8 : i32
      %mul3A_158 = arith.muli %scan3A_154, %mul3A : i32
      %get3A = arith.index_cast %mul3A_158 : i32 to index
      %get3A_159 = arith.constant 0 : index
      %get3A_160 = arith.constant 0 : index
      %get3A_161 = vector.load %arg0[%get3A, %get3A_159, %get3A_160] : memref<256x64x1xf32, #tpu.memory_space<vmem>>, vector<8x64x1xf32>
      %get3A_162 = arith.index_cast %mul3A_158 : i32 to index
      %get3A_163 = arith.constant 768 : index
      %get3A_164 = vector.load %arg1[%get3A_162, %get3A_163] : memref<256x2048xf32, #tpu.memory_space<vmem>>, vector<8x256xf32>
      %slice3A = vector.extract_strided_slice %get3A_161 {offsets = [0, 0, 0], sizes = [1, 64, 1], strides = [1, 1, 1]} : vector<8x64x1xf32> to vector<1x64x1xf32>
      %squeeze3A = vector.shape_cast %slice3A : vector<1x64x1xf32> to vector<64x1xf32>
      %slice3A_165 = vector.extract_strided_slice %get3A_164 {offsets = [0, 0], sizes = [1, 256], strides = [1, 1]} : vector<8x256xf32> to vector<1x256xf32>
      %min3A = vector.broadcast %squeeze3A : vector<64x1xf32> to vector<64x256xf32>
      %min3A_166 = vector.broadcast %slice3A_165 : vector<1x256xf32> to vector<64x256xf32>
      %min3A_167 = arith.minimumf %min3A, %min3A_166 : vector<64x256xf32>
      %add3A_168 = arith.addf %scan3A_155, %min3A_167 : vector<64x256xf32>
      %add3A_169 = arith.addf %scan3A_156, %slice3A_165 : vector<1x256xf32>
      %add3A_170 = arith.addf %scan3A_157, %squeeze3A : vector<64x1xf32>
      %slice3A_171 = vector.extract_strided_slice %get3A_161 {offsets = [1, 0, 0], sizes = [1, 64, 1], strides = [1, 1, 1]} : vector<8x64x1xf32> to vector<1x64x1xf32>
      %squeeze3A_172 = vector.shape_cast %slice3A_171 : vector<1x64x1xf32> to vector<64x1xf32>
      %slice3A_173 = vector.extract_strided_slice %get3A_164 {offsets = [1, 0], sizes = [1, 256], strides = [1, 1]} : vector<8x256xf32> to vector<1x256xf32>
      %min3A_174 = vector.broadcast %squeeze3A_172 : vector<64x1xf32> to vector<64x256xf32>
      %min3A_175 = vector.broadcast %slice3A_173 : vector<1x256xf32> to vector<64x256xf32>
      %min3A_176 = arith.minimumf %min3A_174, %min3A_175 : vector<64x256xf32>
      %add3A_177 = arith.addf %add3A_168, %min3A_176 : vector<64x256xf32>
      %add3A_178 = arith.addf %add3A_169, %slice3A_173 : vector<1x256xf32>
      %add3A_179 = arith.addf %add3A_170, %squeeze3A_172 : vector<64x1xf32>
      %slice3A_180 = vector.extract_strided_slice %get3A_161 {offsets = [2, 0, 0], sizes = [1, 64, 1], strides = [1, 1, 1]} : vector<8x64x1xf32> to vector<1x64x1xf32>
      %squeeze3A_181 = vector.shape_cast %slice3A_180 : vector<1x64x1xf32> to vector<64x1xf32>
      %slice3A_182 = vector.extract_strided_slice %get3A_164 {offsets = [2, 0], sizes = [1, 256], strides = [1, 1]} : vector<8x256xf32> to vector<1x256xf32>
      %min3A_183 = vector.broadcast %squeeze3A_181 : vector<64x1xf32> to vector<64x256xf32>
      %min3A_184 = vector.broadcast %slice3A_182 : vector<1x256xf32> to vector<64x256xf32>
      %min3A_185 = arith.minimumf %min3A_183, %min3A_184 : vector<64x256xf32>
      %add3A_186 = arith.addf %add3A_177, %min3A_185 : vector<64x256xf32>
      %add3A_187 = arith.addf %add3A_178, %slice3A_182 : vector<1x256xf32>
      %add3A_188 = arith.addf %add3A_179, %squeeze3A_181 : vector<64x1xf32>
      %slice3A_189 = vector.extract_strided_slice %get3A_161 {offsets = [3, 0, 0], sizes = [1, 64, 1], strides = [1, 1, 1]} : vector<8x64x1xf32> to vector<1x64x1xf32>
      %squeeze3A_190 = vector.shape_cast %slice3A_189 : vector<1x64x1xf32> to vector<64x1xf32>
      %slice3A_191 = vector.extract_strided_slice %get3A_164 {offsets = [3, 0], sizes = [1, 256], strides = [1, 1]} : vector<8x256xf32> to vector<1x256xf32>
      %min3A_192 = vector.broadcast %squeeze3A_190 : vector<64x1xf32> to vector<64x256xf32>
      %min3A_193 = vector.broadcast %slice3A_191 : vector<1x256xf32> to vector<64x256xf32>
      %min3A_194 = arith.minimumf %min3A_192, %min3A_193 : vector<64x256xf32>
      %add3A_195 = arith.addf %add3A_186, %min3A_194 : vector<64x256xf32>
      %add3A_196 = arith.addf %add3A_187, %slice3A_191 : vector<1x256xf32>
      %add3A_197 = arith.addf %add3A_188, %squeeze3A_190 : vector<64x1xf32>
      %slice3A_198 = vector.extract_strided_slice %get3A_161 {offsets = [4, 0, 0], sizes = [1, 64, 1], strides = [1, 1, 1]} : vector<8x64x1xf32> to vector<1x64x1xf32>
      %squeeze3A_199 = vector.shape_cast %slice3A_198 : vector<1x64x1xf32> to vector<64x1xf32>
      %slice3A_200 = vector.extract_strided_slice %get3A_164 {offsets = [4, 0], sizes = [1, 256], strides = [1, 1]} : vector<8x256xf32> to vector<1x256xf32>
      %min3A_201 = vector.broadcast %squeeze3A_199 : vector<64x1xf32> to vector<64x256xf32>
      %min3A_202 = vector.broadcast %slice3A_200 : vector<1x256xf32> to vector<64x256xf32>
      %min3A_203 = arith.minimumf %min3A_201, %min3A_202 : vector<64x256xf32>
      %add3A_204 = arith.addf %add3A_195, %min3A_203 : vector<64x256xf32>
      %add3A_205 = arith.addf %add3A_196, %slice3A_200 : vector<1x256xf32>
      %add3A_206 = arith.addf %add3A_197, %squeeze3A_199 : vector<64x1xf32>
      %slice3A_207 = vector.extract_strided_slice %get3A_161 {offsets = [5, 0, 0], sizes = [1, 64, 1], strides = [1, 1, 1]} : vector<8x64x1xf32> to vector<1x64x1xf32>
      %squeeze3A_208 = vector.shape_cast %slice3A_207 : vector<1x64x1xf32> to vector<64x1xf32>
      %slice3A_209 = vector.extract_strided_slice %get3A_164 {offsets = [5, 0], sizes = [1, 256], strides = [1, 1]} : vector<8x256xf32> to vector<1x256xf32>
      %min3A_210 = vector.broadcast %squeeze3A_208 : vector<64x1xf32> to vector<64x256xf32>
      %min3A_211 = vector.broadcast %slice3A_209 : vector<1x256xf32> to vector<64x256xf32>
      %min3A_212 = arith.minimumf %min3A_210, %min3A_211 : vector<64x256xf32>
      %add3A_213 = arith.addf %add3A_204, %min3A_212 : vector<64x256xf32>
      %add3A_214 = arith.addf %add3A_205, %slice3A_209 : vector<1x256xf32>
      %add3A_215 = arith.addf %add3A_206, %squeeze3A_208 : vector<64x1xf32>
      %slice3A_216 = vector.extract_strided_slice %get3A_161 {offsets = [6, 0, 0], sizes = [1, 64, 1], strides = [1, 1, 1]} : vector<8x64x1xf32> to vector<1x64x1xf32>
      %squeeze3A_217 = vector.shape_cast %slice3A_216 : vector<1x64x1xf32> to vector<64x1xf32>
      %slice3A_218 = vector.extract_strided_slice %get3A_164 {offsets = [6, 0], sizes = [1, 256], strides = [1, 1]} : vector<8x256xf32> to vector<1x256xf32>
      %min3A_219 = vector.broadcast %squeeze3A_217 : vector<64x1xf32> to vector<64x256xf32>
      %min3A_220 = vector.broadcast %slice3A_218 : vector<1x256xf32> to vector<64x256xf32>
      %min3A_221 = arith.minimumf %min3A_219, %min3A_220 : vector<64x256xf32>
      %add3A_222 = arith.addf %add3A_213, %min3A_221 : vector<64x256xf32>
      %add3A_223 = arith.addf %add3A_214, %slice3A_218 : vector<1x256xf32>
      %add3A_224 = arith.addf %add3A_215, %squeeze3A_217 : vector<64x1xf32>
      %slice3A_225 = vector.extract_strided_slice %get3A_161 {offsets = [7, 0, 0], sizes = [1, 64, 1], strides = [1, 1, 1]} : vector<8x64x1xf32> to vector<1x64x1xf32>
      %squeeze3A_226 = vector.shape_cast %slice3A_225 : vector<1x64x1xf32> to vector<64x1xf32>
      %slice3A_227 = vector.extract_strided_slice %get3A_164 {offsets = [7, 0], sizes = [1, 256], strides = [1, 1]} : vector<8x256xf32> to vector<1x256xf32>
      %min3A_228 = vector.broadcast %squeeze3A_226 : vector<64x1xf32> to vector<64x256xf32>
      %min3A_229 = vector.broadcast %slice3A_227 : vector<1x256xf32> to vector<64x256xf32>
      %min3A_230 = arith.minimumf %min3A_228, %min3A_229 : vector<64x256xf32>
      %add3A_231 = arith.addf %add3A_222, %min3A_230 : vector<64x256xf32>
      %add3A_232 = arith.addf %add3A_223, %slice3A_227 : vector<1x256xf32>
      %add3A_233 = arith.addf %add3A_224, %squeeze3A_226 : vector<64x1xf32>
      scf.yield %add3A_231, %add3A_232, %add3A_233 : vector<64x256xf32>, vector<1x256xf32>, vector<64x1xf32>
    }
    %scan3A_65 = arith.constant 32 : i32
    %add3A_66 = vector.broadcast %scan3A_64#2 : vector<64x1xf32> to vector<64x256xf32>
    %add3A_67 = vector.broadcast %scan3A_64#1 : vector<1x256xf32> to vector<64x256xf32>
    %add3A_68 = arith.addf %add3A_66, %add3A_67 : vector<64x256xf32>
    %sub3A_69 = arith.subf %add3A_68, %scan3A_64#0 : vector<64x256xf32>
    %div3A_70 = arith.divf %scan3A_64#0, %sub3A_69 : vector<64x256xf32>
    %swap3A_71 = arith.constant 0 : index
    %swap3A_72 = arith.constant 768 : index
    %swap3A_73 = vector.load %arg2[%swap3A_71, %swap3A_72] : memref<64x2048xf32, #tpu.memory_space<vmem>>, vector<64x256xf32>
    tpu.vector_store %arg2[%swap3A_71, %swap3A_72], %div3A_70 {strides = array<i32>} : memref<64x2048xf32, #tpu.memory_space<vmem>>, vector<64x256xf32>,
    %broadcast_in_dim3A_74 = arith.constant 0.000000e+00 : f32
    %broadcast_in_dim3A_75 = vector.broadcast %broadcast_in_dim3A_74 : f32 to vector<64x256xf32>
    %broadcast_in_dim3A_76 = arith.constant 0.000000e+00 : f32
    %broadcast_in_dim3A_77 = vector.broadcast %broadcast_in_dim3A_76 : f32 to vector<1x256xf32>
    %broadcast_in_dim3A_78 = arith.constant 0.000000e+00 : f32
    %broadcast_in_dim3A_79 = vector.broadcast %broadcast_in_dim3A_78 : f32 to vector<64x1xf32>
    %scan3A_80 = arith.constant 0 : i32
    %scan3A_81 = arith.constant 32 : i32
    %scan3A_82 = arith.addi %scan3A_80, %scan3A_81 : i32
    %scan3A_83 = arith.constant 1 : i32
    %scan3A_84:3 = scf.for %scan3A_154 = %scan3A_80 to %scan3A_82 step %scan3A_83 iter_args(%scan3A_155 = %broadcast_in_dim3A_75, %scan3A_156 = %broadcast_in_dim3A_77, %scan3A_157 = %broadcast_in_dim3A_79) -> (vector<64x256xf32>, vector<1x256xf32>, vector<64x1xf32>)  : i32 {
      %mul3A = arith.constant 8 : i32
      %mul3A_158 = arith.muli %scan3A_154, %mul3A : i32
      %get3A = arith.index_cast %mul3A_158 : i32 to index
      %get3A_159 = arith.constant 0 : index
      %get3A_160 = arith.constant 0 : index
      %get3A_161 = vector.load %arg0[%get3A, %get3A_159, %get3A_160] : memref<256x64x1xf32, #tpu.memory_space<vmem>>, vector<8x64x1xf32>
      %get3A_162 = arith.index_cast %mul3A_158 : i32 to index
      %get3A_163 = arith.constant 1024 : index
      %get3A_164 = vector.load %arg1[%get3A_162, %get3A_163] : memref<256x2048xf32, #tpu.memory_space<vmem>>, vector<8x256xf32>
      %slice3A = vector.extract_strided_slice %get3A_161 {offsets = [0, 0, 0], sizes = [1, 64, 1], strides = [1, 1, 1]} : vector<8x64x1xf32> to vector<1x64x1xf32>
      %squeeze3A = vector.shape_cast %slice3A : vector<1x64x1xf32> to vector<64x1xf32>
      %slice3A_165 = vector.extract_strided_slice %get3A_164 {offsets = [0, 0], sizes = [1, 256], strides = [1, 1]} : vector<8x256xf32> to vector<1x256xf32>
      %min3A = vector.broadcast %squeeze3A : vector<64x1xf32> to vector<64x256xf32>
      %min3A_166 = vector.broadcast %slice3A_165 : vector<1x256xf32> to vector<64x256xf32>
      %min3A_167 = arith.minimumf %min3A, %min3A_166 : vector<64x256xf32>
      %add3A_168 = arith.addf %scan3A_155, %min3A_167 : vector<64x256xf32>
      %add3A_169 = arith.addf %scan3A_156, %slice3A_165 : vector<1x256xf32>
      %add3A_170 = arith.addf %scan3A_157, %squeeze3A : vector<64x1xf32>
      %slice3A_171 = vector.extract_strided_slice %get3A_161 {offsets = [1, 0, 0], sizes = [1, 64, 1], strides = [1, 1, 1]} : vector<8x64x1xf32> to vector<1x64x1xf32>
      %squeeze3A_172 = vector.shape_cast %slice3A_171 : vector<1x64x1xf32> to vector<64x1xf32>
      %slice3A_173 = vector.extract_strided_slice %get3A_164 {offsets = [1, 0], sizes = [1, 256], strides = [1, 1]} : vector<8x256xf32> to vector<1x256xf32>
      %min3A_174 = vector.broadcast %squeeze3A_172 : vector<64x1xf32> to vector<64x256xf32>
      %min3A_175 = vector.broadcast %slice3A_173 : vector<1x256xf32> to vector<64x256xf32>
      %min3A_176 = arith.minimumf %min3A_174, %min3A_175 : vector<64x256xf32>
      %add3A_177 = arith.addf %add3A_168, %min3A_176 : vector<64x256xf32>
      %add3A_178 = arith.addf %add3A_169, %slice3A_173 : vector<1x256xf32>
      %add3A_179 = arith.addf %add3A_170, %squeeze3A_172 : vector<64x1xf32>
      %slice3A_180 = vector.extract_strided_slice %get3A_161 {offsets = [2, 0, 0], sizes = [1, 64, 1], strides = [1, 1, 1]} : vector<8x64x1xf32> to vector<1x64x1xf32>
      %squeeze3A_181 = vector.shape_cast %slice3A_180 : vector<1x64x1xf32> to vector<64x1xf32>
      %slice3A_182 = vector.extract_strided_slice %get3A_164 {offsets = [2, 0], sizes = [1, 256], strides = [1, 1]} : vector<8x256xf32> to vector<1x256xf32>
      %min3A_183 = vector.broadcast %squeeze3A_181 : vector<64x1xf32> to vector<64x256xf32>
      %min3A_184 = vector.broadcast %slice3A_182 : vector<1x256xf32> to vector<64x256xf32>
      %min3A_185 = arith.minimumf %min3A_183, %min3A_184 : vector<64x256xf32>
      %add3A_186 = arith.addf %add3A_177, %min3A_185 : vector<64x256xf32>
      %add3A_187 = arith.addf %add3A_178, %slice3A_182 : vector<1x256xf32>
      %add3A_188 = arith.addf %add3A_179, %squeeze3A_181 : vector<64x1xf32>
      %slice3A_189 = vector.extract_strided_slice %get3A_161 {offsets = [3, 0, 0], sizes = [1, 64, 1], strides = [1, 1, 1]} : vector<8x64x1xf32> to vector<1x64x1xf32>
      %squeeze3A_190 = vector.shape_cast %slice3A_189 : vector<1x64x1xf32> to vector<64x1xf32>
      %slice3A_191 = vector.extract_strided_slice %get3A_164 {offsets = [3, 0], sizes = [1, 256], strides = [1, 1]} : vector<8x256xf32> to vector<1x256xf32>
      %min3A_192 = vector.broadcast %squeeze3A_190 : vector<64x1xf32> to vector<64x256xf32>
      %min3A_193 = vector.broadcast %slice3A_191 : vector<1x256xf32> to vector<64x256xf32>
      %min3A_194 = arith.minimumf %min3A_192, %min3A_193 : vector<64x256xf32>
      %add3A_195 = arith.addf %add3A_186, %min3A_194 : vector<64x256xf32>
      %add3A_196 = arith.addf %add3A_187, %slice3A_191 : vector<1x256xf32>
      %add3A_197 = arith.addf %add3A_188, %squeeze3A_190 : vector<64x1xf32>
      %slice3A_198 = vector.extract_strided_slice %get3A_161 {offsets = [4, 0, 0], sizes = [1, 64, 1], strides = [1, 1, 1]} : vector<8x64x1xf32> to vector<1x64x1xf32>
      %squeeze3A_199 = vector.shape_cast %slice3A_198 : vector<1x64x1xf32> to vector<64x1xf32>
      %slice3A_200 = vector.extract_strided_slice %get3A_164 {offsets = [4, 0], sizes = [1, 256], strides = [1, 1]} : vector<8x256xf32> to vector<1x256xf32>
      %min3A_201 = vector.broadcast %squeeze3A_199 : vector<64x1xf32> to vector<64x256xf32>
      %min3A_202 = vector.broadcast %slice3A_200 : vector<1x256xf32> to vector<64x256xf32>
      %min3A_203 = arith.minimumf %min3A_201, %min3A_202 : vector<64x256xf32>
      %add3A_204 = arith.addf %add3A_195, %min3A_203 : vector<64x256xf32>
      %add3A_205 = arith.addf %add3A_196, %slice3A_200 : vector<1x256xf32>
      %add3A_206 = arith.addf %add3A_197, %squeeze3A_199 : vector<64x1xf32>
      %slice3A_207 = vector.extract_strided_slice %get3A_161 {offsets = [5, 0, 0], sizes = [1, 64, 1], strides = [1, 1, 1]} : vector<8x64x1xf32> to vector<1x64x1xf32>
      %squeeze3A_208 = vector.shape_cast %slice3A_207 : vector<1x64x1xf32> to vector<64x1xf32>
      %slice3A_209 = vector.extract_strided_slice %get3A_164 {offsets = [5, 0], sizes = [1, 256], strides = [1, 1]} : vector<8x256xf32> to vector<1x256xf32>
      %min3A_210 = vector.broadcast %squeeze3A_208 : vector<64x1xf32> to vector<64x256xf32>
      %min3A_211 = vector.broadcast %slice3A_209 : vector<1x256xf32> to vector<64x256xf32>
      %min3A_212 = arith.minimumf %min3A_210, %min3A_211 : vector<64x256xf32>
      %add3A_213 = arith.addf %add3A_204, %min3A_212 : vector<64x256xf32>
      %add3A_214 = arith.addf %add3A_205, %slice3A_209 : vector<1x256xf32>
      %add3A_215 = arith.addf %add3A_206, %squeeze3A_208 : vector<64x1xf32>
      %slice3A_216 = vector.extract_strided_slice %get3A_161 {offsets = [6, 0, 0], sizes = [1, 64, 1], strides = [1, 1, 1]} : vector<8x64x1xf32> to vector<1x64x1xf32>
      %squeeze3A_217 = vector.shape_cast %slice3A_216 : vector<1x64x1xf32> to vector<64x1xf32>
      %slice3A_218 = vector.extract_strided_slice %get3A_164 {offsets = [6, 0], sizes = [1, 256], strides = [1, 1]} : vector<8x256xf32> to vector<1x256xf32>
      %min3A_219 = vector.broadcast %squeeze3A_217 : vector<64x1xf32> to vector<64x256xf32>
      %min3A_220 = vector.broadcast %slice3A_218 : vector<1x256xf32> to vector<64x256xf32>
      %min3A_221 = arith.minimumf %min3A_219, %min3A_220 : vector<64x256xf32>
      %add3A_222 = arith.addf %add3A_213, %min3A_221 : vector<64x256xf32>
      %add3A_223 = arith.addf %add3A_214, %slice3A_218 : vector<1x256xf32>
      %add3A_224 = arith.addf %add3A_215, %squeeze3A_217 : vector<64x1xf32>
      %slice3A_225 = vector.extract_strided_slice %get3A_161 {offsets = [7, 0, 0], sizes = [1, 64, 1], strides = [1, 1, 1]} : vector<8x64x1xf32> to vector<1x64x1xf32>
      %squeeze3A_226 = vector.shape_cast %slice3A_225 : vector<1x64x1xf32> to vector<64x1xf32>
      %slice3A_227 = vector.extract_strided_slice %get3A_164 {offsets = [7, 0], sizes = [1, 256], strides = [1, 1]} : vector<8x256xf32> to vector<1x256xf32>
      %min3A_228 = vector.broadcast %squeeze3A_226 : vector<64x1xf32> to vector<64x256xf32>
      %min3A_229 = vector.broadcast %slice3A_227 : vector<1x256xf32> to vector<64x256xf32>
      %min3A_230 = arith.minimumf %min3A_228, %min3A_229 : vector<64x256xf32>
      %add3A_231 = arith.addf %add3A_222, %min3A_230 : vector<64x256xf32>
      %add3A_232 = arith.addf %add3A_223, %slice3A_227 : vector<1x256xf32>
      %add3A_233 = arith.addf %add3A_224, %squeeze3A_226 : vector<64x1xf32>
      scf.yield %add3A_231, %add3A_232, %add3A_233 : vector<64x256xf32>, vector<1x256xf32>, vector<64x1xf32>
    }
    %scan3A_85 = arith.constant 32 : i32
    %add3A_86 = vector.broadcast %scan3A_84#2 : vector<64x1xf32> to vector<64x256xf32>
    %add3A_87 = vector.broadcast %scan3A_84#1 : vector<1x256xf32> to vector<64x256xf32>
    %add3A_88 = arith.addf %add3A_86, %add3A_87 : vector<64x256xf32>
    %sub3A_89 = arith.subf %add3A_88, %scan3A_84#0 : vector<64x256xf32>
    %div3A_90 = arith.divf %scan3A_84#0, %sub3A_89 : vector<64x256xf32>
    %swap3A_91 = arith.constant 0 : index
    %swap3A_92 = arith.constant 1024 : index
    %swap3A_93 = vector.load %arg2[%swap3A_91, %swap3A_92] : memref<64x2048xf32, #tpu.memory_space<vmem>>, vector<64x256xf32>
    tpu.vector_store %arg2[%swap3A_91, %swap3A_92], %div3A_90 {strides = array<i32>} : memref<64x2048xf32, #tpu.memory_space<vmem>>, vector<64x256xf32>,
    %broadcast_in_dim3A_94 = arith.constant 0.000000e+00 : f32
    %broadcast_in_dim3A_95 = vector.broadcast %broadcast_in_dim3A_94 : f32 to vector<64x256xf32>
    %broadcast_in_dim3A_96 = arith.constant 0.000000e+00 : f32
    %broadcast_in_dim3A_97 = vector.broadcast %broadcast_in_dim3A_96 : f32 to vector<1x256xf32>
    %broadcast_in_dim3A_98 = arith.constant 0.000000e+00 : f32
    %broadcast_in_dim3A_99 = vector.broadcast %broadcast_in_dim3A_98 : f32 to vector<64x1xf32>
    %scan3A_100 = arith.constant 0 : i32
    %scan3A_101 = arith.constant 32 : i32
    %scan3A_102 = arith.addi %scan3A_100, %scan3A_101 : i32
    %scan3A_103 = arith.constant 1 : i32
    %scan3A_104:3 = scf.for %scan3A_154 = %scan3A_100 to %scan3A_102 step %scan3A_103 iter_args(%scan3A_155 = %broadcast_in_dim3A_95, %scan3A_156 = %broadcast_in_dim3A_97, %scan3A_157 = %broadcast_in_dim3A_99) -> (vector<64x256xf32>, vector<1x256xf32>, vector<64x1xf32>)  : i32 {
      %mul3A = arith.constant 8 : i32
      %mul3A_158 = arith.muli %scan3A_154, %mul3A : i32
      %get3A = arith.index_cast %mul3A_158 : i32 to index
      %get3A_159 = arith.constant 0 : index
      %get3A_160 = arith.constant 0 : index
      %get3A_161 = vector.load %arg0[%get3A, %get3A_159, %get3A_160] : memref<256x64x1xf32, #tpu.memory_space<vmem>>, vector<8x64x1xf32>
      %get3A_162 = arith.index_cast %mul3A_158 : i32 to index
      %get3A_163 = arith.constant 1280 : index
      %get3A_164 = vector.load %arg1[%get3A_162, %get3A_163] : memref<256x2048xf32, #tpu.memory_space<vmem>>, vector<8x256xf32>
      %slice3A = vector.extract_strided_slice %get3A_161 {offsets = [0, 0, 0], sizes = [1, 64, 1], strides = [1, 1, 1]} : vector<8x64x1xf32> to vector<1x64x1xf32>
      %squeeze3A = vector.shape_cast %slice3A : vector<1x64x1xf32> to vector<64x1xf32>
      %slice3A_165 = vector.extract_strided_slice %get3A_164 {offsets = [0, 0], sizes = [1, 256], strides = [1, 1]} : vector<8x256xf32> to vector<1x256xf32>
      %min3A = vector.broadcast %squeeze3A : vector<64x1xf32> to vector<64x256xf32>
      %min3A_166 = vector.broadcast %slice3A_165 : vector<1x256xf32> to vector<64x256xf32>
      %min3A_167 = arith.minimumf %min3A, %min3A_166 : vector<64x256xf32>
      %add3A_168 = arith.addf %scan3A_155, %min3A_167 : vector<64x256xf32>
      %add3A_169 = arith.addf %scan3A_156, %slice3A_165 : vector<1x256xf32>
      %add3A_170 = arith.addf %scan3A_157, %squeeze3A : vector<64x1xf32>
      %slice3A_171 = vector.extract_strided_slice %get3A_161 {offsets = [1, 0, 0], sizes = [1, 64, 1], strides = [1, 1, 1]} : vector<8x64x1xf32> to vector<1x64x1xf32>
      %squeeze3A_172 = vector.shape_cast %slice3A_171 : vector<1x64x1xf32> to vector<64x1xf32>
      %slice3A_173 = vector.extract_strided_slice %get3A_164 {offsets = [1, 0], sizes = [1, 256], strides = [1, 1]} : vector<8x256xf32> to vector<1x256xf32>
      %min3A_174 = vector.broadcast %squeeze3A_172 : vector<64x1xf32> to vector<64x256xf32>
      %min3A_175 = vector.broadcast %slice3A_173 : vector<1x256xf32> to vector<64x256xf32>
      %min3A_176 = arith.minimumf %min3A_174, %min3A_175 : vector<64x256xf32>
      %add3A_177 = arith.addf %add3A_168, %min3A_176 : vector<64x256xf32>
      %add3A_178 = arith.addf %add3A_169, %slice3A_173 : vector<1x256xf32>
      %add3A_179 = arith.addf %add3A_170, %squeeze3A_172 : vector<64x1xf32>
      %slice3A_180 = vector.extract_strided_slice %get3A_161 {offsets = [2, 0, 0], sizes = [1, 64, 1], strides = [1, 1, 1]} : vector<8x64x1xf32> to vector<1x64x1xf32>
      %squeeze3A_181 = vector.shape_cast %slice3A_180 : vector<1x64x1xf32> to vector<64x1xf32>
      %slice3A_182 = vector.extract_strided_slice %get3A_164 {offsets = [2, 0], sizes = [1, 256], strides = [1, 1]} : vector<8x256xf32> to vector<1x256xf32>
      %min3A_183 = vector.broadcast %squeeze3A_181 : vector<64x1xf32> to vector<64x256xf32>
      %min3A_184 = vector.broadcast %slice3A_182 : vector<1x256xf32> to vector<64x256xf32>
      %min3A_185 = arith.minimumf %min3A_183, %min3A_184 : vector<64x256xf32>
      %add3A_186 = arith.addf %add3A_177, %min3A_185 : vector<64x256xf32>
      %add3A_187 = arith.addf %add3A_178, %slice3A_182 : vector<1x256xf32>
      %add3A_188 = arith.addf %add3A_179, %squeeze3A_181 : vector<64x1xf32>
      %slice3A_189 = vector.extract_strided_slice %get3A_161 {offsets = [3, 0, 0], sizes = [1, 64, 1], strides = [1, 1, 1]} : vector<8x64x1xf32> to vector<1x64x1xf32>
      %squeeze3A_190 = vector.shape_cast %slice3A_189 : vector<1x64x1xf32> to vector<64x1xf32>
      %slice3A_191 = vector.extract_strided_slice %get3A_164 {offsets = [3, 0], sizes = [1, 256], strides = [1, 1]} : vector<8x256xf32> to vector<1x256xf32>
      %min3A_192 = vector.broadcast %squeeze3A_190 : vector<64x1xf32> to vector<64x256xf32>
      %min3A_193 = vector.broadcast %slice3A_191 : vector<1x256xf32> to vector<64x256xf32>
      %min3A_194 = arith.minimumf %min3A_192, %min3A_193 : vector<64x256xf32>
      %add3A_195 = arith.addf %add3A_186, %min3A_194 : vector<64x256xf32>
      %add3A_196 = arith.addf %add3A_187, %slice3A_191 : vector<1x256xf32>
      %add3A_197 = arith.addf %add3A_188, %squeeze3A_190 : vector<64x1xf32>
      %slice3A_198 = vector.extract_strided_slice %get3A_161 {offsets = [4, 0, 0], sizes = [1, 64, 1], strides = [1, 1, 1]} : vector<8x64x1xf32> to vector<1x64x1xf32>
      %squeeze3A_199 = vector.shape_cast %slice3A_198 : vector<1x64x1xf32> to vector<64x1xf32>
      %slice3A_200 = vector.extract_strided_slice %get3A_164 {offsets = [4, 0], sizes = [1, 256], strides = [1, 1]} : vector<8x256xf32> to vector<1x256xf32>
      %min3A_201 = vector.broadcast %squeeze3A_199 : vector<64x1xf32> to vector<64x256xf32>
      %min3A_202 = vector.broadcast %slice3A_200 : vector<1x256xf32> to vector<64x256xf32>
      %min3A_203 = arith.minimumf %min3A_201, %min3A_202 : vector<64x256xf32>
      %add3A_204 = arith.addf %add3A_195, %min3A_203 : vector<64x256xf32>
      %add3A_205 = arith.addf %add3A_196, %slice3A_200 : vector<1x256xf32>
      %add3A_206 = arith.addf %add3A_197, %squeeze3A_199 : vector<64x1xf32>
      %slice3A_207 = vector.extract_strided_slice %get3A_161 {offsets = [5, 0, 0], sizes = [1, 64, 1], strides = [1, 1, 1]} : vector<8x64x1xf32> to vector<1x64x1xf32>
      %squeeze3A_208 = vector.shape_cast %slice3A_207 : vector<1x64x1xf32> to vector<64x1xf32>
      %slice3A_209 = vector.extract_strided_slice %get3A_164 {offsets = [5, 0], sizes = [1, 256], strides = [1, 1]} : vector<8x256xf32> to vector<1x256xf32>
      %min3A_210 = vector.broadcast %squeeze3A_208 : vector<64x1xf32> to vector<64x256xf32>
      %min3A_211 = vector.broadcast %slice3A_209 : vector<1x256xf32> to vector<64x256xf32>
      %min3A_212 = arith.minimumf %min3A_210, %min3A_211 : vector<64x256xf32>
      %add3A_213 = arith.addf %add3A_204, %min3A_212 : vector<64x256xf32>
      %add3A_214 = arith.addf %add3A_205, %slice3A_209 : vector<1x256xf32>
      %add3A_215 = arith.addf %add3A_206, %squeeze3A_208 : vector<64x1xf32>
      %slice3A_216 = vector.extract_strided_slice %get3A_161 {offsets = [6, 0, 0], sizes = [1, 64, 1], strides = [1, 1, 1]} : vector<8x64x1xf32> to vector<1x64x1xf32>
      %squeeze3A_217 = vector.shape_cast %slice3A_216 : vector<1x64x1xf32> to vector<64x1xf32>
      %slice3A_218 = vector.extract_strided_slice %get3A_164 {offsets = [6, 0], sizes = [1, 256], strides = [1, 1]} : vector<8x256xf32> to vector<1x256xf32>
      %min3A_219 = vector.broadcast %squeeze3A_217 : vector<64x1xf32> to vector<64x256xf32>
      %min3A_220 = vector.broadcast %slice3A_218 : vector<1x256xf32> to vector<64x256xf32>
      %min3A_221 = arith.minimumf %min3A_219, %min3A_220 : vector<64x256xf32>
      %add3A_222 = arith.addf %add3A_213, %min3A_221 : vector<64x256xf32>
      %add3A_223 = arith.addf %add3A_214, %slice3A_218 : vector<1x256xf32>
      %add3A_224 = arith.addf %add3A_215, %squeeze3A_217 : vector<64x1xf32>
      %slice3A_225 = vector.extract_strided_slice %get3A_161 {offsets = [7, 0, 0], sizes = [1, 64, 1], strides = [1, 1, 1]} : vector<8x64x1xf32> to vector<1x64x1xf32>
      %squeeze3A_226 = vector.shape_cast %slice3A_225 : vector<1x64x1xf32> to vector<64x1xf32>
      %slice3A_227 = vector.extract_strided_slice %get3A_164 {offsets = [7, 0], sizes = [1, 256], strides = [1, 1]} : vector<8x256xf32> to vector<1x256xf32>
      %min3A_228 = vector.broadcast %squeeze3A_226 : vector<64x1xf32> to vector<64x256xf32>
      %min3A_229 = vector.broadcast %slice3A_227 : vector<1x256xf32> to vector<64x256xf32>
      %min3A_230 = arith.minimumf %min3A_228, %min3A_229 : vector<64x256xf32>
      %add3A_231 = arith.addf %add3A_222, %min3A_230 : vector<64x256xf32>
      %add3A_232 = arith.addf %add3A_223, %slice3A_227 : vector<1x256xf32>
      %add3A_233 = arith.addf %add3A_224, %squeeze3A_226 : vector<64x1xf32>
      scf.yield %add3A_231, %add3A_232, %add3A_233 : vector<64x256xf32>, vector<1x256xf32>, vector<64x1xf32>
    }
    %scan3A_105 = arith.constant 32 : i32
    %add3A_106 = vector.broadcast %scan3A_104#2 : vector<64x1xf32> to vector<64x256xf32>
    %add3A_107 = vector.broadcast %scan3A_104#1 : vector<1x256xf32> to vector<64x256xf32>
    %add3A_108 = arith.addf %add3A_106, %add3A_107 : vector<64x256xf32>
    %sub3A_109 = arith.subf %add3A_108, %scan3A_104#0 : vector<64x256xf32>
    %div3A_110 = arith.divf %scan3A_104#0, %sub3A_109 : vector<64x256xf32>
    %swap3A_111 = arith.constant 0 : index
    %swap3A_112 = arith.constant 1280 : index
    %swap3A_113 = vector.load %arg2[%swap3A_111, %swap3A_112] : memref<64x2048xf32, #tpu.memory_space<vmem>>, vector<64x256xf32>
    tpu.vector_store %arg2[%swap3A_111, %swap3A_112], %div3A_110 {strides = array<i32>} : memref<64x2048xf32, #tpu.memory_space<vmem>>, vector<64x256xf32>,
    %broadcast_in_dim3A_114 = arith.constant 0.000000e+00 : f32
    %broadcast_in_dim3A_115 = vector.broadcast %broadcast_in_dim3A_114 : f32 to vector<64x256xf32>
    %broadcast_in_dim3A_116 = arith.constant 0.000000e+00 : f32
    %broadcast_in_dim3A_117 = vector.broadcast %broadcast_in_dim3A_116 : f32 to vector<1x256xf32>
    %broadcast_in_dim3A_118 = arith.constant 0.000000e+00 : f32
    %broadcast_in_dim3A_119 = vector.broadcast %broadcast_in_dim3A_118 : f32 to vector<64x1xf32>
    %scan3A_120 = arith.constant 0 : i32
    %scan3A_121 = arith.constant 32 : i32
    %scan3A_122 = arith.addi %scan3A_120, %scan3A_121 : i32
    %scan3A_123 = arith.constant 1 : i32
    %scan3A_124:3 = scf.for %scan3A_154 = %scan3A_120 to %scan3A_122 step %scan3A_123 iter_args(%scan3A_155 = %broadcast_in_dim3A_115, %scan3A_156 = %broadcast_in_dim3A_117, %scan3A_157 = %broadcast_in_dim3A_119) -> (vector<64x256xf32>, vector<1x256xf32>, vector<64x1xf32>)  : i32 {
      %mul3A = arith.constant 8 : i32
      %mul3A_158 = arith.muli %scan3A_154, %mul3A : i32
      %get3A = arith.index_cast %mul3A_158 : i32 to index
      %get3A_159 = arith.constant 0 : index
      %get3A_160 = arith.constant 0 : index
      %get3A_161 = vector.load %arg0[%get3A, %get3A_159, %get3A_160] : memref<256x64x1xf32, #tpu.memory_space<vmem>>, vector<8x64x1xf32>
      %get3A_162 = arith.index_cast %mul3A_158 : i32 to index
      %get3A_163 = arith.constant 1536 : index
      %get3A_164 = vector.load %arg1[%get3A_162, %get3A_163] : memref<256x2048xf32, #tpu.memory_space<vmem>>, vector<8x256xf32>
      %slice3A = vector.extract_strided_slice %get3A_161 {offsets = [0, 0, 0], sizes = [1, 64, 1], strides = [1, 1, 1]} : vector<8x64x1xf32> to vector<1x64x1xf32>
      %squeeze3A = vector.shape_cast %slice3A : vector<1x64x1xf32> to vector<64x1xf32>
      %slice3A_165 = vector.extract_strided_slice %get3A_164 {offsets = [0, 0], sizes = [1, 256], strides = [1, 1]} : vector<8x256xf32> to vector<1x256xf32>
      %min3A = vector.broadcast %squeeze3A : vector<64x1xf32> to vector<64x256xf32>
      %min3A_166 = vector.broadcast %slice3A_165 : vector<1x256xf32> to vector<64x256xf32>
      %min3A_167 = arith.minimumf %min3A, %min3A_166 : vector<64x256xf32>
      %add3A_168 = arith.addf %scan3A_155, %min3A_167 : vector<64x256xf32>
      %add3A_169 = arith.addf %scan3A_156, %slice3A_165 : vector<1x256xf32>
      %add3A_170 = arith.addf %scan3A_157, %squeeze3A : vector<64x1xf32>
      %slice3A_171 = vector.extract_strided_slice %get3A_161 {offsets = [1, 0, 0], sizes = [1, 64, 1], strides = [1, 1, 1]} : vector<8x64x1xf32> to vector<1x64x1xf32>
      %squeeze3A_172 = vector.shape_cast %slice3A_171 : vector<1x64x1xf32> to vector<64x1xf32>
      %slice3A_173 = vector.extract_strided_slice %get3A_164 {offsets = [1, 0], sizes = [1, 256], strides = [1, 1]} : vector<8x256xf32> to vector<1x256xf32>
      %min3A_174 = vector.broadcast %squeeze3A_172 : vector<64x1xf32> to vector<64x256xf32>
      %min3A_175 = vector.broadcast %slice3A_173 : vector<1x256xf32> to vector<64x256xf32>
      %min3A_176 = arith.minimumf %min3A_174, %min3A_175 : vector<64x256xf32>
      %add3A_177 = arith.addf %add3A_168, %min3A_176 : vector<64x256xf32>
      %add3A_178 = arith.addf %add3A_169, %slice3A_173 : vector<1x256xf32>
      %add3A_179 = arith.addf %add3A_170, %squeeze3A_172 : vector<64x1xf32>
      %slice3A_180 = vector.extract_strided_slice %get3A_161 {offsets = [2, 0, 0], sizes = [1, 64, 1], strides = [1, 1, 1]} : vector<8x64x1xf32> to vector<1x64x1xf32>
      %squeeze3A_181 = vector.shape_cast %slice3A_180 : vector<1x64x1xf32> to vector<64x1xf32>
      %slice3A_182 = vector.extract_strided_slice %get3A_164 {offsets = [2, 0], sizes = [1, 256], strides = [1, 1]} : vector<8x256xf32> to vector<1x256xf32>
      %min3A_183 = vector.broadcast %squeeze3A_181 : vector<64x1xf32> to vector<64x256xf32>
      %min3A_184 = vector.broadcast %slice3A_182 : vector<1x256xf32> to vector<64x256xf32>
      %min3A_185 = arith.minimumf %min3A_183, %min3A_184 : vector<64x256xf32>
      %add3A_186 = arith.addf %add3A_177, %min3A_185 : vector<64x256xf32>
      %add3A_187 = arith.addf %add3A_178, %slice3A_182 : vector<1x256xf32>
      %add3A_188 = arith.addf %add3A_179, %squeeze3A_181 : vector<64x1xf32>
      %slice3A_189 = vector.extract_strided_slice %get3A_161 {offsets = [3, 0, 0], sizes = [1, 64, 1], strides = [1, 1, 1]} : vector<8x64x1xf32> to vector<1x64x1xf32>
      %squeeze3A_190 = vector.shape_cast %slice3A_189 : vector<1x64x1xf32> to vector<64x1xf32>
      %slice3A_191 = vector.extract_strided_slice %get3A_164 {offsets = [3, 0], sizes = [1, 256], strides = [1, 1]} : vector<8x256xf32> to vector<1x256xf32>
      %min3A_192 = vector.broadcast %squeeze3A_190 : vector<64x1xf32> to vector<64x256xf32>
      %min3A_193 = vector.broadcast %slice3A_191 : vector<1x256xf32> to vector<64x256xf32>
      %min3A_194 = arith.minimumf %min3A_192, %min3A_193 : vector<64x256xf32>
      %add3A_195 = arith.addf %add3A_186, %min3A_194 : vector<64x256xf32>
      %add3A_196 = arith.addf %add3A_187, %slice3A_191 : vector<1x256xf32>
      %add3A_197 = arith.addf %add3A_188, %squeeze3A_190 : vector<64x1xf32>
      %slice3A_198 = vector.extract_strided_slice %get3A_161 {offsets = [4, 0, 0], sizes = [1, 64, 1], strides = [1, 1, 1]} : vector<8x64x1xf32> to vector<1x64x1xf32>
      %squeeze3A_199 = vector.shape_cast %slice3A_198 : vector<1x64x1xf32> to vector<64x1xf32>
      %slice3A_200 = vector.extract_strided_slice %get3A_164 {offsets = [4, 0], sizes = [1, 256], strides = [1, 1]} : vector<8x256xf32> to vector<1x256xf32>
      %min3A_201 = vector.broadcast %squeeze3A_199 : vector<64x1xf32> to vector<64x256xf32>
      %min3A_202 = vector.broadcast %slice3A_200 : vector<1x256xf32> to vector<64x256xf32>
      %min3A_203 = arith.minimumf %min3A_201, %min3A_202 : vector<64x256xf32>
      %add3A_204 = arith.addf %add3A_195, %min3A_203 : vector<64x256xf32>
      %add3A_205 = arith.addf %add3A_196, %slice3A_200 : vector<1x256xf32>
      %add3A_206 = arith.addf %add3A_197, %squeeze3A_199 : vector<64x1xf32>
      %slice3A_207 = vector.extract_strided_slice %get3A_161 {offsets = [5, 0, 0], sizes = [1, 64, 1], strides = [1, 1, 1]} : vector<8x64x1xf32> to vector<1x64x1xf32>
      %squeeze3A_208 = vector.shape_cast %slice3A_207 : vector<1x64x1xf32> to vector<64x1xf32>
      %slice3A_209 = vector.extract_strided_slice %get3A_164 {offsets = [5, 0], sizes = [1, 256], strides = [1, 1]} : vector<8x256xf32> to vector<1x256xf32>
      %min3A_210 = vector.broadcast %squeeze3A_208 : vector<64x1xf32> to vector<64x256xf32>
      %min3A_211 = vector.broadcast %slice3A_209 : vector<1x256xf32> to vector<64x256xf32>
      %min3A_212 = arith.minimumf %min3A_210, %min3A_211 : vector<64x256xf32>
      %add3A_213 = arith.addf %add3A_204, %min3A_212 : vector<64x256xf32>
      %add3A_214 = arith.addf %add3A_205, %slice3A_209 : vector<1x256xf32>
      %add3A_215 = arith.addf %add3A_206, %squeeze3A_208 : vector<64x1xf32>
      %slice3A_216 = vector.extract_strided_slice %get3A_161 {offsets = [6, 0, 0], sizes = [1, 64, 1], strides = [1, 1, 1]} : vector<8x64x1xf32> to vector<1x64x1xf32>
      %squeeze3A_217 = vector.shape_cast %slice3A_216 : vector<1x64x1xf32> to vector<64x1xf32>
      %slice3A_218 = vector.extract_strided_slice %get3A_164 {offsets = [6, 0], sizes = [1, 256], strides = [1, 1]} : vector<8x256xf32> to vector<1x256xf32>
      %min3A_219 = vector.broadcast %squeeze3A_217 : vector<64x1xf32> to vector<64x256xf32>
      %min3A_220 = vector.broadcast %slice3A_218 : vector<1x256xf32> to vector<64x256xf32>
      %min3A_221 = arith.minimumf %min3A_219, %min3A_220 : vector<64x256xf32>
      %add3A_222 = arith.addf %add3A_213, %min3A_221 : vector<64x256xf32>
      %add3A_223 = arith.addf %add3A_214, %slice3A_218 : vector<1x256xf32>
      %add3A_224 = arith.addf %add3A_215, %squeeze3A_217 : vector<64x1xf32>
      %slice3A_225 = vector.extract_strided_slice %get3A_161 {offsets = [7, 0, 0], sizes = [1, 64, 1], strides = [1, 1, 1]} : vector<8x64x1xf32> to vector<1x64x1xf32>
      %squeeze3A_226 = vector.shape_cast %slice3A_225 : vector<1x64x1xf32> to vector<64x1xf32>
      %slice3A_227 = vector.extract_strided_slice %get3A_164 {offsets = [7, 0], sizes = [1, 256], strides = [1, 1]} : vector<8x256xf32> to vector<1x256xf32>
      %min3A_228 = vector.broadcast %squeeze3A_226 : vector<64x1xf32> to vector<64x256xf32>
      %min3A_229 = vector.broadcast %slice3A_227 : vector<1x256xf32> to vector<64x256xf32>
      %min3A_230 = arith.minimumf %min3A_228, %min3A_229 : vector<64x256xf32>
      %add3A_231 = arith.addf %add3A_222, %min3A_230 : vector<64x256xf32>
      %add3A_232 = arith.addf %add3A_223, %slice3A_227 : vector<1x256xf32>
      %add3A_233 = arith.addf %add3A_224, %squeeze3A_226 : vector<64x1xf32>
      scf.yield %add3A_231, %add3A_232, %add3A_233 : vector<64x256xf32>, vector<1x256xf32>, vector<64x1xf32>
    }
    %scan3A_125 = arith.constant 32 : i32
    %add3A_126 = vector.broadcast %scan3A_124#2 : vector<64x1xf32> to vector<64x256xf32>
    %add3A_127 = vector.broadcast %scan3A_124#1 : vector<1x256xf32> to vector<64x256xf32>
    %add3A_128 = arith.addf %add3A_126, %add3A_127 : vector<64x256xf32>
    %sub3A_129 = arith.subf %add3A_128, %scan3A_124#0 : vector<64x256xf32>
    %div3A_130 = arith.divf %scan3A_124#0, %sub3A_129 : vector<64x256xf32>
    %swap3A_131 = arith.constant 0 : index
    %swap3A_132 = arith.constant 1536 : index
    %swap3A_133 = vector.load %arg2[%swap3A_131, %swap3A_132] : memref<64x2048xf32, #tpu.memory_space<vmem>>, vector<64x256xf32>
    tpu.vector_store %arg2[%swap3A_131, %swap3A_132], %div3A_130 {strides = array<i32>} : memref<64x2048xf32, #tpu.memory_space<vmem>>, vector<64x256xf32>,
    %broadcast_in_dim3A_134 = arith.constant 0.000000e+00 : f32
    %broadcast_in_dim3A_135 = vector.broadcast %broadcast_in_dim3A_134 : f32 to vector<64x256xf32>
    %broadcast_in_dim3A_136 = arith.constant 0.000000e+00 : f32
    %broadcast_in_dim3A_137 = vector.broadcast %broadcast_in_dim3A_136 : f32 to vector<1x256xf32>
    %broadcast_in_dim3A_138 = arith.constant 0.000000e+00 : f32
    %broadcast_in_dim3A_139 = vector.broadcast %broadcast_in_dim3A_138 : f32 to vector<64x1xf32>
    %scan3A_140 = arith.constant 0 : i32
    %scan3A_141 = arith.constant 32 : i32
    %scan3A_142 = arith.addi %scan3A_140, %scan3A_141 : i32
    %scan3A_143 = arith.constant 1 : i32
    %scan3A_144:3 = scf.for %scan3A_154 = %scan3A_140 to %scan3A_142 step %scan3A_143 iter_args(%scan3A_155 = %broadcast_in_dim3A_135, %scan3A_156 = %broadcast_in_dim3A_137, %scan3A_157 = %broadcast_in_dim3A_139) -> (vector<64x256xf32>, vector<1x256xf32>, vector<64x1xf32>)  : i32 {
      %mul3A = arith.constant 8 : i32
      %mul3A_158 = arith.muli %scan3A_154, %mul3A : i32
      %get3A = arith.index_cast %mul3A_158 : i32 to index
      %get3A_159 = arith.constant 0 : index
      %get3A_160 = arith.constant 0 : index
      %get3A_161 = vector.load %arg0[%get3A, %get3A_159, %get3A_160] : memref<256x64x1xf32, #tpu.memory_space<vmem>>, vector<8x64x1xf32>
      %get3A_162 = arith.index_cast %mul3A_158 : i32 to index
      %get3A_163 = arith.constant 1792 : index
      %get3A_164 = vector.load %arg1[%get3A_162, %get3A_163] : memref<256x2048xf32, #tpu.memory_space<vmem>>, vector<8x256xf32>
      %slice3A = vector.extract_strided_slice %get3A_161 {offsets = [0, 0, 0], sizes = [1, 64, 1], strides = [1, 1, 1]} : vector<8x64x1xf32> to vector<1x64x1xf32>
      %squeeze3A = vector.shape_cast %slice3A : vector<1x64x1xf32> to vector<64x1xf32>
      %slice3A_165 = vector.extract_strided_slice %get3A_164 {offsets = [0, 0], sizes = [1, 256], strides = [1, 1]} : vector<8x256xf32> to vector<1x256xf32>
      %min3A = vector.broadcast %squeeze3A : vector<64x1xf32> to vector<64x256xf32>
      %min3A_166 = vector.broadcast %slice3A_165 : vector<1x256xf32> to vector<64x256xf32>
      %min3A_167 = arith.minimumf %min3A, %min3A_166 : vector<64x256xf32>
      %add3A_168 = arith.addf %scan3A_155, %min3A_167 : vector<64x256xf32>
      %add3A_169 = arith.addf %scan3A_156, %slice3A_165 : vector<1x256xf32>
      %add3A_170 = arith.addf %scan3A_157, %squeeze3A : vector<64x1xf32>
      %slice3A_171 = vector.extract_strided_slice %get3A_161 {offsets = [1, 0, 0], sizes = [1, 64, 1], strides = [1, 1, 1]} : vector<8x64x1xf32> to vector<1x64x1xf32>
      %squeeze3A_172 = vector.shape_cast %slice3A_171 : vector<1x64x1xf32> to vector<64x1xf32>
      %slice3A_173 = vector.extract_strided_slice %get3A_164 {offsets = [1, 0], sizes = [1, 256], strides = [1, 1]} : vector<8x256xf32> to vector<1x256xf32>
      %min3A_174 = vector.broadcast %squeeze3A_172 : vector<64x1xf32> to vector<64x256xf32>
      %min3A_175 = vector.broadcast %slice3A_173 : vector<1x256xf32> to vector<64x256xf32>
      %min3A_176 = arith.minimumf %min3A_174, %min3A_175 : vector<64x256xf32>
      %add3A_177 = arith.addf %add3A_168, %min3A_176 : vector<64x256xf32>
      %add3A_178 = arith.addf %add3A_169, %slice3A_173 : vector<1x256xf32>
      %add3A_179 = arith.addf %add3A_170, %squeeze3A_172 : vector<64x1xf32>
      %slice3A_180 = vector.extract_strided_slice %get3A_161 {offsets = [2, 0, 0], sizes = [1, 64, 1], strides = [1, 1, 1]} : vector<8x64x1xf32> to vector<1x64x1xf32>
      %squeeze3A_181 = vector.shape_cast %slice3A_180 : vector<1x64x1xf32> to vector<64x1xf32>
      %slice3A_182 = vector.extract_strided_slice %get3A_164 {offsets = [2, 0], sizes = [1, 256], strides = [1, 1]} : vector<8x256xf32> to vector<1x256xf32>
      %min3A_183 = vector.broadcast %squeeze3A_181 : vector<64x1xf32> to vector<64x256xf32>
      %min3A_184 = vector.broadcast %slice3A_182 : vector<1x256xf32> to vector<64x256xf32>
      %min3A_185 = arith.minimumf %min3A_183, %min3A_184 : vector<64x256xf32>
      %add3A_186 = arith.addf %add3A_177, %min3A_185 : vector<64x256xf32>
      %add3A_187 = arith.addf %add3A_178, %slice3A_182 : vector<1x256xf32>
      %add3A_188 = arith.addf %add3A_179, %squeeze3A_181 : vector<64x1xf32>
      %slice3A_189 = vector.extract_strided_slice %get3A_161 {offsets = [3, 0, 0], sizes = [1, 64, 1], strides = [1, 1, 1]} : vector<8x64x1xf32> to vector<1x64x1xf32>
      %squeeze3A_190 = vector.shape_cast %slice3A_189 : vector<1x64x1xf32> to vector<64x1xf32>
      %slice3A_191 = vector.extract_strided_slice %get3A_164 {offsets = [3, 0], sizes = [1, 256], strides = [1, 1]} : vector<8x256xf32> to vector<1x256xf32>
      %min3A_192 = vector.broadcast %squeeze3A_190 : vector<64x1xf32> to vector<64x256xf32>
      %min3A_193 = vector.broadcast %slice3A_191 : vector<1x256xf32> to vector<64x256xf32>
      %min3A_194 = arith.minimumf %min3A_192, %min3A_193 : vector<64x256xf32>
      %add3A_195 = arith.addf %add3A_186, %min3A_194 : vector<64x256xf32>
      %add3A_196 = arith.addf %add3A_187, %slice3A_191 : vector<1x256xf32>
      %add3A_197 = arith.addf %add3A_188, %squeeze3A_190 : vector<64x1xf32>
      %slice3A_198 = vector.extract_strided_slice %get3A_161 {offsets = [4, 0, 0], sizes = [1, 64, 1], strides = [1, 1, 1]} : vector<8x64x1xf32> to vector<1x64x1xf32>
      %squeeze3A_199 = vector.shape_cast %slice3A_198 : vector<1x64x1xf32> to vector<64x1xf32>
      %slice3A_200 = vector.extract_strided_slice %get3A_164 {offsets = [4, 0], sizes = [1, 256], strides = [1, 1]} : vector<8x256xf32> to vector<1x256xf32>
      %min3A_201 = vector.broadcast %squeeze3A_199 : vector<64x1xf32> to vector<64x256xf32>
      %min3A_202 = vector.broadcast %slice3A_200 : vector<1x256xf32> to vector<64x256xf32>
      %min3A_203 = arith.minimumf %min3A_201, %min3A_202 : vector<64x256xf32>
      %add3A_204 = arith.addf %add3A_195, %min3A_203 : vector<64x256xf32>
      %add3A_205 = arith.addf %add3A_196, %slice3A_200 : vector<1x256xf32>
      %add3A_206 = arith.addf %add3A_197, %squeeze3A_199 : vector<64x1xf32>
      %slice3A_207 = vector.extract_strided_slice %get3A_161 {offsets = [5, 0, 0], sizes = [1, 64, 1], strides = [1, 1, 1]} : vector<8x64x1xf32> to vector<1x64x1xf32>
      %squeeze3A_208 = vector.shape_cast %slice3A_207 : vector<1x64x1xf32> to vector<64x1xf32>
      %slice3A_209 = vector.extract_strided_slice %get3A_164 {offsets = [5, 0], sizes = [1, 256], strides = [1, 1]} : vector<8x256xf32> to vector<1x256xf32>
      %min3A_210 = vector.broadcast %squeeze3A_208 : vector<64x1xf32> to vector<64x256xf32>
      %min3A_211 = vector.broadcast %slice3A_209 : vector<1x256xf32> to vector<64x256xf32>
      %min3A_212 = arith.minimumf %min3A_210, %min3A_211 : vector<64x256xf32>
      %add3A_213 = arith.addf %add3A_204, %min3A_212 : vector<64x256xf32>
      %add3A_214 = arith.addf %add3A_205, %slice3A_209 : vector<1x256xf32>
      %add3A_215 = arith.addf %add3A_206, %squeeze3A_208 : vector<64x1xf32>
      %slice3A_216 = vector.extract_strided_slice %get3A_161 {offsets = [6, 0, 0], sizes = [1, 64, 1], strides = [1, 1, 1]} : vector<8x64x1xf32> to vector<1x64x1xf32>
      %squeeze3A_217 = vector.shape_cast %slice3A_216 : vector<1x64x1xf32> to vector<64x1xf32>
      %slice3A_218 = vector.extract_strided_slice %get3A_164 {offsets = [6, 0], sizes = [1, 256], strides = [1, 1]} : vector<8x256xf32> to vector<1x256xf32>
      %min3A_219 = vector.broadcast %squeeze3A_217 : vector<64x1xf32> to vector<64x256xf32>
      %min3A_220 = vector.broadcast %slice3A_218 : vector<1x256xf32> to vector<64x256xf32>
      %min3A_221 = arith.minimumf %min3A_219, %min3A_220 : vector<64x256xf32>
      %add3A_222 = arith.addf %add3A_213, %min3A_221 : vector<64x256xf32>
      %add3A_223 = arith.addf %add3A_214, %slice3A_218 : vector<1x256xf32>
      %add3A_224 = arith.addf %add3A_215, %squeeze3A_217 : vector<64x1xf32>
      %slice3A_225 = vector.extract_strided_slice %get3A_161 {offsets = [7, 0, 0], sizes = [1, 64, 1], strides = [1, 1, 1]} : vector<8x64x1xf32> to vector<1x64x1xf32>
      %squeeze3A_226 = vector.shape_cast %slice3A_225 : vector<1x64x1xf32> to vector<64x1xf32>
      %slice3A_227 = vector.extract_strided_slice %get3A_164 {offsets = [7, 0], sizes = [1, 256], strides = [1, 1]} : vector<8x256xf32> to vector<1x256xf32>
      %min3A_228 = vector.broadcast %squeeze3A_226 : vector<64x1xf32> to vector<64x256xf32>
      %min3A_229 = vector.broadcast %slice3A_227 : vector<1x256xf32> to vector<64x256xf32>
      %min3A_230 = arith.minimumf %min3A_228, %min3A_229 : vector<64x256xf32>
      %add3A_231 = arith.addf %add3A_222, %min3A_230 : vector<64x256xf32>
      %add3A_232 = arith.addf %add3A_223, %slice3A_227 : vector<1x256xf32>
      %add3A_233 = arith.addf %add3A_224, %squeeze3A_226 : vector<64x1xf32>
      scf.yield %add3A_231, %add3A_232, %add3A_233 : vector<64x256xf32>, vector<1x256xf32>, vector<64x1xf32>
    }
    %scan3A_145 = arith.constant 32 : i32
    %add3A_146 = vector.broadcast %scan3A_144#2 : vector<64x1xf32> to vector<64x256xf32>
    %add3A_147 = vector.broadcast %scan3A_144#1 : vector<1x256xf32> to vector<64x256xf32>
    %add3A_148 = arith.addf %add3A_146, %add3A_147 : vector<64x256xf32>
    %sub3A_149 = arith.subf %add3A_148, %scan3A_144#0 : vector<64x256xf32>
    %div3A_150 = arith.divf %scan3A_144#0, %sub3A_149 : vector<64x256xf32>
    %swap3A_151 = arith.constant 0 : index
    %swap3A_152 = arith.constant 1792 : index
    %swap3A_153 = vector.load %arg2[%swap3A_151, %swap3A_152] : memref<64x2048xf32, #tpu.memory_space<vmem>>, vector<64x256xf32>
    tpu.vector_store %arg2[%swap3A_151, %swap3A_152], %div3A_150 {strides = array<i32>} : memref<64x2048xf32, #tpu.memory_space<vmem>>, vector<64x256xf32>,
    return
  }
}

module attributes {stable_mosaic.version = 14 : i64} {
  func.func @_tc_topk_body(%arg0: memref<64x2048xf32, #tpu.memory_space<vmem>>, %arg1: memref<64x2048xf32, #tpu.memory_space<vmem>>, %arg2: memref<64x10xi32, #tpu.memory_space<vmem>>, %arg3: memref<64x10xi32, #tpu.memory_space<vmem>>) attributes {dimension_semantics = [], scalar_prefetch = 0 : i64, scratch_operands = 0 : i64, tpu.core_type = #tpu.core_type<tc>} {
    %iota3A = tpu.iota {dimensions = array<i32: 1>} : vector<64x4096xi32>
    %get3A = arith.constant 0 : index
    %get3A_0 = arith.constant 0 : index
    %get3A_1 = vector.load %arg0[%get3A, %get3A_0] : memref<64x2048xf32, #tpu.memory_space<vmem>>, vector<64x2048xf32>
    %get3A_2 = arith.constant 0 : index
    %get3A_3 = arith.constant 0 : index
    %get3A_4 = vector.load %arg1[%get3A_2, %get3A_3] : memref<64x2048xf32, #tpu.memory_space<vmem>>, vector<64x2048xf32>
    %concatenate3A = tpu.concatenate %get3A_1, %get3A_4 in 1 : vector<64x2048xf32>, vector<64x2048xf32> -> vector<64x4096xf32>
    %reduce_max3A = arith.constant dense<0xFF800000> : vector<64xf32>
    %reduce_max3A_5 = vector.multi_reduction <maximumf>, %concatenate3A, %reduce_max3A [1] : vector<64x4096xf32> to vector<64xf32>
    %broadcast_in_dim3A = vector.shape_cast %reduce_max3A_5 : vector<64xf32> to vector<64x1xf32>
    %eq3A = vector.broadcast %broadcast_in_dim3A : vector<64x1xf32> to vector<64x4096xf32>
    %eq3A_6 = arith.cmpf oeq, %concatenate3A, %eq3A : vector<64x4096xf32>
    %jit3A = arith.constant 1073741824 : i32
    %broadcast_in_dim3A_7 = vector.broadcast %jit3A : i32 to vector<64x4096xi32>
    %select_n3A = arith.select %eq3A_6, %iota3A, %broadcast_in_dim3A_7 : vector<64x4096xi1>, vector<64x4096xi32>
    %reduce_min3A = arith.constant dense<2147483647> : vector<64xi32>
    %reduce_min3A_8 = vector.multi_reduction <minsi>, %select_n3A, %reduce_min3A [1] : vector<64x4096xi32> to vector<64xi32>
    %broadcast_in_dim3A_9 = vector.shape_cast %reduce_min3A_8 : vector<64xi32> to vector<64x1xi32>
    %eq3A_10 = vector.broadcast %broadcast_in_dim3A_9 : vector<64x1xi32> to vector<64x4096xi32>
    %eq3A_11 = arith.cmpi eq, %eq3A_10, %iota3A : vector<64x4096xi32>
    %jit3A_12 = arith.constant -3.000000e+38 : f32
    %broadcast_in_dim3A_13 = vector.broadcast %jit3A_12 : f32 to vector<64x4096xf32>
    %select_n3A_14 = arith.select %eq3A_11, %broadcast_in_dim3A_13, %concatenate3A : vector<64x4096xi1>, vector<64x4096xf32>
    %reduce_max3A_15 = arith.constant dense<0xFF800000> : vector<64xf32>
    %reduce_max3A_16 = vector.multi_reduction <maximumf>, %select_n3A_14, %reduce_max3A_15 [1] : vector<64x4096xf32> to vector<64xf32>
    %broadcast_in_dim3A_17 = vector.shape_cast %reduce_max3A_16 : vector<64xf32> to vector<64x1xf32>
    %eq3A_18 = vector.broadcast %broadcast_in_dim3A_17 : vector<64x1xf32> to vector<64x4096xf32>
    %eq3A_19 = arith.cmpf oeq, %select_n3A_14, %eq3A_18 : vector<64x4096xf32>
    %jit3A_20 = arith.constant 1073741824 : i32
    %broadcast_in_dim3A_21 = vector.broadcast %jit3A_20 : i32 to vector<64x4096xi32>
    %select_n3A_22 = arith.select %eq3A_19, %iota3A, %broadcast_in_dim3A_21 : vector<64x4096xi1>, vector<64x4096xi32>
    %reduce_min3A_23 = arith.constant dense<2147483647> : vector<64xi32>
    %reduce_min3A_24 = vector.multi_reduction <minsi>, %select_n3A_22, %reduce_min3A_23 [1] : vector<64x4096xi32> to vector<64xi32>
    %broadcast_in_dim3A_25 = vector.shape_cast %reduce_min3A_24 : vector<64xi32> to vector<64x1xi32>
    %eq3A_26 = vector.broadcast %broadcast_in_dim3A_25 : vector<64x1xi32> to vector<64x4096xi32>
    %eq3A_27 = arith.cmpi eq, %eq3A_26, %iota3A : vector<64x4096xi32>
    %jit3A_28 = arith.constant -3.000000e+38 : f32
    %broadcast_in_dim3A_29 = vector.broadcast %jit3A_28 : f32 to vector<64x4096xf32>
    %select_n3A_30 = arith.select %eq3A_27, %broadcast_in_dim3A_29, %select_n3A_14 : vector<64x4096xi1>, vector<64x4096xf32>
    %reduce_max3A_31 = arith.constant dense<0xFF800000> : vector<64xf32>
    %reduce_max3A_32 = vector.multi_reduction <maximumf>, %select_n3A_30, %reduce_max3A_31 [1] : vector<64x4096xf32> to vector<64xf32>
    %broadcast_in_dim3A_33 = vector.shape_cast %reduce_max3A_32 : vector<64xf32> to vector<64x1xf32>
    %eq3A_34 = vector.broadcast %broadcast_in_dim3A_33 : vector<64x1xf32> to vector<64x4096xf32>
    %eq3A_35 = arith.cmpf oeq, %select_n3A_30, %eq3A_34 : vector<64x4096xf32>
    %jit3A_36 = arith.constant 1073741824 : i32
    %broadcast_in_dim3A_37 = vector.broadcast %jit3A_36 : i32 to vector<64x4096xi32>
    %select_n3A_38 = arith.select %eq3A_35, %iota3A, %broadcast_in_dim3A_37 : vector<64x4096xi1>, vector<64x4096xi32>
    %reduce_min3A_39 = arith.constant dense<2147483647> : vector<64xi32>
    %reduce_min3A_40 = vector.multi_reduction <minsi>, %select_n3A_38, %reduce_min3A_39 [1] : vector<64x4096xi32> to vector<64xi32>
    %broadcast_in_dim3A_41 = vector.shape_cast %reduce_min3A_40 : vector<64xi32> to vector<64x1xi32>
    %eq3A_42 = vector.broadcast %broadcast_in_dim3A_41 : vector<64x1xi32> to vector<64x4096xi32>
    %eq3A_43 = arith.cmpi eq, %eq3A_42, %iota3A : vector<64x4096xi32>
    %jit3A_44 = arith.constant -3.000000e+38 : f32
    %broadcast_in_dim3A_45 = vector.broadcast %jit3A_44 : f32 to vector<64x4096xf32>
    %select_n3A_46 = arith.select %eq3A_43, %broadcast_in_dim3A_45, %select_n3A_30 : vector<64x4096xi1>, vector<64x4096xf32>
    %reduce_max3A_47 = arith.constant dense<0xFF800000> : vector<64xf32>
    %reduce_max3A_48 = vector.multi_reduction <maximumf>, %select_n3A_46, %reduce_max3A_47 [1] : vector<64x4096xf32> to vector<64xf32>
    %broadcast_in_dim3A_49 = vector.shape_cast %reduce_max3A_48 : vector<64xf32> to vector<64x1xf32>
    %eq3A_50 = vector.broadcast %broadcast_in_dim3A_49 : vector<64x1xf32> to vector<64x4096xf32>
    %eq3A_51 = arith.cmpf oeq, %select_n3A_46, %eq3A_50 : vector<64x4096xf32>
    %jit3A_52 = arith.constant 1073741824 : i32
    %broadcast_in_dim3A_53 = vector.broadcast %jit3A_52 : i32 to vector<64x4096xi32>
    %select_n3A_54 = arith.select %eq3A_51, %iota3A, %broadcast_in_dim3A_53 : vector<64x4096xi1>, vector<64x4096xi32>
    %reduce_min3A_55 = arith.constant dense<2147483647> : vector<64xi32>
    %reduce_min3A_56 = vector.multi_reduction <minsi>, %select_n3A_54, %reduce_min3A_55 [1] : vector<64x4096xi32> to vector<64xi32>
    %broadcast_in_dim3A_57 = vector.shape_cast %reduce_min3A_56 : vector<64xi32> to vector<64x1xi32>
    %eq3A_58 = vector.broadcast %broadcast_in_dim3A_57 : vector<64x1xi32> to vector<64x4096xi32>
    %eq3A_59 = arith.cmpi eq, %eq3A_58, %iota3A : vector<64x4096xi32>
    %jit3A_60 = arith.constant -3.000000e+38 : f32
    %broadcast_in_dim3A_61 = vector.broadcast %jit3A_60 : f32 to vector<64x4096xf32>
    %select_n3A_62 = arith.select %eq3A_59, %broadcast_in_dim3A_61, %select_n3A_46 : vector<64x4096xi1>, vector<64x4096xf32>
    %reduce_max3A_63 = arith.constant dense<0xFF800000> : vector<64xf32>
    %reduce_max3A_64 = vector.multi_reduction <maximumf>, %select_n3A_62, %reduce_max3A_63 [1] : vector<64x4096xf32> to vector<64xf32>
    %broadcast_in_dim3A_65 = vector.shape_cast %reduce_max3A_64 : vector<64xf32> to vector<64x1xf32>
    %eq3A_66 = vector.broadcast %broadcast_in_dim3A_65 : vector<64x1xf32> to vector<64x4096xf32>
    %eq3A_67 = arith.cmpf oeq, %select_n3A_62, %eq3A_66 : vector<64x4096xf32>
    %jit3A_68 = arith.constant 1073741824 : i32
    %broadcast_in_dim3A_69 = vector.broadcast %jit3A_68 : i32 to vector<64x4096xi32>
    %select_n3A_70 = arith.select %eq3A_67, %iota3A, %broadcast_in_dim3A_69 : vector<64x4096xi1>, vector<64x4096xi32>
    %reduce_min3A_71 = arith.constant dense<2147483647> : vector<64xi32>
    %reduce_min3A_72 = vector.multi_reduction <minsi>, %select_n3A_70, %reduce_min3A_71 [1] : vector<64x4096xi32> to vector<64xi32>
    %broadcast_in_dim3A_73 = vector.shape_cast %reduce_min3A_72 : vector<64xi32> to vector<64x1xi32>
    %eq3A_74 = vector.broadcast %broadcast_in_dim3A_73 : vector<64x1xi32> to vector<64x4096xi32>
    %eq3A_75 = arith.cmpi eq, %eq3A_74, %iota3A : vector<64x4096xi32>
    %jit3A_76 = arith.constant -3.000000e+38 : f32
    %broadcast_in_dim3A_77 = vector.broadcast %jit3A_76 : f32 to vector<64x4096xf32>
    %select_n3A_78 = arith.select %eq3A_75, %broadcast_in_dim3A_77, %select_n3A_62 : vector<64x4096xi1>, vector<64x4096xf32>
    %reduce_max3A_79 = arith.constant dense<0xFF800000> : vector<64xf32>
    %reduce_max3A_80 = vector.multi_reduction <maximumf>, %select_n3A_78, %reduce_max3A_79 [1] : vector<64x4096xf32> to vector<64xf32>
    %broadcast_in_dim3A_81 = vector.shape_cast %reduce_max3A_80 : vector<64xf32> to vector<64x1xf32>
    %eq3A_82 = vector.broadcast %broadcast_in_dim3A_81 : vector<64x1xf32> to vector<64x4096xf32>
    %eq3A_83 = arith.cmpf oeq, %select_n3A_78, %eq3A_82 : vector<64x4096xf32>
    %jit3A_84 = arith.constant 1073741824 : i32
    %broadcast_in_dim3A_85 = vector.broadcast %jit3A_84 : i32 to vector<64x4096xi32>
    %select_n3A_86 = arith.select %eq3A_83, %iota3A, %broadcast_in_dim3A_85 : vector<64x4096xi1>, vector<64x4096xi32>
    %reduce_min3A_87 = arith.constant dense<2147483647> : vector<64xi32>
    %reduce_min3A_88 = vector.multi_reduction <minsi>, %select_n3A_86, %reduce_min3A_87 [1] : vector<64x4096xi32> to vector<64xi32>
    %broadcast_in_dim3A_89 = vector.shape_cast %reduce_min3A_88 : vector<64xi32> to vector<64x1xi32>
    %eq3A_90 = vector.broadcast %broadcast_in_dim3A_89 : vector<64x1xi32> to vector<64x4096xi32>
    %eq3A_91 = arith.cmpi eq, %eq3A_90, %iota3A : vector<64x4096xi32>
    %jit3A_92 = arith.constant -3.000000e+38 : f32
    %broadcast_in_dim3A_93 = vector.broadcast %jit3A_92 : f32 to vector<64x4096xf32>
    %select_n3A_94 = arith.select %eq3A_91, %broadcast_in_dim3A_93, %select_n3A_78 : vector<64x4096xi1>, vector<64x4096xf32>
    %reduce_max3A_95 = arith.constant dense<0xFF800000> : vector<64xf32>
    %reduce_max3A_96 = vector.multi_reduction <maximumf>, %select_n3A_94, %reduce_max3A_95 [1] : vector<64x4096xf32> to vector<64xf32>
    %broadcast_in_dim3A_97 = vector.shape_cast %reduce_max3A_96 : vector<64xf32> to vector<64x1xf32>
    %eq3A_98 = vector.broadcast %broadcast_in_dim3A_97 : vector<64x1xf32> to vector<64x4096xf32>
    %eq3A_99 = arith.cmpf oeq, %select_n3A_94, %eq3A_98 : vector<64x4096xf32>
    %jit3A_100 = arith.constant 1073741824 : i32
    %broadcast_in_dim3A_101 = vector.broadcast %jit3A_100 : i32 to vector<64x4096xi32>
    %select_n3A_102 = arith.select %eq3A_99, %iota3A, %broadcast_in_dim3A_101 : vector<64x4096xi1>, vector<64x4096xi32>
    %reduce_min3A_103 = arith.constant dense<2147483647> : vector<64xi32>
    %reduce_min3A_104 = vector.multi_reduction <minsi>, %select_n3A_102, %reduce_min3A_103 [1] : vector<64x4096xi32> to vector<64xi32>
    %broadcast_in_dim3A_105 = vector.shape_cast %reduce_min3A_104 : vector<64xi32> to vector<64x1xi32>
    %eq3A_106 = vector.broadcast %broadcast_in_dim3A_105 : vector<64x1xi32> to vector<64x4096xi32>
    %eq3A_107 = arith.cmpi eq, %eq3A_106, %iota3A : vector<64x4096xi32>
    %jit3A_108 = arith.constant -3.000000e+38 : f32
    %broadcast_in_dim3A_109 = vector.broadcast %jit3A_108 : f32 to vector<64x4096xf32>
    %select_n3A_110 = arith.select %eq3A_107, %broadcast_in_dim3A_109, %select_n3A_94 : vector<64x4096xi1>, vector<64x4096xf32>
    %reduce_max3A_111 = arith.constant dense<0xFF800000> : vector<64xf32>
    %reduce_max3A_112 = vector.multi_reduction <maximumf>, %select_n3A_110, %reduce_max3A_111 [1] : vector<64x4096xf32> to vector<64xf32>
    %broadcast_in_dim3A_113 = vector.shape_cast %reduce_max3A_112 : vector<64xf32> to vector<64x1xf32>
    %eq3A_114 = vector.broadcast %broadcast_in_dim3A_113 : vector<64x1xf32> to vector<64x4096xf32>
    %eq3A_115 = arith.cmpf oeq, %select_n3A_110, %eq3A_114 : vector<64x4096xf32>
    %jit3A_116 = arith.constant 1073741824 : i32
    %broadcast_in_dim3A_117 = vector.broadcast %jit3A_116 : i32 to vector<64x4096xi32>
    %select_n3A_118 = arith.select %eq3A_115, %iota3A, %broadcast_in_dim3A_117 : vector<64x4096xi1>, vector<64x4096xi32>
    %reduce_min3A_119 = arith.constant dense<2147483647> : vector<64xi32>
    %reduce_min3A_120 = vector.multi_reduction <minsi>, %select_n3A_118, %reduce_min3A_119 [1] : vector<64x4096xi32> to vector<64xi32>
    %broadcast_in_dim3A_121 = vector.shape_cast %reduce_min3A_120 : vector<64xi32> to vector<64x1xi32>
    %eq3A_122 = vector.broadcast %broadcast_in_dim3A_121 : vector<64x1xi32> to vector<64x4096xi32>
    %eq3A_123 = arith.cmpi eq, %eq3A_122, %iota3A : vector<64x4096xi32>
    %jit3A_124 = arith.constant -3.000000e+38 : f32
    %broadcast_in_dim3A_125 = vector.broadcast %jit3A_124 : f32 to vector<64x4096xf32>
    %select_n3A_126 = arith.select %eq3A_123, %broadcast_in_dim3A_125, %select_n3A_110 : vector<64x4096xi1>, vector<64x4096xf32>
    %reduce_max3A_127 = arith.constant dense<0xFF800000> : vector<64xf32>
    %reduce_max3A_128 = vector.multi_reduction <maximumf>, %select_n3A_126, %reduce_max3A_127 [1] : vector<64x4096xf32> to vector<64xf32>
    %broadcast_in_dim3A_129 = vector.shape_cast %reduce_max3A_128 : vector<64xf32> to vector<64x1xf32>
    %eq3A_130 = vector.broadcast %broadcast_in_dim3A_129 : vector<64x1xf32> to vector<64x4096xf32>
    %eq3A_131 = arith.cmpf oeq, %select_n3A_126, %eq3A_130 : vector<64x4096xf32>
    %jit3A_132 = arith.constant 1073741824 : i32
    %broadcast_in_dim3A_133 = vector.broadcast %jit3A_132 : i32 to vector<64x4096xi32>
    %select_n3A_134 = arith.select %eq3A_131, %iota3A, %broadcast_in_dim3A_133 : vector<64x4096xi1>, vector<64x4096xi32>
    %reduce_min3A_135 = arith.constant dense<2147483647> : vector<64xi32>
    %reduce_min3A_136 = vector.multi_reduction <minsi>, %select_n3A_134, %reduce_min3A_135 [1] : vector<64x4096xi32> to vector<64xi32>
    %broadcast_in_dim3A_137 = vector.shape_cast %reduce_min3A_136 : vector<64xi32> to vector<64x1xi32>
    %eq3A_138 = vector.broadcast %broadcast_in_dim3A_137 : vector<64x1xi32> to vector<64x4096xi32>
    %eq3A_139 = arith.cmpi eq, %eq3A_138, %iota3A : vector<64x4096xi32>
    %jit3A_140 = arith.constant -3.000000e+38 : f32
    %broadcast_in_dim3A_141 = vector.broadcast %jit3A_140 : f32 to vector<64x4096xf32>
    %select_n3A_142 = arith.select %eq3A_139, %broadcast_in_dim3A_141, %select_n3A_126 : vector<64x4096xi1>, vector<64x4096xf32>
    %reduce_max3A_143 = arith.constant dense<0xFF800000> : vector<64xf32>
    %reduce_max3A_144 = vector.multi_reduction <maximumf>, %select_n3A_142, %reduce_max3A_143 [1] : vector<64x4096xf32> to vector<64xf32>
    %broadcast_in_dim3A_145 = vector.shape_cast %reduce_max3A_144 : vector<64xf32> to vector<64x1xf32>
    %eq3A_146 = vector.broadcast %broadcast_in_dim3A_145 : vector<64x1xf32> to vector<64x4096xf32>
    %eq3A_147 = arith.cmpf oeq, %select_n3A_142, %eq3A_146 : vector<64x4096xf32>
    %jit3A_148 = arith.constant 1073741824 : i32
    %broadcast_in_dim3A_149 = vector.broadcast %jit3A_148 : i32 to vector<64x4096xi32>
    %select_n3A_150 = arith.select %eq3A_147, %iota3A, %broadcast_in_dim3A_149 : vector<64x4096xi1>, vector<64x4096xi32>
    %reduce_min3A_151 = arith.constant dense<2147483647> : vector<64xi32>
    %reduce_min3A_152 = vector.multi_reduction <minsi>, %select_n3A_150, %reduce_min3A_151 [1] : vector<64x4096xi32> to vector<64xi32>
    %broadcast_in_dim3A_153 = vector.shape_cast %reduce_min3A_152 : vector<64xi32> to vector<64x1xi32>
    %concatenate3A_154 = tpu.concatenate %broadcast_in_dim3A_9, %broadcast_in_dim3A_25, %broadcast_in_dim3A_41, %broadcast_in_dim3A_57, %broadcast_in_dim3A_73, %broadcast_in_dim3A_89, %broadcast_in_dim3A_105, %broadcast_in_dim3A_121, %broadcast_in_dim3A_137, %broadcast_in_dim3A_153 in 1 : vector<64x1xi32>, vector<64x1xi32>, vector<64x1xi32>, vector<64x1xi32>, vector<64x1xi32>, vector<64x1xi32>, vector<64x1xi32>, vector<64x1xi32>, vector<64x1xi32>, vector<64x1xi32> -> vector<64x10xi32>
    %swap3A = arith.constant 0 : index
    %swap3A_155 = arith.constant 0 : index
    %swap3A_156 = vector.load %arg2[%swap3A, %swap3A_155] : memref<64x10xi32, #tpu.memory_space<vmem>>, vector<64x10xi32>
    tpu.vector_store %arg2[%swap3A, %swap3A_155], %concatenate3A_154 {strides = array<i32>} : memref<64x10xi32, #tpu.memory_space<vmem>>, vector<64x10xi32>,
    %neg3A = arith.constant 0.000000e+00 : f32
    %neg3A_157 = vector.broadcast %neg3A : f32 to vector<64x4096xf32>
    %neg3A_158 = arith.subf %neg3A_157, %concatenate3A : vector<64x4096xf32>
    %reduce_max3A_159 = arith.constant dense<0xFF800000> : vector<64xf32>
    %reduce_max3A_160 = vector.multi_reduction <maximumf>, %neg3A_158, %reduce_max3A_159 [1] : vector<64x4096xf32> to vector<64xf32>
    %broadcast_in_dim3A_161 = vector.shape_cast %reduce_max3A_160 : vector<64xf32> to vector<64x1xf32>
    %eq3A_162 = vector.broadcast %broadcast_in_dim3A_161 : vector<64x1xf32> to vector<64x4096xf32>
    %eq3A_163 = arith.cmpf oeq, %neg3A_158, %eq3A_162 : vector<64x4096xf32>
    %jit3A_164 = arith.constant 1073741824 : i32
    %broadcast_in_dim3A_165 = vector.broadcast %jit3A_164 : i32 to vector<64x4096xi32>
    %select_n3A_166 = arith.select %eq3A_163, %iota3A, %broadcast_in_dim3A_165 : vector<64x4096xi1>, vector<64x4096xi32>
    %reduce_min3A_167 = arith.constant dense<2147483647> : vector<64xi32>
    %reduce_min3A_168 = vector.multi_reduction <minsi>, %select_n3A_166, %reduce_min3A_167 [1] : vector<64x4096xi32> to vector<64xi32>
    %broadcast_in_dim3A_169 = vector.shape_cast %reduce_min3A_168 : vector<64xi32> to vector<64x1xi32>
    %eq3A_170 = vector.broadcast %broadcast_in_dim3A_169 : vector<64x1xi32> to vector<64x4096xi32>
    %eq3A_171 = arith.cmpi eq, %eq3A_170, %iota3A : vector<64x4096xi32>
    %jit3A_172 = arith.constant -3.000000e+38 : f32
    %broadcast_in_dim3A_173 = vector.broadcast %jit3A_172 : f32 to vector<64x4096xf32>
    %select_n3A_174 = arith.select %eq3A_171, %broadcast_in_dim3A_173, %neg3A_158 : vector<64x4096xi1>, vector<64x4096xf32>
    %reduce_max3A_175 = arith.constant dense<0xFF800000> : vector<64xf32>
    %reduce_max3A_176 = vector.multi_reduction <maximumf>, %select_n3A_174, %reduce_max3A_175 [1] : vector<64x4096xf32> to vector<64xf32>
    %broadcast_in_dim3A_177 = vector.shape_cast %reduce_max3A_176 : vector<64xf32> to vector<64x1xf32>
    %eq3A_178 = vector.broadcast %broadcast_in_dim3A_177 : vector<64x1xf32> to vector<64x4096xf32>
    %eq3A_179 = arith.cmpf oeq, %select_n3A_174, %eq3A_178 : vector<64x4096xf32>
    %jit3A_180 = arith.constant 1073741824 : i32
    %broadcast_in_dim3A_181 = vector.broadcast %jit3A_180 : i32 to vector<64x4096xi32>
    %select_n3A_182 = arith.select %eq3A_179, %iota3A, %broadcast_in_dim3A_181 : vector<64x4096xi1>, vector<64x4096xi32>
    %reduce_min3A_183 = arith.constant dense<2147483647> : vector<64xi32>
    %reduce_min3A_184 = vector.multi_reduction <minsi>, %select_n3A_182, %reduce_min3A_183 [1] : vector<64x4096xi32> to vector<64xi32>
    %broadcast_in_dim3A_185 = vector.shape_cast %reduce_min3A_184 : vector<64xi32> to vector<64x1xi32>
    %eq3A_186 = vector.broadcast %broadcast_in_dim3A_185 : vector<64x1xi32> to vector<64x4096xi32>
    %eq3A_187 = arith.cmpi eq, %eq3A_186, %iota3A : vector<64x4096xi32>
    %jit3A_188 = arith.constant -3.000000e+38 : f32
    %broadcast_in_dim3A_189 = vector.broadcast %jit3A_188 : f32 to vector<64x4096xf32>
    %select_n3A_190 = arith.select %eq3A_187, %broadcast_in_dim3A_189, %select_n3A_174 : vector<64x4096xi1>, vector<64x4096xf32>
    %reduce_max3A_191 = arith.constant dense<0xFF800000> : vector<64xf32>
    %reduce_max3A_192 = vector.multi_reduction <maximumf>, %select_n3A_190, %reduce_max3A_191 [1] : vector<64x4096xf32> to vector<64xf32>
    %broadcast_in_dim3A_193 = vector.shape_cast %reduce_max3A_192 : vector<64xf32> to vector<64x1xf32>
    %eq3A_194 = vector.broadcast %broadcast_in_dim3A_193 : vector<64x1xf32> to vector<64x4096xf32>
    %eq3A_195 = arith.cmpf oeq, %select_n3A_190, %eq3A_194 : vector<64x4096xf32>
    %jit3A_196 = arith.constant 1073741824 : i32
    %broadcast_in_dim3A_197 = vector.broadcast %jit3A_196 : i32 to vector<64x4096xi32>
    %select_n3A_198 = arith.select %eq3A_195, %iota3A, %broadcast_in_dim3A_197 : vector<64x4096xi1>, vector<64x4096xi32>
    %reduce_min3A_199 = arith.constant dense<2147483647> : vector<64xi32>
    %reduce_min3A_200 = vector.multi_reduction <minsi>, %select_n3A_198, %reduce_min3A_199 [1] : vector<64x4096xi32> to vector<64xi32>
    %broadcast_in_dim3A_201 = vector.shape_cast %reduce_min3A_200 : vector<64xi32> to vector<64x1xi32>
    %eq3A_202 = vector.broadcast %broadcast_in_dim3A_201 : vector<64x1xi32> to vector<64x4096xi32>
    %eq3A_203 = arith.cmpi eq, %eq3A_202, %iota3A : vector<64x4096xi32>
    %jit3A_204 = arith.constant -3.000000e+38 : f32
    %broadcast_in_dim3A_205 = vector.broadcast %jit3A_204 : f32 to vector<64x4096xf32>
    %select_n3A_206 = arith.select %eq3A_203, %broadcast_in_dim3A_205, %select_n3A_190 : vector<64x4096xi1>, vector<64x4096xf32>
    %reduce_max3A_207 = arith.constant dense<0xFF800000> : vector<64xf32>
    %reduce_max3A_208 = vector.multi_reduction <maximumf>, %select_n3A_206, %reduce_max3A_207 [1] : vector<64x4096xf32> to vector<64xf32>
    %broadcast_in_dim3A_209 = vector.shape_cast %reduce_max3A_208 : vector<64xf32> to vector<64x1xf32>
    %eq3A_210 = vector.broadcast %broadcast_in_dim3A_209 : vector<64x1xf32> to vector<64x4096xf32>
    %eq3A_211 = arith.cmpf oeq, %select_n3A_206, %eq3A_210 : vector<64x4096xf32>
    %jit3A_212 = arith.constant 1073741824 : i32
    %broadcast_in_dim3A_213 = vector.broadcast %jit3A_212 : i32 to vector<64x4096xi32>
    %select_n3A_214 = arith.select %eq3A_211, %iota3A, %broadcast_in_dim3A_213 : vector<64x4096xi1>, vector<64x4096xi32>
    %reduce_min3A_215 = arith.constant dense<2147483647> : vector<64xi32>
    %reduce_min3A_216 = vector.multi_reduction <minsi>, %select_n3A_214, %reduce_min3A_215 [1] : vector<64x4096xi32> to vector<64xi32>
    %broadcast_in_dim3A_217 = vector.shape_cast %reduce_min3A_216 : vector<64xi32> to vector<64x1xi32>
    %eq3A_218 = vector.broadcast %broadcast_in_dim3A_217 : vector<64x1xi32> to vector<64x4096xi32>
    %eq3A_219 = arith.cmpi eq, %eq3A_218, %iota3A : vector<64x4096xi32>
    %jit3A_220 = arith.constant -3.000000e+38 : f32
    %broadcast_in_dim3A_221 = vector.broadcast %jit3A_220 : f32 to vector<64x4096xf32>
    %select_n3A_222 = arith.select %eq3A_219, %broadcast_in_dim3A_221, %select_n3A_206 : vector<64x4096xi1>, vector<64x4096xf32>
    %reduce_max3A_223 = arith.constant dense<0xFF800000> : vector<64xf32>
    %reduce_max3A_224 = vector.multi_reduction <maximumf>, %select_n3A_222, %reduce_max3A_223 [1] : vector<64x4096xf32> to vector<64xf32>
    %broadcast_in_dim3A_225 = vector.shape_cast %reduce_max3A_224 : vector<64xf32> to vector<64x1xf32>
    %eq3A_226 = vector.broadcast %broadcast_in_dim3A_225 : vector<64x1xf32> to vector<64x4096xf32>
    %eq3A_227 = arith.cmpf oeq, %select_n3A_222, %eq3A_226 : vector<64x4096xf32>
    %jit3A_228 = arith.constant 1073741824 : i32
    %broadcast_in_dim3A_229 = vector.broadcast %jit3A_228 : i32 to vector<64x4096xi32>
    %select_n3A_230 = arith.select %eq3A_227, %iota3A, %broadcast_in_dim3A_229 : vector<64x4096xi1>, vector<64x4096xi32>
    %reduce_min3A_231 = arith.constant dense<2147483647> : vector<64xi32>
    %reduce_min3A_232 = vector.multi_reduction <minsi>, %select_n3A_230, %reduce_min3A_231 [1] : vector<64x4096xi32> to vector<64xi32>
    %broadcast_in_dim3A_233 = vector.shape_cast %reduce_min3A_232 : vector<64xi32> to vector<64x1xi32>
    %eq3A_234 = vector.broadcast %broadcast_in_dim3A_233 : vector<64x1xi32> to vector<64x4096xi32>
    %eq3A_235 = arith.cmpi eq, %eq3A_234, %iota3A : vector<64x4096xi32>
    %jit3A_236 = arith.constant -3.000000e+38 : f32
    %broadcast_in_dim3A_237 = vector.broadcast %jit3A_236 : f32 to vector<64x4096xf32>
    %select_n3A_238 = arith.select %eq3A_235, %broadcast_in_dim3A_237, %select_n3A_222 : vector<64x4096xi1>, vector<64x4096xf32>
    %reduce_max3A_239 = arith.constant dense<0xFF800000> : vector<64xf32>
    %reduce_max3A_240 = vector.multi_reduction <maximumf>, %select_n3A_238, %reduce_max3A_239 [1] : vector<64x4096xf32> to vector<64xf32>
    %broadcast_in_dim3A_241 = vector.shape_cast %reduce_max3A_240 : vector<64xf32> to vector<64x1xf32>
    %eq3A_242 = vector.broadcast %broadcast_in_dim3A_241 : vector<64x1xf32> to vector<64x4096xf32>
    %eq3A_243 = arith.cmpf oeq, %select_n3A_238, %eq3A_242 : vector<64x4096xf32>
    %jit3A_244 = arith.constant 1073741824 : i32
    %broadcast_in_dim3A_245 = vector.broadcast %jit3A_244 : i32 to vector<64x4096xi32>
    %select_n3A_246 = arith.select %eq3A_243, %iota3A, %broadcast_in_dim3A_245 : vector<64x4096xi1>, vector<64x4096xi32>
    %reduce_min3A_247 = arith.constant dense<2147483647> : vector<64xi32>
    %reduce_min3A_248 = vector.multi_reduction <minsi>, %select_n3A_246, %reduce_min3A_247 [1] : vector<64x4096xi32> to vector<64xi32>
    %broadcast_in_dim3A_249 = vector.shape_cast %reduce_min3A_248 : vector<64xi32> to vector<64x1xi32>
    %eq3A_250 = vector.broadcast %broadcast_in_dim3A_249 : vector<64x1xi32> to vector<64x4096xi32>
    %eq3A_251 = arith.cmpi eq, %eq3A_250, %iota3A : vector<64x4096xi32>
    %jit3A_252 = arith.constant -3.000000e+38 : f32
    %broadcast_in_dim3A_253 = vector.broadcast %jit3A_252 : f32 to vector<64x4096xf32>
    %select_n3A_254 = arith.select %eq3A_251, %broadcast_in_dim3A_253, %select_n3A_238 : vector<64x4096xi1>, vector<64x4096xf32>
    %reduce_max3A_255 = arith.constant dense<0xFF800000> : vector<64xf32>
    %reduce_max3A_256 = vector.multi_reduction <maximumf>, %select_n3A_254, %reduce_max3A_255 [1] : vector<64x4096xf32> to vector<64xf32>
    %broadcast_in_dim3A_257 = vector.shape_cast %reduce_max3A_256 : vector<64xf32> to vector<64x1xf32>
    %eq3A_258 = vector.broadcast %broadcast_in_dim3A_257 : vector<64x1xf32> to vector<64x4096xf32>
    %eq3A_259 = arith.cmpf oeq, %select_n3A_254, %eq3A_258 : vector<64x4096xf32>
    %jit3A_260 = arith.constant 1073741824 : i32
    %broadcast_in_dim3A_261 = vector.broadcast %jit3A_260 : i32 to vector<64x4096xi32>
    %select_n3A_262 = arith.select %eq3A_259, %iota3A, %broadcast_in_dim3A_261 : vector<64x4096xi1>, vector<64x4096xi32>
    %reduce_min3A_263 = arith.constant dense<2147483647> : vector<64xi32>
    %reduce_min3A_264 = vector.multi_reduction <minsi>, %select_n3A_262, %reduce_min3A_263 [1] : vector<64x4096xi32> to vector<64xi32>
    %broadcast_in_dim3A_265 = vector.shape_cast %reduce_min3A_264 : vector<64xi32> to vector<64x1xi32>
    %eq3A_266 = vector.broadcast %broadcast_in_dim3A_265 : vector<64x1xi32> to vector<64x4096xi32>
    %eq3A_267 = arith.cmpi eq, %eq3A_266, %iota3A : vector<64x4096xi32>
    %jit3A_268 = arith.constant -3.000000e+38 : f32
    %broadcast_in_dim3A_269 = vector.broadcast %jit3A_268 : f32 to vector<64x4096xf32>
    %select_n3A_270 = arith.select %eq3A_267, %broadcast_in_dim3A_269, %select_n3A_254 : vector<64x4096xi1>, vector<64x4096xf32>
    %reduce_max3A_271 = arith.constant dense<0xFF800000> : vector<64xf32>
    %reduce_max3A_272 = vector.multi_reduction <maximumf>, %select_n3A_270, %reduce_max3A_271 [1] : vector<64x4096xf32> to vector<64xf32>
    %broadcast_in_dim3A_273 = vector.shape_cast %reduce_max3A_272 : vector<64xf32> to vector<64x1xf32>
    %eq3A_274 = vector.broadcast %broadcast_in_dim3A_273 : vector<64x1xf32> to vector<64x4096xf32>
    %eq3A_275 = arith.cmpf oeq, %select_n3A_270, %eq3A_274 : vector<64x4096xf32>
    %jit3A_276 = arith.constant 1073741824 : i32
    %broadcast_in_dim3A_277 = vector.broadcast %jit3A_276 : i32 to vector<64x4096xi32>
    %select_n3A_278 = arith.select %eq3A_275, %iota3A, %broadcast_in_dim3A_277 : vector<64x4096xi1>, vector<64x4096xi32>
    %reduce_min3A_279 = arith.constant dense<2147483647> : vector<64xi32>
    %reduce_min3A_280 = vector.multi_reduction <minsi>, %select_n3A_278, %reduce_min3A_279 [1] : vector<64x4096xi32> to vector<64xi32>
    %broadcast_in_dim3A_281 = vector.shape_cast %reduce_min3A_280 : vector<64xi32> to vector<64x1xi32>
    %eq3A_282 = vector.broadcast %broadcast_in_dim3A_281 : vector<64x1xi32> to vector<64x4096xi32>
    %eq3A_283 = arith.cmpi eq, %eq3A_282, %iota3A : vector<64x4096xi32>
    %jit3A_284 = arith.constant -3.000000e+38 : f32
    %broadcast_in_dim3A_285 = vector.broadcast %jit3A_284 : f32 to vector<64x4096xf32>
    %select_n3A_286 = arith.select %eq3A_283, %broadcast_in_dim3A_285, %select_n3A_270 : vector<64x4096xi1>, vector<64x4096xf32>
    %reduce_max3A_287 = arith.constant dense<0xFF800000> : vector<64xf32>
    %reduce_max3A_288 = vector.multi_reduction <maximumf>, %select_n3A_286, %reduce_max3A_287 [1] : vector<64x4096xf32> to vector<64xf32>
    %broadcast_in_dim3A_289 = vector.shape_cast %reduce_max3A_288 : vector<64xf32> to vector<64x1xf32>
    %eq3A_290 = vector.broadcast %broadcast_in_dim3A_289 : vector<64x1xf32> to vector<64x4096xf32>
    %eq3A_291 = arith.cmpf oeq, %select_n3A_286, %eq3A_290 : vector<64x4096xf32>
    %jit3A_292 = arith.constant 1073741824 : i32
    %broadcast_in_dim3A_293 = vector.broadcast %jit3A_292 : i32 to vector<64x4096xi32>
    %select_n3A_294 = arith.select %eq3A_291, %iota3A, %broadcast_in_dim3A_293 : vector<64x4096xi1>, vector<64x4096xi32>
    %reduce_min3A_295 = arith.constant dense<2147483647> : vector<64xi32>
    %reduce_min3A_296 = vector.multi_reduction <minsi>, %select_n3A_294, %reduce_min3A_295 [1] : vector<64x4096xi32> to vector<64xi32>
    %broadcast_in_dim3A_297 = vector.shape_cast %reduce_min3A_296 : vector<64xi32> to vector<64x1xi32>
    %eq3A_298 = vector.broadcast %broadcast_in_dim3A_297 : vector<64x1xi32> to vector<64x4096xi32>
    %eq3A_299 = arith.cmpi eq, %eq3A_298, %iota3A : vector<64x4096xi32>
    %jit3A_300 = arith.constant -3.000000e+38 : f32
    %broadcast_in_dim3A_301 = vector.broadcast %jit3A_300 : f32 to vector<64x4096xf32>
    %select_n3A_302 = arith.select %eq3A_299, %broadcast_in_dim3A_301, %select_n3A_286 : vector<64x4096xi1>, vector<64x4096xf32>
    %reduce_max3A_303 = arith.constant dense<0xFF800000> : vector<64xf32>
    %reduce_max3A_304 = vector.multi_reduction <maximumf>, %select_n3A_302, %reduce_max3A_303 [1] : vector<64x4096xf32> to vector<64xf32>
    %broadcast_in_dim3A_305 = vector.shape_cast %reduce_max3A_304 : vector<64xf32> to vector<64x1xf32>
    %eq3A_306 = vector.broadcast %broadcast_in_dim3A_305 : vector<64x1xf32> to vector<64x4096xf32>
    %eq3A_307 = arith.cmpf oeq, %select_n3A_302, %eq3A_306 : vector<64x4096xf32>
    %jit3A_308 = arith.constant 1073741824 : i32
    %broadcast_in_dim3A_309 = vector.broadcast %jit3A_308 : i32 to vector<64x4096xi32>
    %select_n3A_310 = arith.select %eq3A_307, %iota3A, %broadcast_in_dim3A_309 : vector<64x4096xi1>, vector<64x4096xi32>
    %reduce_min3A_311 = arith.constant dense<2147483647> : vector<64xi32>
    %reduce_min3A_312 = vector.multi_reduction <minsi>, %select_n3A_310, %reduce_min3A_311 [1] : vector<64x4096xi32> to vector<64xi32>
    %broadcast_in_dim3A_313 = vector.shape_cast %reduce_min3A_312 : vector<64xi32> to vector<64x1xi32>
    %concatenate3A_314 = tpu.concatenate %broadcast_in_dim3A_169, %broadcast_in_dim3A_185, %broadcast_in_dim3A_201, %broadcast_in_dim3A_217, %broadcast_in_dim3A_233, %broadcast_in_dim3A_249, %broadcast_in_dim3A_265, %broadcast_in_dim3A_281, %broadcast_in_dim3A_297, %broadcast_in_dim3A_313 in 1 : vector<64x1xi32>, vector<64x1xi32>, vector<64x1xi32>, vector<64x1xi32>, vector<64x1xi32>, vector<64x1xi32>, vector<64x1xi32>, vector<64x1xi32>, vector<64x1xi32>, vector<64x1xi32> -> vector<64x10xi32>
    %swap3A_315 = arith.constant 0 : index
    %swap3A_316 = arith.constant 0 : index
    %swap3A_317 = vector.load %arg3[%swap3A_315, %swap3A_316] : memref<64x10xi32, #tpu.memory_space<vmem>>, vector<64x10xi32>
    tpu.vector_store %arg3[%swap3A_315, %swap3A_316], %concatenate3A_314 {strides = array<i32>} : memref<64x10xi32, #tpu.memory_space<vmem>>, vector<64x10xi32>,
    return
  }
}

</mosaic_0001>

<sc_bundles>
// kernel: kernel.5.cloned.1.call-start
scs
__scs_entry_jumppad:
0x0: {  	(pc) =	sbr.rel $0x88, $3  }
0x1: {  	(tag) =	ssettag $0x0;
	lr =	simm.s32 $0x1  }
0x2: {  	[smem:$0x3F9E] =	sst lr;
	_ =	strace $0xD0000000  }
0x3: {  	_ = 	snop  }
0x4: {  	_ = 	snop  }
0x5: {  	_ = 	snop  }
0x6: {  	_ = 	snop  }
0x7: {  	_ = 	snop  }
__scs_overlays_trampoline_lowered:
0x8: {  	[smem:$0x3FAD] =	sst s0  }
0x9: {  	[smem:$0x3FAE] =	sst s1  }
0xa: {  	[smem:$0x3FAF] =	sst s2  }
0xb: {  	[smem:$0x3FB0] =	sst s3  }
0xc: {  	[smem:$0x3FB1] =	sst s4  }
0xd: {  	[smem:$0x3FB2] =	sst s5  }
0xe: {  	[smem:$0x3FB3] =	sst s6  }
0xf: {  	[smem:$0x3FB4] =	sst s7  }
0x10: {  	[smem:$0x3FB5] =	sst s8  }
0x11: {  	[smem:$0x3FB6] =	sst s9;
	s0 =	simm.s32 @!p0 $0x0  }
0x12: {  	s1 =	sld [smem:$0x3F9C];
	s0 =	simm.s32 @p0 $0x1  }
0x13: {  	[smem:$0x3FB7] =	sst s0;
	s0 =	simm.s32 @!p1 $0x0  }
0x14: {  	s2 =	sld [smem:$0x3F9B];
	s0 =	simm.s32 @p1 $0x1  }
0x15: {  	[smem:$0x3FB8] =	sst s0;
	s0 =	simm.s32 @!p2 $0x0  }
0x16: {  	s3 =	sld [smem:$0x3FDB];
	s0 =	simm.s32 @p2 $0x1  }
0x17: {  	s4 =	simm.s32 $0x1BF5;
	[smem:$0x3FBA] =	sst s0  }
0x18: {  	s0 =	sld [smem:$0x3F9D];
	_ =	swait.ge [sflag:s4], $0x0  }
0x19: {  	s7 =	sld [smem:$0x3F9E]  }
0x1a: {  	s8 =	sadd.s32 $0xFFFFE003, lr  }
0x1b: {  	s9 =	sadd.s32 $0xFFFFFEF7, lr;
	s5 =	simm.s32 $0xFFFFFFFF;
	p2 =	slt.u32 s8, $0xFFFFF086  }
0x1c: {  	p1 =	slt.u32 s9, $0xF7A;
	s5 =	simm.s32 @!p2 $0x0  }
0x1d: {  	s5 =	simm.s32 @p1 $0x1;
	p0 =	seq.s32 s7, s2  }
0x1e: {  	s7 =	smul.u32 @!p0 $0xF7A, s2;
	p2 =	seq.s32 @!p0 s5, $0x0  }
0x1f: {  	s9 =	smul.u32 $0xF7A, s1;
	s8 =	simm.s32 @!p0 $0x1BF5;
	p2 =	por !p2, p0  }
0x20: {  	[sflag:s8] =	ssyncset.s32 @!p0 $0xFFFFF086;
	s6 =	sadd.s32 @!p0 s3, s7;
	s7 =	simm.s32 @!p0 $0x108  }
0x21: {  	s3 =	sadd.s32 s3, s9;
	s6 =	sadd.s32 @!p0 $0x88, s6;
	s7 =	simm.s32 @p2 $0x1082  }
0x22: {  	[simem:s7], [sflag:s8] =	dma.local @!p0 [hbm:s6], $0xF7A  }
0x23: {  	s9 =	sor.u32 $0xD0000000, s2;
	s6 =	simm.s32 $0x108;
	_ =	swait.ge @!p0 [sflag:s8], $0x0  }
0x24: {  	s3 =	sadd.s32 $0x88, s3;
	s6 =	simm.s32 @!p1 $0x1082;
	[sflag:s4] =	ssyncset.s32 $0xFFFFF086  }
0x25: {  	[simem:s6], [sflag:s4] =	dma.local [hbm:s3], $0xF7A  }
0x26: {  	[smem:$0x3F9E] =	sst s1;
	(tag) =	ssettag s2;
	_ =	strace s9  }
0x27: {  	s1 =	sld [smem:$0x3FAE]  }
0x28: {  	s2 =	sld [smem:$0x3FAF]  }
0x29: {  	s4 =	sld [smem:$0x3FB1]  }
0x2a: {  	p0 =	seq.s32 s5, $0x0;
	s5 =	sld [smem:$0x3FB2]  }
0x2b: {  	s6 =	sld [smem:$0x3FB3]  }
0x2c: {  	s7 =	sld [smem:$0x3FB4]  }
0x2d: {  	s3 =	simm.s32 $0x108;
	s8 =	sld [smem:$0x3FB5]  }
0x2e: {  	s3 =	simm.s32 @!p0 $0x1082;
	s9 =	sld [smem:$0x3FB6]  }
0x2f: {  	lr =	sadd.s32 s0, s3;
	s0 =	sld [smem:$0x3FAD]  }
0x30: {  	s3 =	sld [smem:$0x3FB0]  }
0x31: {  	[smem:$0x3FB9] =	sst s10  }
0x32: {  	s10 =	sld [smem:$0x3FB7];
	_ =	sdelay $0x3  }
0x33: {  	p0 =	seq.s32 s10, $0x1;
	s10 =	sld [smem:$0x3FB9];
	_ =	sdelay $0x3  }
0x34: {  	[smem:$0x3FB9] =	sst s10  }
0x35: {  	s10 =	sld [smem:$0x3FB8];
	_ =	sdelay $0x3  }
0x36: {  	p1 =	seq.s32 s10, $0x1;
	s10 =	sld [smem:$0x3FB9];
	_ =	sdelay $0x3  }
0x37: {  	[smem:$0x3FB9] =	sst s10  }
0x38: {  	s10 =	sld [smem:$0x3FBA]  }
0x39: {  	_ = 	snop;
	(pc) =	sbr.ind lr, $3  }
0x3a: {  	_ = 	snop  }
0x3b: {  	_ = 	snop  }
0x3c: {  	p2 =	seq.s32 s10, $0x1;
	s10 =	sld [smem:$0x3FB9]  }
0x3d: {  	_ =	shalt  }
0x3e: {  	_ =	shalt  }
0x3f: {  	_ =	shalt  }
0x40: {  	_ =	shalt  }
0x41: {  	_ =	shalt  }
0x42: {  	_ =	shalt  }
0x43: {  	_ =	shalt  }
0x44: {  	_ =	shalt  }
0x45: {  	_ =	shalt  }
0x46: {  	_ =	shalt  }
0x47: {  	_ =	shalt  }
0x48: {  	_ =	shalt  }
0x49: {  	_ =	shalt  }
0x4a: {  	_ =	shalt  }
0x4b: {  	_ =	shalt  }
0x4c: {  	_ =	shalt  }
0x4d: {  	_ =	shalt  }
0x4e: {  	_ =	shalt  }
0x4f: {  	_ =	shalt  }
0x50: {  	_ =	shalt  }
0x51: {  	_ =	shalt  }
0x52: {  	_ =	shalt  }
0x53: {  	_ =	shalt  }
0x54: {  	_ =	shalt  }
0x55: {  	_ =	shalt  }
0x56: {  	_ =	shalt  }
0x57: {  	_ =	shalt  }
0x58: {  	_ =	shalt  }
0x59: {  	_ =	shalt  }
0x5a: {  	_ =	shalt  }
0x5b: {  	_ =	shalt  }
0x5c: {  	_ =	shalt  }
0x5d: {  	_ =	shalt  }
0x5e: {  	_ =	shalt  }
0x5f: {  	_ =	shalt  }
0x60: {  	_ =	shalt  }
0x61: {  	_ =	shalt  }
0x62: {  	_ =	shalt  }
0x63: {  	_ =	shalt  }
0x64: {  	_ =	shalt  }
0x65: {  	_ =	shalt  }
0x66: {  	_ =	shalt  }
0x67: {  	_ =	shalt  }
0x68: {  	_ =	shalt  }
0x69: {  	_ =	shalt  }
0x6a: {  	_ =	shalt  }
0x6b: {  	_ =	shalt  }
0x6c: {  	_ =	shalt  }
0x6d: {  	_ =	shalt  }
0x6e: {  	_ =	shalt  }
0x6f: {  	_ =	shalt  }
0x70: {  	_ =	shalt  }
0x71: {  	_ =	shalt  }
0x72: {  	_ =	shalt  }
0x73: {  	_ =	shalt  }
0x74: {  	_ =	shalt  }
0x75: {  	_ =	shalt  }
0x76: {  	_ =	shalt  }
0x77: {  	_ =	shalt  }
0x78: {  	_ =	shalt  }
0x79: {  	_ =	shalt  }
0x7a: {  	_ =	shalt  }
0x7b: {  	_ =	shalt  }
0x7c: {  	_ =	shalt  }
0x7d: {  	_ =	shalt  }
0x7e: {  	_ =	shalt  }
0x7f: {  	_ =	shalt  }
0x80: {  	_ =	shalt  }
0x81: {  	_ =	shalt  }
0x82: {  	_ =	shalt  }
0x83: {  	_ =	shalt  }
0x84: {  	_ =	shalt  }
0x85: {  	_ =	shalt  }
0x86: {  	_ =	shalt  }
0x87: {  	_ =	shalt  }
.Lfunc_end0:
.L_simem_size_0:
called_computation_lowered:
.L_overlay_start_0:
0x88: {  	s2 =	sld [smem:$0x3FD9]  }
0x89: {  	s3 =	sld [smem:$0x3FFE];
	_ =	sdelay $0x1  }
0x8a: {  	s1 =	srdreg.scid  }
0x8b: {  	s0 =	sand.u32 $0x1, s1  }
0x8c: {  	s16 =	sshll.u32 s0, $0xA;
	s2 =	sadd.s32 s3, s2  }
0x8d: {  	s2 =	sadd.s32 s2, s16  }
0x8e: {  	[smem:$0x3FC5] =	sst s2  }
0x8f: {  	_ = 	snop  }
0x90: {  	(tm) =	ssettm $0x1  }
0x91: {  	s17 =	sld [smem:$0x3FFB];
	_ =	sdelay $0x3  }
0x92: {  	_ =	strace s17  }
0x93: {  	s2 =	sld [smem:$0x3FFC];
	_ =	sdelay $0x3  }
0x94: {  	_ =	strace s2  }
0x95: {  	s2 =	sld [smem:$0x3FFD];
	_ =	sdelay $0x3  }
0x96: {  	_ =	strace s2  }
0x97: {  	_ =	strace $0x8FFFFFFF  }
0x98: {  	s18 =	sld [smem:$0x3FDB];
	_ =	sdelay $0x1  }
0x99: {  	s19 =	simm.s32 $_scs_section_size  }
0x9a: {  	s4 =	simm.s32 $_size__tile_overlayer_lowered;
	s5 =	simm.s32 $_tile_overlayer_lowered  }
0x9b: {  	s22 =	simm.s32 $0x1BFF;
	s21 =	sshll.u32 s5, $0x1;
	s2 =	sadd.s32 s19, s18  }
0x9c: {  	s6 =	simm.s32 $0x0;
	s20 =	sshll.u32 s4, $0x1;
	s4 =	sadd.s32 s21, s2  }
0x9d: {  	[timem:s6], [sflag:s22] =	dma.local [hbm:s4], s20  }
0x9e: {  	_ =	swait.ge [sflag:s22], s20  }
0x9f: {  	s3 =	ssub.s32 $0x0, s20;
	[sflag:s22] =	ssyncset.done $0x0  }
0xa0: {  	[sflag:s22] =	ssyncadd.s32 s3;
	_ =	sdelay $0x1  }
0xa1: {  	s23 =	simm.s32 $0x1B8B  }
0xa2: {  	_ =	swait.ge [sflag:s23], $0x1  }
0xa3: {  	[sflag:s23] =	ssyncset.done $0x0  }
0xa4: {  	s25 =	simm.s32 $0x1B8E;
	s24 =	sld [smem:$0x3FFE];
	[sflag:s23] =	ssyncadd.s32 $0xFFFFFFFF  }
0xa5: {  	s26 =	simm.s32 $execute0_lowered;
	[smem:$0x3FD2] =	sst s25  }
0xa6: {  	s4 =	sshll.u32 s26, $0x1;
	_ =	strace $0x80000046;
	[dreg:$0x1] =	wrdreg $0xFFFFFFFF  }
0xa7: {  	s28 =	simm.s32 $_size_execute0_lowered;
	s2 =	sadd.s32 s2, s4;
	[dreg:$0x0] =	wrdreg $0x0  }
0xa8: {  	s4 =	sshll.u32 s28, $0x1;
	[dreg:$0x2] =	wrdreg s2  }
0xa9: {  	[dreg:$0x3] =	wrdreg s4  }
0xaa: {  	[dreg:$0x4] =	wrdreg $0xC0  }
0xab: {  	_ =	task [dreg:s6], $0x5FFFF  }
0xac: {  	[dreg:$0x1] =	wrdreg $0xFFFFFFFF  }
0xad: {  	[dreg:$0x0] =	wrdreg $0x60  }
0xae: {  	[dreg:$0x2] =	wrdreg s24  }
0xaf: {  	[dreg:$0x3] =	wrdreg $0x9  }
0xb0: {  	_ =	task.clear_ibuf [dreg:s6], $0x4FFFF;
	_ =	strace $0x90000046  }
0xb1: {  	s29 =	simm.s32 $0x9;
	_ =	strace $0x80000048  }
0xb2: {  	_ =	swait.ge [sflag:s29], $0x1  }
0xb3: {  	[sflag:s29] =	ssyncadd.s32 $0xFFFFFFFF  }
0xb4: {  	_ =	strace $0x90000048  }
0xb5: {  	_ =	sfence  }
0xb6: {  	s30 =	sld [smem:$0x0];
	_ =	sdelay $0x2  }
0xb7: {  	s31 =	sshll.u32 s1, $0xD;
	s1 =	sshrl.u32 s1, $0x2  }
0xb8: {  	s3 =	sand.u32 $0x4000, s31;
	s1 =	sadd.s32 s1, s30  }
0xb9: {  	s0 =	sor.u32 s3, s0;
	s1 =	sshll.u32 s1, $0x11  }
0xba: {  	s0 =	sor.u32 s1, s0  }
0xbb: {  	s0 =	sadd.s32 $0x8F2B, s0  }
0xbc: {  	[sflag:s0] =	ssyncadd.remote.s32 $0x1  }
0xbd: {  	_ =	sfence.sel $0xFFFF  }
0xbe: {  	[dreg:$0x0] =	wrdreg $0xFFFFFFFF;
	(pc) =	sbr.abs _section_cstart, $3  }
0xbf: {  	[dreg:$0x1] =	wrdreg $0xFFFFFFFF  }
0xc0: {  	_ =	task.clear_ibuf [dreg:s6], $0x2FFFF;
	_ =	strace $0x9FFFFFFF  }
0xc1: {  	(tm) =	ssettm $0x7FFFFFFF  }
tec
execute0_lowered:
.L_overlay_start_1:
0x0: {  	(tag) =	ssettag $0x1  }
0x1: {  	s0 =	srdreg.scid;
	s5 =	rddreg [dreg:$0x0];
	s2 =	simm.s32 $0x0  }
0x2: {  	s3 =	simm.s32 $0x1;
	s4 =	sand.u32 $0x1, s0;
	s0 =	stileid.u32  }
0x3: {  	s10 =	simm.s32 $0x4000;
	s11 =	simm.s32 $0xA000;
	s1 =	sor.u32 s4, s0  }
0x4: {  	s12 =	simm.s32 $0x0;
	p1 =	seq.s32 s4, $0x1;
	p0 =	seq.s32 s1, $0x0  }
0x5: {  	[smem:$0x7FF] =	sst s2;
	s6 =	sshll.u32 s4, $0xA;
	p0 =	por !p0, !p1  }
0x6: {  	s8 =	sshll.u32 s4, $0x10;
	s4 =	ssub.s32 $0x2, s4;
	p0 =	por !p0, !p0  }
0x7: {  	s1 =	rddreg [dreg:$0x1];
	_ =	strace $0x80000047;
	s3 =	simm.s32 @!p0 $0x0  }
0x8: {  	s6 =	sadd.s32 s6, s5;
	s31 =	sshrl.u32 s4, $0x1;
	s7 =	ssub.s32 s0, s3  }
0x9: {  	s3 =	simm.s32 $0x1;
	s9 =	sshll.u32 s7, $0xA;
	s7 =	sshll.u32 s7, $0xC  }
0xa: {  	s8 =	sadd.s32 s8, s9;
	s7 =	sand.u32 $0x1FFFF000, s7;
	s9 =	ssub.s32 s4, s31  }
0xb: {  	s4 =	sadd.s32 $0x1200, s6;
	s8 =	sshrl.u32 s8, $0x3;
	s7 =	sadd.s32 s7, s5  }
0xc: {  	s8 =	sadd.s32 s8, s5;
	s5 =	sadd.s32 $0x1A00, s7;
	s7 =	smax.u32 s9, $0x1  }
0xd: {  	s9 =	simm.s32 $0x400;
	s6 =	sadd.s32 $0x11A00, s8;
	s8 =	simm.s32 $0x2000  }
.LBB2_1:
0xe: {  	[tilespmem:s2], [sflag:$0x1] =	stream.linear.gather [hbm4b:s4+s2], $0x2000, $0x38;
	[tilespmem:$0xB000] =	vst v63  }
0xf: {  	_ =	swait.ge [sflag:s3], $0x2000  }
0x10: {  	[sflag:s3] =	ssyncset.done $0x0  }
0x11: {  	[sflag:s3] =	ssyncadd.s32 $0xFFFFE000  }
0x12: {  	[tilespmem:s8], [sflag:$0x1] =	stream.linear.gather [hbm4b:s5+s2], $0x8000, $0x38;
	[tilespmem:$0xB000] =	vst v63  }
0x13: {  	_ =	swait.ge [sflag:s3], $0x8000  }
0x14: {  	[sflag:s3] =	ssyncset.done $0x0  }
0x15: {  	s15 =	simm.s32 $0x0;
	[sflag:s3] =	ssyncadd.s32 $0xFFFF8000  }
0x16: {  	v0 =	vld [tilespmem:s15+$0x2070]  }
0x17: {  	v1 =	vld [tilespmem:s15+$0x2000]  }
0x18: {  	v2 =	vld [tilespmem:s15+$0x2010]  }
0x19: {  	v5 =	vld [tilespmem:s15+$0x2020]  }
0x1a: {  	v6 =	vld [tilespmem:s15+$0x2030]  }
0x1b: {  	v3 =	vimm.f32 $0.0e+00;
	v4 =	vimm.f32 $0.0e+00;
	v7 =	vld [tilespmem:s15+$0x2040]  }
0x1c: {  	v10 =	vimm.f32 $0.0e+00;
	v8 =	vimm.f32 $0.0e+00;
	v11 =	vld [tilespmem:s15+$0x2050];
	v0 =	vadd.f32 v0, v3  }
0x1d: {  	s13 =	simm.s32 $0x80;
	s14 =	simm.s32 $0x400;
	v9 =	vimm.f32 $0.0e+00;
	v12 =	vld [tilespmem:s15+$0x2060];
	v1 =	vadd.f32 v1, v3;
	v2 =	vadd.f32 v2, v3  }
.LBB2_2:
0x1e: {  	p0 =	sne.s32 s14, $0x1FE00;
	v13 =	vld [tilespmem:s13+$0x2070];
	v3 =	vadd.f32 v5, v3  }
0x1f: {  	v14 =	vld [tilespmem:s13+$0x2000];
	v4 =	vadd.f32 v6, v4  }
0x20: {  	v15 =	vld [tilespmem:s13+$0x2010];
	v10 =	vadd.f32 v7, v10  }
.Ltmp0:
0x21: {  	v5 =	vld [tilespmem:s13+$0x2020];
	v8 =	vadd.f32 v11, v8;
	(pc) =	sbr.rel @p0 .LBB2_2-.Ltmp0, $4  }
0x22: {  	v6 =	vld [tilespmem:s13+$0x2030];
	v9 =	vadd.f32 v12, v9  }
0x23: {  	v7 =	vld [tilespmem:s13+$0x2040];
	v0 =	vadd.f32 v13, v0  }
0x24: {  	v1 =	vadd.f32 v14, v1;
	v11 =	vld [tilespmem:s13+$0x2050]  }
0x25: {  	v2 =	vadd.f32 v15, v2;
	v12 =	vld [tilespmem:s13+$0x2060];
	s13 =	sshra.s32 s14, $0x2;
	s14 =	sadd.s32 $0x200, s14  }
0x26: {  	v13 =	vld [tilespmem:s13+$0x2070]  }
0x27: {  	v14 =	vld [tilespmem:s13+$0x2000]  }
0x28: {  	v15 =	vld [tilespmem:s13+$0x2010]  }
0x29: {  	v16 =	vld [tilespmem:s13+$0x2020]  }
0x2a: {  	v17 =	vld [tilespmem:s13+$0x2030]  }
0x2b: {  	v18 =	vld [tilespmem:s13+$0x2040];
	v0 =	vadd.f32 v13, v0  }
0x2c: {  	v3 =	vadd.f32 v5, v3;
	v19 =	vld [tilespmem:s13+$0x2050];
	v57 =	vadd.f32 v14, v1  }
0x2d: {  	v21 =	vld [tilespmem:s13+$0x2060];
	v20 =	vadd.f32 v6, v4;
	v58 =	vadd.f32 v15, v2;
	[tilespmem:$0x1FF80] =	vst v0  }
0x2e: {  	v10 =	vadd.f32 v7, v10;
	v59 =	vadd.f32 v16, v3;
	[tilespmem:$0x1FF90] =	vst v57  }
0x2f: {  	v8 =	vadd.f32 v11, v8;
	v60 =	vadd.f32 v17, v20;
	[tilespmem:$0x1FFA0] =	vst v58  }
0x30: {  	v9 =	vadd.f32 v12, v9;
	v61 =	vadd.f32 v18, v10;
	[tilespmem:$0x1FFB0] =	vst v59  }
0x31: {  	v62 =	vadd.f32 v19, v8;
	[tilespmem:$0x1FFC0] =	vst v60  }
0x32: {  	v63 =	vadd.f32 v21, v9;
	[tilespmem:$0x1FFD0] =	vst v61  }
0x33: {  	[tilespmem:$0x1FFE0] =	vst v62  }
0x34: {  	s13 =	simm.s32 $0x0;
	s14 =	simm.s32 $0x0;
	[tilespmem:$0x1FFF0] =	vst v63  }
.LBB2_4:
0x35: {  	s15 =	sshll.u32 s14, $0x8;
	s16 =	sshll.u32 s14, $0x9  }
0x36: {  	s16 =	sand.u32 $0x1800, s16;
	s17 =	sand.u32 $0x300, s15  }
0x37: {  	s31 =	sand.u32 $0x400, s13;
	s17 =	sor.u32 s17, s16  }
0x38: {  	s18 =	sand.u32 $0x70, s13;
	s16 =	sadd.s32 s31, s17  }
0x39: {  	s16 =	sadd.s32 s18, s16  }
0x3a: {  	v0 =	vld [tilespmem:s16+$0x0]  }
0x3b: {  	v1 =	vld [tilespmem:s16+$0x80];
	_ =	sdelay $0x3  }
0x3c: {  	v4 =	vbroadcast v0, $0xF  }
0x3d: {  	v11 =	vbroadcast v0, $0xE;
	v3 =	vbroadcast v1, $0xF  }
0x3e: {  	v12 =	vbroadcast v0, $0xD;
	v10 =	vbroadcast v1, $0xE  }
0x3f: {  	s16 =	simm.s32 $0x2400;
	v7 =	vbroadcast v0, $0xC;
	v13 =	vbroadcast v1, $0xD  }
0x40: {  	v2 =	vld [tilespmem:s16+$0xFFFFFC00];
	v5 =	vbroadcast v0, $0xB;
	v14 =	vbroadcast v1, $0xC  }
0x41: {  	v40 =	vbroadcast v0, $0x0;
	v37 =	vbroadcast v1, $0x0  }
0x42: {  	v18 =	vld [tilespmem:s16+$0xFFFFFC80];
	v63 =	vbroadcast v0, $0xA;
	v31 =	vbroadcast v0, $0x1  }
0x43: {  	v36 =	vbroadcast v1, $0x1;
	v38 =	vbroadcast v0, $0x2  }
0x44: {  	v27 =	vimm.f32 $0.0e+00;
	v6 =	vld [tilespmem:s16+$0xFFFFFD00];
	v17 =	vbroadcast v1, $0x2;
	v29 =	vbroadcast v0, $0x3  }
0x45: {  	v35 =	vbroadcast v1, $0x3;
	v20 =	vmin.f32 v2, v40;
	v2 =	vmin.f32 v2, v37  }
0x46: {  	v21 =	vld [tilespmem:s16+$0xFFFFFD80];
	v32 =	vbroadcast v0, $0x4;
	v20 =	vadd.f32 v20, v27;
	v2 =	vadd.f32 v2, v27  }
0x47: {  	v22 =	vbroadcast v1, $0x4;
	v8 =	vmin.f32 v18, v31;
	v18 =	vmin.f32 v18, v36  }
0x48: {  	v19 =	vbroadcast v0, $0x5;
	v20 =	vadd.f32 v8, v20;
	v2 =	vadd.f32 v18, v2;
	v18 =	vld [tilespmem:s16+$0xFFFFFE00]  }
0x49: {  	v26 =	vbroadcast v1, $0x5;
	v8 =	vmin.f32 v6, v38;
	v6 =	vmin.f32 v6, v17  }
0x4a: {  	v28 =	vbroadcast v0, $0x6;
	v20 =	vadd.f32 v8, v20;
	v2 =	vadd.f32 v6, v2;
	v6 =	vld [tilespmem:s16+$0xFFFFFE80]  }
0x4b: {  	v30 =	vld [tilespmem:s16+$0x380];
	v23 =	vbroadcast v1, $0x6;
	v8 =	vmin.f32 v21, v29;
	v21 =	vmin.f32 v21, v35  }
0x4c: {  	v25 =	vbroadcast v0, $0x7;
	v20 =	vadd.f32 v8, v20;
	v2 =	vadd.f32 v21, v2;
	v21 =	vld [tilespmem:s16+$0xFFFFFF00]  }
0x4d: {  	v45 =	vld [tilespmem:s16+$0x390];
	v24 =	vbroadcast v1, $0x7;
	v8 =	vmin.f32 v18, v32;
	v18 =	vmin.f32 v18, v22  }
0x4e: {  	v9 =	vbroadcast v0, $0x8;
	v20 =	vadd.f32 v8, v20;
	v2 =	vadd.f32 v18, v2;
	v18 =	vld [tilespmem:s16+$0xFFFFFF80]  }
0x4f: {  	v34 =	vld [tilespmem:s16+$0x80];
	v16 =	vbroadcast v1, $0x8;
	v8 =	vmin.f32 v6, v19;
	v6 =	vmin.f32 v6, v26  }
0x50: {  	v15 =	vbroadcast v1, $0x9;
	v20 =	vadd.f32 v8, v20;
	v2 =	vadd.f32 v6, v2;
	v6 =	vld [tilespmem:s16+$0x0]  }
0x51: {  	v33 =	vld [tilespmem:s16+$0x3A0];
	v49 =	vmin.f32 v30, v4;
	v8 =	vmin.f32 v21, v28;
	v21 =	vmin.f32 v21, v23  }
0x52: {  	v47 =	vld [tilespmem:s16+$0x180];
	v30 =	vmin.f32 v30, v3;
	v20 =	vadd.f32 v8, v20;
	v2 =	vadd.f32 v21, v2  }
0x53: {  	v48 =	vld [tilespmem:s16+$0x200];
	v39 =	vmin.f32 v45, v4;
	v43 =	vmin.f32 v18, v25;
	v18 =	vmin.f32 v18, v24  }
0x54: {  	v21 =	vbroadcast v0, $0x9;
	v0 =	vld [tilespmem:s16+$0x100];
	v44 =	vadd.f32 v43, v20;
	v2 =	vadd.f32 v18, v2  }
0x55: {  	v51 =	vld [tilespmem:s16+$0x280];
	v41 =	vmin.f32 v45, v3;
	v46 =	vmin.f32 v6, v9;
	v8 =	vmin.f32 v6, v16  }
0x56: {  	v54 =	vld [tilespmem:s16+$0x210];
	v42 =	vmin.f32 v33, v4;
	v44 =	vadd.f32 v46, v44;
	v2 =	vadd.f32 v8, v2  }
0x57: {  	v57 =	vld [tilespmem:s16+$0xFFFFFC10];
	v52 =	vmin.f32 v34, v21;
	v34 =	vmin.f32 v34, v15;
	v8 =	vbroadcast v1, $0xA  }
0x58: {  	v60 =	vld [tilespmem:s16+$0xFFFFFC20];
	v53 =	vmin.f32 v48, v7;
	v46 =	vadd.f32 v52, v44;
	v2 =	vadd.f32 v34, v2  }
0x59: {  	v6 =	vbroadcast v1, $0xB;
	v1 =	vld [tilespmem:s16+$0x300];
	v50 =	vmin.f32 v0, v63;
	v0 =	vmin.f32 v0, v8  }
0x5a: {  	v48 =	vmin.f32 v48, v14;
	v50 =	vadd.f32 v50, v46;
	v0 =	vadd.f32 v0, v2;
	v2 =	vld [tilespmem:s16+$0x290]  }
0x5b: {  	v59 =	vmin.f32 v51, v12;
	v52 =	vmin.f32 v47, v5;
	v47 =	vmin.f32 v47, v6  }
0x5c: {  	v61 =	vmin.f32 v57, v37;
	v34 =	vld [tilespmem:s16+$0x310];
	v50 =	vadd.f32 v52, v50;
	v0 =	vadd.f32 v47, v0  }
0x5d: {  	v51 =	vmin.f32 v51, v13;
	v58 =	vmin.f32 v54, v7;
	v44 =	vadd.f32 v61, v27  }
0x5e: {  	v56 =	vld [tilespmem:s16+$0xFFFFFC90];
	v62 =	vmin.f32 v60, v40;
	v50 =	vadd.f32 v53, v50;
	v0 =	vadd.f32 v48, v0  }
0x5f: {  	v55 =	vmin.f32 v1, v11;
	v1 =	vmin.f32 v1, v10;
	v52 =	vmin.f32 v2, v12  }
0x60: {  	v53 =	vmin.f32 v2, v13;
	v2 =	vld [tilespmem:s16+$0xFFFFFCA0];
	v45 =	vadd.f32 v59, v50;
	v0 =	vadd.f32 v51, v0  }
0x61: {  	v47 =	vmin.f32 v57, v40;
	v57 =	vadd.f32 v62, v27;
	v20 =	vmin.f32 v34, v11  }
0x62: {  	v43 =	vmin.f32 v34, v10;
	v34 =	vadd.f32 v55, v45;
	v0 =	vadd.f32 v1, v0;
	v55 =	vld [tilespmem:s16+$0xFFFFFD10]  }
0x63: {  	v47 =	vadd.f32 v47, v27;
	v59 =	vmin.f32 v54, v14;
	v50 =	vmin.f32 v56, v31;
	v1 =	vld [tilespmem:s16+$0xFFFFFD90]  }
0x64: {  	v46 =	vmovc v3;
	v56 =	vmin.f32 v56, v36;
	v45 =	vmin.f32 v60, v37;
	v3 =	vadd.f32 v30, v0;
	v0 =	vld [tilespmem:s16+$0xFFFFFD20]  }
0x65: {  	[tilespmem:$0x1FF50] =	vst v4;
	v51 =	vld [tilespmem:s16+$0xFFFFFF10];
	v54 =	vadd.f32 v45, v27;
	v4 =	vadd.f32 v49, v34;
	v61 =	vmin.f32 v2, v31  }
0x66: {  	v60 =	vld [tilespmem:s16+$0xFFFFFDA0];
	v49 =	vadd.f32 v50, v47;
	v47 =	vadd.f32 v56, v44;
	v2 =	vmin.f32 v2, v36  }
0x67: {  	v57 =	vadd.f32 v61, v57;
	v61 =	vld [tilespmem:s16+$0xFFFFFE10];
	v2 =	vadd.f32 v2, v54;
	v44 =	vmin.f32 v55, v38  }
0x68: {  	v54 =	vld [tilespmem:s16+$0xFFFFFE20];
	v56 =	vmin.f32 v1, v29;
	v55 =	vmin.f32 v55, v17;
	v49 =	vadd.f32 v44, v49  }
0x69: {  	v50 =	vadd.f32 v55, v47;
	v45 =	vmin.f32 v0, v38;
	v0 =	vmin.f32 v0, v17  }
0x6a: {  	v1 =	vmin.f32 v1, v35;
	v47 =	vld [tilespmem:s16+$0xFFFFFE90];
	v55 =	vadd.f32 v45, v57;
	v0 =	vadd.f32 v0, v2  }
0x6b: {  	v2 =	vmin.f32 v60, v29;
	v49 =	vadd.f32 v56, v49;
	v56 =	vmin.f32 v51, v28  }
0x6c: {  	v1 =	vadd.f32 v1, v50;
	v50 =	vld [tilespmem:s16+$0xFFFFFEA0];
	v48 =	vmin.f32 v61, v32;
	v61 =	vmin.f32 v61, v22  }
0x6d: {  	v60 =	vmin.f32 v60, v35;
	v44 =	vmin.f32 v54, v32;
	v2 =	vadd.f32 v2, v55  }
0x6e: {  	v54 =	vmin.f32 v54, v22;
	v0 =	vadd.f32 v60, v0;
	v60 =	vld [tilespmem:s16+$0xFFFFFF20];
	v49 =	vadd.f32 v48, v49  }
0x6f: {  	v1 =	vadd.f32 v61, v1;
	v55 =	vld [tilespmem:s16+$0xFFFFFF90];
	v45 =	vmin.f32 v47, v19;
	v2 =	vadd.f32 v44, v2  }
0x70: {  	v57 =	vmin.f32 v47, v26;
	v0 =	vadd.f32 v54, v0;
	v49 =	vadd.f32 v45, v49  }
0x71: {  	v61 =	vld [tilespmem:s16+$0x10];
	v1 =	vadd.f32 v57, v1;
	v47 =	vmin.f32 v50, v19;
	v50 =	vmin.f32 v50, v26  }
0x72: {  	v51 =	vmin.f32 v51, v23;
	v54 =	vld [tilespmem:s16+$0xFFFFFFA0];
	v2 =	vadd.f32 v47, v2;
	v0 =	vadd.f32 v50, v0  }
0x73: {  	v57 =	vld [tilespmem:s16+$0x190];
	v49 =	vadd.f32 v56, v49;
	v1 =	vadd.f32 v51, v1  }
0x74: {  	v56 =	vld [tilespmem:s16+$0x20];
	v62 =	vmin.f32 v60, v28;
	v44 =	vmin.f32 v60, v23;
	v45 =	vmin.f32 v55, v25  }
0x75: {  	v50 =	vld [tilespmem:s16+$0x90];
	v55 =	vmin.f32 v55, v24;
	v2 =	vadd.f32 v62, v2;
	v0 =	vadd.f32 v44, v0  }
0x76: {  	v49 =	vadd.f32 v45, v49;
	v1 =	vadd.f32 v55, v1;
	v44 =	vmin.f32 v61, v9  }
0x77: {  	v61 =	vmin.f32 v61, v16;
	v45 =	vld [tilespmem:s16+$0xA0];
	v47 =	vmin.f32 v54, v25;
	v54 =	vmin.f32 v54, v24  }
0x78: {  	v55 =	vld [tilespmem:s16+$0x110];
	v60 =	vmin.f32 v57, v5;
	v2 =	vadd.f32 v47, v2;
	v0 =	vadd.f32 v54, v0  }
0x79: {  	v51 =	vld [tilespmem:s16+$0x120];
	v57 =	vmin.f32 v57, v6;
	v49 =	vadd.f32 v44, v49;
	v1 =	vadd.f32 v61, v1  }
0x7a: {  	v30 =	vmovc v5;
	v5 =	vld [tilespmem:s16+$0x1A0];
	v47 =	vmin.f32 v56, v9;
	v48 =	vmin.f32 v50, v21;
	v56 =	vmin.f32 v56, v16  }
0x7b: {  	v50 =	vmin.f32 v50, v15;
	v2 =	vadd.f32 v47, v2;
	v0 =	vadd.f32 v56, v0  }
0x7c: {  	v49 =	vadd.f32 v48, v49;
	v1 =	vadd.f32 v50, v1;
	v44 =	vmin.f32 v45, v21  }
0x7d: {  	p0 =	por $0x1, $0x1;
	v62 =	vmin.f32 v55, v63;
	v54 =	vmin.f32 v45, v15;
	v50 =	vadd.f32 v44, v2  }
.Ltmp1:
0x7e: {  	v55 =	vmin.f32 v55, v8;
	v0 =	vadd.f32 v54, v0;
	v49 =	vadd.f32 v62, v49;
	(pc) =	sbr.rel @!p0 .LBB2_6-.Ltmp1, $4  }
0x7f: {  	v47 =	vadd.f32 v55, v1;
	v1 =	vmin.f32 v51, v8;
	v62 =	vmin.f32 v5, v30  }
0x80: {  	v2 =	vld [tilespmem:s16+$0x220];
	v56 =	vadd.f32 v60, v49;
	v60 =	vmin.f32 v5, v6;
	v5 =	vimm.f32 $0.0e+00  }
0x81: {  	v34 =	vmovc v6;
	v45 =	vmin.f32 v51, v63;
	v51 =	vmovc v8;
	v55 =	vadd.f32 v1, v0;
	v1 =	vld [tilespmem:s16+$0x2A0];
	[tilespmem:$0x1FF60] =	vst v5;
	v5 =	vimm.f32 $0.0e+00  }
0x82: {  	s19 =	simm.s32 $0x0;
	s18 =	simm.s32 $0x10;
	v61 =	vimm.f32 $0.0e+00;
	v54 =	vadd.f32 v45, v50;
	v57 =	vadd.f32 v57, v47;
	v0 =	vld [tilespmem:s16+$0x320];
	v50 =	vmovc v28;
	v49 =	vmovc v9;
	[tilespmem:$0x1FF70] =	vst v5  }
.LBB2_5:
0x83: {  	v56 =	vadd.f32 v58, v56  }
0x84: {  	v54 =	vadd.f32 v62, v54;
	v57 =	vadd.f32 v59, v57  }
0x85: {  	v55 =	vadd.f32 v60, v55;
	v52 =	vadd.f32 v52, v56  }
0x86: {  	v53 =	vadd.f32 v53, v57;
	v47 =	vmin.f32 v2, v7;
	v2 =	vmin.f32 v2, v14  }
0x87: {  	v54 =	vadd.f32 v47, v54;
	v2 =	vadd.f32 v2, v55  }
0x88: {  	v48 =	vmin.f32 v1, v12;
	v1 =	vmin.f32 v1, v13;
	v47 =	vadd.f32 v20, v52  }
0x89: {  	v54 =	vadd.f32 v48, v54;
	v1 =	vadd.f32 v1, v2;
	v2 =	vmin.f32 v0, v11  }
0x8a: {  	v48 =	vadd.f32 v43, v53;
	v0 =	vmin.f32 v0, v10;
	v5 =	vadd.f32 v39, v47  }
0x8b: {  	v58 =	vld [tilespmem:s16+$0xFFFFFC30];
	v0 =	vadd.f32 v0, v1  }
0x8c: {  	v60 =	vld [tilespmem:s16+$0xFFFFFCB0];
	v1 =	vmin.f32 v33, v46;
	[tilespmem:$0x1FE60] =	vst v5;
	v5 =	vadd.f32 v41, v48  }
0x8d: {  	v0 =	vadd.f32 v1, v0;
	v1 =	vld [tilespmem:$0x1FF60]  }
0x8e: {  	[tilespmem:$0x1FE70] =	vst v5;
	v5 =	vld [tilespmem:$0x1FF70]  }
0x8f: {  	v2 =	vadd.f32 v2, v54  }
0x90: {  	v62 =	vld [tilespmem:s16+$0xFFFFFD30]  }
0x91: {  	v33 =	vmin.f32 v58, v40;
	v2 =	vadd.f32 v42, v2  }
0x92: {  	v45 =	vld [tilespmem:s16+$0xFFFFFDB0];
	v44 =	vmin.f32 v58, v37;
	[tilespmem:$0x1FE90] =	vst v0;
	v0 =	vadd.f32 v33, v27  }
0x93: {  	[tilespmem:$0x1FE80] =	vst v2;
	v2 =	vmin.f32 v60, v31;
	v1 =	vadd.f32 v44, v1;
	v53 =	vadd.f32 v40, v5  }
0x94: {  	v56 =	vld [tilespmem:s16+$0xFFFFFE30];
	v55 =	vmin.f32 v60, v36;
	v54 =	vadd.f32 v37, v61;
	v0 =	vadd.f32 v2, v0  }
0x95: {  	v2 =	vmin.f32 v62, v38;
	v1 =	vadd.f32 v55, v1;
	v33 =	vadd.f32 v53, v31  }
0x96: {  	v59 =	vld [tilespmem:s16+$0xFFFFFEB0];
	v58 =	vmin.f32 v62, v17;
	v57 =	vadd.f32 v54, v36;
	v0 =	vadd.f32 v2, v0  }
0x97: {  	v2 =	vmin.f32 v45, v29;
	v1 =	vadd.f32 v58, v1;
	v33 =	vadd.f32 v33, v38  }
0x98: {  	v61 =	vmin.f32 v45, v35;
	v60 =	vadd.f32 v57, v17;
	v62 =	vld [tilespmem:s16+$0xFFFFFF30];
	v0 =	vadd.f32 v2, v0  }
0x99: {  	v2 =	vmin.f32 v56, v32;
	v1 =	vadd.f32 v61, v1;
	v33 =	vadd.f32 v33, v29  }
0x9a: {  	v43 =	vld [tilespmem:s16+$0xFFFFFFB0];
	v42 =	vmin.f32 v56, v22;
	v40 =	vadd.f32 v60, v35;
	v0 =	vadd.f32 v2, v0  }
0x9b: {  	v2 =	vmin.f32 v59, v19;
	v1 =	vadd.f32 v42, v1;
	v31 =	vadd.f32 v33, v32  }
0x9c: {  	v47 =	vld [tilespmem:s16+$0x30];
	v45 =	vmin.f32 v59, v26;
	v44 =	vadd.f32 v40, v22;
	v0 =	vadd.f32 v2, v0  }
0x9d: {  	v2 =	vmin.f32 v62, v50;
	v1 =	vadd.f32 v45, v1;
	v28 =	vadd.f32 v31, v19  }
0x9e: {  	v48 =	vld [tilespmem:s16+$0xB0];
	v29 =	vadd.f32 v44, v26;
	v0 =	vadd.f32 v2, v0;
	v31 =	vmin.f32 v62, v23  }
0x9f: {  	v2 =	vmin.f32 v43, v25;
	v1 =	vadd.f32 v31, v1;
	v26 =	vadd.f32 v28, v50  }
0xa0: {  	v27 =	vadd.f32 v29, v23;
	v29 =	vld [tilespmem:s16+$0x130];
	v0 =	vadd.f32 v2, v0;
	v28 =	vmin.f32 v43, v24  }
0xa1: {  	v2 =	vmin.f32 v47, v49;
	v1 =	vadd.f32 v28, v1;
	v25 =	vadd.f32 v26, v25  }
0xa2: {  	v24 =	vadd.f32 v27, v24;
	v27 =	vld [tilespmem:s16+$0x1B0];
	v0 =	vadd.f32 v2, v0;
	v26 =	vmin.f32 v47, v16  }
0xa3: {  	s19 =	sadd.s32 $0x80, s19;
	v2 =	vmin.f32 v48, v21;
	v1 =	vadd.f32 v26, v1;
	v23 =	vadd.f32 v25, v49  }
0xa4: {  	s20 =	sand.u32 $0x400, s19;
	v22 =	vadd.f32 v24, v16;
	v24 =	vmin.f32 v48, v15;
	v0 =	vadd.f32 v2, v0;
	v25 =	vld [tilespmem:s16+$0x230]  }
0xa5: {  	s21 =	sand.u32 $0x70, s18;
	s20 =	sadd.s32 s20, s17;
	v2 =	vmin.f32 v29, v63;
	v1 =	vadd.f32 v24, v1;
	v21 =	vadd.f32 v23, v21  }
0xa6: {  	s20 =	sadd.s32 s21, s20;
	v20 =	vadd.f32 v22, v15;
	v22 =	vmin.f32 v29, v51;
	v0 =	vadd.f32 v2, v0;
	v23 =	vld [tilespmem:s16+$0x2B0]  }
0xa7: {  	v52 =	vld [tilespmem:s20+$0x0];
	v2 =	vmin.f32 v27, v30;
	v1 =	vadd.f32 v22, v1;
	v17 =	vadd.f32 v21, v63  }
0xa8: {  	v19 =	vadd.f32 v20, v51;
	v20 =	vmin.f32 v27, v34;
	v0 =	vadd.f32 v2, v0;
	v21 =	vld [tilespmem:s16+$0x330]  }
0xa9: {  	v5 =	vld [tilespmem:$0x1FF50];
	v2 =	vmin.f32 v25, v7;
	v1 =	vadd.f32 v20, v1;
	v16 =	vadd.f32 v17, v30  }
0xaa: {  	v18 =	vmin.f32 v25, v14;
	v17 =	vadd.f32 v19, v34;
	v19 =	vld [tilespmem:s16+$0x3B0];
	v0 =	vadd.f32 v2, v0  }
0xab: {  	v2 =	vmin.f32 v23, v12;
	v1 =	vadd.f32 v18, v1  }
0xac: {  	v15 =	vadd.f32 v16, v7;
	v16 =	vmin.f32 v23, v13;
	v0 =	vadd.f32 v2, v0  }
0xad: {  	v14 =	vadd.f32 v17, v14;
	v2 =	vmin.f32 v21, v11;
	v1 =	vadd.f32 v16, v1  }
0xae: {  	v6 =	vbroadcast v52, $0xD;
	v12 =	vadd.f32 v15, v12;
	v0 =	vadd.f32 v2, v0  }
0xaf: {  	v53 =	vld [tilespmem:s20+$0x80];
	v13 =	vadd.f32 v14, v13;
	v14 =	vmin.f32 v21, v10;
	v2 =	vmin.f32 v19, v5  }
0xb0: {  	v8 =	vbroadcast v52, $0xC;
	v1 =	vadd.f32 v14, v1;
	v0 =	vadd.f32 v2, v0  }
0xb1: {  	v39 =	vbroadcast v52, $0x6;
	v11 =	vadd.f32 v12, v11;
	v12 =	vmin.f32 v19, v46  }
0xb2: {  	v57 =	vbroadcast v52, $0xE;
	v40 =	vbroadcast v52, $0x0;
	[tilespmem:$0x1FEF0] =	vst v0;
	v0 =	vadd.f32 v12, v1  }
0xb3: {  	v56 =	vbroadcast v52, $0xB;
	v38 =	vbroadcast v52, $0x2  }
0xb4: {  	v9 =	vbroadcast v53, $0xD;
	v10 =	vadd.f32 v13, v10;
	[tilespmem:$0x1FF60] =	vst v0;
	v0 =	vadd.f32 v11, v5  }
0xb5: {  	v35 =	vbroadcast v53, $0x3;
	v37 =	vbroadcast v53, $0x0  }
0xb6: {  	v36 =	vbroadcast v53, $0x1;
	v32 =	vbroadcast v52, $0x4;
	s16 =	sadd.s32 $0x800, s16;
	[tilespmem:$0x1FF70] =	vst v0;
	v0 =	vadd.f32 v10, v46  }
0xb7: {  	v31 =	vbroadcast v52, $0x1;
	v28 =	vbroadcast v53, $0xF;
	v1 =	vld [tilespmem:s16+$0x390]  }
0xb8: {  	v26 =	vbroadcast v53, $0x5;
	v29 =	vbroadcast v52, $0x3;
	[tilespmem:$0x1FF30] =	vst v0;
	v0 =	vld [tilespmem:s16+$0x380]  }
0xb9: {  	v27 =	vbroadcast v53, $0xC;
	v24 =	vbroadcast v53, $0x7;
	v2 =	vld [tilespmem:s16+$0xFFFFFC00]  }
0xba: {  	v63 =	vbroadcast v52, $0xA;
	v22 =	vbroadcast v53, $0x4;
	v62 =	vld [tilespmem:s16+$0x3A0]  }
0xbb: {  	v25 =	vbroadcast v52, $0x7;
	v59 =	vld [tilespmem:s16+$0xFFFFFC80];
	v5 =	vbroadcast v52, $0xF  }
0xbc: {  	v60 =	vld [tilespmem:s16+$0x300];
	v18 =	vbroadcast v52, $0x8;
	v17 =	vbroadcast v53, $0x2  }
0xbd: {  	v61 =	vld [tilespmem:s16+$0xFFFFFD00];
	v21 =	vbroadcast v52, $0x9;
	v10 =	vmin.f32 v1, v5;
	v55 =	vmin.f32 v0, v5  }
0xbe: {  	v30 =	vld [tilespmem:s16+$0xFFFFFD80];
	v54 =	vmin.f32 v0, v28;
	v0 =	vmin.f32 v2, v40;
	v2 =	vmin.f32 v2, v37  }
0xbf: {  	v44 =	vld [tilespmem:s16+$0x280];
	v1 =	vmin.f32 v1, v28;
	v0 =	vadd.f32 v0, v4;
	v2 =	vadd.f32 v2, v3  }
0xc0: {  	v19 =	vbroadcast v52, $0x5;
	v43 =	vmin.f32 v59, v36;
	v52 =	vld [tilespmem:s16+$0x310];
	[tilespmem:$0x1FEA0] =	vst v1;
	v1 =	vmin.f32 v59, v31  }
0xc1: {  	v7 =	vbroadcast v53, $0xE;
	v0 =	vadd.f32 v1, v0;
	v1 =	vadd.f32 v43, v2;
	v2 =	vld [tilespmem:s16+$0xFFFFFE00]  }
0xc2: {  	v23 =	vbroadcast v53, $0x6;
	v45 =	vmin.f32 v61, v38;
	v48 =	vmin.f32 v61, v17;
	v46 =	vld [tilespmem:s16+$0x290]  }
0xc3: {  	v16 =	vbroadcast v53, $0x8;
	v0 =	vadd.f32 v45, v0;
	v1 =	vadd.f32 v48, v1;
	v48 =	vld [tilespmem:s16+$0xFFFFFE80]  }
0xc4: {  	v50 =	vld [tilespmem:s16+$0x200];
	v34 =	vmin.f32 v60, v57;
	v49 =	vmin.f32 v30, v29;
	v30 =	vmin.f32 v30, v35  }
0xc5: {  	v4 =	vmin.f32 v52, v57;
	v0 =	vadd.f32 v49, v0;
	v1 =	vadd.f32 v30, v1;
	v30 =	vld [tilespmem:s16+$0xFFFFFF00]  }
0xc6: {  	[tilespmem:$0x1FEE0] =	vst v4;
	v4 =	vmin.f32 v52, v7;
	v47 =	vmin.f32 v2, v32;
	v2 =	vmin.f32 v2, v22  }
0xc7: {  	[tilespmem:$0x1FF40] =	vst v6;
	v52 =	vmin.f32 v46, v6;
	v0 =	vadd.f32 v47, v0;
	v1 =	vadd.f32 v2, v1;
	v2 =	vld [tilespmem:s16+$0xFFFFFF80]  }
0xc8: {  	[tilespmem:$0x1FEC0] =	vst v4;
	v4 =	vmin.f32 v44, v6;
	v6 =	vmin.f32 v48, v19;
	v58 =	vmin.f32 v48, v26  }
0xc9: {  	v33 =	vmin.f32 v50, v8;
	v0 =	vadd.f32 v6, v0;
	v1 =	vadd.f32 v58, v1;
	v6 =	vld [tilespmem:s16+$0x0]  }
0xca: {  	v51 =	vld [tilespmem:s16+$0x100];
	v3 =	vmin.f32 v62, v5;
	v48 =	vmin.f32 v30, v39;
	v30 =	vmin.f32 v30, v23  }
0xcb: {  	[tilespmem:$0x1FED0] =	vst v3;
	v3 =	vmin.f32 v60, v7;
	v45 =	vmin.f32 v50, v27;
	v1 =	vadd.f32 v30, v1;
	v30 =	vld [tilespmem:s16+$0x80]  }
0xcc: {  	v60 =	vld [tilespmem:s16+$0x210];
	v0 =	vadd.f32 v48, v0;
	v50 =	vmin.f32 v2, v25;
	v2 =	vmin.f32 v2, v24  }
0xcd: {  	v41 =	vbroadcast v53, $0xA;
	v20 =	vbroadcast v53, $0x9;
	v49 =	vld [tilespmem:s16+$0x190];
	v1 =	vadd.f32 v2, v1  }
0xce: {  	v0 =	vadd.f32 v50, v0;
	v48 =	vmin.f32 v6, v18;
	v6 =	vmin.f32 v6, v16  }
0xcf: {  	v42 =	vbroadcast v53, $0xB;
	[tilespmem:$0x1FF00] =	vst v7;
	v53 =	vmin.f32 v46, v9;
	v7 =	vld [tilespmem:s16+$0x180];
	v1 =	vadd.f32 v6, v1  }
0xd0: {  	v0 =	vadd.f32 v48, v0;
	v11 =	vmin.f32 v30, v21;
	v30 =	vmin.f32 v30, v20  }
0xd1: {  	v46 =	vmin.f32 v51, v41;
	v59 =	vmin.f32 v60, v27;
	v30 =	vadd.f32 v30, v1  }
0xd2: {  	v58 =	vmin.f32 v60, v8;
	v60 =	vmin.f32 v49, v56;
	v11 =	vadd.f32 v11, v0  }
0xd3: {  	[tilespmem:$0x1FF20] =	vst v8;
	v13 =	vld [tilespmem:s16+$0xFFFFFE10];
	v61 =	vmin.f32 v49, v42;
	v49 =	vmin.f32 v51, v63;
	v30 =	vadd.f32 v46, v30  }
0xd4: {  	[tilespmem:$0x1FF10] =	vst v9;
	v12 =	vld [tilespmem:s16+$0xFFFFFE90];
	v8 =	vmin.f32 v7, v56;
	v7 =	vmin.f32 v7, v42;
	v11 =	vadd.f32 v49, v11  }
0xd5: {  	[tilespmem:$0x1FEB0] =	vst v10;
	v10 =	vld [tilespmem:s16+$0xFFFFFF90];
	v7 =	vadd.f32 v7, v30  }
0xd6: {  	[tilespmem:$0x1FF50] =	vst v5;
	v5 =	vmin.f32 v44, v9;
	v9 =	vld [tilespmem:s16+$0x90];
	v8 =	vadd.f32 v8, v11  }
0xd7: {  	v44 =	vld [tilespmem:s16+$0xFFFFFF10];
	v7 =	vadd.f32 v45, v7  }
0xd8: {  	v2 =	vld [tilespmem:s16+$0x110];
	v8 =	vadd.f32 v33, v8  }
0xd9: {  	v50 =	vld [tilespmem:s16+$0xFFFFFC10];
	v5 =	vadd.f32 v5, v7  }
0xda: {  	v6 =	vld [tilespmem:s16+$0x10];
	v4 =	vadd.f32 v4, v8  }
0xdb: {  	v48 =	vld [tilespmem:s16+$0xFFFFFD10];
	v3 =	vadd.f32 v3, v5  }
0xdc: {  	v33 =	vld [tilespmem:s16+$0xFFFFFC20];
	v4 =	vadd.f32 v34, v4  }
0xdd: {  	v3 =	vadd.f32 v54, v3;
	v54 =	vld [tilespmem:$0x1FE60]  }
0xde: {  	v14 =	vmin.f32 v12, v19;
	v4 =	vadd.f32 v55, v4;
	v55 =	vld [tilespmem:$0x1FE80]  }
0xdf: {  	v12 =	vmin.f32 v12, v26;
	v0 =	vmin.f32 v2, v63;
	v1 =	vmin.f32 v2, v41;
	v46 =	vld [tilespmem:s16+$0xFFFFFD90]  }
0xe0: {  	v2 =	vmin.f32 v9, v21;
	v9 =	vmin.f32 v9, v20;
	v49 =	vmin.f32 v10, v25;
	v11 =	vld [tilespmem:s16+$0xFFFFFC90]  }
0xe1: {  	v10 =	vmin.f32 v10, v24;
	v47 =	vmin.f32 v6, v18;
	v7 =	vld [tilespmem:s16+$0xFFFFFCA0];
	v5 =	vmin.f32 v50, v40  }
0xe2: {  	v6 =	vmin.f32 v6, v16;
	v51 =	vmin.f32 v33, v40;
	v5 =	vadd.f32 v5, v54;
	v54 =	vld [tilespmem:$0x1FE70]  }
0xe3: {  	v30 =	vmin.f32 v44, v39;
	v44 =	vmin.f32 v44, v23;
	v51 =	vadd.f32 v51, v55;
	v55 =	vld [tilespmem:$0x1FE90]  }
0xe4: {  	v45 =	vmin.f32 v13, v32;
	v13 =	vmin.f32 v13, v22;
	v43 =	vmin.f32 v46, v29  }
0xe5: {  	v46 =	vmin.f32 v46, v35;
	v8 =	vmin.f32 v48, v38;
	v15 =	vmin.f32 v11, v31;
	v34 =	vld [tilespmem:s16+$0xFFFFFD20]  }
0xe6: {  	v48 =	vmin.f32 v48, v17;
	v50 =	vmin.f32 v50, v37;
	v5 =	vadd.f32 v15, v5  }
0xe7: {  	v11 =	vmin.f32 v11, v36;
	v33 =	vmin.f32 v33, v37;
	v50 =	vadd.f32 v50, v54;
	v54 =	vld [tilespmem:s16+$0xFFFFFDA0]  }
0xe8: {  	v5 =	vadd.f32 v8, v5;
	v33 =	vadd.f32 v33, v55;
	v55 =	vmin.f32 v7, v31  }
0xe9: {  	v15 =	vld [tilespmem:s16+$0xFFFFFE20];
	v7 =	vmin.f32 v7, v36;
	v55 =	vadd.f32 v55, v51;
	v11 =	vadd.f32 v11, v50  }
0xea: {  	v5 =	vadd.f32 v43, v5;
	v7 =	vadd.f32 v7, v33;
	v50 =	vmin.f32 v34, v38  }
0xeb: {  	v33 =	vadd.f32 v50, v55;
	v8 =	vadd.f32 v48, v11;
	v11 =	vmin.f32 v34, v17;
	v34 =	vld [tilespmem:s16+$0xFFFFFEA0]  }
0xec: {  	v51 =	vmovc v41;
	v41 =	vld [tilespmem:$0x1FEA0];
	v5 =	vadd.f32 v45, v5;
	v7 =	vadd.f32 v11, v7;
	v11 =	vmin.f32 v54, v29  }
0xed: {  	v48 =	vmin.f32 v54, v35;
	v54 =	vld [tilespmem:s16+$0xFFFFFF20];
	v8 =	vadd.f32 v46, v8;
	v11 =	vadd.f32 v11, v33  }
0xee: {  	v43 =	vld [tilespmem:$0x1FEC0];
	v55 =	vmin.f32 v15, v32;
	v5 =	vadd.f32 v14, v5;
	v7 =	vadd.f32 v48, v7  }
0xef: {  	v8 =	vadd.f32 v13, v8;
	v13 =	vmin.f32 v15, v22;
	v15 =	vld [tilespmem:s16+$0xFFFFFFA0];
	v11 =	vadd.f32 v55, v11  }
0xf0: {  	v50 =	vmovc v39;
	v39 =	vld [tilespmem:$0x1FEB0];
	v5 =	vadd.f32 v30, v5;
	v7 =	vadd.f32 v13, v7;
	v13 =	vmin.f32 v34, v19  }
0xf1: {  	v14 =	vld [tilespmem:s16+$0x20];
	v8 =	vadd.f32 v12, v8;
	v12 =	vmin.f32 v34, v26;
	v11 =	vadd.f32 v13, v11  }
0xf2: {  	v30 =	vld [tilespmem:s16+$0xA0];
	v5 =	vadd.f32 v49, v5;
	v7 =	vadd.f32 v12, v7;
	v12 =	vmin.f32 v54, v50  }
0xf3: {  	v34 =	vmovc v42;
	v42 =	vld [tilespmem:$0x1FED0];
	v13 =	vmin.f32 v54, v23;
	v8 =	vadd.f32 v44, v8;
	v11 =	vadd.f32 v12, v11  }
0xf4: {  	v5 =	vadd.f32 v47, v5;
	v7 =	vadd.f32 v13, v7;
	v12 =	vmin.f32 v15, v25;
	v13 =	vld [tilespmem:s16+$0x120]  }
0xf5: {  	v46 =	vmovc v28;
	v8 =	vadd.f32 v10, v8;
	v10 =	vmin.f32 v15, v24;
	v28 =	vadd.f32 v12, v11;
	v12 =	vld [tilespmem:s16+$0x1A0]  }
0xf6: {  	v5 =	vadd.f32 v2, v5;
	v2 =	vld [tilespmem:s16+$0x220];
	v7 =	vadd.f32 v10, v7;
	v10 =	vmin.f32 v14, v18  }
0xf7: {  	v15 =	vmovc v20;
	v20 =	vld [tilespmem:$0x1FEE0];
	v6 =	vadd.f32 v6, v8;
	v8 =	vmin.f32 v14, v16;
	v10 =	vadd.f32 v10, v28  }
0xf8: {  	v0 =	vadd.f32 v0, v5;
	v14 =	vmovc v27;
	v27 =	vld [tilespmem:$0x1FEF0];
	v7 =	vadd.f32 v8, v7;
	v8 =	vmin.f32 v30, v21  }
0xf9: {  	v33 =	vmovc v62;
	v6 =	vadd.f32 v9, v6;
	v9 =	vmin.f32 v30, v15;
	v8 =	vadd.f32 v8, v10;
	v10 =	vld [tilespmem:$0x1FF00]  }
0xfa: {  	p0 =	sne.s32 s18, $0xF0;
	v30 =	vmovc v56;
	v62 =	vmin.f32 v12, v56;
	v56 =	vadd.f32 v60, v0;
	v60 =	vmin.f32 v12, v34;
	v12 =	vld [tilespmem:$0x1FF40]  }
.Ltmp2:
0xfb: {  	v7 =	vadd.f32 v9, v7;
	v0 =	vld [tilespmem:s16+$0x320];
	(pc) =	sbr.rel @p0 .LBB2_5-.Ltmp2, $4  }
0xfc: {  	v9 =	vmin.f32 v13, v63;
	v5 =	vadd.f32 v1, v6;
	v6 =	vmin.f32 v13, v51;
	v13 =	vld [tilespmem:$0x1FF10]  }
0xfd: {  	v1 =	vld [tilespmem:s16+$0x2A0]  }
0xfe: {  	v55 =	vadd.f32 v6, v7;
	v7 =	vld [tilespmem:$0x1FF20]  }
0xff: {  	s18 =	sadd.s32 $0x10, s18;
	v49 =	vmovc v18;
	v11 =	vmov v57;
	v54 =	vadd.f32 v9, v8;
	v57 =	vadd.f32 v61, v5;
	v61 =	vld [tilespmem:$0x1FF30]  }
.LBB2_6:
0x100: {  	_ = 	snop  }
0x101: {  	v6 =	vadd.f32 v60, v55;
	v8 =	vadd.f32 v58, v56  }
0x102: {  	v5 =	vadd.f32 v62, v54;
	v9 =	vadd.f32 v59, v57  }
0x103: {  	v59 =	vmin.f32 v2, v14;
	v8 =	vadd.f32 v52, v8;
	v55 =	vmin.f32 v2, v7  }
0x104: {  	v56 =	vld [tilespmem:$0x1FF70];
	v2 =	vadd.f32 v59, v6;
	v5 =	vadd.f32 v55, v5  }
0x105: {  	v62 =	vld [tilespmem:s16+$0xFFFFFC30];
	v60 =	vmin.f32 v1, v12;
	v9 =	vadd.f32 v53, v9;
	v8 =	vadd.f32 v20, v8  }
0x106: {  	v47 =	vld [tilespmem:s16+$0xFFFFFCB0];
	v44 =	vmin.f32 v1, v13;
	v61 =	vadd.f32 v37, v61;
	v5 =	vadd.f32 v60, v5  }
0x107: {  	v59 =	vld [tilespmem:$0x1FF60];
	v45 =	vmin.f32 v0, v11;
	v1 =	vadd.f32 v44, v2;
	v9 =	vadd.f32 v43, v9  }
0x108: {  	v48 =	vmin.f32 v0, v10;
	v0 =	vadd.f32 v39, v8;
	v2 =	vadd.f32 v45, v5  }
0x109: {  	v54 =	vmin.f32 v33, v46;
	v33 =	vadd.f32 v61, v36;
	v52 =	vadd.f32 v48, v1  }
0x10a: {  	v53 =	vld [tilespmem:s16+$0xFFFFFD30];
	v55 =	vmin.f32 v62, v40;
	v1 =	vadd.f32 v42, v2;
	v2 =	vadd.f32 v40, v56  }
0x10b: {  	v18 =	vmovc v7;
	v7 =	vmin.f32 v62, v37;
	v43 =	vadd.f32 v41, v9;
	v58 =	vadd.f32 v55, v27  }
0x10c: {  	v57 =	vld [tilespmem:s16+$0xFFFFFDB0];
	v60 =	vmin.f32 v47, v31;
	v7 =	vadd.f32 v7, v59;
	v2 =	vadd.f32 v2, v31  }
0x10d: {  	v6 =	vmin.f32 v47, v36;
	v8 =	vadd.f32 v33, v17;
	v5 =	vadd.f32 v60, v58  }
0x10e: {  	v20 =	vmovc v16;
	v16 =	vmov v13;
	v62 =	vld [tilespmem:s16+$0xFFFFFE30];
	v6 =	vadd.f32 v6, v7;
	v2 =	vadd.f32 v2, v38  }
0x10f: {  	v13 =	vmovc v10;
	v10 =	vmin.f32 v53, v17;
	v42 =	vadd.f32 v54, v52;
	v8 =	vadd.f32 v8, v35  }
0x110: {  	v36 =	vld [tilespmem:s16+$0xFFFFFEB0];
	v31 =	vmin.f32 v53, v38;
	v6 =	vadd.f32 v10, v6;
	v2 =	vadd.f32 v2, v29  }
0x111: {  	v9 =	vmin.f32 v57, v35;
	v8 =	vadd.f32 v8, v22;
	v5 =	vadd.f32 v31, v5  }
0x112: {  	v37 =	vmin.f32 v57, v29;
	v6 =	vadd.f32 v9, v6;
	v2 =	vadd.f32 v2, v32  }
0x113: {  	v40 =	vmin.f32 v62, v22;
	v38 =	vld [tilespmem:s16+$0xFFFFFF30];
	v8 =	vadd.f32 v8, v26;
	v5 =	vadd.f32 v37, v5  }
0x114: {  	v41 =	vld [tilespmem:s16+$0xFFFFFFB0];
	v39 =	vmin.f32 v62, v32;
	v6 =	vadd.f32 v40, v6;
	v2 =	vadd.f32 v2, v19  }
0x115: {  	v45 =	vmin.f32 v36, v26;
	v8 =	vadd.f32 v8, v23;
	v5 =	vadd.f32 v39, v5  }
0x116: {  	v47 =	vld [tilespmem:s16+$0x30];
	v44 =	vmin.f32 v36, v19;
	v6 =	vadd.f32 v45, v6;
	v2 =	vadd.f32 v2, v50  }
0x117: {  	v8 =	vadd.f32 v8, v24;
	v5 =	vadd.f32 v44, v5  }
0x118: {  	v53 =	vld [tilespmem:s16+$0xB0];
	v48 =	vmin.f32 v38, v50;
	v52 =	vmin.f32 v38, v23;
	v2 =	vadd.f32 v2, v25  }
0x119: {  	v54 =	vmin.f32 v41, v25;
	v6 =	vadd.f32 v52, v6;
	v5 =	vadd.f32 v48, v5  }
0x11a: {  	v56 =	vld [tilespmem:s16+$0x130];
	v55 =	vmin.f32 v41, v24;
	v8 =	vadd.f32 v8, v20;
	v2 =	vadd.f32 v2, v49  }
0x11b: {  	v27 =	vmovc v15;
	v57 =	vmin.f32 v47, v49;
	v6 =	vadd.f32 v55, v6;
	v5 =	vadd.f32 v54, v5  }
0x11c: {  	v59 =	vld [tilespmem:s16+$0x1B0];
	v58 =	vmin.f32 v47, v20;
	v8 =	vadd.f32 v8, v27;
	v2 =	vadd.f32 v2, v21  }
0x11d: {  	v60 =	vmin.f32 v53, v21;
	v6 =	vadd.f32 v58, v6;
	v5 =	vadd.f32 v57, v5  }
0x11e: {  	v62 =	vld [tilespmem:s16+$0x230];
	v61 =	vmin.f32 v53, v27;
	v8 =	vadd.f32 v8, v51;
	v2 =	vadd.f32 v2, v63  }
0x11f: {  	v17 =	vmin.f32 v56, v63;
	v6 =	vadd.f32 v61, v6;
	v5 =	vadd.f32 v60, v5  }
0x120: {  	v19 =	vmin.f32 v56, v51;
	v20 =	vld [tilespmem:s16+$0x2B0];
	v8 =	vadd.f32 v8, v34;
	v2 =	vadd.f32 v2, v30  }
0x121: {  	v28 =	vmovc v14;
	v22 =	vmin.f32 v59, v34;
	v6 =	vadd.f32 v19, v6;
	v5 =	vadd.f32 v17, v5  }
0x122: {  	v23 =	vld [tilespmem:s16+$0x330];
	v21 =	vmin.f32 v59, v30;
	v8 =	vadd.f32 v8, v28;
	v2 =	vadd.f32 v2, v18  }
0x123: {  	v15 =	vmovc v12;
	v31 =	vld [tilespmem:$0x1FF50];
	v24 =	vmin.f32 v62, v18;
	v6 =	vadd.f32 v22, v6;
	v5 =	vadd.f32 v21, v5  }
0x124: {  	v26 =	vld [tilespmem:s16+$0x3B0];
	v25 =	vmin.f32 v62, v28;
	v8 =	vadd.f32 v8, v16;
	v2 =	vadd.f32 v2, v15  }
0x125: {  	v14 =	vmovc v11;
	v27 =	vmin.f32 v20, v15;
	v34 =	vld [tilespmem:$0x1FF90];
	v6 =	vadd.f32 v25, v6;
	v5 =	vadd.f32 v24, v5  }
0x126: {  	v36 =	vld [tilespmem:$0x1FFA0];
	v28 =	vmin.f32 v20, v16;
	v8 =	vadd.f32 v8, v13;
	v2 =	vadd.f32 v2, v14  }
0x127: {  	v38 =	vld [tilespmem:$0x1FFB0];
	v29 =	vmin.f32 v23, v14;
	v6 =	vadd.f32 v28, v6;
	v5 =	vadd.f32 v27, v5  }
0x128: {  	v40 =	vld [tilespmem:$0x1FFC0];
	v30 =	vmin.f32 v23, v13;
	v8 =	vadd.f32 v8, v46;
	v2 =	vadd.f32 v2, v31  }
0x129: {  	v6 =	vadd.f32 v30, v6;
	v5 =	vadd.f32 v29, v5  }
0x12a: {  	v32 =	vmin.f32 v26, v31;
	v44 =	vadd.f32 v8, v34;
	v35 =	vadd.f32 v2, v34  }
0x12b: {  	v5 =	vadd.f32 v32, v5;
	v37 =	vadd.f32 v2, v36  }
0x12c: {  	v39 =	vadd.f32 v2, v38;
	v7 =	vsub.f32 v35, v4  }
0x12d: {  	v33 =	vmin.f32 v26, v46;
	v2 =	vadd.f32 v2, v40;
	v9 =	vsub.f32 v37, v0  }
0x12e: {  	v45 =	vadd.f32 v8, v36;
	v41 =	vsub.f32 v39, v1;
	(erf) = vrcp.f32 v7  }
0x12f: {  	v47 =	vadd.f32 v8, v38;
	v2 =	vsub.f32 v2, v5;
	(erf) = vrcp.f32 v9  }
0x130: {  	v8 =	vadd.f32 v8, v40;
	v46 =	vsub.f32 v44, v3;
	(erf) = vrcp.f32 v41  }
0x131: {  	v6 =	vadd.f32 v33, v6;
	v48 =	vsub.f32 v45, v43;
	(erf) = vrcp.f32 v2  }
0x132: {  	v49 =	vsub.f32 v47, v42;
	(erf) = vrcp.f32 v46  }
0x133: {  	v50 =	vsub.f32 v8, v6;
	(erf) = vrcp.f32 v48  }
0x134: {  	(erf) = vrcp.f32 v49  }
0x135: {  	(erf) = vrcp.f32 v50;
	_ =	sdelay $0x1  }
0x136: {  	v51 =	vpop (erf)  }
0x137: {  	v52 =	vpop (erf);
	v2 =	vmul.f32 v51, v4  }
0x138: {  	v53 =	vpop (erf);
	v0 =	vmul.f32 v52, v0  }
0x139: {  	v54 =	vpop (erf);
	[tilespmem:s15+$0xA000] =	vst v2;
	v1 =	vmul.f32 v53, v1  }
0x13a: {  	s14 =	sadd.s32 $0x1, s14;
	v55 =	vpop (erf);
	[tilespmem:s15+$0xA010] =	vst v0;
	v56 =	vmul.f32 v54, v5  }
0x13b: {  	p0 =	sne.s32 s14, $0x10;
	v57 =	vpop (erf);
	[tilespmem:s15+$0xA020] =	vst v1;
	v58 =	vmul.f32 v55, v3  }
.Ltmp3:
0x13c: {  	v59 =	vpop (erf);
	[tilespmem:s15+$0xA030] =	vst v56;
	v60 =	vmul.f32 v57, v43;
	(pc) =	sbr.rel @p0 .LBB2_4-.Ltmp3, $4  }
0x13d: {  	[tilespmem:s15+$0xA080] =	vst v58;
	v61 =	vmul.f32 v59, v42;
	v62 =	vpop (erf)  }
0x13e: {  	[tilespmem:s15+$0xA090] =	vst v60;
	v63 =	vmul.f32 v62, v6  }
0x13f: {  	[tilespmem:s15+$0xA0A0] =	vst v61  }
0x140: {  	[tilespmem:s15+$0xA0B0] =	vst v63;
	s15 =	simm.s32 $0x0  }
0x141: {  	s13 =	simm.s32 $0x0  }
.LBB2_8:
0x142: {  	s14 =	sshll.u32 s13, $0x8;
	s16 =	sshll.u32 s13, $0x9  }
0x143: {  	s16 =	sand.u32 $0x1800, s16;
	s17 =	sand.u32 $0x300, s14  }
0x144: {  	s31 =	sand.u32 $0x400, s15;
	s17 =	sor.u32 s17, s16  }
0x145: {  	s18 =	sand.u32 $0x70, s15;
	s16 =	sadd.s32 s31, s17  }
0x146: {  	s16 =	sadd.s32 s18, s16  }
0x147: {  	v0 =	vld [tilespmem:s16+$0x0]  }
0x148: {  	v1 =	vld [tilespmem:s16+$0x80];
	_ =	sdelay $0x2  }
0x149: {  	s16 =	simm.s32 $0x2440  }
0x14a: {  	v2 =	vld [tilespmem:s16+$0xFFFFFC00];
	v61 =	vbroadcast v0, $0xF;
	v63 =	vbroadcast v0, $0xE  }
0x14b: {  	v60 =	vbroadcast v1, $0xF;
	v8 =	vbroadcast v0, $0xD  }
0x14c: {  	v3 =	vld [tilespmem:s16+$0xFFFFFC80];
	v62 =	vbroadcast v1, $0xE;
	v5 =	vbroadcast v0, $0xC  }
0x14d: {  	v36 =	vbroadcast v0, $0x0;
	v37 =	vbroadcast v1, $0x0  }
0x14e: {  	v32 =	vimm.f32 $0.0e+00;
	v14 =	vld [tilespmem:s16+$0xFFFFFD00];
	v11 =	vbroadcast v0, $0xB;
	v25 =	vbroadcast v0, $0x1  }
0x14f: {  	v28 =	vbroadcast v1, $0x1;
	v15 =	vmin.f32 v2, v36;
	v2 =	vmin.f32 v2, v37  }
0x150: {  	v6 =	vld [tilespmem:s16+$0xFFFFFD80];
	v34 =	vbroadcast v0, $0x2;
	v15 =	vadd.f32 v15, v32;
	v2 =	vadd.f32 v2, v32  }
0x151: {  	v21 =	vbroadcast v1, $0x2;
	v17 =	vmin.f32 v3, v25;
	v3 =	vmin.f32 v3, v28  }
0x152: {  	v24 =	vbroadcast v0, $0x3;
	v15 =	vadd.f32 v17, v15;
	v2 =	vadd.f32 v3, v2;
	v3 =	vld [tilespmem:s16+$0xFFFFFE00]  }
0x153: {  	v31 =	vbroadcast v1, $0x3;
	v17 =	vmin.f32 v14, v34;
	v14 =	vmin.f32 v14, v21  }
0x154: {  	v27 =	vbroadcast v0, $0x4;
	v15 =	vadd.f32 v17, v15;
	v2 =	vadd.f32 v14, v2;
	v14 =	vld [tilespmem:s16+$0xFFFFFE80]  }
0x155: {  	v59 =	vbroadcast v1, $0x4;
	v17 =	vmin.f32 v6, v24;
	v6 =	vmin.f32 v6, v31  }
0x156: {  	v7 =	vld [tilespmem:s16+$0xFFFFFF00];
	v16 =	vbroadcast v0, $0x5;
	v15 =	vadd.f32 v17, v15;
	v2 =	vadd.f32 v6, v2  }
0x157: {  	v6 =	vbroadcast v1, $0x5;
	v17 =	vmin.f32 v3, v27;
	v3 =	vmin.f32 v3, v59  }
0x158: {  	v4 =	vbroadcast v0, $0xA;
	v15 =	vadd.f32 v17, v15;
	v2 =	vadd.f32 v3, v2;
	v3 =	vld [tilespmem:s16+$0xFFFFFF80]  }
0x159: {  	v22 =	vbroadcast v0, $0x6;
	v17 =	vmin.f32 v14, v16;
	v14 =	vmin.f32 v14, v6  }
0x15a: {  	v18 =	vbroadcast v1, $0x6;
	v15 =	vadd.f32 v17, v15;
	v2 =	vadd.f32 v14, v2;
	v14 =	vld [tilespmem:s16+$0x0]  }
0x15b: {  	v13 =	vbroadcast v0, $0x7;
	v20 =	vbroadcast v1, $0x7;
	v17 =	vmin.f32 v7, v22  }
0x15c: {  	v30 =	vld [tilespmem:s16+$0x80];
	v12 =	vbroadcast v0, $0x8;
	v7 =	vmin.f32 v7, v18;
	v15 =	vadd.f32 v17, v15  }
0x15d: {  	v26 =	vld [tilespmem:s16+$0x380];
	v19 =	vbroadcast v1, $0x8;
	v2 =	vadd.f32 v7, v2;
	v17 =	vmin.f32 v3, v13  }
0x15e: {  	v7 =	vbroadcast v0, $0x9;
	v0 =	vld [tilespmem:s16+$0x100];
	v3 =	vmin.f32 v3, v20;
	v15 =	vadd.f32 v17, v15  }
0x15f: {  	v41 =	vld [tilespmem:s16+$0x390];
	v9 =	vbroadcast v1, $0xD;
	v2 =	vadd.f32 v3, v2;
	v3 =	vmin.f32 v14, v12  }
0x160: {  	v42 =	vld [tilespmem:s16+$0x180];
	v17 =	vbroadcast v1, $0x9;
	v40 =	vmin.f32 v14, v19;
	v3 =	vadd.f32 v3, v15  }
0x161: {  	v43 =	vld [tilespmem:s16+$0x200];
	v10 =	vbroadcast v1, $0xC;
	v56 =	vmin.f32 v30, v7;
	v2 =	vadd.f32 v40, v2  }
0x162: {  	v46 =	vld [tilespmem:s16+$0x280];
	v30 =	vmin.f32 v30, v17;
	v15 =	vmovc v4;
	v4 =	vbroadcast v1, $0xA;
	v3 =	vadd.f32 v56, v3  }
0x163: {  	v50 =	vld [tilespmem:s16+$0x210];
	v45 =	vmin.f32 v26, v61;
	v2 =	vadd.f32 v30, v2;
	v44 =	vmin.f32 v0, v15  }
0x164: {  	v51 =	vld [tilespmem:s16+$0xFFFFFC90];
	v14 =	vmovc v6;
	v6 =	vbroadcast v1, $0xB;
	v0 =	vmin.f32 v0, v4;
	v3 =	vadd.f32 v44, v3  }
0x165: {  	v53 =	vld [tilespmem:s16+$0xFFFFFC20];
	v26 =	vmin.f32 v26, v60;
	v57 =	vmin.f32 v42, v11;
	v0 =	vadd.f32 v0, v2  }
0x166: {  	v29 =	vmin.f32 v41, v61;
	v47 =	vmin.f32 v42, v6;
	v1 =	vld [tilespmem:s16+$0x300];
	v3 =	vadd.f32 v57, v3  }
0x167: {  	v39 =	vmin.f32 v43, v5;
	v43 =	vmin.f32 v43, v10;
	v2 =	vld [tilespmem:s16+$0x290];
	v0 =	vadd.f32 v47, v0  }
0x168: {  	v52 =	vld [tilespmem:s16+$0xFFFFFC10];
	v48 =	vmin.f32 v46, v8;
	v46 =	vmin.f32 v46, v9;
	v3 =	vadd.f32 v39, v3  }
0x169: {  	v54 =	vmin.f32 v50, v5;
	v55 =	vmin.f32 v50, v10;
	v0 =	vadd.f32 v43, v0  }
0x16a: {  	v50 =	vmin.f32 v51, v28;
	v56 =	vmin.f32 v53, v36;
	v3 =	vadd.f32 v48, v3  }
0x16b: {  	v23 =	vld [tilespmem:s16+$0x3A0];
	v58 =	vmin.f32 v1, v63;
	v1 =	vmin.f32 v1, v62;
	v0 =	vadd.f32 v46, v0  }
0x16c: {  	v39 =	vmin.f32 v2, v8;
	v40 =	vmin.f32 v2, v9;
	v2 =	vld [tilespmem:s16+$0xFFFFFCA0];
	v3 =	vadd.f32 v58, v3  }
0x16d: {  	v44 =	vmin.f32 v52, v37;
	v43 =	vmin.f32 v52, v36;
	v52 =	vld [tilespmem:s16+$0xFFFFFD10];
	v0 =	vadd.f32 v1, v0  }
0x16e: {  	v30 =	vld [tilespmem:s16+$0x310];
	v46 =	vmin.f32 v51, v25;
	v51 =	vadd.f32 v56, v32;
	v3 =	vadd.f32 v45, v3  }
0x16f: {  	v58 =	vmin.f32 v53, v37;
	v1 =	vld [tilespmem:s16+$0xFFFFFD90];
	v45 =	vadd.f32 v44, v32;
	v0 =	vadd.f32 v26, v0  }
0x170: {  	v33 =	vmin.f32 v41, v60;
	v56 =	vld [tilespmem:s16+$0xFFFFFE10];
	v47 =	vadd.f32 v58, v32;
	[tilespmem:$0x1FE30] =	vst v3;
	v3 =	vadd.f32 v43, v32  }
0x171: {  	v43 =	vmin.f32 v2, v25;
	v45 =	vadd.f32 v50, v45;
	v2 =	vmin.f32 v2, v28;
	[tilespmem:$0x1FE40] =	vst v0;
	v0 =	vld [tilespmem:s16+$0xFFFFFD20]  }
0x172: {  	v53 =	vld [tilespmem:s16+$0xFFFFFDA0];
	v58 =	vmin.f32 v52, v34;
	v52 =	vmin.f32 v52, v21;
	v2 =	vadd.f32 v2, v47  }
0x173: {  	v35 =	vmin.f32 v23, v61;
	v47 =	vld [tilespmem:s16+$0xFFFFFE20];
	v3 =	vadd.f32 v46, v3;
	v45 =	vadd.f32 v52, v45  }
0x174: {  	v42 =	vmovc v19;
	v19 =	vmin.f32 v30, v63;
	v46 =	vld [tilespmem:s16+$0xFFFFFF10];
	v50 =	vmin.f32 v1, v24;
	v1 =	vmin.f32 v1, v31  }
0x175: {  	v44 =	vmin.f32 v56, v27;
	v52 =	vld [tilespmem:s16+$0xFFFFFE90];
	v3 =	vadd.f32 v58, v3;
	v1 =	vadd.f32 v1, v45  }
0x176: {  	v56 =	vmin.f32 v56, v59;
	v51 =	vadd.f32 v43, v51;
	v43 =	vmin.f32 v0, v34  }
0x177: {  	v0 =	vmin.f32 v0, v21;
	v3 =	vadd.f32 v50, v3;
	v1 =	vadd.f32 v56, v1  }
0x178: {  	v45 =	vld [tilespmem:s16+$0xFFFFFEA0];
	v51 =	vadd.f32 v43, v51;
	v0 =	vadd.f32 v0, v2;
	v2 =	vmin.f32 v53, v24  }
0x179: {  	v50 =	vmin.f32 v46, v22;
	v53 =	vmin.f32 v53, v31;
	v43 =	vmin.f32 v47, v27  }
0x17a: {  	v56 =	vld [tilespmem:s16+$0x10];
	v47 =	vmin.f32 v47, v59;
	v48 =	vmin.f32 v52, v16;
	v3 =	vadd.f32 v44, v3  }
0x17b: {  	v52 =	vmin.f32 v52, v14;
	v2 =	vadd.f32 v2, v51;
	v0 =	vadd.f32 v53, v0;
	v53 =	vld [tilespmem:s16+$0xFFFFFF20]  }
0x17c: {  	v46 =	vmin.f32 v46, v18;
	v1 =	vadd.f32 v52, v1;
	v51 =	vld [tilespmem:s16+$0xFFFFFF90];
	v3 =	vadd.f32 v48, v3  }
0x17d: {  	v52 =	vld [tilespmem:s16+$0x190];
	v49 =	vmin.f32 v45, v16;
	v2 =	vadd.f32 v43, v2;
	v0 =	vadd.f32 v47, v0  }
0x17e: {  	v45 =	vmin.f32 v45, v14;
	v1 =	vadd.f32 v46, v1;
	v47 =	vld [tilespmem:s16+$0xFFFFFFA0];
	v3 =	vadd.f32 v50, v3  }
0x17f: {  	v38 =	vmin.f32 v30, v62;
	v30 =	vmovc v4;
	v4 =	vld [tilespmem:s16+$0x1A0];
	v2 =	vadd.f32 v49, v2;
	v0 =	vadd.f32 v45, v0  }
0x180: {  	v46 =	vld [tilespmem:s16+$0x120];
	v49 =	vmin.f32 v56, v12;
	v56 =	vmin.f32 v56, v42;
	v43 =	vmin.f32 v53, v22  }
0x181: {  	v50 =	vld [tilespmem:s16+$0x20];
	v57 =	vmin.f32 v53, v18;
	v58 =	vmin.f32 v51, v13;
	v51 =	vmin.f32 v51, v20  }
0x182: {  	v45 =	vld [tilespmem:s16+$0x90];
	v53 =	vmin.f32 v52, v11;
	v2 =	vadd.f32 v43, v2;
	v0 =	vadd.f32 v57, v0  }
0x183: {  	v3 =	vadd.f32 v58, v3;
	v43 =	vmin.f32 v47, v13;
	v47 =	vmin.f32 v47, v20  }
0x184: {  	v1 =	vadd.f32 v51, v1;
	v57 =	vmin.f32 v52, v6;
	v0 =	vadd.f32 v47, v0;
	v47 =	vld [tilespmem:s16+$0xA0]  }
0x185: {  	v51 =	vld [tilespmem:s16+$0x110];
	v52 =	vmin.f32 v46, v15;
	v58 =	vmin.f32 v4, v11;
	v2 =	vadd.f32 v43, v2  }
0x186: {  	v3 =	vadd.f32 v49, v3;
	v1 =	vadd.f32 v56, v1;
	v43 =	vmin.f32 v50, v12  }
0x187: {  	v50 =	vmin.f32 v50, v42;
	v56 =	vmin.f32 v4, v6;
	v44 =	vmin.f32 v45, v7  }
0x188: {  	v45 =	vmin.f32 v45, v17;
	v2 =	vadd.f32 v43, v2;
	v0 =	vadd.f32 v50, v0  }
0x189: {  	v3 =	vadd.f32 v44, v3;
	v1 =	vadd.f32 v45, v1;
	v49 =	vmin.f32 v47, v7  }
0x18a: {  	v43 =	vmin.f32 v51, v15;
	v47 =	vmin.f32 v47, v17;
	v45 =	vadd.f32 v49, v2  }
0x18b: {  	v51 =	vmin.f32 v51, v30;
	v3 =	vadd.f32 v43, v3;
	v0 =	vadd.f32 v47, v0  }
0x18c: {  	v41 =	vmovc v7;
	v43 =	vadd.f32 v51, v1;
	v1 =	vmin.f32 v46, v30;
	v2 =	vld [tilespmem:s16+$0x220];
	v50 =	vadd.f32 v52, v45  }
0x18d: {  	v26 =	vmovc v6;
	v46 =	vmovc v18;
	v51 =	vadd.f32 v1, v0;
	v1 =	vld [tilespmem:s16+$0x2A0];
	v52 =	vadd.f32 v53, v3;
	v3 =	vimm.f32 $0.0e+00  }
0x18e: {  	s19 =	simm.s32 $0x0;
	s18 =	simm.s32 $0x10;
	v18 =	vmovc v24;
	v47 =	vmovc v16;
	v53 =	vadd.f32 v57, v43;
	v0 =	vld [tilespmem:s16+$0x320];
	v57 =	vimm.f32 $0.0e+00;
	v45 =	vimm.f32 $0.0e+00;
	[tilespmem:$0x1FE50] =	vst v3  }
.LBB2_9:
0x18f: {  	_ =	sdelay $0x2  }
0x190: {  	v3 =	vadd.f32 v58, v50;
	v58 =	vadd.f32 v56, v51  }
0x191: {  	v43 =	vmin.f32 v2, v5;
	v2 =	vmin.f32 v2, v10  }
0x192: {  	v2 =	vadd.f32 v2, v58  }
0x193: {  	v44 =	vmin.f32 v1, v8;
	v1 =	vmin.f32 v1, v9  }
0x194: {  	v52 =	vadd.f32 v54, v52;
	v54 =	vld [tilespmem:s16+$0xFFFFFC30];
	v1 =	vadd.f32 v1, v2  }
0x195: {  	v3 =	vadd.f32 v43, v3;
	v2 =	vmin.f32 v0, v63;
	v0 =	vmin.f32 v0, v62  }
0x196: {  	v0 =	vadd.f32 v0, v1  }
0x197: {  	v3 =	vadd.f32 v44, v3;
	v1 =	vmin.f32 v23, v60  }
0x198: {  	v0 =	vadd.f32 v1, v0  }
0x199: {  	v53 =	vadd.f32 v55, v53;
	v58 =	vld [tilespmem:s16+$0xFFFFFCB0];
	v2 =	vadd.f32 v2, v3;
	v3 =	vmin.f32 v54, v36  }
0x19a: {  	v48 =	vadd.f32 v39, v52;
	[tilespmem:$0x1FD50] =	vst v0;
	v0 =	vadd.f32 v3, v32;
	v3 =	vld [tilespmem:$0x1FE50]  }
0x19b: {  	v49 =	vadd.f32 v40, v53  }
0x19c: {  	v52 =	vld [tilespmem:s16+$0xFFFFFD30];
	v43 =	vadd.f32 v19, v48  }
0x19d: {  	v44 =	vadd.f32 v38, v49;
	v2 =	vadd.f32 v35, v2  }
0x19e: {  	v53 =	vmin.f32 v54, v37;
	v4 =	vadd.f32 v29, v43;
	v29 =	vadd.f32 v37, v45;
	v54 =	vld [tilespmem:s16+$0xFFFFFDB0]  }
0x19f: {  	v1 =	vadd.f32 v53, v57;
	[tilespmem:$0x1FD40] =	vst v2;
	v2 =	vmin.f32 v58, v25;
	v3 =	vadd.f32 v36, v3  }
0x1a0: {  	v56 =	vld [tilespmem:s16+$0xFFFFFE30];
	[tilespmem:$0x1FD20] =	vst v4;
	v4 =	vadd.f32 v33, v44;
	v55 =	vmin.f32 v58, v28;
	v0 =	vadd.f32 v2, v0  }
0x1a1: {  	v1 =	vadd.f32 v55, v1;
	v2 =	vmin.f32 v52, v34;
	v3 =	vadd.f32 v3, v25  }
0x1a2: {  	v29 =	vadd.f32 v29, v28;
	v57 =	vmin.f32 v52, v21;
	v58 =	vld [tilespmem:s16+$0xFFFFFEB0];
	v0 =	vadd.f32 v2, v0  }
0x1a3: {  	v1 =	vadd.f32 v57, v1;
	v2 =	vmin.f32 v54, v18;
	v3 =	vadd.f32 v3, v34  }
0x1a4: {  	v44 =	vld [tilespmem:s16+$0xFFFFFF30];
	v29 =	vadd.f32 v29, v21;
	v43 =	vmin.f32 v54, v31;
	v0 =	vadd.f32 v2, v0  }
0x1a5: {  	v1 =	vadd.f32 v43, v1;
	v2 =	vmin.f32 v56, v27;
	v3 =	vadd.f32 v3, v18  }
0x1a6: {  	v45 =	vld [tilespmem:s16+$0xFFFFFFB0];
	v29 =	vadd.f32 v29, v31;
	v31 =	vmin.f32 v56, v59;
	v0 =	vadd.f32 v2, v0  }
0x1a7: {  	v1 =	vadd.f32 v31, v1;
	v2 =	vmin.f32 v58, v47;
	v3 =	vadd.f32 v3, v27  }
0x1a8: {  	v28 =	vmin.f32 v58, v14;
	v0 =	vadd.f32 v2, v0;
	v27 =	vadd.f32 v29, v59;
	v29 =	vld [tilespmem:s16+$0x30]  }
0x1a9: {  	v1 =	vadd.f32 v28, v1;
	v2 =	vmin.f32 v44, v22;
	v3 =	vadd.f32 v3, v47  }
0x1aa: {  	v25 =	vmin.f32 v44, v46;
	v0 =	vadd.f32 v2, v0;
	v24 =	vadd.f32 v27, v14;
	v27 =	vld [tilespmem:s16+$0xB0]  }
0x1ab: {  	v1 =	vadd.f32 v25, v1;
	v2 =	vmin.f32 v45, v13;
	v3 =	vadd.f32 v3, v22  }
0x1ac: {  	v23 =	vmin.f32 v45, v20;
	v0 =	vadd.f32 v2, v0;
	v22 =	vadd.f32 v24, v46;
	v24 =	vld [tilespmem:s16+$0x130]  }
0x1ad: {  	v1 =	vadd.f32 v23, v1;
	v2 =	vmin.f32 v29, v12;
	v3 =	vadd.f32 v3, v13  }
0x1ae: {  	v21 =	vmin.f32 v29, v42;
	v20 =	vadd.f32 v22, v20;
	v22 =	vld [tilespmem:s16+$0x1B0];
	v0 =	vadd.f32 v2, v0  }
0x1af: {  	v1 =	vadd.f32 v21, v1;
	v2 =	vmin.f32 v27, v41;
	v3 =	vadd.f32 v3, v12  }
0x1b0: {  	v19 =	vmin.f32 v27, v17;
	v18 =	vadd.f32 v20, v42;
	v20 =	vld [tilespmem:s16+$0x230];
	v0 =	vadd.f32 v2, v0  }
0x1b1: {  	v1 =	vadd.f32 v19, v1;
	v2 =	vmin.f32 v24, v15;
	v3 =	vadd.f32 v3, v41  }
0x1b2: {  	v16 =	vadd.f32 v18, v17;
	v17 =	vmin.f32 v24, v30;
	v18 =	vld [tilespmem:s16+$0x2B0];
	v0 =	vadd.f32 v2, v0  }
0x1b3: {  	v1 =	vadd.f32 v17, v1;
	v2 =	vmin.f32 v22, v11;
	v3 =	vadd.f32 v3, v15  }
0x1b4: {  	v13 =	vadd.f32 v16, v30;
	v15 =	vmin.f32 v22, v26;
	v16 =	vld [tilespmem:s16+$0x330];
	v0 =	vadd.f32 v2, v0  }
0x1b5: {  	v1 =	vadd.f32 v15, v1;
	v2 =	vmin.f32 v20, v5;
	v3 =	vadd.f32 v3, v11  }
0x1b6: {  	v14 =	vld [tilespmem:s16+$0x3B0];
	v12 =	vadd.f32 v13, v26;
	v13 =	vmin.f32 v20, v10;
	v0 =	vadd.f32 v2, v0  }
0x1b7: {  	v1 =	vadd.f32 v13, v1;
	v2 =	vmin.f32 v18, v8  }
0x1b8: {  	v11 =	vmin.f32 v18, v9;
	v3 =	vadd.f32 v3, v5;
	v0 =	vadd.f32 v2, v0  }
0x1b9: {  	v10 =	vadd.f32 v12, v10;
	v1 =	vadd.f32 v11, v1;
	v2 =	vmin.f32 v16, v63  }
0x1ba: {  	v3 =	vadd.f32 v3, v8;
	v0 =	vadd.f32 v2, v0  }
0x1bb: {  	v8 =	vadd.f32 v10, v9;
	v9 =	vmin.f32 v16, v62;
	v2 =	vmin.f32 v14, v61  }
0x1bc: {  	v1 =	vadd.f32 v9, v1;
	v0 =	vadd.f32 v2, v0  }
0x1bd: {  	v7 =	vmin.f32 v14, v60  }
0x1be: {  	s19 =	sadd.s32 $0x80, s19;
	v3 =	vadd.f32 v3, v63;
	[tilespmem:$0x1FDE0] =	vst v0;
	v0 =	vadd.f32 v7, v1  }
0x1bf: {  	s20 =	sand.u32 $0x400, s19  }
0x1c0: {  	s21 =	sand.u32 $0x70, s18;
	s20 =	sadd.s32 s20, s17;
	v6 =	vadd.f32 v8, v62;
	[tilespmem:$0x1FE10] =	vst v0;
	v0 =	vadd.f32 v3, v61  }
0x1c1: {  	s20 =	sadd.s32 s21, s20  }
0x1c2: {  	v46 =	vld [tilespmem:s20+$0x0];
	[tilespmem:$0x1FE50] =	vst v0;
	v0 =	vadd.f32 v6, v60  }
0x1c3: {  	v47 =	vld [tilespmem:s20+$0x80];
	s16 =	sadd.s32 $0x800, s16  }
0x1c4: {  	[tilespmem:$0x1FDC0] =	vst v0;
	v0 =	vld [tilespmem:s16+$0x380]  }
0x1c5: {  	v1 =	vld [tilespmem:s16+$0x390];
	_ =	sdelay $0x1  }
0x1c6: {  	v13 =	vbroadcast v46, $0xF;
	_ =	sdelay $0x1  }
0x1c7: {  	[tilespmem:$0x1FD30] =	vst v4;
	v4 =	vmin.f32 v0, v13  }
0x1c8: {  	v52 =	vbroadcast v47, $0xD;
	v53 =	vbroadcast v47, $0xB;
	v2 =	vld [tilespmem:s16+$0xFFFFFC00];
	[tilespmem:$0x1FD10] =	vst v4;
	v4 =	vmin.f32 v1, v13  }
0x1c9: {  	v32 =	vbroadcast v47, $0xA;
	v51 =	vbroadcast v47, $0x9;
	[tilespmem:$0x1FDF0] =	vst v4;
	v4 =	vld [tilespmem:$0x1FE30]  }
0x1ca: {  	v38 =	vbroadcast v47, $0x8;
	v33 =	vbroadcast v47, $0x6  }
0x1cb: {  	v36 =	vbroadcast v46, $0x0;
	v14 =	vbroadcast v47, $0xF  }
0x1cc: {  	v59 =	vbroadcast v47, $0x4;
	v31 =	vbroadcast v47, $0x3  }
0x1cd: {  	v21 =	vbroadcast v47, $0x2;
	v50 =	vmin.f32 v0, v14;
	v0 =	vmin.f32 v2, v36  }
0x1ce: {  	v37 =	vbroadcast v47, $0x0;
	v28 =	vbroadcast v47, $0x1;
	v0 =	vadd.f32 v0, v4;
	v4 =	vld [tilespmem:$0x1FE40]  }
0x1cf: {  	v19 =	vbroadcast v47, $0xE;
	v23 =	vbroadcast v46, $0xE;
	v3 =	vld [tilespmem:s16+$0xFFFFFC80]  }
0x1d0: {  	v58 =	vbroadcast v46, $0xD;
	v35 =	vbroadcast v46, $0x7  }
0x1d1: {  	v27 =	vbroadcast v46, $0x4;
	v34 =	vbroadcast v46, $0x2;
	v63 =	vld [tilespmem:s16+$0xFFFFFD00]  }
0x1d2: {  	v25 =	vbroadcast v46, $0x1;
	v24 =	vbroadcast v46, $0x9;
	v2 =	vmin.f32 v2, v37  }
0x1d3: {  	v17 =	vbroadcast v46, $0xA;
	v26 =	vld [tilespmem:s16+$0xFFFFFD80];
	v1 =	vmin.f32 v1, v14;
	v2 =	vadd.f32 v2, v4  }
0x1d4: {  	v22 =	vbroadcast v46, $0x6;
	[tilespmem:$0x1FD70] =	vst v1;
	v1 =	vmin.f32 v3, v25;
	v3 =	vmin.f32 v3, v28  }
0x1d5: {  	v15 =	vbroadcast v47, $0x5;
	v0 =	vadd.f32 v1, v0;
	v1 =	vadd.f32 v3, v2;
	v2 =	vld [tilespmem:s16+$0xFFFFFE00]  }
0x1d6: {  	v41 =	vld [tilespmem:s16+$0xFFFFFE80];
	v18 =	vbroadcast v46, $0x3;
	v39 =	vmin.f32 v63, v34;
	v44 =	vmin.f32 v63, v21  }
0x1d7: {  	v20 =	vbroadcast v47, $0x7;
	v0 =	vadd.f32 v39, v0;
	v1 =	vadd.f32 v44, v1  }
0x1d8: {  	v48 =	vld [tilespmem:s16+$0x310];
	v5 =	vbroadcast v47, $0xC;
	v42 =	vmin.f32 v26, v18;
	v26 =	vmin.f32 v26, v31  }
0x1d9: {  	v16 =	vbroadcast v46, $0x5;
	v0 =	vadd.f32 v42, v0;
	v1 =	vadd.f32 v26, v1;
	v26 =	vld [tilespmem:s16+$0xFFFFFF00]  }
0x1da: {  	v12 =	vbroadcast v46, $0x8;
	v47 =	vld [tilespmem:s16+$0x0];
	v44 =	vmin.f32 v2, v27;
	v2 =	vmin.f32 v2, v59  }
0x1db: {  	v45 =	vmin.f32 v41, v16;
	v0 =	vadd.f32 v44, v0;
	v1 =	vadd.f32 v2, v1;
	v2 =	vld [tilespmem:s16+$0xFFFFFF80]  }
0x1dc: {  	v8 =	vld [tilespmem:s16+$0x3A0];
	v7 =	vbroadcast v46, $0xB;
	v6 =	vbroadcast v46, $0xC;
	v46 =	vmin.f32 v41, v15  }
0x1dd: {  	v29 =	vld [tilespmem:s16+$0x190];
	v0 =	vadd.f32 v45, v0;
	v1 =	vadd.f32 v46, v1  }
0x1de: {  	v63 =	vld [tilespmem:s16+$0x180];
	v49 =	vmin.f32 v26, v22;
	v26 =	vmin.f32 v26, v33  }
0x1df: {  	v0 =	vadd.f32 v49, v0;
	v1 =	vadd.f32 v26, v1;
	v26 =	vld [tilespmem:s16+$0x80]  }
0x1e0: {  	v57 =	vmin.f32 v47, v38;
	v44 =	vmin.f32 v2, v35;
	v2 =	vmin.f32 v2, v20  }
0x1e1: {  	v4 =	vmin.f32 v8, v13;
	v45 =	vld [tilespmem:s16+$0x100];
	v0 =	vadd.f32 v44, v0;
	v1 =	vadd.f32 v2, v1  }
0x1e2: {  	v56 =	vmin.f32 v29, v7;
	[tilespmem:$0x1FD60] =	vst v4;
	v4 =	vmin.f32 v48, v23;
	v46 =	vmin.f32 v47, v12  }
0x1e3: {  	v62 =	vld [tilespmem:s16+$0x300];
	[tilespmem:$0x1FD90] =	vst v4;
	v4 =	vmin.f32 v48, v19;
	v0 =	vadd.f32 v46, v0;
	v1 =	vadd.f32 v57, v1  }
0x1e4: {  	v40 =	vld [tilespmem:s16+$0x290];
	v48 =	vmovc v7;
	v49 =	vmin.f32 v63, v7;
	v7 =	vmin.f32 v26, v24;
	v26 =	vmin.f32 v26, v51  }
0x1e5: {  	v43 =	vld [tilespmem:s16+$0x200];
	v7 =	vadd.f32 v7, v0;
	v26 =	vadd.f32 v26, v1  }
0x1e6: {  	v47 =	vmin.f32 v45, v17;
	v41 =	vmin.f32 v45, v32  }
0x1e7: {  	v30 =	vld [tilespmem:s16+$0x280];
	v7 =	vadd.f32 v47, v7;
	v26 =	vadd.f32 v41, v26  }
0x1e8: {  	v60 =	vmin.f32 v62, v19;
	v3 =	vmin.f32 v62, v23;
	v63 =	vmin.f32 v63, v53  }
0x1e9: {  	[tilespmem:$0x1FDA0] =	vst v4;
	v4 =	vmin.f32 v40, v58;
	v7 =	vadd.f32 v49, v7;
	v26 =	vadd.f32 v63, v26;
	v49 =	vld [tilespmem:s16+$0xFFFFFC10]  }
0x1ea: {  	v62 =	vmin.f32 v43, v6;
	[tilespmem:$0x1FDD0] =	vst v4;
	v4 =	vmin.f32 v40, v52;
	v40 =	vmin.f32 v43, v5  }
0x1eb: {  	v7 =	vadd.f32 v62, v7;
	v26 =	vadd.f32 v40, v26  }
0x1ec: {  	v61 =	vmin.f32 v30, v58;
	v30 =	vmin.f32 v30, v52  }
0x1ed: {  	v7 =	vadd.f32 v61, v7;
	v26 =	vadd.f32 v30, v26  }
0x1ee: {  	v46 =	vmin.f32 v49, v37  }
0x1ef: {  	v3 =	vadd.f32 v3, v7;
	v7 =	vadd.f32 v60, v26;
	v60 =	vmin.f32 v49, v36;
	v49 =	vld [tilespmem:$0x1FD10]  }
0x1f0: {  	v55 =	vld [tilespmem:s16+$0x210];
	_ =	sdelay $0x1  }
0x1f1: {  	v9 =	vld [tilespmem:s16+$0xFFFFFE10]  }
0x1f2: {  	[tilespmem:$0x1FDB0] =	vst v8;
	v8 =	vld [tilespmem:s16+$0xFFFFFE90]  }
0x1f3: {  	[tilespmem:$0x1FE20] =	vst v5;
	v42 =	vld [tilespmem:s16+$0xFFFFFC90];
	v3 =	vadd.f32 v49, v3  }
0x1f4: {  	[tilespmem:$0x1FE00] =	vst v6;
	v54 =	vmin.f32 v55, v6;
	v6 =	vld [tilespmem:s16+$0xFFFFFF90]  }
0x1f5: {  	v55 =	vmin.f32 v55, v5;
	v5 =	vld [tilespmem:s16+$0x10];
	[tilespmem:$0x1FE30] =	vst v3;
	v3 =	vadd.f32 v50, v7  }
0x1f6: {  	[tilespmem:$0x1FD80] =	vst v4;
	v4 =	vld [tilespmem:s16+$0x90]  }
0x1f7: {  	[tilespmem:$0x1FE40] =	vst v3;
	v3 =	vld [tilespmem:$0x1FD20]  }
0x1f8: {  	v7 =	vld [tilespmem:$0x1FD30]  }
0x1f9: {  	v44 =	vld [tilespmem:s16+$0xFFFFFD10]  }
0x1fa: {  	v41 =	vld [tilespmem:s16+$0xFFFFFD90]  }
0x1fb: {  	v10 =	vmin.f32 v8, v16;
	v8 =	vmin.f32 v8, v15;
	v40 =	vld [tilespmem:s16+$0xFFFFFC20]  }
0x1fc: {  	v39 =	vmin.f32 v42, v25;
	v43 =	vmin.f32 v5, v12;
	v3 =	vadd.f32 v60, v3;
	v60 =	vmovc v14;
	v14 =	vld [tilespmem:$0x1FD40]  }
0x1fd: {  	v5 =	vmin.f32 v5, v38;
	v45 =	vmin.f32 v6, v35;
	v61 =	vld [tilespmem:s16+$0xFFFFFCA0];
	v7 =	vadd.f32 v46, v7  }
0x1fe: {  	v2 =	vld [tilespmem:s16+$0x110];
	v6 =	vmin.f32 v6, v20;
	v57 =	vmin.f32 v29, v53;
	v26 =	vmin.f32 v42, v28  }
0x1ff: {  	v29 =	vld [tilespmem:s16+$0xFFFFFF10];
	v62 =	vmin.f32 v9, v27;
	v30 =	vmin.f32 v44, v34;
	v7 =	vadd.f32 v26, v7  }
0x200: {  	v44 =	vmin.f32 v44, v21;
	v42 =	vld [tilespmem:s16+$0xFFFFFD20];
	v47 =	vmin.f32 v40, v36;
	v3 =	vadd.f32 v39, v3  }
0x201: {  	v11 =	vmin.f32 v41, v18;
	v7 =	vadd.f32 v44, v7;
	v47 =	vadd.f32 v47, v14;
	v14 =	vld [tilespmem:$0x1FD50]  }
0x202: {  	v41 =	vmin.f32 v41, v31;
	v50 =	vmin.f32 v61, v25;
	v46 =	vld [tilespmem:s16+$0xFFFFFDA0];
	v3 =	vadd.f32 v30, v3  }
0x203: {  	v26 =	vmin.f32 v61, v28;
	v61 =	vmovc v13;
	v13 =	vmov v35;
	v35 =	vld [tilespmem:$0x1FD60];
	v7 =	vadd.f32 v41, v7  }
0x204: {  	v0 =	vmin.f32 v2, v17;
	v9 =	vmin.f32 v9, v59;
	v39 =	vld [tilespmem:s16+$0xFFFFFE20];
	v3 =	vadd.f32 v11, v3  }
0x205: {  	v1 =	vmin.f32 v2, v32;
	v40 =	vmin.f32 v40, v37;
	v41 =	vld [tilespmem:s16+$0xFFFFFF20];
	v7 =	vadd.f32 v9, v7  }
0x206: {  	v2 =	vmin.f32 v4, v24;
	v3 =	vadd.f32 v62, v3;
	v62 =	vmovc v19;
	v19 =	vld [tilespmem:$0x1FD90];
	v40 =	vadd.f32 v40, v14  }
0x207: {  	v30 =	vmin.f32 v42, v21;
	v14 =	vadd.f32 v50, v47;
	v47 =	vmin.f32 v42, v34;
	v42 =	vld [tilespmem:s16+$0xFFFFFEA0]  }
0x208: {  	v63 =	vmin.f32 v29, v22;
	v7 =	vadd.f32 v8, v7;
	v50 =	vld [tilespmem:s16+$0xFFFFFFA0];
	v26 =	vadd.f32 v26, v40  }
0x209: {  	v29 =	vmin.f32 v29, v33;
	v3 =	vadd.f32 v10, v3;
	v10 =	vld [tilespmem:s16+$0x20];
	v40 =	vadd.f32 v47, v14  }
0x20a: {  	v7 =	vadd.f32 v29, v7;
	v29 =	vld [tilespmem:s16+$0xA0];
	v26 =	vadd.f32 v30, v26;
	v30 =	vmin.f32 v46, v18  }
0x20b: {  	v11 =	vmin.f32 v46, v31;
	v3 =	vadd.f32 v63, v3;
	v63 =	vmovc v23;
	v23 =	vld [tilespmem:$0x1FDB0];
	v49 =	vadd.f32 v30, v40  }
0x20c: {  	v6 =	vadd.f32 v6, v7;
	v46 =	vmovc v33;
	v33 =	vld [tilespmem:$0x1FD70];
	v11 =	vadd.f32 v11, v26;
	v26 =	vmin.f32 v39, v27  }
0x20d: {  	v9 =	vmin.f32 v39, v59;
	v3 =	vadd.f32 v45, v3;
	v45 =	vld [tilespmem:$0x1FDC0];
	v26 =	vadd.f32 v26, v49  }
0x20e: {  	v4 =	vmin.f32 v4, v51;
	v40 =	vld [tilespmem:$0x1FD80];
	v9 =	vadd.f32 v9, v11;
	v11 =	vmin.f32 v42, v16  }
0x20f: {  	v5 =	vadd.f32 v5, v6;
	v8 =	vmin.f32 v42, v15;
	v39 =	vld [tilespmem:$0x1FDD0];
	v11 =	vadd.f32 v11, v26  }
0x210: {  	v3 =	vadd.f32 v43, v3;
	v30 =	vmovc v32;
	v32 =	vld [tilespmem:$0x1FDE0];
	v8 =	vadd.f32 v8, v9;
	v9 =	vmin.f32 v41, v22  }
0x211: {  	v7 =	vmin.f32 v50, v20;
	v42 =	vmovc v38;
	v38 =	vld [tilespmem:$0x1FDA0];
	v26 =	vmin.f32 v41, v46;
	v9 =	vadd.f32 v9, v11  }
0x212: {  	v3 =	vadd.f32 v2, v3;
	v11 =	vmin.f32 v50, v13;
	v8 =	vadd.f32 v26, v8;
	v26 =	vld [tilespmem:s16+$0x120]  }
0x213: {  	v4 =	vadd.f32 v4, v5;
	v2 =	vld [tilespmem:s16+$0x220];
	v6 =	vmin.f32 v10, v42;
	v11 =	vadd.f32 v11, v9  }
0x214: {  	v0 =	vadd.f32 v0, v3;
	v7 =	vadd.f32 v7, v8;
	v8 =	vmin.f32 v10, v12;
	v10 =	vld [tilespmem:s16+$0x1A0]  }
0x215: {  	p0 =	sne.s32 s18, $0xF0;
	v14 =	vmov v15;
	v3 =	vadd.f32 v1, v4;
	v1 =	vld [tilespmem:s16+$0x2A0];
	v11 =	vadd.f32 v8, v11  }
.Ltmp4:
0x216: {  	v9 =	vmovc v52;
	v52 =	vadd.f32 v56, v0;
	v0 =	vld [tilespmem:s16+$0x320];
	v6 =	vadd.f32 v6, v7;
	v7 =	vmin.f32 v29, v24;
	(pc) =	sbr.rel @p0 .LBB2_9-.Ltmp4, $4  }
0x217: {  	v15 =	vmovc v17;
	v5 =	vmin.f32 v29, v51;
	v29 =	vld [tilespmem:$0x1FDF0];
	v7 =	vadd.f32 v7, v11;
	v4 =	vmin.f32 v26, v30  }
0x218: {  	v5 =	vadd.f32 v5, v6;
	v6 =	vmin.f32 v26, v15;
	v26 =	vmovc v53;
	v53 =	vadd.f32 v57, v3;
	v57 =	vld [tilespmem:$0x1FE10]  }
0x219: {  	v47 =	vmovc v16;
	v8 =	vmov v58;
	v58 =	vmin.f32 v10, v48;
	v56 =	vmin.f32 v10, v26;
	v10 =	vld [tilespmem:$0x1FE20]  }
0x21a: {  	s18 =	sadd.s32 $0x10, s18;
	v17 =	vmovc v51;
	v41 =	vmovc v24;
	v50 =	vadd.f32 v6, v7;
	v11 =	vmov v48;
	v51 =	vadd.f32 v4, v5;
	v5 =	vld [tilespmem:$0x1FE00]  }
0x21b: {  	_ =	sdelay $0x1  }
0x21c: {  	v6 =	vadd.f32 v54, v52  }
0x21d: {  	v7 =	vadd.f32 v55, v53;
	v44 =	vmin.f32 v0, v62;
	v3 =	vadd.f32 v58, v50  }
0x21e: {  	v4 =	vadd.f32 v56, v51;
	v6 =	vadd.f32 v39, v6;
	v51 =	vmin.f32 v2, v5  }
0x21f: {  	v52 =	vld [tilespmem:$0x1FE50];
	v7 =	vadd.f32 v40, v7;
	v55 =	vmin.f32 v2, v10;
	v3 =	vadd.f32 v51, v3  }
0x220: {  	v56 =	vmin.f32 v1, v8;
	v58 =	vld [tilespmem:s16+$0xFFFFFC30];
	v2 =	vadd.f32 v55, v4;
	v6 =	vadd.f32 v19, v6  }
0x221: {  	v39 =	vmin.f32 v1, v9;
	v7 =	vadd.f32 v38, v7;
	v3 =	vadd.f32 v56, v3  }
0x222: {  	v43 =	vld [tilespmem:s16+$0xFFFFFCB0];
	v40 =	vmin.f32 v0, v63;
	v1 =	vadd.f32 v39, v2;
	v0 =	vadd.f32 v29, v6  }
0x223: {  	v39 =	vadd.f32 v33, v7;
	v2 =	vadd.f32 v40, v3  }
0x224: {  	v56 =	vadd.f32 v37, v45;
	v48 =	vadd.f32 v44, v1  }
0x225: {  	v16 =	vmovc v14;
	v49 =	vld [tilespmem:s16+$0xFFFFFD30];
	v51 =	vmin.f32 v58, v36;
	v1 =	vadd.f32 v35, v2;
	v2 =	vadd.f32 v36, v52  }
0x226: {  	v14 =	vmovc v5;
	v5 =	vmin.f32 v58, v37;
	v54 =	vadd.f32 v51, v32;
	v33 =	vadd.f32 v56, v28  }
0x227: {  	v53 =	vld [tilespmem:s16+$0xFFFFFDB0];
	v55 =	vmin.f32 v43, v25;
	v5 =	vadd.f32 v5, v57;
	v57 =	vmovc v21;
	v2 =	vadd.f32 v2, v25  }
0x228: {  	v4 =	vmin.f32 v43, v28;
	v3 =	vadd.f32 v55, v54;
	v6 =	vadd.f32 v33, v57  }
0x229: {  	v50 =	vmin.f32 v23, v60;
	v29 =	vld [tilespmem:s16+$0xFFFFFE30];
	v4 =	vadd.f32 v4, v5;
	v2 =	vadd.f32 v2, v34  }
0x22a: {  	v58 =	vmovc v18;
	v32 =	vmin.f32 v49, v34;
	v38 =	vadd.f32 v50, v48;
	v6 =	vadd.f32 v6, v31  }
0x22b: {  	v19 =	vmovc v8;
	v8 =	vmin.f32 v49, v57;
	v3 =	vadd.f32 v32, v3;
	v34 =	vld [tilespmem:s16+$0xFFFFFEB0];
	v2 =	vadd.f32 v2, v58  }
0x22c: {  	v4 =	vadd.f32 v8, v4;
	v35 =	vmin.f32 v53, v58;
	v6 =	vadd.f32 v6, v59  }
0x22d: {  	v7 =	vmin.f32 v53, v31;
	v36 =	vld [tilespmem:s16+$0xFFFFFF30];
	v3 =	vadd.f32 v35, v3;
	v2 =	vadd.f32 v2, v27  }
0x22e: {  	v37 =	vmin.f32 v29, v27;
	v4 =	vadd.f32 v7, v4;
	v6 =	vadd.f32 v6, v16  }
0x22f: {  	v43 =	vld [tilespmem:s16+$0xFFFFFFB0];
	v40 =	vmin.f32 v29, v59;
	v3 =	vadd.f32 v37, v3;
	v2 =	vadd.f32 v2, v47  }
0x230: {  	v4 =	vadd.f32 v40, v4;
	v6 =	vadd.f32 v6, v46;
	v44 =	vmin.f32 v34, v47  }
0x231: {  	v45 =	vmin.f32 v34, v16;
	v3 =	vadd.f32 v44, v3;
	v2 =	vadd.f32 v2, v22  }
0x232: {  	v25 =	vmovc v13;
	v48 =	vmin.f32 v36, v22;
	v47 =	vld [tilespmem:s16+$0x30];
	v4 =	vadd.f32 v45, v4;
	v6 =	vadd.f32 v6, v20  }
0x233: {  	v50 =	vld [tilespmem:s16+$0xB0];
	v49 =	vmin.f32 v36, v46;
	v3 =	vadd.f32 v48, v3;
	v2 =	vadd.f32 v2, v25  }
0x234: {  	v24 =	vmovc v12;
	v51 =	vmin.f32 v43, v25;
	v4 =	vadd.f32 v49, v4;
	v6 =	vadd.f32 v6, v42  }
0x235: {  	v52 =	vmin.f32 v43, v20;
	v53 =	vld [tilespmem:s16+$0x130];
	v3 =	vadd.f32 v51, v3;
	v2 =	vadd.f32 v2, v24  }
0x236: {  	v4 =	vadd.f32 v52, v4;
	v6 =	vadd.f32 v6, v17  }
0x237: {  	v56 =	vld [tilespmem:s16+$0x1B0];
	v54 =	vmin.f32 v47, v24;
	v55 =	vmin.f32 v47, v42;
	v2 =	vadd.f32 v2, v41  }
0x238: {  	v57 =	vmin.f32 v50, v41;
	v3 =	vadd.f32 v54, v3;
	v4 =	vadd.f32 v55, v4  }
0x239: {  	v59 =	vld [tilespmem:s16+$0x230];
	v58 =	vmin.f32 v50, v17;
	v6 =	vadd.f32 v6, v30;
	v2 =	vadd.f32 v2, v15  }
0x23a: {  	v16 =	vmin.f32 v53, v15;
	v3 =	vadd.f32 v57, v3;
	v4 =	vadd.f32 v58, v4  }
0x23b: {  	v18 =	vld [tilespmem:s16+$0x2B0];
	v17 =	vmin.f32 v53, v30;
	v6 =	vadd.f32 v6, v26;
	v2 =	vadd.f32 v2, v11  }
0x23c: {  	v13 =	vmovc v10;
	v21 =	vmin.f32 v56, v26;
	v3 =	vadd.f32 v16, v3;
	v4 =	vadd.f32 v17, v4  }
0x23d: {  	v20 =	vmin.f32 v56, v11;
	v22 =	vld [tilespmem:s16+$0x330];
	v6 =	vadd.f32 v6, v13;
	v2 =	vadd.f32 v2, v14  }
0x23e: {  	v12 =	vmovc v9;
	v32 =	vld [tilespmem:$0x1FFD0];
	v23 =	vmin.f32 v59, v14;
	v3 =	vadd.f32 v20, v3;
	v4 =	vadd.f32 v21, v4  }
0x23f: {  	v37 =	vld [tilespmem:$0x1FFF0];
	v24 =	vmin.f32 v59, v13;
	v6 =	vadd.f32 v6, v12;
	v2 =	vadd.f32 v2, v19  }
0x240: {  	v27 =	vmin.f32 v18, v12;
	v25 =	vld [tilespmem:s16+$0x3B0];
	v3 =	vadd.f32 v23, v3;
	v4 =	vadd.f32 v24, v4  }
0x241: {  	v34 =	vld [tilespmem:$0x1FFE0];
	v26 =	vmin.f32 v18, v19;
	v6 =	vadd.f32 v6, v62;
	v2 =	vadd.f32 v2, v63  }
0x242: {  	v36 =	vld [tilespmem:$0x1FE30];
	v28 =	vmin.f32 v22, v63;
	v3 =	vadd.f32 v26, v3;
	v4 =	vadd.f32 v27, v4  }
0x243: {  	v29 =	vmin.f32 v22, v62;
	v41 =	vld [tilespmem:$0x1FF80];
	v6 =	vadd.f32 v6, v60;
	v2 =	vadd.f32 v2, v61  }
0x244: {  	v3 =	vadd.f32 v28, v3;
	v4 =	vadd.f32 v29, v4  }
0x245: {  	v30 =	vmin.f32 v25, v61;
	v43 =	vadd.f32 v6, v32;
	v33 =	vadd.f32 v2, v32  }
0x246: {  	v45 =	vld [tilespmem:$0x1FE40];
	v3 =	vadd.f32 v30, v3;
	v35 =	vadd.f32 v2, v34  }
0x247: {  	v40 =	vadd.f32 v2, v37;
	v5 =	vsub.f32 v33, v36  }
0x248: {  	v31 =	vmin.f32 v25, v60;
	v2 =	vadd.f32 v2, v41;
	v7 =	vsub.f32 v35, v0  }
0x249: {  	v44 =	vadd.f32 v6, v34;
	v42 =	vsub.f32 v40, v1;
	(erf) = vrcp.f32 v5  }
0x24a: {  	v47 =	vadd.f32 v6, v37;
	v2 =	vsub.f32 v2, v3;
	(erf) = vrcp.f32 v7  }
0x24b: {  	v6 =	vadd.f32 v6, v41;
	v46 =	vsub.f32 v43, v45;
	(erf) = vrcp.f32 v42  }
0x24c: {  	v4 =	vadd.f32 v31, v4;
	v48 =	vsub.f32 v44, v39;
	(erf) = vrcp.f32 v2  }
0x24d: {  	v49 =	vsub.f32 v47, v38;
	(erf) = vrcp.f32 v46  }
0x24e: {  	v50 =	vsub.f32 v6, v4;
	(erf) = vrcp.f32 v48  }
0x24f: {  	(erf) = vrcp.f32 v49  }
0x250: {  	(erf) = vrcp.f32 v50;
	_ =	sdelay $0x1  }
0x251: {  	v51 =	vpop (erf)  }
0x252: {  	v52 =	vpop (erf);
	v2 =	vmul.f32 v51, v36  }
0x253: {  	v53 =	vpop (erf);
	v0 =	vmul.f32 v52, v0  }
0x254: {  	v54 =	vpop (erf);
	[tilespmem:s14+$0xA040] =	vst v2;
	v1 =	vmul.f32 v53, v1  }
0x255: {  	s13 =	sadd.s32 $0x1, s13;
	v55 =	vpop (erf);
	[tilespmem:s14+$0xA050] =	vst v0;
	v56 =	vmul.f32 v54, v3  }
0x256: {  	p0 =	sne.s32 s13, $0x10;
	v57 =	vpop (erf);
	[tilespmem:s14+$0xA060] =	vst v1;
	v58 =	vmul.f32 v55, v45  }
.Ltmp5:
0x257: {  	v59 =	vpop (erf);
	[tilespmem:s14+$0xA070] =	vst v56;
	v60 =	vmul.f32 v57, v39;
	(pc) =	sbr.rel @p0 .LBB2_8-.Ltmp5, $4  }
0x258: {  	[tilespmem:s14+$0xA0C0] =	vst v58;
	v61 =	vmul.f32 v59, v38;
	v62 =	vpop (erf)  }
0x259: {  	[tilespmem:s14+$0xA0D0] =	vst v60;
	v63 =	vmul.f32 v62, v4  }
0x25a: {  	[tilespmem:s14+$0xA0E0] =	vst v61  }
0x25b: {  	[tilespmem:s14+$0xA0F0] =	vst v63  }
0x25c: {  	s12 =	sadd.s32 $0x1, s12  }
0x25d: {  	p0 =	sne.s32 s12, s7  }
.Ltmp6:
0x25e: {  	_ = 	snop;
	(pc) =	sbr.rel @p0 .LBB2_1-.Ltmp6, $4  }
0x25f: {  	[hbm4b:s6+s9] =	stream.strided.scatter [tilespmem:s11], [sflag:$0x1], $0x1000, s10, s9, $0x38;
	[tilespmem:$0xB000] =	vst v63  }
0x260: {  	_ =	swait.ge [sflag:s3], $0x1000  }
0x261: {  	[sflag:s3] =	ssyncset.done $0x0  }
0x262: {  	[sflag:s3] =	ssyncadd.s32 $0xFFFFF000  }
0x263: {  	_ =	sfence.sel $0x180000  }
0x264: {  	[bflag:$0x0] =	sbarrier.arrive $0xFFFF  }
0x265: {  	p0 =	sne.s32 s0, $0x0;
	_ =	strace $0x90000047  }
0x266: {  	s0 =	sadd.s32 @!p0 $0x100000, s1;
	[bflag:$0x2] =	sbarrier.arrive $0xFFFF  }
0x267: {  	[sflag:s0] =	ssyncadd.tile.s32 @!p0 $0x1;
	_ =	shalt  }
.Lfunc_end2:
_tile_overlayer_lowered:
.L_overlay_start_2:
0x268: {  	(tag) =	ssettag $0x2  }
0x269: {  	s0 =	rddreg [dreg:$0x0];
	s2 =	stileid.u32  }
0x26a: {  	s1 =	rddreg [dreg:$0x1];
	p0 =	sne.s32 s2, $0x0  }
0x26b: {  	s3 =	rddreg [dreg:$0x2];
	[bflag:$0x3] =	sbarrier.arrive $0xFFFF;
	s2 =	simm.s32 @!p0 $0x1C01  }
0x26c: {  	[timem:s3], [sflag:s2] =	dma.local @!p0 [hbm:s0], s1  }
0x26d: {  	s0 =	simm.s32 @!p0 $0x1  }
0x26e: {  	_ =	swait.ge @!p0 [sflag:s0], s1  }
0x26f: {  	s1 =	ssub.s32 @!p0 $0x0, s1;
	[sflag:s0] =	ssyncset.done @!p0 $0x0  }
0x270: {  	[sflag:s0] =	ssyncadd.s32 @!p0 s1  }
0x271: {  	[bflag:$0x3] =	sbarrier.arrive $0xFFFF  }
0x272: {  	_ =	shalt  }

</sc_bundles>
